<compile_context>
chip_gen: v7x
topology: tpu7x:2x2x1
jax: 0.10.2.dev20260603
libtpu: 0.0.44.dev20260713+nightly
codegen_flags: <defaults>
</compile_context>

<pallas_src>
import functools

import jax
import jax.numpy as jnp
from jax import lax
from jax.experimental import pallas as pl
from jax.experimental.pallas import tpu as pltpu
from jax.experimental.pallas import tpu_sc as plsc

VOCAB = 4
N_SEG = 2
B = 1024
S = 286
D = 284
NK = VOCAB * N_SEG
S2 = S // 2
D2 = 2 * D
NT2 = NK * NK * S2

NC = 2
NS = 16
NW = NC * NS

R2 = B * S2
SLABS = 11
R2S = R2 // SLABS
PER_W = R2S // NW
CHUNK = 104
NCHUNK = PER_W // CHUNK


def _ln(emb, gam, bet):
    mean = jnp.mean(emb, axis=-1, keepdims=True)
    cent = emb - mean
    var = jnp.mean(cent * cent, axis=-1, keepdims=True)
    return cent * lax.rsqrt(var + 1e-5) * gam + bet


def _rows_kernel(xe_ref, xo_ref, se_ref, so_ref, rows_ref):
    ke = xe_ref[...] * N_SEG + se_ref[...]
    ko = xo_ref[...] * N_SEG + so_ref[...]
    s_iota = lax.broadcasted_iota(jnp.int32, (B, S2), 1)
    rows_ref[...] = (ke * NK + ko) * S2 + s_iota


def _tc_rows(xe, xo, se, so):
    return pl.pallas_call(
        _rows_kernel,
        out_shape=jax.ShapeDtypeStruct((B, S2), jnp.int32),
    )(xe, xo, se, so)


def _table_kernel(tok_ref, pos_e_ref, pos_o_ref, seg_ref, gam_ref, bet_ref,
                  tab_ref):
    k = pl.program_id(0)
    k1, k2 = k // NK, k % NK
    v1, g1 = k1 // N_SEG, k1 % N_SEG
    v2, g2 = k2 // N_SEG, k2 % N_SEG
    gam = gam_ref[0][None, :]
    bet = bet_ref[0][None, :]
    comb_e = tok_ref[pl.ds(v1, 1), :] + seg_ref[pl.ds(g1, 1), :]
    comb_o = tok_ref[pl.ds(v2, 1), :] + seg_ref[pl.ds(g2, 1), :]
    out_e = _ln(comb_e + pos_e_ref[...], gam, bet)
    out_o = _ln(comb_o + pos_o_ref[...], gam, bet)
    tab_ref[0] = jnp.concatenate([out_e, out_o], axis=-1)


def _tc_table(tok, pos_e, pos_o, sege, gam, bet):
    full = lambda shape: pl.BlockSpec(shape, lambda k: (0,) * len(shape))
    return pl.pallas_call(
        _table_kernel,
        grid=(NK * NK,),
        in_specs=[
            full((VOCAB, D)),
            full((S2, D)),
            full((S2, D)),
            full((N_SEG, D)),
            full((1, D)),
            full((1, D)),
        ],
        out_specs=pl.BlockSpec((1, S2, D2), lambda k: (k, 0, 0)),
        out_shape=jax.ShapeDtypeStruct((NK * NK, S2, D2), jnp.float32),
    )(tok, pos_e, pos_o, sege, gam, bet)


@functools.cache
def _make_sc_gather():
    mesh = plsc.VectorSubcoreMesh(core_axis_name="c", subcore_axis_name="s")

    @functools.partial(
        pl.kernel,
        mesh=mesh,
        out_type=jax.ShapeDtypeStruct((R2S, D2), jnp.float32),
        scratch_types=[
            pltpu.VMEM((NCHUNK, CHUNK), jnp.int32),
            pltpu.VMEM((CHUNK, D2), jnp.float32),
            pltpu.VMEM((CHUNK, D2), jnp.float32),
            pltpu.SemaphoreType.DMA,
            pltpu.SemaphoreType.DMA,
        ],
        compiler_params=pltpu.CompilerParams(use_tc_tiling_on_sc=False),
    )
    def _sc_gather(tab_hbm, rows_hbm, out_hbm, idx_v, buf0, buf1, sem0, sem1):
        wid = lax.axis_index("s") * NC + lax.axis_index("c")
        base = wid * PER_W
        pltpu.sync_copy(rows_hbm.at[wid], idx_v)

        bufs = (buf0, buf1)
        sems = (sem0, sem1)

        def body(j2, _):
            copies = []
            for b in range(2):
                j = j2 * 2 + b
                copies.append(pltpu.async_copy(
                    tab_hbm.at[idx_v.at[j]], bufs[b], sems[b]))
            for b in range(2):
                j = j2 * 2 + b
                copies[b].wait()
                pltpu.sync_copy(bufs[b],
                                out_hbm.at[pl.ds(base + j * CHUNK, CHUNK)])
            return 0

        lax.fori_loop(0, NCHUNK // 2, body, 0)

        if NCHUNK % 2:
            j = NCHUNK - 1
            pltpu.async_copy(tab_hbm.at[idx_v.at[j]], buf0, sem0).wait()
            pltpu.sync_copy(buf0, out_hbm.at[pl.ds(base + j * CHUNK, CHUNK)])

    return _sc_gather


def kernel(x, seg, tok_embed, pos_embed, seg_embed, gamma, beta):
    rows2 = _tc_rows(x[:, 0::2], x[:, 1::2], seg[:, 0::2], seg[:, 1::2])
    tab = _tc_table(tok_embed, pos_embed[0::2], pos_embed[1::2], seg_embed,
                    gamma.reshape(1, D), beta.reshape(1, D))
    tab2 = tab.reshape(NT2, D2)
    rows4 = rows2.reshape(SLABS, NW, NCHUNK, CHUNK)
    gather = _make_sc_gather()
    outs = [gather(tab2, rows4[i]) for i in range(SLABS)]
    out = jnp.concatenate(outs, axis=0)
    return out.reshape(B, S, D)

# --- scband reference (transcript-rebuilt; emitter-appended) ---
"""Pipeline reference for scband-embedding-72988674228477 (READ-ONLY COPY).

The authoritative reference and input builder live on the scoring server;
editing this copy changes nothing except your own understanding.
"""

import jax, jax.numpy as jnp
import numpy as np

VOCAB = 4
MAXLEN = 286
D_MODEL = 284
N_SEG = 2
B = 1024
S = 286


def setup_inputs(seed: int = 0) -> dict:
    key = jax.random.key(seed)
    k1, k2, k3, k4, k5 = jax.random.split(key, 5)
    x = jax.random.randint(k1, (B, S), 0, VOCAB, dtype=jnp.int32)
    seg = jax.random.randint(k2, (B, S), 0, N_SEG, dtype=jnp.int32)
    tok_embed = jax.random.normal(k3, (VOCAB, D_MODEL), dtype=jnp.float32)
    pos_embed = jax.random.normal(k4, (MAXLEN, D_MODEL), dtype=jnp.float32)
    seg_embed = jax.random.normal(k5, (N_SEG, D_MODEL), dtype=jnp.float32)
    gamma = jnp.ones((D_MODEL,), dtype=jnp.float32)
    beta = jnp.zeros((D_MODEL,), dtype=jnp.float32)
    return {"x": x, "seg": seg, "tok_embed": tok_embed, "pos_embed": pos_embed,
            "seg_embed": seg_embed, "gamma": gamma, "beta": beta}


def reference(x, seg, tok_embed, pos_embed, seg_embed, gamma, beta):
    seq_len = x.shape[1]
    pos = jnp.broadcast_to(jnp.arange(seq_len, dtype=jnp.int32)[None, :], x.shape)
    embedding = jnp.take(tok_embed, x, axis=0) \
        + jnp.take(pos_embed, pos, axis=0) \
        + jnp.take(seg_embed, seg, axis=0)
    mean = jnp.mean(embedding, axis=-1, keepdims=True)
    var = jnp.var(embedding, axis=-1, keepdims=True)
    normed = (embedding - mean) / jnp.sqrt(var + 1e-5)
    return normed * gamma + beta

if __name__ == "__main__":
    import jax
    _d = setup_inputs()
    print(jax.jit(kernel)(*tuple(_d.values())))

</pallas_src>

<mosaic_0001>
#map = affine_map<(d0, d1) -> (0, 0)>
#map1 = affine_map<(d0, d1) -> (0, 0, 0)>
module attributes {stable_mosaic.version = 14 : i64} {
  func.func @_sc_gather(%arg0: i32, %arg1: i32, %arg2: memref<9152x568xf32, #tpu.memory_space<hbm>>, %arg3: memref<32x4x104xi32, #tpu.memory_space<hbm>>, %arg4: memref<13312x568xf32, #tpu.memory_space<hbm>>, %arg5: memref<4x104xi32, #tpu.memory_space<vmem>>, %arg6: memref<104x568xf32, #tpu.memory_space<vmem>>, %arg7: memref<104x568xf32, #tpu.memory_space<vmem>>, %arg8: memref<!tpu.dma_semaphore, #tpu.memory_space<semaphore_mem>>, %arg9: memref<!tpu.dma_semaphore, #tpu.memory_space<semaphore_mem>>) attributes {dimension_semantics = [#tpu.dimension_semantics<core_parallel>, #tpu.dimension_semantics<subcore_parallel>], iteration_bounds = array<i64: 2, 16>, scalar_prefetch = 0 : i64, scratch_operands = 5 : i64, tpu.core_type = #tpu.core_type<sc_vector_subcore>, window_params = [{transform_indices = #map}, {transform_indices = #map1}, {transform_indices = #map}]} {
    %mul3A = arith.constant 2 : i32
    %mul3A_0 = arith.muli %arg1, %mul3A : i32
    %add3A = arith.addi %mul3A_0, %arg0 : i32
    %mul3A_1 = arith.constant 416 : i32
    %mul3A_2 = arith.muli %add3A, %mul3A_1 : i32
    "tpu.region"() ({
      %run_scoped3A = tpu.sem_alloc : memref<!tpu.dma_semaphore, #tpu.memory_space<semaphore_mem>>
      %dma_start3A = arith.constant 0 : i32
      %dma_start3A_9 = arith.constant 0 : i32
      %dma_start3A_10 = tpu.memref_slice %arg3[%add3A, %dma_start3A, %dma_start3A_9] : memref<32x4x104xi32, #tpu.memory_space<hbm>> -> memref<1x4x104xi32, #tpu.memory_space<hbm>>
      %dma_start3A_11 = tpu.memref_squeeze %dma_start3A_10 : memref<1x4x104xi32, #tpu.memory_space<hbm>> -> memref<4x104xi32, #tpu.memory_space<hbm>>
      %dma_start3A_12 = arith.constant 0 : i32
      %dma_start3A_13 = arith.constant 0 : i32
      %dma_start3A_14 = tpu.memref_slice %arg3[%add3A, %dma_start3A_12, %dma_start3A_13] : memref<32x4x104xi32, #tpu.memory_space<hbm>> -> memref<1x4x104xi32, #tpu.memory_space<hbm>>
      %dma_start3A_15 = tpu.memref_squeeze %dma_start3A_14 : memref<1x4x104xi32, #tpu.memory_space<hbm>> -> memref<4x104xi32, #tpu.memory_space<hbm>>
      tpu.enqueue_dma source(%dma_start3A_15 : memref<4x104xi32, #tpu.memory_space<hbm>>) target(%arg5 : memref<4x104xi32, #tpu.memory_space<vmem>>) target_semaphore(%run_scoped3A : memref<!tpu.dma_semaphore, #tpu.memory_space<semaphore_mem>>)
      %dma_wait3A = arith.constant 0 : i32
      %dma_wait3A_16 = arith.constant 0 : i32
      %dma_wait3A_17 = tpu.memref_slice %arg3[%add3A, %dma_wait3A, %dma_wait3A_16] : memref<32x4x104xi32, #tpu.memory_space<hbm>> -> memref<1x4x104xi32, #tpu.memory_space<hbm>>
      %dma_wait3A_18 = tpu.memref_squeeze %dma_wait3A_17 : memref<1x4x104xi32, #tpu.memory_space<hbm>> -> memref<4x104xi32, #tpu.memory_space<hbm>>
      %dma_wait3A_19 = arith.constant 0 : i32
      %dma_wait3A_20 = arith.constant 0 : i32
      %dma_wait3A_21 = tpu.memref_slice %arg3[%add3A, %dma_wait3A_19, %dma_wait3A_20] : memref<32x4x104xi32, #tpu.memory_space<hbm>> -> memref<1x4x104xi32, #tpu.memory_space<hbm>>
      %dma_wait3A_22 = tpu.memref_squeeze %dma_wait3A_21 : memref<1x4x104xi32, #tpu.memory_space<hbm>> -> memref<4x104xi32, #tpu.memory_space<hbm>>
      tpu.wait_dma2 semaphore(%run_scoped3A : memref<!tpu.dma_semaphore, #tpu.memory_space<semaphore_mem>>) src(%dma_wait3A_22 : memref<4x104xi32, #tpu.memory_space<hbm>>) dst(%arg5 : memref<4x104xi32, #tpu.memory_space<vmem>>)
      tpu.yield
    }) : () -> ()
    %scan3A = arith.constant 0 : i32
    %scan3A_3 = arith.constant 0 : i32
    %scan3A_4 = arith.constant 2 : i32
    %scan3A_5 = arith.addi %scan3A_3, %scan3A_4 : i32
    %scan3A_6 = arith.constant 1 : i32
    %scan3A_7 = scf.for %scan3A_9 = %scan3A_3 to %scan3A_5 step %scan3A_6 iter_args(%scan3A_10 = %scan3A) -> (i32)  : i32 {
      %mul3A_11 = arith.constant 2 : i32
      %mul3A_12 = arith.muli %scan3A_9, %mul3A_11 : i32
      %add3A_13 = arith.constant 0 : i32
      %add3A_14 = arith.addi %mul3A_12, %add3A_13 : i32
      %dma_start3A = arith.constant 0 : i32
      %dma_start3A_15 = tpu.memref_slice %arg5[%add3A_14, %dma_start3A] : memref<4x104xi32, #tpu.memory_space<vmem>> -> memref<1x104xi32, #tpu.memory_space<vmem>>
      %dma_start3A_16 = tpu.memref_squeeze %dma_start3A_15 : memref<1x104xi32, #tpu.memory_space<vmem>> -> memref<104xi32, #tpu.memory_space<vmem>>
      %dma_start3A_17 = arith.constant 0 : i32
      %dma_start3A_18 = arith.constant 0 : i32
      %dma_start3A_19 = tpu.memref_slice %arg2[%dma_start3A_17, %dma_start3A_18] : memref<9152x568xf32, #tpu.memory_space<hbm>> -> memref<9152x568xf32, #tpu.memory_space<hbm>>
      tpu.enqueue_indirect_dma source(%dma_start3A_19 : memref<9152x568xf32, #tpu.memory_space<hbm>>) target(%arg6 : memref<104x568xf32, #tpu.memory_space<vmem>>) offsets(%dma_start3A_16 : memref<104xi32, #tpu.memory_space<vmem>>) semaphore(%arg8 : memref<!tpu.dma_semaphore, #tpu.memory_space<semaphore_mem>>)
      %mul3A_20 = arith.constant 2 : i32
      %mul3A_21 = arith.muli %scan3A_9, %mul3A_20 : i32
      %add3A_22 = arith.constant 1 : i32
      %add3A_23 = arith.addi %mul3A_21, %add3A_22 : i32
      %dma_start3A_24 = arith.constant 0 : i32
      %dma_start3A_25 = tpu.memref_slice %arg5[%add3A_23, %dma_start3A_24] : memref<4x104xi32, #tpu.memory_space<vmem>> -> memref<1x104xi32, #tpu.memory_space<vmem>>
      %dma_start3A_26 = tpu.memref_squeeze %dma_start3A_25 : memref<1x104xi32, #tpu.memory_space<vmem>> -> memref<104xi32, #tpu.memory_space<vmem>>
      %dma_start3A_27 = arith.constant 0 : i32
      %dma_start3A_28 = arith.constant 0 : i32
      %dma_start3A_29 = tpu.memref_slice %arg2[%dma_start3A_27, %dma_start3A_28] : memref<9152x568xf32, #tpu.memory_space<hbm>> -> memref<9152x568xf32, #tpu.memory_space<hbm>>
      tpu.enqueue_indirect_dma source(%dma_start3A_29 : memref<9152x568xf32, #tpu.memory_space<hbm>>) target(%arg7 : memref<104x568xf32, #tpu.memory_space<vmem>>) offsets(%dma_start3A_26 : memref<104xi32, #tpu.memory_space<vmem>>) semaphore(%arg9 : memref<!tpu.dma_semaphore, #tpu.memory_space<semaphore_mem>>)
      %mul3A_30 = arith.constant 2 : i32
      %mul3A_31 = arith.muli %scan3A_9, %mul3A_30 : i32
      %add3A_32 = arith.constant 0 : i32
      %add3A_33 = arith.addi %mul3A_31, %add3A_32 : i32
      %dma_wait3A = arith.constant 0 : i32
      %dma_wait3A_34 = tpu.memref_slice %arg5[%add3A_14, %dma_wait3A] : memref<4x104xi32, #tpu.memory_space<vmem>> -> memref<1x104xi32, #tpu.memory_space<vmem>>
      %dma_wait3A_35 = tpu.memref_squeeze %dma_wait3A_34 : memref<1x104xi32, #tpu.memory_space<vmem>> -> memref<104xi32, #tpu.memory_space<vmem>>
      %dma_wait3A_36 = arith.constant 0 : i32
      %dma_wait3A_37 = arith.constant 0 : i32
      %dma_wait3A_38 = tpu.memref_slice %arg2[%dma_wait3A_36, %dma_wait3A_37] : memref<9152x568xf32, #tpu.memory_space<hbm>> -> memref<9152x568xf32, #tpu.memory_space<hbm>>
      tpu.wait_indirect_dma semaphore(%arg8 : memref<!tpu.dma_semaphore, #tpu.memory_space<semaphore_mem>>) src(%dma_wait3A_38 : memref<9152x568xf32, #tpu.memory_space<hbm>>) dst(%arg6 : memref<104x568xf32, #tpu.memory_space<vmem>>)
      %mul3A_39 = arith.constant 104 : i32
      %mul3A_40 = arith.muli %add3A_33, %mul3A_39 : i32
      %add3A_41 = arith.addi %mul3A_2, %mul3A_40 : i32
      "tpu.region"() ({
        %run_scoped3A = tpu.sem_alloc : memref<!tpu.dma_semaphore, #tpu.memory_space<semaphore_mem>>
        %dma_start3A_56 = arith.constant 0 : i32
        %dma_start3A_57 = tpu.memref_slice %arg4[%add3A_41, %dma_start3A_56] : memref<13312x568xf32, #tpu.memory_space<hbm>> -> memref<104x568xf32, #tpu.memory_space<hbm>>
        %dma_start3A_58 = arith.constant 0 : i32
        %dma_start3A_59 = tpu.memref_slice %arg4[%add3A_41, %dma_start3A_58] : memref<13312x568xf32, #tpu.memory_space<hbm>> -> memref<104x568xf32, #tpu.memory_space<hbm>>
        tpu.enqueue_dma source(%arg6 : memref<104x568xf32, #tpu.memory_space<vmem>>) target(%dma_start3A_59 : memref<104x568xf32, #tpu.memory_space<hbm>>) target_semaphore(%run_scoped3A : memref<!tpu.dma_semaphore, #tpu.memory_space<semaphore_mem>>)
        %dma_wait3A_60 = arith.constant 0 : i32
        %dma_wait3A_61 = tpu.memref_slice %arg4[%add3A_41, %dma_wait3A_60] : memref<13312x568xf32, #tpu.memory_space<hbm>> -> memref<104x568xf32, #tpu.memory_space<hbm>>
        %dma_wait3A_62 = arith.constant 0 : i32
        %dma_wait3A_63 = tpu.memref_slice %arg4[%add3A_41, %dma_wait3A_62] : memref<13312x568xf32, #tpu.memory_space<hbm>> -> memref<104x568xf32, #tpu.memory_space<hbm>>
        tpu.wait_dma2 semaphore(%run_scoped3A : memref<!tpu.dma_semaphore, #tpu.memory_space<semaphore_mem>>) src(%arg6 : memref<104x568xf32, #tpu.memory_space<vmem>>) dst(%dma_wait3A_63 : memref<104x568xf32, #tpu.memory_space<hbm>>)
        tpu.yield
      }) : () -> ()
      %mul3A_42 = arith.constant 2 : i32
      %mul3A_43 = arith.muli %scan3A_9, %mul3A_42 : i32
      %add3A_44 = arith.constant 1 : i32
      %add3A_45 = arith.addi %mul3A_43, %add3A_44 : i32
      %dma_wait3A_46 = arith.constant 0 : i32
      %dma_wait3A_47 = tpu.memref_slice %arg5[%add3A_23, %dma_wait3A_46] : memref<4x104xi32, #tpu.memory_space<vmem>> -> memref<1x104xi32, #tpu.memory_space<vmem>>
      %dma_wait3A_48 = tpu.memref_squeeze %dma_wait3A_47 : memref<1x104xi32, #tpu.memory_space<vmem>> -> memref<104xi32, #tpu.memory_space<vmem>>
      %dma_wait3A_49 = arith.constant 0 : i32
      %dma_wait3A_50 = arith.constant 0 : i32
      %dma_wait3A_51 = tpu.memref_slice %arg2[%dma_wait3A_49, %dma_wait3A_50] : memref<9152x568xf32, #tpu.memory_space<hbm>> -> memref<9152x568xf32, #tpu.memory_space<hbm>>
      tpu.wait_indirect_dma semaphore(%arg9 : memref<!tpu.dma_semaphore, #tpu.memory_space<semaphore_mem>>) src(%dma_wait3A_51 : memref<9152x568xf32, #tpu.memory_space<hbm>>) dst(%arg7 : memref<104x568xf32, #tpu.memory_space<vmem>>)
      %mul3A_52 = arith.constant 104 : i32
      %mul3A_53 = arith.muli %add3A_45, %mul3A_52 : i32
      %add3A_54 = arith.addi %mul3A_2, %mul3A_53 : i32
      "tpu.region"() ({
        %run_scoped3A = tpu.sem_alloc : memref<!tpu.dma_semaphore, #tpu.memory_space<semaphore_mem>>
        %dma_start3A_56 = arith.constant 0 : i32
        %dma_start3A_57 = tpu.memref_slice %arg4[%add3A_54, %dma_start3A_56] : memref<13312x568xf32, #tpu.memory_space<hbm>> -> memref<104x568xf32, #tpu.memory_space<hbm>>
        %dma_start3A_58 = arith.constant 0 : i32
        %dma_start3A_59 = tpu.memref_slice %arg4[%add3A_54, %dma_start3A_58] : memref<13312x568xf32, #tpu.memory_space<hbm>> -> memref<104x568xf32, #tpu.memory_space<hbm>>
        tpu.enqueue_dma source(%arg7 : memref<104x568xf32, #tpu.memory_space<vmem>>) target(%dma_start3A_59 : memref<104x568xf32, #tpu.memory_space<hbm>>) target_semaphore(%run_scoped3A : memref<!tpu.dma_semaphore, #tpu.memory_space<semaphore_mem>>)
        %dma_wait3A_60 = arith.constant 0 : i32
        %dma_wait3A_61 = tpu.memref_slice %arg4[%add3A_54, %dma_wait3A_60] : memref<13312x568xf32, #tpu.memory_space<hbm>> -> memref<104x568xf32, #tpu.memory_space<hbm>>
        %dma_wait3A_62 = arith.constant 0 : i32
        %dma_wait3A_63 = tpu.memref_slice %arg4[%add3A_54, %dma_wait3A_62] : memref<13312x568xf32, #tpu.memory_space<hbm>> -> memref<104x568xf32, #tpu.memory_space<hbm>>
        tpu.wait_dma2 semaphore(%run_scoped3A : memref<!tpu.dma_semaphore, #tpu.memory_space<semaphore_mem>>) src(%arg7 : memref<104x568xf32, #tpu.memory_space<vmem>>) dst(%dma_wait3A_63 : memref<104x568xf32, #tpu.memory_space<hbm>>)
        tpu.yield
      }) : () -> ()
      %scan3A_55 = arith.constant 0 : i32
      scf.yield %scan3A_55 : i32
    }
    %scan3A_8 = arith.constant 2 : i32
    return
  }
}

#map = affine_map<(d0, d1) -> (0, 0)>
#map1 = affine_map<(d0, d1) -> (0, 0, 0)>
module attributes {stable_mosaic.version = 14 : i64} {
  func.func @_sc_gather(%arg0: i32, %arg1: i32, %arg2: memref<9152x568xf32, #tpu.memory_space<hbm>>, %arg3: memref<32x4x104xi32, #tpu.memory_space<hbm>>, %arg4: memref<13312x568xf32, #tpu.memory_space<hbm>>, %arg5: memref<4x104xi32, #tpu.memory_space<vmem>>, %arg6: memref<104x568xf32, #tpu.memory_space<vmem>>, %arg7: memref<104x568xf32, #tpu.memory_space<vmem>>, %arg8: memref<!tpu.dma_semaphore, #tpu.memory_space<semaphore_mem>>, %arg9: memref<!tpu.dma_semaphore, #tpu.memory_space<semaphore_mem>>) attributes {dimension_semantics = [#tpu.dimension_semantics<core_parallel>, #tpu.dimension_semantics<subcore_parallel>], iteration_bounds = array<i64: 2, 16>, scalar_prefetch = 0 : i64, scratch_operands = 5 : i64, tpu.core_type = #tpu.core_type<sc_vector_subcore>, window_params = [{transform_indices = #map}, {transform_indices = #map1}, {transform_indices = #map}]} {
    %mul3A = arith.constant 2 : i32
    %mul3A_0 = arith.muli %arg1, %mul3A : i32
    %add3A = arith.addi %mul3A_0, %arg0 : i32
    %mul3A_1 = arith.constant 416 : i32
    %mul3A_2 = arith.muli %add3A, %mul3A_1 : i32
    "tpu.region"() ({
      %run_scoped3A = tpu.sem_alloc : memref<!tpu.dma_semaphore, #tpu.memory_space<semaphore_mem>>
      %dma_start3A = arith.constant 0 : i32
      %dma_start3A_9 = arith.constant 0 : i32
      %dma_start3A_10 = tpu.memref_slice %arg3[%add3A, %dma_start3A, %dma_start3A_9] : memref<32x4x104xi32, #tpu.memory_space<hbm>> -> memref<1x4x104xi32, #tpu.memory_space<hbm>>
      %dma_start3A_11 = tpu.memref_squeeze %dma_start3A_10 : memref<1x4x104xi32, #tpu.memory_space<hbm>> -> memref<4x104xi32, #tpu.memory_space<hbm>>
      %dma_start3A_12 = arith.constant 0 : i32
      %dma_start3A_13 = arith.constant 0 : i32
      %dma_start3A_14 = tpu.memref_slice %arg3[%add3A, %dma_start3A_12, %dma_start3A_13] : memref<32x4x104xi32, #tpu.memory_space<hbm>> -> memref<1x4x104xi32, #tpu.memory_space<hbm>>
      %dma_start3A_15 = tpu.memref_squeeze %dma_start3A_14 : memref<1x4x104xi32, #tpu.memory_space<hbm>> -> memref<4x104xi32, #tpu.memory_space<hbm>>
      tpu.enqueue_dma source(%dma_start3A_15 : memref<4x104xi32, #tpu.memory_space<hbm>>) target(%arg5 : memref<4x104xi32, #tpu.memory_space<vmem>>) target_semaphore(%run_scoped3A : memref<!tpu.dma_semaphore, #tpu.memory_space<semaphore_mem>>)
      %dma_wait3A = arith.constant 0 : i32
      %dma_wait3A_16 = arith.constant 0 : i32
      %dma_wait3A_17 = tpu.memref_slice %arg3[%add3A, %dma_wait3A, %dma_wait3A_16] : memref<32x4x104xi32, #tpu.memory_space<hbm>> -> memref<1x4x104xi32, #tpu.memory_space<hbm>>
      %dma_wait3A_18 = tpu.memref_squeeze %dma_wait3A_17 : memref<1x4x104xi32, #tpu.memory_space<hbm>> -> memref<4x104xi32, #tpu.memory_space<hbm>>
      %dma_wait3A_19 = arith.constant 0 : i32
      %dma_wait3A_20 = arith.constant 0 : i32
      %dma_wait3A_21 = tpu.memref_slice %arg3[%add3A, %dma_wait3A_19, %dma_wait3A_20] : memref<32x4x104xi32, #tpu.memory_space<hbm>> -> memref<1x4x104xi32, #tpu.memory_space<hbm>>
      %dma_wait3A_22 = tpu.memref_squeeze %dma_wait3A_21 : memref<1x4x104xi32, #tpu.memory_space<hbm>> -> memref<4x104xi32, #tpu.memory_space<hbm>>
      tpu.wait_dma2 semaphore(%run_scoped3A : memref<!tpu.dma_semaphore, #tpu.memory_space<semaphore_mem>>) src(%dma_wait3A_22 : memref<4x104xi32, #tpu.memory_space<hbm>>) dst(%arg5 : memref<4x104xi32, #tpu.memory_space<vmem>>)
      tpu.yield
    }) : () -> ()
    %scan3A = arith.constant 0 : i32
    %scan3A_3 = arith.constant 0 : i32
    %scan3A_4 = arith.constant 2 : i32
    %scan3A_5 = arith.addi %scan3A_3, %scan3A_4 : i32
    %scan3A_6 = arith.constant 1 : i32
    %scan3A_7 = scf.for %scan3A_9 = %scan3A_3 to %scan3A_5 step %scan3A_6 iter_args(%scan3A_10 = %scan3A) -> (i32)  : i32 {
      %mul3A_11 = arith.constant 2 : i32
      %mul3A_12 = arith.muli %scan3A_9, %mul3A_11 : i32
      %add3A_13 = arith.constant 0 : i32
      %add3A_14 = arith.addi %mul3A_12, %add3A_13 : i32
      %dma_start3A = arith.constant 0 : i32
      %dma_start3A_15 = tpu.memref_slice %arg5[%add3A_14, %dma_start3A] : memref<4x104xi32, #tpu.memory_space<vmem>> -> memref<1x104xi32, #tpu.memory_space<vmem>>
      %dma_start3A_16 = tpu.memref_squeeze %dma_start3A_15 : memref<1x104xi32, #tpu.memory_space<vmem>> -> memref<104xi32, #tpu.memory_space<vmem>>
      %dma_start3A_17 = arith.constant 0 : i32
      %dma_start3A_18 = arith.constant 0 : i32
      %dma_start3A_19 = tpu.memref_slice %arg2[%dma_start3A_17, %dma_start3A_18] : memref<9152x568xf32, #tpu.memory_space<hbm>> -> memref<9152x568xf32, #tpu.memory_space<hbm>>
      tpu.enqueue_indirect_dma source(%dma_start3A_19 : memref<9152x568xf32, #tpu.memory_space<hbm>>) target(%arg6 : memref<104x568xf32, #tpu.memory_space<vmem>>) offsets(%dma_start3A_16 : memref<104xi32, #tpu.memory_space<vmem>>) semaphore(%arg8 : memref<!tpu.dma_semaphore, #tpu.memory_space<semaphore_mem>>)
      %mul3A_20 = arith.constant 2 : i32
      %mul3A_21 = arith.muli %scan3A_9, %mul3A_20 : i32
      %add3A_22 = arith.constant 1 : i32
      %add3A_23 = arith.addi %mul3A_21, %add3A_22 : i32
      %dma_start3A_24 = arith.constant 0 : i32
      %dma_start3A_25 = tpu.memref_slice %arg5[%add3A_23, %dma_start3A_24] : memref<4x104xi32, #tpu.memory_space<vmem>> -> memref<1x104xi32, #tpu.memory_space<vmem>>
      %dma_start3A_26 = tpu.memref_squeeze %dma_start3A_25 : memref<1x104xi32, #tpu.memory_space<vmem>> -> memref<104xi32, #tpu.memory_space<vmem>>
      %dma_start3A_27 = arith.constant 0 : i32
      %dma_start3A_28 = arith.constant 0 : i32
      %dma_start3A_29 = tpu.memref_slice %arg2[%dma_start3A_27, %dma_start3A_28] : memref<9152x568xf32, #tpu.memory_space<hbm>> -> memref<9152x568xf32, #tpu.memory_space<hbm>>
      tpu.enqueue_indirect_dma source(%dma_start3A_29 : memref<9152x568xf32, #tpu.memory_space<hbm>>) target(%arg7 : memref<104x568xf32, #tpu.memory_space<vmem>>) offsets(%dma_start3A_26 : memref<104xi32, #tpu.memory_space<vmem>>) semaphore(%arg9 : memref<!tpu.dma_semaphore, #tpu.memory_space<semaphore_mem>>)
      %mul3A_30 = arith.constant 2 : i32
      %mul3A_31 = arith.muli %scan3A_9, %mul3A_30 : i32
      %add3A_32 = arith.constant 0 : i32
      %add3A_33 = arith.addi %mul3A_31, %add3A_32 : i32
      %dma_wait3A = arith.constant 0 : i32
      %dma_wait3A_34 = tpu.memref_slice %arg5[%add3A_14, %dma_wait3A] : memref<4x104xi32, #tpu.memory_space<vmem>> -> memref<1x104xi32, #tpu.memory_space<vmem>>
      %dma_wait3A_35 = tpu.memref_squeeze %dma_wait3A_34 : memref<1x104xi32, #tpu.memory_space<vmem>> -> memref<104xi32, #tpu.memory_space<vmem>>
      %dma_wait3A_36 = arith.constant 0 : i32
      %dma_wait3A_37 = arith.constant 0 : i32
      %dma_wait3A_38 = tpu.memref_slice %arg2[%dma_wait3A_36, %dma_wait3A_37] : memref<9152x568xf32, #tpu.memory_space<hbm>> -> memref<9152x568xf32, #tpu.memory_space<hbm>>
      tpu.wait_indirect_dma semaphore(%arg8 : memref<!tpu.dma_semaphore, #tpu.memory_space<semaphore_mem>>) src(%dma_wait3A_38 : memref<9152x568xf32, #tpu.memory_space<hbm>>) dst(%arg6 : memref<104x568xf32, #tpu.memory_space<vmem>>)
      %mul3A_39 = arith.constant 104 : i32
      %mul3A_40 = arith.muli %add3A_33, %mul3A_39 : i32
      %add3A_41 = arith.addi %mul3A_2, %mul3A_40 : i32
      "tpu.region"() ({
        %run_scoped3A = tpu.sem_alloc : memref<!tpu.dma_semaphore, #tpu.memory_space<semaphore_mem>>
        %dma_start3A_56 = arith.constant 0 : i32
        %dma_start3A_57 = tpu.memref_slice %arg4[%add3A_41, %dma_start3A_56] : memref<13312x568xf32, #tpu.memory_space<hbm>> -> memref<104x568xf32, #tpu.memory_space<hbm>>
        %dma_start3A_58 = arith.constant 0 : i32
        %dma_start3A_59 = tpu.memref_slice %arg4[%add3A_41, %dma_start3A_58] : memref<13312x568xf32, #tpu.memory_space<hbm>> -> memref<104x568xf32, #tpu.memory_space<hbm>>
        tpu.enqueue_dma source(%arg6 : memref<104x568xf32, #tpu.memory_space<vmem>>) target(%dma_start3A_59 : memref<104x568xf32, #tpu.memory_space<hbm>>) target_semaphore(%run_scoped3A : memref<!tpu.dma_semaphore, #tpu.memory_space<semaphore_mem>>)
        %dma_wait3A_60 = arith.constant 0 : i32
        %dma_wait3A_61 = tpu.memref_slice %arg4[%add3A_41, %dma_wait3A_60] : memref<13312x568xf32, #tpu.memory_space<hbm>> -> memref<104x568xf32, #tpu.memory_space<hbm>>
        %dma_wait3A_62 = arith.constant 0 : i32
        %dma_wait3A_63 = tpu.memref_slice %arg4[%add3A_41, %dma_wait3A_62] : memref<13312x568xf32, #tpu.memory_space<hbm>> -> memref<104x568xf32, #tpu.memory_space<hbm>>
        tpu.wait_dma2 semaphore(%run_scoped3A : memref<!tpu.dma_semaphore, #tpu.memory_space<semaphore_mem>>) src(%arg6 : memref<104x568xf32, #tpu.memory_space<vmem>>) dst(%dma_wait3A_63 : memref<104x568xf32, #tpu.memory_space<hbm>>)
        tpu.yield
      }) : () -> ()
      %mul3A_42 = arith.constant 2 : i32
      %mul3A_43 = arith.muli %scan3A_9, %mul3A_42 : i32
      %add3A_44 = arith.constant 1 : i32
      %add3A_45 = arith.addi %mul3A_43, %add3A_44 : i32
      %dma_wait3A_46 = arith.constant 0 : i32
      %dma_wait3A_47 = tpu.memref_slice %arg5[%add3A_23, %dma_wait3A_46] : memref<4x104xi32, #tpu.memory_space<vmem>> -> memref<1x104xi32, #tpu.memory_space<vmem>>
      %dma_wait3A_48 = tpu.memref_squeeze %dma_wait3A_47 : memref<1x104xi32, #tpu.memory_space<vmem>> -> memref<104xi32, #tpu.memory_space<vmem>>
      %dma_wait3A_49 = arith.constant 0 : i32
      %dma_wait3A_50 = arith.constant 0 : i32
      %dma_wait3A_51 = tpu.memref_slice %arg2[%dma_wait3A_49, %dma_wait3A_50] : memref<9152x568xf32, #tpu.memory_space<hbm>> -> memref<9152x568xf32, #tpu.memory_space<hbm>>
      tpu.wait_indirect_dma semaphore(%arg9 : memref<!tpu.dma_semaphore, #tpu.memory_space<semaphore_mem>>) src(%dma_wait3A_51 : memref<9152x568xf32, #tpu.memory_space<hbm>>) dst(%arg7 : memref<104x568xf32, #tpu.memory_space<vmem>>)
      %mul3A_52 = arith.constant 104 : i32
      %mul3A_53 = arith.muli %add3A_45, %mul3A_52 : i32
      %add3A_54 = arith.addi %mul3A_2, %mul3A_53 : i32
      "tpu.region"() ({
        %run_scoped3A = tpu.sem_alloc : memref<!tpu.dma_semaphore, #tpu.memory_space<semaphore_mem>>
        %dma_start3A_56 = arith.constant 0 : i32
        %dma_start3A_57 = tpu.memref_slice %arg4[%add3A_54, %dma_start3A_56] : memref<13312x568xf32, #tpu.memory_space<hbm>> -> memref<104x568xf32, #tpu.memory_space<hbm>>
        %dma_start3A_58 = arith.constant 0 : i32
        %dma_start3A_59 = tpu.memref_slice %arg4[%add3A_54, %dma_start3A_58] : memref<13312x568xf32, #tpu.memory_space<hbm>> -> memref<104x568xf32, #tpu.memory_space<hbm>>
        tpu.enqueue_dma source(%arg7 : memref<104x568xf32, #tpu.memory_space<vmem>>) target(%dma_start3A_59 : memref<104x568xf32, #tpu.memory_space<hbm>>) target_semaphore(%run_scoped3A : memref<!tpu.dma_semaphore, #tpu.memory_space<semaphore_mem>>)
        %dma_wait3A_60 = arith.constant 0 : i32
        %dma_wait3A_61 = tpu.memref_slice %arg4[%add3A_54, %dma_wait3A_60] : memref<13312x568xf32, #tpu.memory_space<hbm>> -> memref<104x568xf32, #tpu.memory_space<hbm>>
        %dma_wait3A_62 = arith.constant 0 : i32
        %dma_wait3A_63 = tpu.memref_slice %arg4[%add3A_54, %dma_wait3A_62] : memref<13312x568xf32, #tpu.memory_space<hbm>> -> memref<104x568xf32, #tpu.memory_space<hbm>>
        tpu.wait_dma2 semaphore(%run_scoped3A : memref<!tpu.dma_semaphore, #tpu.memory_space<semaphore_mem>>) src(%arg7 : memref<104x568xf32, #tpu.memory_space<vmem>>) dst(%dma_wait3A_63 : memref<104x568xf32, #tpu.memory_space<hbm>>)
        tpu.yield
      }) : () -> ()
      %scan3A_55 = arith.constant 0 : i32
      scf.yield %scan3A_55 : i32
    }
    %scan3A_8 = arith.constant 2 : i32
    return
  }
}

#map = affine_map<(d0, d1) -> (0, 0)>
#map1 = affine_map<(d0, d1) -> (0, 0, 0)>
module attributes {stable_mosaic.version = 14 : i64} {
  func.func @_sc_gather(%arg0: i32, %arg1: i32, %arg2: memref<9152x568xf32, #tpu.memory_space<hbm>>, %arg3: memref<32x4x104xi32, #tpu.memory_space<hbm>>, %arg4: memref<13312x568xf32, #tpu.memory_space<hbm>>, %arg5: memref<4x104xi32, #tpu.memory_space<vmem>>, %arg6: memref<104x568xf32, #tpu.memory_space<vmem>>, %arg7: memref<104x568xf32, #tpu.memory_space<vmem>>, %arg8: memref<!tpu.dma_semaphore, #tpu.memory_space<semaphore_mem>>, %arg9: memref<!tpu.dma_semaphore, #tpu.memory_space<semaphore_mem>>) attributes {dimension_semantics = [#tpu.dimension_semantics<core_parallel>, #tpu.dimension_semantics<subcore_parallel>], iteration_bounds = array<i64: 2, 16>, scalar_prefetch = 0 : i64, scratch_operands = 5 : i64, tpu.core_type = #tpu.core_type<sc_vector_subcore>, window_params = [{transform_indices = #map}, {transform_indices = #map1}, {transform_indices = #map}]} {
    %mul3A = arith.constant 2 : i32
    %mul3A_0 = arith.muli %arg1, %mul3A : i32
    %add3A = arith.addi %mul3A_0, %arg0 : i32
    %mul3A_1 = arith.constant 416 : i32
    %mul3A_2 = arith.muli %add3A, %mul3A_1 : i32
    "tpu.region"() ({
      %run_scoped3A = tpu.sem_alloc : memref<!tpu.dma_semaphore, #tpu.memory_space<semaphore_mem>>
      %dma_start3A = arith.constant 0 : i32
      %dma_start3A_9 = arith.constant 0 : i32
      %dma_start3A_10 = tpu.memref_slice %arg3[%add3A, %dma_start3A, %dma_start3A_9] : memref<32x4x104xi32, #tpu.memory_space<hbm>> -> memref<1x4x104xi32, #tpu.memory_space<hbm>>
      %dma_start3A_11 = tpu.memref_squeeze %dma_start3A_10 : memref<1x4x104xi32, #tpu.memory_space<hbm>> -> memref<4x104xi32, #tpu.memory_space<hbm>>
      %dma_start3A_12 = arith.constant 0 : i32
      %dma_start3A_13 = arith.constant 0 : i32
      %dma_start3A_14 = tpu.memref_slice %arg3[%add3A, %dma_start3A_12, %dma_start3A_13] : memref<32x4x104xi32, #tpu.memory_space<hbm>> -> memref<1x4x104xi32, #tpu.memory_space<hbm>>
      %dma_start3A_15 = tpu.memref_squeeze %dma_start3A_14 : memref<1x4x104xi32, #tpu.memory_space<hbm>> -> memref<4x104xi32, #tpu.memory_space<hbm>>
      tpu.enqueue_dma source(%dma_start3A_15 : memref<4x104xi32, #tpu.memory_space<hbm>>) target(%arg5 : memref<4x104xi32, #tpu.memory_space<vmem>>) target_semaphore(%run_scoped3A : memref<!tpu.dma_semaphore, #tpu.memory_space<semaphore_mem>>)
      %dma_wait3A = arith.constant 0 : i32
      %dma_wait3A_16 = arith.constant 0 : i32
      %dma_wait3A_17 = tpu.memref_slice %arg3[%add3A, %dma_wait3A, %dma_wait3A_16] : memref<32x4x104xi32, #tpu.memory_space<hbm>> -> memref<1x4x104xi32, #tpu.memory_space<hbm>>
      %dma_wait3A_18 = tpu.memref_squeeze %dma_wait3A_17 : memref<1x4x104xi32, #tpu.memory_space<hbm>> -> memref<4x104xi32, #tpu.memory_space<hbm>>
      %dma_wait3A_19 = arith.constant 0 : i32
      %dma_wait3A_20 = arith.constant 0 : i32
      %dma_wait3A_21 = tpu.memref_slice %arg3[%add3A, %dma_wait3A_19, %dma_wait3A_20] : memref<32x4x104xi32, #tpu.memory_space<hbm>> -> memref<1x4x104xi32, #tpu.memory_space<hbm>>
      %dma_wait3A_22 = tpu.memref_squeeze %dma_wait3A_21 : memref<1x4x104xi32, #tpu.memory_space<hbm>> -> memref<4x104xi32, #tpu.memory_space<hbm>>
      tpu.wait_dma2 semaphore(%run_scoped3A : memref<!tpu.dma_semaphore, #tpu.memory_space<semaphore_mem>>) src(%dma_wait3A_22 : memref<4x104xi32, #tpu.memory_space<hbm>>) dst(%arg5 : memref<4x104xi32, #tpu.memory_space<vmem>>)
      tpu.yield
    }) : () -> ()
    %scan3A = arith.constant 0 : i32
    %scan3A_3 = arith.constant 0 : i32
    %scan3A_4 = arith.constant 2 : i32
    %scan3A_5 = arith.addi %scan3A_3, %scan3A_4 : i32
    %scan3A_6 = arith.constant 1 : i32
    %scan3A_7 = scf.for %scan3A_9 = %scan3A_3 to %scan3A_5 step %scan3A_6 iter_args(%scan3A_10 = %scan3A) -> (i32)  : i32 {
      %mul3A_11 = arith.constant 2 : i32
      %mul3A_12 = arith.muli %scan3A_9, %mul3A_11 : i32
      %add3A_13 = arith.constant 0 : i32
      %add3A_14 = arith.addi %mul3A_12, %add3A_13 : i32
      %dma_start3A = arith.constant 0 : i32
      %dma_start3A_15 = tpu.memref_slice %arg5[%add3A_14, %dma_start3A] : memref<4x104xi32, #tpu.memory_space<vmem>> -> memref<1x104xi32, #tpu.memory_space<vmem>>
      %dma_start3A_16 = tpu.memref_squeeze %dma_start3A_15 : memref<1x104xi32, #tpu.memory_space<vmem>> -> memref<104xi32, #tpu.memory_space<vmem>>
      %dma_start3A_17 = arith.constant 0 : i32
      %dma_start3A_18 = arith.constant 0 : i32
      %dma_start3A_19 = tpu.memref_slice %arg2[%dma_start3A_17, %dma_start3A_18] : memref<9152x568xf32, #tpu.memory_space<hbm>> -> memref<9152x568xf32, #tpu.memory_space<hbm>>
      tpu.enqueue_indirect_dma source(%dma_start3A_19 : memref<9152x568xf32, #tpu.memory_space<hbm>>) target(%arg6 : memref<104x568xf32, #tpu.memory_space<vmem>>) offsets(%dma_start3A_16 : memref<104xi32, #tpu.memory_space<vmem>>) semaphore(%arg8 : memref<!tpu.dma_semaphore, #tpu.memory_space<semaphore_mem>>)
      %mul3A_20 = arith.constant 2 : i32
      %mul3A_21 = arith.muli %scan3A_9, %mul3A_20 : i32
      %add3A_22 = arith.constant 1 : i32
      %add3A_23 = arith.addi %mul3A_21, %add3A_22 : i32
      %dma_start3A_24 = arith.constant 0 : i32
      %dma_start3A_25 = tpu.memref_slice %arg5[%add3A_23, %dma_start3A_24] : memref<4x104xi32, #tpu.memory_space<vmem>> -> memref<1x104xi32, #tpu.memory_space<vmem>>
      %dma_start3A_26 = tpu.memref_squeeze %dma_start3A_25 : memref<1x104xi32, #tpu.memory_space<vmem>> -> memref<104xi32, #tpu.memory_space<vmem>>
      %dma_start3A_27 = arith.constant 0 : i32
      %dma_start3A_28 = arith.constant 0 : i32
      %dma_start3A_29 = tpu.memref_slice %arg2[%dma_start3A_27, %dma_start3A_28] : memref<9152x568xf32, #tpu.memory_space<hbm>> -> memref<9152x568xf32, #tpu.memory_space<hbm>>
      tpu.enqueue_indirect_dma source(%dma_start3A_29 : memref<9152x568xf32, #tpu.memory_space<hbm>>) target(%arg7 : memref<104x568xf32, #tpu.memory_space<vmem>>) offsets(%dma_start3A_26 : memref<104xi32, #tpu.memory_space<vmem>>) semaphore(%arg9 : memref<!tpu.dma_semaphore, #tpu.memory_space<semaphore_mem>>)
      %mul3A_30 = arith.constant 2 : i32
      %mul3A_31 = arith.muli %scan3A_9, %mul3A_30 : i32
      %add3A_32 = arith.constant 0 : i32
      %add3A_33 = arith.addi %mul3A_31, %add3A_32 : i32
      %dma_wait3A = arith.constant 0 : i32
      %dma_wait3A_34 = tpu.memref_slice %arg5[%add3A_14, %dma_wait3A] : memref<4x104xi32, #tpu.memory_space<vmem>> -> memref<1x104xi32, #tpu.memory_space<vmem>>
      %dma_wait3A_35 = tpu.memref_squeeze %dma_wait3A_34 : memref<1x104xi32, #tpu.memory_space<vmem>> -> memref<104xi32, #tpu.memory_space<vmem>>
      %dma_wait3A_36 = arith.constant 0 : i32
      %dma_wait3A_37 = arith.constant 0 : i32
      %dma_wait3A_38 = tpu.memref_slice %arg2[%dma_wait3A_36, %dma_wait3A_37] : memref<9152x568xf32, #tpu.memory_space<hbm>> -> memref<9152x568xf32, #tpu.memory_space<hbm>>
      tpu.wait_indirect_dma semaphore(%arg8 : memref<!tpu.dma_semaphore, #tpu.memory_space<semaphore_mem>>) src(%dma_wait3A_38 : memref<9152x568xf32, #tpu.memory_space<hbm>>) dst(%arg6 : memref<104x568xf32, #tpu.memory_space<vmem>>)
      %mul3A_39 = arith.constant 104 : i32
      %mul3A_40 = arith.muli %add3A_33, %mul3A_39 : i32
      %add3A_41 = arith.addi %mul3A_2, %mul3A_40 : i32
      "tpu.region"() ({
        %run_scoped3A = tpu.sem_alloc : memref<!tpu.dma_semaphore, #tpu.memory_space<semaphore_mem>>
        %dma_start3A_56 = arith.constant 0 : i32
        %dma_start3A_57 = tpu.memref_slice %arg4[%add3A_41, %dma_start3A_56] : memref<13312x568xf32, #tpu.memory_space<hbm>> -> memref<104x568xf32, #tpu.memory_space<hbm>>
        %dma_start3A_58 = arith.constant 0 : i32
        %dma_start3A_59 = tpu.memref_slice %arg4[%add3A_41, %dma_start3A_58] : memref<13312x568xf32, #tpu.memory_space<hbm>> -> memref<104x568xf32, #tpu.memory_space<hbm>>
        tpu.enqueue_dma source(%arg6 : memref<104x568xf32, #tpu.memory_space<vmem>>) target(%dma_start3A_59 : memref<104x568xf32, #tpu.memory_space<hbm>>) target_semaphore(%run_scoped3A : memref<!tpu.dma_semaphore, #tpu.memory_space<semaphore_mem>>)
        %dma_wait3A_60 = arith.constant 0 : i32
        %dma_wait3A_61 = tpu.memref_slice %arg4[%add3A_41, %dma_wait3A_60] : memref<13312x568xf32, #tpu.memory_space<hbm>> -> memref<104x568xf32, #tpu.memory_space<hbm>>
        %dma_wait3A_62 = arith.constant 0 : i32
        %dma_wait3A_63 = tpu.memref_slice %arg4[%add3A_41, %dma_wait3A_62] : memref<13312x568xf32, #tpu.memory_space<hbm>> -> memref<104x568xf32, #tpu.memory_space<hbm>>
        tpu.wait_dma2 semaphore(%run_scoped3A : memref<!tpu.dma_semaphore, #tpu.memory_space<semaphore_mem>>) src(%arg6 : memref<104x568xf32, #tpu.memory_space<vmem>>) dst(%dma_wait3A_63 : memref<104x568xf32, #tpu.memory_space<hbm>>)
        tpu.yield
      }) : () -> ()
      %mul3A_42 = arith.constant 2 : i32
      %mul3A_43 = arith.muli %scan3A_9, %mul3A_42 : i32
      %add3A_44 = arith.constant 1 : i32
      %add3A_45 = arith.addi %mul3A_43, %add3A_44 : i32
      %dma_wait3A_46 = arith.constant 0 : i32
      %dma_wait3A_47 = tpu.memref_slice %arg5[%add3A_23, %dma_wait3A_46] : memref<4x104xi32, #tpu.memory_space<vmem>> -> memref<1x104xi32, #tpu.memory_space<vmem>>
      %dma_wait3A_48 = tpu.memref_squeeze %dma_wait3A_47 : memref<1x104xi32, #tpu.memory_space<vmem>> -> memref<104xi32, #tpu.memory_space<vmem>>
      %dma_wait3A_49 = arith.constant 0 : i32
      %dma_wait3A_50 = arith.constant 0 : i32
      %dma_wait3A_51 = tpu.memref_slice %arg2[%dma_wait3A_49, %dma_wait3A_50] : memref<9152x568xf32, #tpu.memory_space<hbm>> -> memref<9152x568xf32, #tpu.memory_space<hbm>>
      tpu.wait_indirect_dma semaphore(%arg9 : memref<!tpu.dma_semaphore, #tpu.memory_space<semaphore_mem>>) src(%dma_wait3A_51 : memref<9152x568xf32, #tpu.memory_space<hbm>>) dst(%arg7 : memref<104x568xf32, #tpu.memory_space<vmem>>)
      %mul3A_52 = arith.constant 104 : i32
      %mul3A_53 = arith.muli %add3A_45, %mul3A_52 : i32
      %add3A_54 = arith.addi %mul3A_2, %mul3A_53 : i32
      "tpu.region"() ({
        %run_scoped3A = tpu.sem_alloc : memref<!tpu.dma_semaphore, #tpu.memory_space<semaphore_mem>>
        %dma_start3A_56 = arith.constant 0 : i32
        %dma_start3A_57 = tpu.memref_slice %arg4[%add3A_54, %dma_start3A_56] : memref<13312x568xf32, #tpu.memory_space<hbm>> -> memref<104x568xf32, #tpu.memory_space<hbm>>
        %dma_start3A_58 = arith.constant 0 : i32
        %dma_start3A_59 = tpu.memref_slice %arg4[%add3A_54, %dma_start3A_58] : memref<13312x568xf32, #tpu.memory_space<hbm>> -> memref<104x568xf32, #tpu.memory_space<hbm>>
        tpu.enqueue_dma source(%arg7 : memref<104x568xf32, #tpu.memory_space<vmem>>) target(%dma_start3A_59 : memref<104x568xf32, #tpu.memory_space<hbm>>) target_semaphore(%run_scoped3A : memref<!tpu.dma_semaphore, #tpu.memory_space<semaphore_mem>>)
        %dma_wait3A_60 = arith.constant 0 : i32
        %dma_wait3A_61 = tpu.memref_slice %arg4[%add3A_54, %dma_wait3A_60] : memref<13312x568xf32, #tpu.memory_space<hbm>> -> memref<104x568xf32, #tpu.memory_space<hbm>>
        %dma_wait3A_62 = arith.constant 0 : i32
        %dma_wait3A_63 = tpu.memref_slice %arg4[%add3A_54, %dma_wait3A_62] : memref<13312x568xf32, #tpu.memory_space<hbm>> -> memref<104x568xf32, #tpu.memory_space<hbm>>
        tpu.wait_dma2 semaphore(%run_scoped3A : memref<!tpu.dma_semaphore, #tpu.memory_space<semaphore_mem>>) src(%arg7 : memref<104x568xf32, #tpu.memory_space<vmem>>) dst(%dma_wait3A_63 : memref<104x568xf32, #tpu.memory_space<hbm>>)
        tpu.yield
      }) : () -> ()
      %scan3A_55 = arith.constant 0 : i32
      scf.yield %scan3A_55 : i32
    }
    %scan3A_8 = arith.constant 2 : i32
    return
  }
}

#map = affine_map<(d0, d1) -> (0, 0)>
#map1 = affine_map<(d0, d1) -> (0, 0, 0)>
module attributes {stable_mosaic.version = 14 : i64} {
  func.func @_sc_gather(%arg0: i32, %arg1: i32, %arg2: memref<9152x568xf32, #tpu.memory_space<hbm>>, %arg3: memref<32x4x104xi32, #tpu.memory_space<hbm>>, %arg4: memref<13312x568xf32, #tpu.memory_space<hbm>>, %arg5: memref<4x104xi32, #tpu.memory_space<vmem>>, %arg6: memref<104x568xf32, #tpu.memory_space<vmem>>, %arg7: memref<104x568xf32, #tpu.memory_space<vmem>>, %arg8: memref<!tpu.dma_semaphore, #tpu.memory_space<semaphore_mem>>, %arg9: memref<!tpu.dma_semaphore, #tpu.memory_space<semaphore_mem>>) attributes {dimension_semantics = [#tpu.dimension_semantics<core_parallel>, #tpu.dimension_semantics<subcore_parallel>], iteration_bounds = array<i64: 2, 16>, scalar_prefetch = 0 : i64, scratch_operands = 5 : i64, tpu.core_type = #tpu.core_type<sc_vector_subcore>, window_params = [{transform_indices = #map}, {transform_indices = #map1}, {transform_indices = #map}]} {
    %mul3A = arith.constant 2 : i32
    %mul3A_0 = arith.muli %arg1, %mul3A : i32
    %add3A = arith.addi %mul3A_0, %arg0 : i32
    %mul3A_1 = arith.constant 416 : i32
    %mul3A_2 = arith.muli %add3A, %mul3A_1 : i32
    "tpu.region"() ({
      %run_scoped3A = tpu.sem_alloc : memref<!tpu.dma_semaphore, #tpu.memory_space<semaphore_mem>>
      %dma_start3A = arith.constant 0 : i32
      %dma_start3A_9 = arith.constant 0 : i32
      %dma_start3A_10 = tpu.memref_slice %arg3[%add3A, %dma_start3A, %dma_start3A_9] : memref<32x4x104xi32, #tpu.memory_space<hbm>> -> memref<1x4x104xi32, #tpu.memory_space<hbm>>
      %dma_start3A_11 = tpu.memref_squeeze %dma_start3A_10 : memref<1x4x104xi32, #tpu.memory_space<hbm>> -> memref<4x104xi32, #tpu.memory_space<hbm>>
      %dma_start3A_12 = arith.constant 0 : i32
      %dma_start3A_13 = arith.constant 0 : i32
      %dma_start3A_14 = tpu.memref_slice %arg3[%add3A, %dma_start3A_12, %dma_start3A_13] : memref<32x4x104xi32, #tpu.memory_space<hbm>> -> memref<1x4x104xi32, #tpu.memory_space<hbm>>
      %dma_start3A_15 = tpu.memref_squeeze %dma_start3A_14 : memref<1x4x104xi32, #tpu.memory_space<hbm>> -> memref<4x104xi32, #tpu.memory_space<hbm>>
      tpu.enqueue_dma source(%dma_start3A_15 : memref<4x104xi32, #tpu.memory_space<hbm>>) target(%arg5 : memref<4x104xi32, #tpu.memory_space<vmem>>) target_semaphore(%run_scoped3A : memref<!tpu.dma_semaphore, #tpu.memory_space<semaphore_mem>>)
      %dma_wait3A = arith.constant 0 : i32
      %dma_wait3A_16 = arith.constant 0 : i32
      %dma_wait3A_17 = tpu.memref_slice %arg3[%add3A, %dma_wait3A, %dma_wait3A_16] : memref<32x4x104xi32, #tpu.memory_space<hbm>> -> memref<1x4x104xi32, #tpu.memory_space<hbm>>
      %dma_wait3A_18 = tpu.memref_squeeze %dma_wait3A_17 : memref<1x4x104xi32, #tpu.memory_space<hbm>> -> memref<4x104xi32, #tpu.memory_space<hbm>>
      %dma_wait3A_19 = arith.constant 0 : i32
      %dma_wait3A_20 = arith.constant 0 : i32
      %dma_wait3A_21 = tpu.memref_slice %arg3[%add3A, %dma_wait3A_19, %dma_wait3A_20] : memref<32x4x104xi32, #tpu.memory_space<hbm>> -> memref<1x4x104xi32, #tpu.memory_space<hbm>>
      %dma_wait3A_22 = tpu.memref_squeeze %dma_wait3A_21 : memref<1x4x104xi32, #tpu.memory_space<hbm>> -> memref<4x104xi32, #tpu.memory_space<hbm>>
      tpu.wait_dma2 semaphore(%run_scoped3A : memref<!tpu.dma_semaphore, #tpu.memory_space<semaphore_mem>>) src(%dma_wait3A_22 : memref<4x104xi32, #tpu.memory_space<hbm>>) dst(%arg5 : memref<4x104xi32, #tpu.memory_space<vmem>>)
      tpu.yield
    }) : () -> ()
    %scan3A = arith.constant 0 : i32
    %scan3A_3 = arith.constant 0 : i32
    %scan3A_4 = arith.constant 2 : i32
    %scan3A_5 = arith.addi %scan3A_3, %scan3A_4 : i32
    %scan3A_6 = arith.constant 1 : i32
    %scan3A_7 = scf.for %scan3A_9 = %scan3A_3 to %scan3A_5 step %scan3A_6 iter_args(%scan3A_10 = %scan3A) -> (i32)  : i32 {
      %mul3A_11 = arith.constant 2 : i32
      %mul3A_12 = arith.muli %scan3A_9, %mul3A_11 : i32
      %add3A_13 = arith.constant 0 : i32
      %add3A_14 = arith.addi %mul3A_12, %add3A_13 : i32
      %dma_start3A = arith.constant 0 : i32
      %dma_start3A_15 = tpu.memref_slice %arg5[%add3A_14, %dma_start3A] : memref<4x104xi32, #tpu.memory_space<vmem>> -> memref<1x104xi32, #tpu.memory_space<vmem>>
      %dma_start3A_16 = tpu.memref_squeeze %dma_start3A_15 : memref<1x104xi32, #tpu.memory_space<vmem>> -> memref<104xi32, #tpu.memory_space<vmem>>
      %dma_start3A_17 = arith.constant 0 : i32
      %dma_start3A_18 = arith.constant 0 : i32
      %dma_start3A_19 = tpu.memref_slice %arg2[%dma_start3A_17, %dma_start3A_18] : memref<9152x568xf32, #tpu.memory_space<hbm>> -> memref<9152x568xf32, #tpu.memory_space<hbm>>
      tpu.enqueue_indirect_dma source(%dma_start3A_19 : memref<9152x568xf32, #tpu.memory_space<hbm>>) target(%arg6 : memref<104x568xf32, #tpu.memory_space<vmem>>) offsets(%dma_start3A_16 : memref<104xi32, #tpu.memory_space<vmem>>) semaphore(%arg8 : memref<!tpu.dma_semaphore, #tpu.memory_space<semaphore_mem>>)
      %mul3A_20 = arith.constant 2 : i32
      %mul3A_21 = arith.muli %scan3A_9, %mul3A_20 : i32
      %add3A_22 = arith.constant 1 : i32
      %add3A_23 = arith.addi %mul3A_21, %add3A_22 : i32
      %dma_start3A_24 = arith.constant 0 : i32
      %dma_start3A_25 = tpu.memref_slice %arg5[%add3A_23, %dma_start3A_24] : memref<4x104xi32, #tpu.memory_space<vmem>> -> memref<1x104xi32, #tpu.memory_space<vmem>>
      %dma_start3A_26 = tpu.memref_squeeze %dma_start3A_25 : memref<1x104xi32, #tpu.memory_space<vmem>> -> memref<104xi32, #tpu.memory_space<vmem>>
      %dma_start3A_27 = arith.constant 0 : i32
      %dma_start3A_28 = arith.constant 0 : i32
      %dma_start3A_29 = tpu.memref_slice %arg2[%dma_start3A_27, %dma_start3A_28] : memref<9152x568xf32, #tpu.memory_space<hbm>> -> memref<9152x568xf32, #tpu.memory_space<hbm>>
      tpu.enqueue_indirect_dma source(%dma_start3A_29 : memref<9152x568xf32, #tpu.memory_space<hbm>>) target(%arg7 : memref<104x568xf32, #tpu.memory_space<vmem>>) offsets(%dma_start3A_26 : memref<104xi32, #tpu.memory_space<vmem>>) semaphore(%arg9 : memref<!tpu.dma_semaphore, #tpu.memory_space<semaphore_mem>>)
      %mul3A_30 = arith.constant 2 : i32
      %mul3A_31 = arith.muli %scan3A_9, %mul3A_30 : i32
      %add3A_32 = arith.constant 0 : i32
      %add3A_33 = arith.addi %mul3A_31, %add3A_32 : i32
      %dma_wait3A = arith.constant 0 : i32
      %dma_wait3A_34 = tpu.memref_slice %arg5[%add3A_14, %dma_wait3A] : memref<4x104xi32, #tpu.memory_space<vmem>> -> memref<1x104xi32, #tpu.memory_space<vmem>>
      %dma_wait3A_35 = tpu.memref_squeeze %dma_wait3A_34 : memref<1x104xi32, #tpu.memory_space<vmem>> -> memref<104xi32, #tpu.memory_space<vmem>>
      %dma_wait3A_36 = arith.constant 0 : i32
      %dma_wait3A_37 = arith.constant 0 : i32
      %dma_wait3A_38 = tpu.memref_slice %arg2[%dma_wait3A_36, %dma_wait3A_37] : memref<9152x568xf32, #tpu.memory_space<hbm>> -> memref<9152x568xf32, #tpu.memory_space<hbm>>
      tpu.wait_indirect_dma semaphore(%arg8 : memref<!tpu.dma_semaphore, #tpu.memory_space<semaphore_mem>>) src(%dma_wait3A_38 : memref<9152x568xf32, #tpu.memory_space<hbm>>) dst(%arg6 : memref<104x568xf32, #tpu.memory_space<vmem>>)
      %mul3A_39 = arith.constant 104 : i32
      %mul3A_40 = arith.muli %add3A_33, %mul3A_39 : i32
      %add3A_41 = arith.addi %mul3A_2, %mul3A_40 : i32
      "tpu.region"() ({
        %run_scoped3A = tpu.sem_alloc : memref<!tpu.dma_semaphore, #tpu.memory_space<semaphore_mem>>
        %dma_start3A_56 = arith.constant 0 : i32
        %dma_start3A_57 = tpu.memref_slice %arg4[%add3A_41, %dma_start3A_56] : memref<13312x568xf32, #tpu.memory_space<hbm>> -> memref<104x568xf32, #tpu.memory_space<hbm>>
        %dma_start3A_58 = arith.constant 0 : i32
        %dma_start3A_59 = tpu.memref_slice %arg4[%add3A_41, %dma_start3A_58] : memref<13312x568xf32, #tpu.memory_space<hbm>> -> memref<104x568xf32, #tpu.memory_space<hbm>>
        tpu.enqueue_dma source(%arg6 : memref<104x568xf32, #tpu.memory_space<vmem>>) target(%dma_start3A_59 : memref<104x568xf32, #tpu.memory_space<hbm>>) target_semaphore(%run_scoped3A : memref<!tpu.dma_semaphore, #tpu.memory_space<semaphore_mem>>)
        %dma_wait3A_60 = arith.constant 0 : i32
        %dma_wait3A_61 = tpu.memref_slice %arg4[%add3A_41, %dma_wait3A_60] : memref<13312x568xf32, #tpu.memory_space<hbm>> -> memref<104x568xf32, #tpu.memory_space<hbm>>
        %dma_wait3A_62 = arith.constant 0 : i32
        %dma_wait3A_63 = tpu.memref_slice %arg4[%add3A_41, %dma_wait3A_62] : memref<13312x568xf32, #tpu.memory_space<hbm>> -> memref<104x568xf32, #tpu.memory_space<hbm>>
        tpu.wait_dma2 semaphore(%run_scoped3A : memref<!tpu.dma_semaphore, #tpu.memory_space<semaphore_mem>>) src(%arg6 : memref<104x568xf32, #tpu.memory_space<vmem>>) dst(%dma_wait3A_63 : memref<104x568xf32, #tpu.memory_space<hbm>>)
        tpu.yield
      }) : () -> ()
      %mul3A_42 = arith.constant 2 : i32
      %mul3A_43 = arith.muli %scan3A_9, %mul3A_42 : i32
      %add3A_44 = arith.constant 1 : i32
      %add3A_45 = arith.addi %mul3A_43, %add3A_44 : i32
      %dma_wait3A_46 = arith.constant 0 : i32
      %dma_wait3A_47 = tpu.memref_slice %arg5[%add3A_23, %dma_wait3A_46] : memref<4x104xi32, #tpu.memory_space<vmem>> -> memref<1x104xi32, #tpu.memory_space<vmem>>
      %dma_wait3A_48 = tpu.memref_squeeze %dma_wait3A_47 : memref<1x104xi32, #tpu.memory_space<vmem>> -> memref<104xi32, #tpu.memory_space<vmem>>
      %dma_wait3A_49 = arith.constant 0 : i32
      %dma_wait3A_50 = arith.constant 0 : i32
      %dma_wait3A_51 = tpu.memref_slice %arg2[%dma_wait3A_49, %dma_wait3A_50] : memref<9152x568xf32, #tpu.memory_space<hbm>> -> memref<9152x568xf32, #tpu.memory_space<hbm>>
      tpu.wait_indirect_dma semaphore(%arg9 : memref<!tpu.dma_semaphore, #tpu.memory_space<semaphore_mem>>) src(%dma_wait3A_51 : memref<9152x568xf32, #tpu.memory_space<hbm>>) dst(%arg7 : memref<104x568xf32, #tpu.memory_space<vmem>>)
      %mul3A_52 = arith.constant 104 : i32
      %mul3A_53 = arith.muli %add3A_45, %mul3A_52 : i32
      %add3A_54 = arith.addi %mul3A_2, %mul3A_53 : i32
      "tpu.region"() ({
        %run_scoped3A = tpu.sem_alloc : memref<!tpu.dma_semaphore, #tpu.memory_space<semaphore_mem>>
        %dma_start3A_56 = arith.constant 0 : i32
        %dma_start3A_57 = tpu.memref_slice %arg4[%add3A_54, %dma_start3A_56] : memref<13312x568xf32, #tpu.memory_space<hbm>> -> memref<104x568xf32, #tpu.memory_space<hbm>>
        %dma_start3A_58 = arith.constant 0 : i32
        %dma_start3A_59 = tpu.memref_slice %arg4[%add3A_54, %dma_start3A_58] : memref<13312x568xf32, #tpu.memory_space<hbm>> -> memref<104x568xf32, #tpu.memory_space<hbm>>
        tpu.enqueue_dma source(%arg7 : memref<104x568xf32, #tpu.memory_space<vmem>>) target(%dma_start3A_59 : memref<104x568xf32, #tpu.memory_space<hbm>>) target_semaphore(%run_scoped3A : memref<!tpu.dma_semaphore, #tpu.memory_space<semaphore_mem>>)
        %dma_wait3A_60 = arith.constant 0 : i32
        %dma_wait3A_61 = tpu.memref_slice %arg4[%add3A_54, %dma_wait3A_60] : memref<13312x568xf32, #tpu.memory_space<hbm>> -> memref<104x568xf32, #tpu.memory_space<hbm>>
        %dma_wait3A_62 = arith.constant 0 : i32
        %dma_wait3A_63 = tpu.memref_slice %arg4[%add3A_54, %dma_wait3A_62] : memref<13312x568xf32, #tpu.memory_space<hbm>> -> memref<104x568xf32, #tpu.memory_space<hbm>>
        tpu.wait_dma2 semaphore(%run_scoped3A : memref<!tpu.dma_semaphore, #tpu.memory_space<semaphore_mem>>) src(%arg7 : memref<104x568xf32, #tpu.memory_space<vmem>>) dst(%dma_wait3A_63 : memref<104x568xf32, #tpu.memory_space<hbm>>)
        tpu.yield
      }) : () -> ()
      %scan3A_55 = arith.constant 0 : i32
      scf.yield %scan3A_55 : i32
    }
    %scan3A_8 = arith.constant 2 : i32
    return
  }
}

#map = affine_map<(d0, d1) -> (0, 0)>
#map1 = affine_map<(d0, d1) -> (0, 0, 0)>
module attributes {stable_mosaic.version = 14 : i64} {
  func.func @_sc_gather(%arg0: i32, %arg1: i32, %arg2: memref<9152x568xf32, #tpu.memory_space<hbm>>, %arg3: memref<32x4x104xi32, #tpu.memory_space<hbm>>, %arg4: memref<13312x568xf32, #tpu.memory_space<hbm>>, %arg5: memref<4x104xi32, #tpu.memory_space<vmem>>, %arg6: memref<104x568xf32, #tpu.memory_space<vmem>>, %arg7: memref<104x568xf32, #tpu.memory_space<vmem>>, %arg8: memref<!tpu.dma_semaphore, #tpu.memory_space<semaphore_mem>>, %arg9: memref<!tpu.dma_semaphore, #tpu.memory_space<semaphore_mem>>) attributes {dimension_semantics = [#tpu.dimension_semantics<core_parallel>, #tpu.dimension_semantics<subcore_parallel>], iteration_bounds = array<i64: 2, 16>, scalar_prefetch = 0 : i64, scratch_operands = 5 : i64, tpu.core_type = #tpu.core_type<sc_vector_subcore>, window_params = [{transform_indices = #map}, {transform_indices = #map1}, {transform_indices = #map}]} {
    %mul3A = arith.constant 2 : i32
    %mul3A_0 = arith.muli %arg1, %mul3A : i32
    %add3A = arith.addi %mul3A_0, %arg0 : i32
    %mul3A_1 = arith.constant 416 : i32
    %mul3A_2 = arith.muli %add3A, %mul3A_1 : i32
    "tpu.region"() ({
      %run_scoped3A = tpu.sem_alloc : memref<!tpu.dma_semaphore, #tpu.memory_space<semaphore_mem>>
      %dma_start3A = arith.constant 0 : i32
      %dma_start3A_9 = arith.constant 0 : i32
      %dma_start3A_10 = tpu.memref_slice %arg3[%add3A, %dma_start3A, %dma_start3A_9] : memref<32x4x104xi32, #tpu.memory_space<hbm>> -> memref<1x4x104xi32, #tpu.memory_space<hbm>>
      %dma_start3A_11 = tpu.memref_squeeze %dma_start3A_10 : memref<1x4x104xi32, #tpu.memory_space<hbm>> -> memref<4x104xi32, #tpu.memory_space<hbm>>
      %dma_start3A_12 = arith.constant 0 : i32
      %dma_start3A_13 = arith.constant 0 : i32
      %dma_start3A_14 = tpu.memref_slice %arg3[%add3A, %dma_start3A_12, %dma_start3A_13] : memref<32x4x104xi32, #tpu.memory_space<hbm>> -> memref<1x4x104xi32, #tpu.memory_space<hbm>>
      %dma_start3A_15 = tpu.memref_squeeze %dma_start3A_14 : memref<1x4x104xi32, #tpu.memory_space<hbm>> -> memref<4x104xi32, #tpu.memory_space<hbm>>
      tpu.enqueue_dma source(%dma_start3A_15 : memref<4x104xi32, #tpu.memory_space<hbm>>) target(%arg5 : memref<4x104xi32, #tpu.memory_space<vmem>>) target_semaphore(%run_scoped3A : memref<!tpu.dma_semaphore, #tpu.memory_space<semaphore_mem>>)
      %dma_wait3A = arith.constant 0 : i32
      %dma_wait3A_16 = arith.constant 0 : i32
      %dma_wait3A_17 = tpu.memref_slice %arg3[%add3A, %dma_wait3A, %dma_wait3A_16] : memref<32x4x104xi32, #tpu.memory_space<hbm>> -> memref<1x4x104xi32, #tpu.memory_space<hbm>>
      %dma_wait3A_18 = tpu.memref_squeeze %dma_wait3A_17 : memref<1x4x104xi32, #tpu.memory_space<hbm>> -> memref<4x104xi32, #tpu.memory_space<hbm>>
      %dma_wait3A_19 = arith.constant 0 : i32
      %dma_wait3A_20 = arith.constant 0 : i32
      %dma_wait3A_21 = tpu.memref_slice %arg3[%add3A, %dma_wait3A_19, %dma_wait3A_20] : memref<32x4x104xi32, #tpu.memory_space<hbm>> -> memref<1x4x104xi32, #tpu.memory_space<hbm>>
      %dma_wait3A_22 = tpu.memref_squeeze %dma_wait3A_21 : memref<1x4x104xi32, #tpu.memory_space<hbm>> -> memref<4x104xi32, #tpu.memory_space<hbm>>
      tpu.wait_dma2 semaphore(%run_scoped3A : memref<!tpu.dma_semaphore, #tpu.memory_space<semaphore_mem>>) src(%dma_wait3A_22 : memref<4x104xi32, #tpu.memory_space<hbm>>) dst(%arg5 : memref<4x104xi32, #tpu.memory_space<vmem>>)
      tpu.yield
    }) : () -> ()
    %scan3A = arith.constant 0 : i32
    %scan3A_3 = arith.constant 0 : i32
    %scan3A_4 = arith.constant 2 : i32
    %scan3A_5 = arith.addi %scan3A_3, %scan3A_4 : i32
    %scan3A_6 = arith.constant 1 : i32
    %scan3A_7 = scf.for %scan3A_9 = %scan3A_3 to %scan3A_5 step %scan3A_6 iter_args(%scan3A_10 = %scan3A) -> (i32)  : i32 {
      %mul3A_11 = arith.constant 2 : i32
      %mul3A_12 = arith.muli %scan3A_9, %mul3A_11 : i32
      %add3A_13 = arith.constant 0 : i32
      %add3A_14 = arith.addi %mul3A_12, %add3A_13 : i32
      %dma_start3A = arith.constant 0 : i32
      %dma_start3A_15 = tpu.memref_slice %arg5[%add3A_14, %dma_start3A] : memref<4x104xi32, #tpu.memory_space<vmem>> -> memref<1x104xi32, #tpu.memory_space<vmem>>
      %dma_start3A_16 = tpu.memref_squeeze %dma_start3A_15 : memref<1x104xi32, #tpu.memory_space<vmem>> -> memref<104xi32, #tpu.memory_space<vmem>>
      %dma_start3A_17 = arith.constant 0 : i32
      %dma_start3A_18 = arith.constant 0 : i32
      %dma_start3A_19 = tpu.memref_slice %arg2[%dma_start3A_17, %dma_start3A_18] : memref<9152x568xf32, #tpu.memory_space<hbm>> -> memref<9152x568xf32, #tpu.memory_space<hbm>>
      tpu.enqueue_indirect_dma source(%dma_start3A_19 : memref<9152x568xf32, #tpu.memory_space<hbm>>) target(%arg6 : memref<104x568xf32, #tpu.memory_space<vmem>>) offsets(%dma_start3A_16 : memref<104xi32, #tpu.memory_space<vmem>>) semaphore(%arg8 : memref<!tpu.dma_semaphore, #tpu.memory_space<semaphore_mem>>)
      %mul3A_20 = arith.constant 2 : i32
      %mul3A_21 = arith.muli %scan3A_9, %mul3A_20 : i32
      %add3A_22 = arith.constant 1 : i32
      %add3A_23 = arith.addi %mul3A_21, %add3A_22 : i32
      %dma_start3A_24 = arith.constant 0 : i32
      %dma_start3A_25 = tpu.memref_slice %arg5[%add3A_23, %dma_start3A_24] : memref<4x104xi32, #tpu.memory_space<vmem>> -> memref<1x104xi32, #tpu.memory_space<vmem>>
      %dma_start3A_26 = tpu.memref_squeeze %dma_start3A_25 : memref<1x104xi32, #tpu.memory_space<vmem>> -> memref<104xi32, #tpu.memory_space<vmem>>
      %dma_start3A_27 = arith.constant 0 : i32
      %dma_start3A_28 = arith.constant 0 : i32
      %dma_start3A_29 = tpu.memref_slice %arg2[%dma_start3A_27, %dma_start3A_28] : memref<9152x568xf32, #tpu.memory_space<hbm>> -> memref<9152x568xf32, #tpu.memory_space<hbm>>
      tpu.enqueue_indirect_dma source(%dma_start3A_29 : memref<9152x568xf32, #tpu.memory_space<hbm>>) target(%arg7 : memref<104x568xf32, #tpu.memory_space<vmem>>) offsets(%dma_start3A_26 : memref<104xi32, #tpu.memory_space<vmem>>) semaphore(%arg9 : memref<!tpu.dma_semaphore, #tpu.memory_space<semaphore_mem>>)
      %mul3A_30 = arith.constant 2 : i32
      %mul3A_31 = arith.muli %scan3A_9, %mul3A_30 : i32
      %add3A_32 = arith.constant 0 : i32
      %add3A_33 = arith.addi %mul3A_31, %add3A_32 : i32
      %dma_wait3A = arith.constant 0 : i32
      %dma_wait3A_34 = tpu.memref_slice %arg5[%add3A_14, %dma_wait3A] : memref<4x104xi32, #tpu.memory_space<vmem>> -> memref<1x104xi32, #tpu.memory_space<vmem>>
      %dma_wait3A_35 = tpu.memref_squeeze %dma_wait3A_34 : memref<1x104xi32, #tpu.memory_space<vmem>> -> memref<104xi32, #tpu.memory_space<vmem>>
      %dma_wait3A_36 = arith.constant 0 : i32
      %dma_wait3A_37 = arith.constant 0 : i32
      %dma_wait3A_38 = tpu.memref_slice %arg2[%dma_wait3A_36, %dma_wait3A_37] : memref<9152x568xf32, #tpu.memory_space<hbm>> -> memref<9152x568xf32, #tpu.memory_space<hbm>>
      tpu.wait_indirect_dma semaphore(%arg8 : memref<!tpu.dma_semaphore, #tpu.memory_space<semaphore_mem>>) src(%dma_wait3A_38 : memref<9152x568xf32, #tpu.memory_space<hbm>>) dst(%arg6 : memref<104x568xf32, #tpu.memory_space<vmem>>)
      %mul3A_39 = arith.constant 104 : i32
      %mul3A_40 = arith.muli %add3A_33, %mul3A_39 : i32
      %add3A_41 = arith.addi %mul3A_2, %mul3A_40 : i32
      "tpu.region"() ({
        %run_scoped3A = tpu.sem_alloc : memref<!tpu.dma_semaphore, #tpu.memory_space<semaphore_mem>>
        %dma_start3A_56 = arith.constant 0 : i32
        %dma_start3A_57 = tpu.memref_slice %arg4[%add3A_41, %dma_start3A_56] : memref<13312x568xf32, #tpu.memory_space<hbm>> -> memref<104x568xf32, #tpu.memory_space<hbm>>
        %dma_start3A_58 = arith.constant 0 : i32
        %dma_start3A_59 = tpu.memref_slice %arg4[%add3A_41, %dma_start3A_58] : memref<13312x568xf32, #tpu.memory_space<hbm>> -> memref<104x568xf32, #tpu.memory_space<hbm>>
        tpu.enqueue_dma source(%arg6 : memref<104x568xf32, #tpu.memory_space<vmem>>) target(%dma_start3A_59 : memref<104x568xf32, #tpu.memory_space<hbm>>) target_semaphore(%run_scoped3A : memref<!tpu.dma_semaphore, #tpu.memory_space<semaphore_mem>>)
        %dma_wait3A_60 = arith.constant 0 : i32
        %dma_wait3A_61 = tpu.memref_slice %arg4[%add3A_41, %dma_wait3A_60] : memref<13312x568xf32, #tpu.memory_space<hbm>> -> memref<104x568xf32, #tpu.memory_space<hbm>>
        %dma_wait3A_62 = arith.constant 0 : i32
        %dma_wait3A_63 = tpu.memref_slice %arg4[%add3A_41, %dma_wait3A_62] : memref<13312x568xf32, #tpu.memory_space<hbm>> -> memref<104x568xf32, #tpu.memory_space<hbm>>
        tpu.wait_dma2 semaphore(%run_scoped3A : memref<!tpu.dma_semaphore, #tpu.memory_space<semaphore_mem>>) src(%arg6 : memref<104x568xf32, #tpu.memory_space<vmem>>) dst(%dma_wait3A_63 : memref<104x568xf32, #tpu.memory_space<hbm>>)
        tpu.yield
      }) : () -> ()
      %mul3A_42 = arith.constant 2 : i32
      %mul3A_43 = arith.muli %scan3A_9, %mul3A_42 : i32
      %add3A_44 = arith.constant 1 : i32
      %add3A_45 = arith.addi %mul3A_43, %add3A_44 : i32
      %dma_wait3A_46 = arith.constant 0 : i32
      %dma_wait3A_47 = tpu.memref_slice %arg5[%add3A_23, %dma_wait3A_46] : memref<4x104xi32, #tpu.memory_space<vmem>> -> memref<1x104xi32, #tpu.memory_space<vmem>>
      %dma_wait3A_48 = tpu.memref_squeeze %dma_wait3A_47 : memref<1x104xi32, #tpu.memory_space<vmem>> -> memref<104xi32, #tpu.memory_space<vmem>>
      %dma_wait3A_49 = arith.constant 0 : i32
      %dma_wait3A_50 = arith.constant 0 : i32
      %dma_wait3A_51 = tpu.memref_slice %arg2[%dma_wait3A_49, %dma_wait3A_50] : memref<9152x568xf32, #tpu.memory_space<hbm>> -> memref<9152x568xf32, #tpu.memory_space<hbm>>
      tpu.wait_indirect_dma semaphore(%arg9 : memref<!tpu.dma_semaphore, #tpu.memory_space<semaphore_mem>>) src(%dma_wait3A_51 : memref<9152x568xf32, #tpu.memory_space<hbm>>) dst(%arg7 : memref<104x568xf32, #tpu.memory_space<vmem>>)
      %mul3A_52 = arith.constant 104 : i32
      %mul3A_53 = arith.muli %add3A_45, %mul3A_52 : i32
      %add3A_54 = arith.addi %mul3A_2, %mul3A_53 : i32
      "tpu.region"() ({
        %run_scoped3A = tpu.sem_alloc : memref<!tpu.dma_semaphore, #tpu.memory_space<semaphore_mem>>
        %dma_start3A_56 = arith.constant 0 : i32
        %dma_start3A_57 = tpu.memref_slice %arg4[%add3A_54, %dma_start3A_56] : memref<13312x568xf32, #tpu.memory_space<hbm>> -> memref<104x568xf32, #tpu.memory_space<hbm>>
        %dma_start3A_58 = arith.constant 0 : i32
        %dma_start3A_59 = tpu.memref_slice %arg4[%add3A_54, %dma_start3A_58] : memref<13312x568xf32, #tpu.memory_space<hbm>> -> memref<104x568xf32, #tpu.memory_space<hbm>>
        tpu.enqueue_dma source(%arg7 : memref<104x568xf32, #tpu.memory_space<vmem>>) target(%dma_start3A_59 : memref<104x568xf32, #tpu.memory_space<hbm>>) target_semaphore(%run_scoped3A : memref<!tpu.dma_semaphore, #tpu.memory_space<semaphore_mem>>)
        %dma_wait3A_60 = arith.constant 0 : i32
        %dma_wait3A_61 = tpu.memref_slice %arg4[%add3A_54, %dma_wait3A_60] : memref<13312x568xf32, #tpu.memory_space<hbm>> -> memref<104x568xf32, #tpu.memory_space<hbm>>
        %dma_wait3A_62 = arith.constant 0 : i32
        %dma_wait3A_63 = tpu.memref_slice %arg4[%add3A_54, %dma_wait3A_62] : memref<13312x568xf32, #tpu.memory_space<hbm>> -> memref<104x568xf32, #tpu.memory_space<hbm>>
        tpu.wait_dma2 semaphore(%run_scoped3A : memref<!tpu.dma_semaphore, #tpu.memory_space<semaphore_mem>>) src(%arg7 : memref<104x568xf32, #tpu.memory_space<vmem>>) dst(%dma_wait3A_63 : memref<104x568xf32, #tpu.memory_space<hbm>>)
        tpu.yield
      }) : () -> ()
      %scan3A_55 = arith.constant 0 : i32
      scf.yield %scan3A_55 : i32
    }
    %scan3A_8 = arith.constant 2 : i32
    return
  }
}

#map = affine_map<(d0, d1) -> (0, 0)>
#map1 = affine_map<(d0, d1) -> (0, 0, 0)>
module attributes {stable_mosaic.version = 14 : i64} {
  func.func @_sc_gather(%arg0: i32, %arg1: i32, %arg2: memref<9152x568xf32, #tpu.memory_space<hbm>>, %arg3: memref<32x4x104xi32, #tpu.memory_space<hbm>>, %arg4: memref<13312x568xf32, #tpu.memory_space<hbm>>, %arg5: memref<4x104xi32, #tpu.memory_space<vmem>>, %arg6: memref<104x568xf32, #tpu.memory_space<vmem>>, %arg7: memref<104x568xf32, #tpu.memory_space<vmem>>, %arg8: memref<!tpu.dma_semaphore, #tpu.memory_space<semaphore_mem>>, %arg9: memref<!tpu.dma_semaphore, #tpu.memory_space<semaphore_mem>>) attributes {dimension_semantics = [#tpu.dimension_semantics<core_parallel>, #tpu.dimension_semantics<subcore_parallel>], iteration_bounds = array<i64: 2, 16>, scalar_prefetch = 0 : i64, scratch_operands = 5 : i64, tpu.core_type = #tpu.core_type<sc_vector_subcore>, window_params = [{transform_indices = #map}, {transform_indices = #map1}, {transform_indices = #map}]} {
    %mul3A = arith.constant 2 : i32
    %mul3A_0 = arith.muli %arg1, %mul3A : i32
    %add3A = arith.addi %mul3A_0, %arg0 : i32
    %mul3A_1 = arith.constant 416 : i32
    %mul3A_2 = arith.muli %add3A, %mul3A_1 : i32
    "tpu.region"() ({
      %run_scoped3A = tpu.sem_alloc : memref<!tpu.dma_semaphore, #tpu.memory_space<semaphore_mem>>
      %dma_start3A = arith.constant 0 : i32
      %dma_start3A_9 = arith.constant 0 : i32
      %dma_start3A_10 = tpu.memref_slice %arg3[%add3A, %dma_start3A, %dma_start3A_9] : memref<32x4x104xi32, #tpu.memory_space<hbm>> -> memref<1x4x104xi32, #tpu.memory_space<hbm>>
      %dma_start3A_11 = tpu.memref_squeeze %dma_start3A_10 : memref<1x4x104xi32, #tpu.memory_space<hbm>> -> memref<4x104xi32, #tpu.memory_space<hbm>>
      %dma_start3A_12 = arith.constant 0 : i32
      %dma_start3A_13 = arith.constant 0 : i32
      %dma_start3A_14 = tpu.memref_slice %arg3[%add3A, %dma_start3A_12, %dma_start3A_13] : memref<32x4x104xi32, #tpu.memory_space<hbm>> -> memref<1x4x104xi32, #tpu.memory_space<hbm>>
      %dma_start3A_15 = tpu.memref_squeeze %dma_start3A_14 : memref<1x4x104xi32, #tpu.memory_space<hbm>> -> memref<4x104xi32, #tpu.memory_space<hbm>>
      tpu.enqueue_dma source(%dma_start3A_15 : memref<4x104xi32, #tpu.memory_space<hbm>>) target(%arg5 : memref<4x104xi32, #tpu.memory_space<vmem>>) target_semaphore(%run_scoped3A : memref<!tpu.dma_semaphore, #tpu.memory_space<semaphore_mem>>)
      %dma_wait3A = arith.constant 0 : i32
      %dma_wait3A_16 = arith.constant 0 : i32
      %dma_wait3A_17 = tpu.memref_slice %arg3[%add3A, %dma_wait3A, %dma_wait3A_16] : memref<32x4x104xi32, #tpu.memory_space<hbm>> -> memref<1x4x104xi32, #tpu.memory_space<hbm>>
      %dma_wait3A_18 = tpu.memref_squeeze %dma_wait3A_17 : memref<1x4x104xi32, #tpu.memory_space<hbm>> -> memref<4x104xi32, #tpu.memory_space<hbm>>
      %dma_wait3A_19 = arith.constant 0 : i32
      %dma_wait3A_20 = arith.constant 0 : i32
      %dma_wait3A_21 = tpu.memref_slice %arg3[%add3A, %dma_wait3A_19, %dma_wait3A_20] : memref<32x4x104xi32, #tpu.memory_space<hbm>> -> memref<1x4x104xi32, #tpu.memory_space<hbm>>
      %dma_wait3A_22 = tpu.memref_squeeze %dma_wait3A_21 : memref<1x4x104xi32, #tpu.memory_space<hbm>> -> memref<4x104xi32, #tpu.memory_space<hbm>>
      tpu.wait_dma2 semaphore(%run_scoped3A : memref<!tpu.dma_semaphore, #tpu.memory_space<semaphore_mem>>) src(%dma_wait3A_22 : memref<4x104xi32, #tpu.memory_space<hbm>>) dst(%arg5 : memref<4x104xi32, #tpu.memory_space<vmem>>)
      tpu.yield
    }) : () -> ()
    %scan3A = arith.constant 0 : i32
    %scan3A_3 = arith.constant 0 : i32
    %scan3A_4 = arith.constant 2 : i32
    %scan3A_5 = arith.addi %scan3A_3, %scan3A_4 : i32
    %scan3A_6 = arith.constant 1 : i32
    %scan3A_7 = scf.for %scan3A_9 = %scan3A_3 to %scan3A_5 step %scan3A_6 iter_args(%scan3A_10 = %scan3A) -> (i32)  : i32 {
      %mul3A_11 = arith.constant 2 : i32
      %mul3A_12 = arith.muli %scan3A_9, %mul3A_11 : i32
      %add3A_13 = arith.constant 0 : i32
      %add3A_14 = arith.addi %mul3A_12, %add3A_13 : i32
      %dma_start3A = arith.constant 0 : i32
      %dma_start3A_15 = tpu.memref_slice %arg5[%add3A_14, %dma_start3A] : memref<4x104xi32, #tpu.memory_space<vmem>> -> memref<1x104xi32, #tpu.memory_space<vmem>>
      %dma_start3A_16 = tpu.memref_squeeze %dma_start3A_15 : memref<1x104xi32, #tpu.memory_space<vmem>> -> memref<104xi32, #tpu.memory_space<vmem>>
      %dma_start3A_17 = arith.constant 0 : i32
      %dma_start3A_18 = arith.constant 0 : i32
      %dma_start3A_19 = tpu.memref_slice %arg2[%dma_start3A_17, %dma_start3A_18] : memref<9152x568xf32, #tpu.memory_space<hbm>> -> memref<9152x568xf32, #tpu.memory_space<hbm>>
      tpu.enqueue_indirect_dma source(%dma_start3A_19 : memref<9152x568xf32, #tpu.memory_space<hbm>>) target(%arg6 : memref<104x568xf32, #tpu.memory_space<vmem>>) offsets(%dma_start3A_16 : memref<104xi32, #tpu.memory_space<vmem>>) semaphore(%arg8 : memref<!tpu.dma_semaphore, #tpu.memory_space<semaphore_mem>>)
      %mul3A_20 = arith.constant 2 : i32
      %mul3A_21 = arith.muli %scan3A_9, %mul3A_20 : i32
      %add3A_22 = arith.constant 1 : i32
      %add3A_23 = arith.addi %mul3A_21, %add3A_22 : i32
      %dma_start3A_24 = arith.constant 0 : i32
      %dma_start3A_25 = tpu.memref_slice %arg5[%add3A_23, %dma_start3A_24] : memref<4x104xi32, #tpu.memory_space<vmem>> -> memref<1x104xi32, #tpu.memory_space<vmem>>
      %dma_start3A_26 = tpu.memref_squeeze %dma_start3A_25 : memref<1x104xi32, #tpu.memory_space<vmem>> -> memref<104xi32, #tpu.memory_space<vmem>>
      %dma_start3A_27 = arith.constant 0 : i32
      %dma_start3A_28 = arith.constant 0 : i32
      %dma_start3A_29 = tpu.memref_slice %arg2[%dma_start3A_27, %dma_start3A_28] : memref<9152x568xf32, #tpu.memory_space<hbm>> -> memref<9152x568xf32, #tpu.memory_space<hbm>>
      tpu.enqueue_indirect_dma source(%dma_start3A_29 : memref<9152x568xf32, #tpu.memory_space<hbm>>) target(%arg7 : memref<104x568xf32, #tpu.memory_space<vmem>>) offsets(%dma_start3A_26 : memref<104xi32, #tpu.memory_space<vmem>>) semaphore(%arg9 : memref<!tpu.dma_semaphore, #tpu.memory_space<semaphore_mem>>)
      %mul3A_30 = arith.constant 2 : i32
      %mul3A_31 = arith.muli %scan3A_9, %mul3A_30 : i32
      %add3A_32 = arith.constant 0 : i32
      %add3A_33 = arith.addi %mul3A_31, %add3A_32 : i32
      %dma_wait3A = arith.constant 0 : i32
      %dma_wait3A_34 = tpu.memref_slice %arg5[%add3A_14, %dma_wait3A] : memref<4x104xi32, #tpu.memory_space<vmem>> -> memref<1x104xi32, #tpu.memory_space<vmem>>
      %dma_wait3A_35 = tpu.memref_squeeze %dma_wait3A_34 : memref<1x104xi32, #tpu.memory_space<vmem>> -> memref<104xi32, #tpu.memory_space<vmem>>
      %dma_wait3A_36 = arith.constant 0 : i32
      %dma_wait3A_37 = arith.constant 0 : i32
      %dma_wait3A_38 = tpu.memref_slice %arg2[%dma_wait3A_36, %dma_wait3A_37] : memref<9152x568xf32, #tpu.memory_space<hbm>> -> memref<9152x568xf32, #tpu.memory_space<hbm>>
      tpu.wait_indirect_dma semaphore(%arg8 : memref<!tpu.dma_semaphore, #tpu.memory_space<semaphore_mem>>) src(%dma_wait3A_38 : memref<9152x568xf32, #tpu.memory_space<hbm>>) dst(%arg6 : memref<104x568xf32, #tpu.memory_space<vmem>>)
      %mul3A_39 = arith.constant 104 : i32
      %mul3A_40 = arith.muli %add3A_33, %mul3A_39 : i32
      %add3A_41 = arith.addi %mul3A_2, %mul3A_40 : i32
      "tpu.region"() ({
        %run_scoped3A = tpu.sem_alloc : memref<!tpu.dma_semaphore, #tpu.memory_space<semaphore_mem>>
        %dma_start3A_56 = arith.constant 0 : i32
        %dma_start3A_57 = tpu.memref_slice %arg4[%add3A_41, %dma_start3A_56] : memref<13312x568xf32, #tpu.memory_space<hbm>> -> memref<104x568xf32, #tpu.memory_space<hbm>>
        %dma_start3A_58 = arith.constant 0 : i32
        %dma_start3A_59 = tpu.memref_slice %arg4[%add3A_41, %dma_start3A_58] : memref<13312x568xf32, #tpu.memory_space<hbm>> -> memref<104x568xf32, #tpu.memory_space<hbm>>
        tpu.enqueue_dma source(%arg6 : memref<104x568xf32, #tpu.memory_space<vmem>>) target(%dma_start3A_59 : memref<104x568xf32, #tpu.memory_space<hbm>>) target_semaphore(%run_scoped3A : memref<!tpu.dma_semaphore, #tpu.memory_space<semaphore_mem>>)
        %dma_wait3A_60 = arith.constant 0 : i32
        %dma_wait3A_61 = tpu.memref_slice %arg4[%add3A_41, %dma_wait3A_60] : memref<13312x568xf32, #tpu.memory_space<hbm>> -> memref<104x568xf32, #tpu.memory_space<hbm>>
        %dma_wait3A_62 = arith.constant 0 : i32
        %dma_wait3A_63 = tpu.memref_slice %arg4[%add3A_41, %dma_wait3A_62] : memref<13312x568xf32, #tpu.memory_space<hbm>> -> memref<104x568xf32, #tpu.memory_space<hbm>>
        tpu.wait_dma2 semaphore(%run_scoped3A : memref<!tpu.dma_semaphore, #tpu.memory_space<semaphore_mem>>) src(%arg6 : memref<104x568xf32, #tpu.memory_space<vmem>>) dst(%dma_wait3A_63 : memref<104x568xf32, #tpu.memory_space<hbm>>)
        tpu.yield
      }) : () -> ()
      %mul3A_42 = arith.constant 2 : i32
      %mul3A_43 = arith.muli %scan3A_9, %mul3A_42 : i32
      %add3A_44 = arith.constant 1 : i32
      %add3A_45 = arith.addi %mul3A_43, %add3A_44 : i32
      %dma_wait3A_46 = arith.constant 0 : i32
      %dma_wait3A_47 = tpu.memref_slice %arg5[%add3A_23, %dma_wait3A_46] : memref<4x104xi32, #tpu.memory_space<vmem>> -> memref<1x104xi32, #tpu.memory_space<vmem>>
      %dma_wait3A_48 = tpu.memref_squeeze %dma_wait3A_47 : memref<1x104xi32, #tpu.memory_space<vmem>> -> memref<104xi32, #tpu.memory_space<vmem>>
      %dma_wait3A_49 = arith.constant 0 : i32
      %dma_wait3A_50 = arith.constant 0 : i32
      %dma_wait3A_51 = tpu.memref_slice %arg2[%dma_wait3A_49, %dma_wait3A_50] : memref<9152x568xf32, #tpu.memory_space<hbm>> -> memref<9152x568xf32, #tpu.memory_space<hbm>>
      tpu.wait_indirect_dma semaphore(%arg9 : memref<!tpu.dma_semaphore, #tpu.memory_space<semaphore_mem>>) src(%dma_wait3A_51 : memref<9152x568xf32, #tpu.memory_space<hbm>>) dst(%arg7 : memref<104x568xf32, #tpu.memory_space<vmem>>)
      %mul3A_52 = arith.constant 104 : i32
      %mul3A_53 = arith.muli %add3A_45, %mul3A_52 : i32
      %add3A_54 = arith.addi %mul3A_2, %mul3A_53 : i32
      "tpu.region"() ({
        %run_scoped3A = tpu.sem_alloc : memref<!tpu.dma_semaphore, #tpu.memory_space<semaphore_mem>>
        %dma_start3A_56 = arith.constant 0 : i32
        %dma_start3A_57 = tpu.memref_slice %arg4[%add3A_54, %dma_start3A_56] : memref<13312x568xf32, #tpu.memory_space<hbm>> -> memref<104x568xf32, #tpu.memory_space<hbm>>
        %dma_start3A_58 = arith.constant 0 : i32
        %dma_start3A_59 = tpu.memref_slice %arg4[%add3A_54, %dma_start3A_58] : memref<13312x568xf32, #tpu.memory_space<hbm>> -> memref<104x568xf32, #tpu.memory_space<hbm>>
        tpu.enqueue_dma source(%arg7 : memref<104x568xf32, #tpu.memory_space<vmem>>) target(%dma_start3A_59 : memref<104x568xf32, #tpu.memory_space<hbm>>) target_semaphore(%run_scoped3A : memref<!tpu.dma_semaphore, #tpu.memory_space<semaphore_mem>>)
        %dma_wait3A_60 = arith.constant 0 : i32
        %dma_wait3A_61 = tpu.memref_slice %arg4[%add3A_54, %dma_wait3A_60] : memref<13312x568xf32, #tpu.memory_space<hbm>> -> memref<104x568xf32, #tpu.memory_space<hbm>>
        %dma_wait3A_62 = arith.constant 0 : i32
        %dma_wait3A_63 = tpu.memref_slice %arg4[%add3A_54, %dma_wait3A_62] : memref<13312x568xf32, #tpu.memory_space<hbm>> -> memref<104x568xf32, #tpu.memory_space<hbm>>
        tpu.wait_dma2 semaphore(%run_scoped3A : memref<!tpu.dma_semaphore, #tpu.memory_space<semaphore_mem>>) src(%arg7 : memref<104x568xf32, #tpu.memory_space<vmem>>) dst(%dma_wait3A_63 : memref<104x568xf32, #tpu.memory_space<hbm>>)
        tpu.yield
      }) : () -> ()
      %scan3A_55 = arith.constant 0 : i32
      scf.yield %scan3A_55 : i32
    }
    %scan3A_8 = arith.constant 2 : i32
    return
  }
}

#map = affine_map<(d0, d1) -> (0, 0)>
#map1 = affine_map<(d0, d1) -> (0, 0, 0)>
module attributes {stable_mosaic.version = 14 : i64} {
  func.func @_sc_gather(%arg0: i32, %arg1: i32, %arg2: memref<9152x568xf32, #tpu.memory_space<hbm>>, %arg3: memref<32x4x104xi32, #tpu.memory_space<hbm>>, %arg4: memref<13312x568xf32, #tpu.memory_space<hbm>>, %arg5: memref<4x104xi32, #tpu.memory_space<vmem>>, %arg6: memref<104x568xf32, #tpu.memory_space<vmem>>, %arg7: memref<104x568xf32, #tpu.memory_space<vmem>>, %arg8: memref<!tpu.dma_semaphore, #tpu.memory_space<semaphore_mem>>, %arg9: memref<!tpu.dma_semaphore, #tpu.memory_space<semaphore_mem>>) attributes {dimension_semantics = [#tpu.dimension_semantics<core_parallel>, #tpu.dimension_semantics<subcore_parallel>], iteration_bounds = array<i64: 2, 16>, scalar_prefetch = 0 : i64, scratch_operands = 5 : i64, tpu.core_type = #tpu.core_type<sc_vector_subcore>, window_params = [{transform_indices = #map}, {transform_indices = #map1}, {transform_indices = #map}]} {
    %mul3A = arith.constant 2 : i32
    %mul3A_0 = arith.muli %arg1, %mul3A : i32
    %add3A = arith.addi %mul3A_0, %arg0 : i32
    %mul3A_1 = arith.constant 416 : i32
    %mul3A_2 = arith.muli %add3A, %mul3A_1 : i32
    "tpu.region"() ({
      %run_scoped3A = tpu.sem_alloc : memref<!tpu.dma_semaphore, #tpu.memory_space<semaphore_mem>>
      %dma_start3A = arith.constant 0 : i32
      %dma_start3A_9 = arith.constant 0 : i32
      %dma_start3A_10 = tpu.memref_slice %arg3[%add3A, %dma_start3A, %dma_start3A_9] : memref<32x4x104xi32, #tpu.memory_space<hbm>> -> memref<1x4x104xi32, #tpu.memory_space<hbm>>
      %dma_start3A_11 = tpu.memref_squeeze %dma_start3A_10 : memref<1x4x104xi32, #tpu.memory_space<hbm>> -> memref<4x104xi32, #tpu.memory_space<hbm>>
      %dma_start3A_12 = arith.constant 0 : i32
      %dma_start3A_13 = arith.constant 0 : i32
      %dma_start3A_14 = tpu.memref_slice %arg3[%add3A, %dma_start3A_12, %dma_start3A_13] : memref<32x4x104xi32, #tpu.memory_space<hbm>> -> memref<1x4x104xi32, #tpu.memory_space<hbm>>
      %dma_start3A_15 = tpu.memref_squeeze %dma_start3A_14 : memref<1x4x104xi32, #tpu.memory_space<hbm>> -> memref<4x104xi32, #tpu.memory_space<hbm>>
      tpu.enqueue_dma source(%dma_start3A_15 : memref<4x104xi32, #tpu.memory_space<hbm>>) target(%arg5 : memref<4x104xi32, #tpu.memory_space<vmem>>) target_semaphore(%run_scoped3A : memref<!tpu.dma_semaphore, #tpu.memory_space<semaphore_mem>>)
      %dma_wait3A = arith.constant 0 : i32
      %dma_wait3A_16 = arith.constant 0 : i32
      %dma_wait3A_17 = tpu.memref_slice %arg3[%add3A, %dma_wait3A, %dma_wait3A_16] : memref<32x4x104xi32, #tpu.memory_space<hbm>> -> memref<1x4x104xi32, #tpu.memory_space<hbm>>
      %dma_wait3A_18 = tpu.memref_squeeze %dma_wait3A_17 : memref<1x4x104xi32, #tpu.memory_space<hbm>> -> memref<4x104xi32, #tpu.memory_space<hbm>>
      %dma_wait3A_19 = arith.constant 0 : i32
      %dma_wait3A_20 = arith.constant 0 : i32
      %dma_wait3A_21 = tpu.memref_slice %arg3[%add3A, %dma_wait3A_19, %dma_wait3A_20] : memref<32x4x104xi32, #tpu.memory_space<hbm>> -> memref<1x4x104xi32, #tpu.memory_space<hbm>>
      %dma_wait3A_22 = tpu.memref_squeeze %dma_wait3A_21 : memref<1x4x104xi32, #tpu.memory_space<hbm>> -> memref<4x104xi32, #tpu.memory_space<hbm>>
      tpu.wait_dma2 semaphore(%run_scoped3A : memref<!tpu.dma_semaphore, #tpu.memory_space<semaphore_mem>>) src(%dma_wait3A_22 : memref<4x104xi32, #tpu.memory_space<hbm>>) dst(%arg5 : memref<4x104xi32, #tpu.memory_space<vmem>>)
      tpu.yield
    }) : () -> ()
    %scan3A = arith.constant 0 : i32
    %scan3A_3 = arith.constant 0 : i32
    %scan3A_4 = arith.constant 2 : i32
    %scan3A_5 = arith.addi %scan3A_3, %scan3A_4 : i32
    %scan3A_6 = arith.constant 1 : i32
    %scan3A_7 = scf.for %scan3A_9 = %scan3A_3 to %scan3A_5 step %scan3A_6 iter_args(%scan3A_10 = %scan3A) -> (i32)  : i32 {
      %mul3A_11 = arith.constant 2 : i32
      %mul3A_12 = arith.muli %scan3A_9, %mul3A_11 : i32
      %add3A_13 = arith.constant 0 : i32
      %add3A_14 = arith.addi %mul3A_12, %add3A_13 : i32
      %dma_start3A = arith.constant 0 : i32
      %dma_start3A_15 = tpu.memref_slice %arg5[%add3A_14, %dma_start3A] : memref<4x104xi32, #tpu.memory_space<vmem>> -> memref<1x104xi32, #tpu.memory_space<vmem>>
      %dma_start3A_16 = tpu.memref_squeeze %dma_start3A_15 : memref<1x104xi32, #tpu.memory_space<vmem>> -> memref<104xi32, #tpu.memory_space<vmem>>
      %dma_start3A_17 = arith.constant 0 : i32
      %dma_start3A_18 = arith.constant 0 : i32
      %dma_start3A_19 = tpu.memref_slice %arg2[%dma_start3A_17, %dma_start3A_18] : memref<9152x568xf32, #tpu.memory_space<hbm>> -> memref<9152x568xf32, #tpu.memory_space<hbm>>
      tpu.enqueue_indirect_dma source(%dma_start3A_19 : memref<9152x568xf32, #tpu.memory_space<hbm>>) target(%arg6 : memref<104x568xf32, #tpu.memory_space<vmem>>) offsets(%dma_start3A_16 : memref<104xi32, #tpu.memory_space<vmem>>) semaphore(%arg8 : memref<!tpu.dma_semaphore, #tpu.memory_space<semaphore_mem>>)
      %mul3A_20 = arith.constant 2 : i32
      %mul3A_21 = arith.muli %scan3A_9, %mul3A_20 : i32
      %add3A_22 = arith.constant 1 : i32
      %add3A_23 = arith.addi %mul3A_21, %add3A_22 : i32
      %dma_start3A_24 = arith.constant 0 : i32
      %dma_start3A_25 = tpu.memref_slice %arg5[%add3A_23, %dma_start3A_24] : memref<4x104xi32, #tpu.memory_space<vmem>> -> memref<1x104xi32, #tpu.memory_space<vmem>>
      %dma_start3A_26 = tpu.memref_squeeze %dma_start3A_25 : memref<1x104xi32, #tpu.memory_space<vmem>> -> memref<104xi32, #tpu.memory_space<vmem>>
      %dma_start3A_27 = arith.constant 0 : i32
      %dma_start3A_28 = arith.constant 0 : i32
      %dma_start3A_29 = tpu.memref_slice %arg2[%dma_start3A_27, %dma_start3A_28] : memref<9152x568xf32, #tpu.memory_space<hbm>> -> memref<9152x568xf32, #tpu.memory_space<hbm>>
      tpu.enqueue_indirect_dma source(%dma_start3A_29 : memref<9152x568xf32, #tpu.memory_space<hbm>>) target(%arg7 : memref<104x568xf32, #tpu.memory_space<vmem>>) offsets(%dma_start3A_26 : memref<104xi32, #tpu.memory_space<vmem>>) semaphore(%arg9 : memref<!tpu.dma_semaphore, #tpu.memory_space<semaphore_mem>>)
      %mul3A_30 = arith.constant 2 : i32
      %mul3A_31 = arith.muli %scan3A_9, %mul3A_30 : i32
      %add3A_32 = arith.constant 0 : i32
      %add3A_33 = arith.addi %mul3A_31, %add3A_32 : i32
      %dma_wait3A = arith.constant 0 : i32
      %dma_wait3A_34 = tpu.memref_slice %arg5[%add3A_14, %dma_wait3A] : memref<4x104xi32, #tpu.memory_space<vmem>> -> memref<1x104xi32, #tpu.memory_space<vmem>>
      %dma_wait3A_35 = tpu.memref_squeeze %dma_wait3A_34 : memref<1x104xi32, #tpu.memory_space<vmem>> -> memref<104xi32, #tpu.memory_space<vmem>>
      %dma_wait3A_36 = arith.constant 0 : i32
      %dma_wait3A_37 = arith.constant 0 : i32
      %dma_wait3A_38 = tpu.memref_slice %arg2[%dma_wait3A_36, %dma_wait3A_37] : memref<9152x568xf32, #tpu.memory_space<hbm>> -> memref<9152x568xf32, #tpu.memory_space<hbm>>
      tpu.wait_indirect_dma semaphore(%arg8 : memref<!tpu.dma_semaphore, #tpu.memory_space<semaphore_mem>>) src(%dma_wait3A_38 : memref<9152x568xf32, #tpu.memory_space<hbm>>) dst(%arg6 : memref<104x568xf32, #tpu.memory_space<vmem>>)
      %mul3A_39 = arith.constant 104 : i32
      %mul3A_40 = arith.muli %add3A_33, %mul3A_39 : i32
      %add3A_41 = arith.addi %mul3A_2, %mul3A_40 : i32
      "tpu.region"() ({
        %run_scoped3A = tpu.sem_alloc : memref<!tpu.dma_semaphore, #tpu.memory_space<semaphore_mem>>
        %dma_start3A_56 = arith.constant 0 : i32
        %dma_start3A_57 = tpu.memref_slice %arg4[%add3A_41, %dma_start3A_56] : memref<13312x568xf32, #tpu.memory_space<hbm>> -> memref<104x568xf32, #tpu.memory_space<hbm>>
        %dma_start3A_58 = arith.constant 0 : i32
        %dma_start3A_59 = tpu.memref_slice %arg4[%add3A_41, %dma_start3A_58] : memref<13312x568xf32, #tpu.memory_space<hbm>> -> memref<104x568xf32, #tpu.memory_space<hbm>>
        tpu.enqueue_dma source(%arg6 : memref<104x568xf32, #tpu.memory_space<vmem>>) target(%dma_start3A_59 : memref<104x568xf32, #tpu.memory_space<hbm>>) target_semaphore(%run_scoped3A : memref<!tpu.dma_semaphore, #tpu.memory_space<semaphore_mem>>)
        %dma_wait3A_60 = arith.constant 0 : i32
        %dma_wait3A_61 = tpu.memref_slice %arg4[%add3A_41, %dma_wait3A_60] : memref<13312x568xf32, #tpu.memory_space<hbm>> -> memref<104x568xf32, #tpu.memory_space<hbm>>
        %dma_wait3A_62 = arith.constant 0 : i32
        %dma_wait3A_63 = tpu.memref_slice %arg4[%add3A_41, %dma_wait3A_62] : memref<13312x568xf32, #tpu.memory_space<hbm>> -> memref<104x568xf32, #tpu.memory_space<hbm>>
        tpu.wait_dma2 semaphore(%run_scoped3A : memref<!tpu.dma_semaphore, #tpu.memory_space<semaphore_mem>>) src(%arg6 : memref<104x568xf32, #tpu.memory_space<vmem>>) dst(%dma_wait3A_63 : memref<104x568xf32, #tpu.memory_space<hbm>>)
        tpu.yield
      }) : () -> ()
      %mul3A_42 = arith.constant 2 : i32
      %mul3A_43 = arith.muli %scan3A_9, %mul3A_42 : i32
      %add3A_44 = arith.constant 1 : i32
      %add3A_45 = arith.addi %mul3A_43, %add3A_44 : i32
      %dma_wait3A_46 = arith.constant 0 : i32
      %dma_wait3A_47 = tpu.memref_slice %arg5[%add3A_23, %dma_wait3A_46] : memref<4x104xi32, #tpu.memory_space<vmem>> -> memref<1x104xi32, #tpu.memory_space<vmem>>
      %dma_wait3A_48 = tpu.memref_squeeze %dma_wait3A_47 : memref<1x104xi32, #tpu.memory_space<vmem>> -> memref<104xi32, #tpu.memory_space<vmem>>
      %dma_wait3A_49 = arith.constant 0 : i32
      %dma_wait3A_50 = arith.constant 0 : i32
      %dma_wait3A_51 = tpu.memref_slice %arg2[%dma_wait3A_49, %dma_wait3A_50] : memref<9152x568xf32, #tpu.memory_space<hbm>> -> memref<9152x568xf32, #tpu.memory_space<hbm>>
      tpu.wait_indirect_dma semaphore(%arg9 : memref<!tpu.dma_semaphore, #tpu.memory_space<semaphore_mem>>) src(%dma_wait3A_51 : memref<9152x568xf32, #tpu.memory_space<hbm>>) dst(%arg7 : memref<104x568xf32, #tpu.memory_space<vmem>>)
      %mul3A_52 = arith.constant 104 : i32
      %mul3A_53 = arith.muli %add3A_45, %mul3A_52 : i32
      %add3A_54 = arith.addi %mul3A_2, %mul3A_53 : i32
      "tpu.region"() ({
        %run_scoped3A = tpu.sem_alloc : memref<!tpu.dma_semaphore, #tpu.memory_space<semaphore_mem>>
        %dma_start3A_56 = arith.constant 0 : i32
        %dma_start3A_57 = tpu.memref_slice %arg4[%add3A_54, %dma_start3A_56] : memref<13312x568xf32, #tpu.memory_space<hbm>> -> memref<104x568xf32, #tpu.memory_space<hbm>>
        %dma_start3A_58 = arith.constant 0 : i32
        %dma_start3A_59 = tpu.memref_slice %arg4[%add3A_54, %dma_start3A_58] : memref<13312x568xf32, #tpu.memory_space<hbm>> -> memref<104x568xf32, #tpu.memory_space<hbm>>
        tpu.enqueue_dma source(%arg7 : memref<104x568xf32, #tpu.memory_space<vmem>>) target(%dma_start3A_59 : memref<104x568xf32, #tpu.memory_space<hbm>>) target_semaphore(%run_scoped3A : memref<!tpu.dma_semaphore, #tpu.memory_space<semaphore_mem>>)
        %dma_wait3A_60 = arith.constant 0 : i32
        %dma_wait3A_61 = tpu.memref_slice %arg4[%add3A_54, %dma_wait3A_60] : memref<13312x568xf32, #tpu.memory_space<hbm>> -> memref<104x568xf32, #tpu.memory_space<hbm>>
        %dma_wait3A_62 = arith.constant 0 : i32
        %dma_wait3A_63 = tpu.memref_slice %arg4[%add3A_54, %dma_wait3A_62] : memref<13312x568xf32, #tpu.memory_space<hbm>> -> memref<104x568xf32, #tpu.memory_space<hbm>>
        tpu.wait_dma2 semaphore(%run_scoped3A : memref<!tpu.dma_semaphore, #tpu.memory_space<semaphore_mem>>) src(%arg7 : memref<104x568xf32, #tpu.memory_space<vmem>>) dst(%dma_wait3A_63 : memref<104x568xf32, #tpu.memory_space<hbm>>)
        tpu.yield
      }) : () -> ()
      %scan3A_55 = arith.constant 0 : i32
      scf.yield %scan3A_55 : i32
    }
    %scan3A_8 = arith.constant 2 : i32
    return
  }
}

#map = affine_map<(d0, d1) -> (0, 0)>
#map1 = affine_map<(d0, d1) -> (0, 0, 0)>
module attributes {stable_mosaic.version = 14 : i64} {
  func.func @_sc_gather(%arg0: i32, %arg1: i32, %arg2: memref<9152x568xf32, #tpu.memory_space<hbm>>, %arg3: memref<32x4x104xi32, #tpu.memory_space<hbm>>, %arg4: memref<13312x568xf32, #tpu.memory_space<hbm>>, %arg5: memref<4x104xi32, #tpu.memory_space<vmem>>, %arg6: memref<104x568xf32, #tpu.memory_space<vmem>>, %arg7: memref<104x568xf32, #tpu.memory_space<vmem>>, %arg8: memref<!tpu.dma_semaphore, #tpu.memory_space<semaphore_mem>>, %arg9: memref<!tpu.dma_semaphore, #tpu.memory_space<semaphore_mem>>) attributes {dimension_semantics = [#tpu.dimension_semantics<core_parallel>, #tpu.dimension_semantics<subcore_parallel>], iteration_bounds = array<i64: 2, 16>, scalar_prefetch = 0 : i64, scratch_operands = 5 : i64, tpu.core_type = #tpu.core_type<sc_vector_subcore>, window_params = [{transform_indices = #map}, {transform_indices = #map1}, {transform_indices = #map}]} {
    %mul3A = arith.constant 2 : i32
    %mul3A_0 = arith.muli %arg1, %mul3A : i32
    %add3A = arith.addi %mul3A_0, %arg0 : i32
    %mul3A_1 = arith.constant 416 : i32
    %mul3A_2 = arith.muli %add3A, %mul3A_1 : i32
    "tpu.region"() ({
      %run_scoped3A = tpu.sem_alloc : memref<!tpu.dma_semaphore, #tpu.memory_space<semaphore_mem>>
      %dma_start3A = arith.constant 0 : i32
      %dma_start3A_9 = arith.constant 0 : i32
      %dma_start3A_10 = tpu.memref_slice %arg3[%add3A, %dma_start3A, %dma_start3A_9] : memref<32x4x104xi32, #tpu.memory_space<hbm>> -> memref<1x4x104xi32, #tpu.memory_space<hbm>>
      %dma_start3A_11 = tpu.memref_squeeze %dma_start3A_10 : memref<1x4x104xi32, #tpu.memory_space<hbm>> -> memref<4x104xi32, #tpu.memory_space<hbm>>
      %dma_start3A_12 = arith.constant 0 : i32
      %dma_start3A_13 = arith.constant 0 : i32
      %dma_start3A_14 = tpu.memref_slice %arg3[%add3A, %dma_start3A_12, %dma_start3A_13] : memref<32x4x104xi32, #tpu.memory_space<hbm>> -> memref<1x4x104xi32, #tpu.memory_space<hbm>>
      %dma_start3A_15 = tpu.memref_squeeze %dma_start3A_14 : memref<1x4x104xi32, #tpu.memory_space<hbm>> -> memref<4x104xi32, #tpu.memory_space<hbm>>
      tpu.enqueue_dma source(%dma_start3A_15 : memref<4x104xi32, #tpu.memory_space<hbm>>) target(%arg5 : memref<4x104xi32, #tpu.memory_space<vmem>>) target_semaphore(%run_scoped3A : memref<!tpu.dma_semaphore, #tpu.memory_space<semaphore_mem>>)
      %dma_wait3A = arith.constant 0 : i32
      %dma_wait3A_16 = arith.constant 0 : i32
      %dma_wait3A_17 = tpu.memref_slice %arg3[%add3A, %dma_wait3A, %dma_wait3A_16] : memref<32x4x104xi32, #tpu.memory_space<hbm>> -> memref<1x4x104xi32, #tpu.memory_space<hbm>>
      %dma_wait3A_18 = tpu.memref_squeeze %dma_wait3A_17 : memref<1x4x104xi32, #tpu.memory_space<hbm>> -> memref<4x104xi32, #tpu.memory_space<hbm>>
      %dma_wait3A_19 = arith.constant 0 : i32
      %dma_wait3A_20 = arith.constant 0 : i32
      %dma_wait3A_21 = tpu.memref_slice %arg3[%add3A, %dma_wait3A_19, %dma_wait3A_20] : memref<32x4x104xi32, #tpu.memory_space<hbm>> -> memref<1x4x104xi32, #tpu.memory_space<hbm>>
      %dma_wait3A_22 = tpu.memref_squeeze %dma_wait3A_21 : memref<1x4x104xi32, #tpu.memory_space<hbm>> -> memref<4x104xi32, #tpu.memory_space<hbm>>
      tpu.wait_dma2 semaphore(%run_scoped3A : memref<!tpu.dma_semaphore, #tpu.memory_space<semaphore_mem>>) src(%dma_wait3A_22 : memref<4x104xi32, #tpu.memory_space<hbm>>) dst(%arg5 : memref<4x104xi32, #tpu.memory_space<vmem>>)
      tpu.yield
    }) : () -> ()
    %scan3A = arith.constant 0 : i32
    %scan3A_3 = arith.constant 0 : i32
    %scan3A_4 = arith.constant 2 : i32
    %scan3A_5 = arith.addi %scan3A_3, %scan3A_4 : i32
    %scan3A_6 = arith.constant 1 : i32
    %scan3A_7 = scf.for %scan3A_9 = %scan3A_3 to %scan3A_5 step %scan3A_6 iter_args(%scan3A_10 = %scan3A) -> (i32)  : i32 {
      %mul3A_11 = arith.constant 2 : i32
      %mul3A_12 = arith.muli %scan3A_9, %mul3A_11 : i32
      %add3A_13 = arith.constant 0 : i32
      %add3A_14 = arith.addi %mul3A_12, %add3A_13 : i32
      %dma_start3A = arith.constant 0 : i32
      %dma_start3A_15 = tpu.memref_slice %arg5[%add3A_14, %dma_start3A] : memref<4x104xi32, #tpu.memory_space<vmem>> -> memref<1x104xi32, #tpu.memory_space<vmem>>
      %dma_start3A_16 = tpu.memref_squeeze %dma_start3A_15 : memref<1x104xi32, #tpu.memory_space<vmem>> -> memref<104xi32, #tpu.memory_space<vmem>>
      %dma_start3A_17 = arith.constant 0 : i32
      %dma_start3A_18 = arith.constant 0 : i32
      %dma_start3A_19 = tpu.memref_slice %arg2[%dma_start3A_17, %dma_start3A_18] : memref<9152x568xf32, #tpu.memory_space<hbm>> -> memref<9152x568xf32, #tpu.memory_space<hbm>>
      tpu.enqueue_indirect_dma source(%dma_start3A_19 : memref<9152x568xf32, #tpu.memory_space<hbm>>) target(%arg6 : memref<104x568xf32, #tpu.memory_space<vmem>>) offsets(%dma_start3A_16 : memref<104xi32, #tpu.memory_space<vmem>>) semaphore(%arg8 : memref<!tpu.dma_semaphore, #tpu.memory_space<semaphore_mem>>)
      %mul3A_20 = arith.constant 2 : i32
      %mul3A_21 = arith.muli %scan3A_9, %mul3A_20 : i32
      %add3A_22 = arith.constant 1 : i32
      %add3A_23 = arith.addi %mul3A_21, %add3A_22 : i32
      %dma_start3A_24 = arith.constant 0 : i32
      %dma_start3A_25 = tpu.memref_slice %arg5[%add3A_23, %dma_start3A_24] : memref<4x104xi32, #tpu.memory_space<vmem>> -> memref<1x104xi32, #tpu.memory_space<vmem>>
      %dma_start3A_26 = tpu.memref_squeeze %dma_start3A_25 : memref<1x104xi32, #tpu.memory_space<vmem>> -> memref<104xi32, #tpu.memory_space<vmem>>
      %dma_start3A_27 = arith.constant 0 : i32
      %dma_start3A_28 = arith.constant 0 : i32
      %dma_start3A_29 = tpu.memref_slice %arg2[%dma_start3A_27, %dma_start3A_28] : memref<9152x568xf32, #tpu.memory_space<hbm>> -> memref<9152x568xf32, #tpu.memory_space<hbm>>
      tpu.enqueue_indirect_dma source(%dma_start3A_29 : memref<9152x568xf32, #tpu.memory_space<hbm>>) target(%arg7 : memref<104x568xf32, #tpu.memory_space<vmem>>) offsets(%dma_start3A_26 : memref<104xi32, #tpu.memory_space<vmem>>) semaphore(%arg9 : memref<!tpu.dma_semaphore, #tpu.memory_space<semaphore_mem>>)
      %mul3A_30 = arith.constant 2 : i32
      %mul3A_31 = arith.muli %scan3A_9, %mul3A_30 : i32
      %add3A_32 = arith.constant 0 : i32
      %add3A_33 = arith.addi %mul3A_31, %add3A_32 : i32
      %dma_wait3A = arith.constant 0 : i32
      %dma_wait3A_34 = tpu.memref_slice %arg5[%add3A_14, %dma_wait3A] : memref<4x104xi32, #tpu.memory_space<vmem>> -> memref<1x104xi32, #tpu.memory_space<vmem>>
      %dma_wait3A_35 = tpu.memref_squeeze %dma_wait3A_34 : memref<1x104xi32, #tpu.memory_space<vmem>> -> memref<104xi32, #tpu.memory_space<vmem>>
      %dma_wait3A_36 = arith.constant 0 : i32
      %dma_wait3A_37 = arith.constant 0 : i32
      %dma_wait3A_38 = tpu.memref_slice %arg2[%dma_wait3A_36, %dma_wait3A_37] : memref<9152x568xf32, #tpu.memory_space<hbm>> -> memref<9152x568xf32, #tpu.memory_space<hbm>>
      tpu.wait_indirect_dma semaphore(%arg8 : memref<!tpu.dma_semaphore, #tpu.memory_space<semaphore_mem>>) src(%dma_wait3A_38 : memref<9152x568xf32, #tpu.memory_space<hbm>>) dst(%arg6 : memref<104x568xf32, #tpu.memory_space<vmem>>)
      %mul3A_39 = arith.constant 104 : i32
      %mul3A_40 = arith.muli %add3A_33, %mul3A_39 : i32
      %add3A_41 = arith.addi %mul3A_2, %mul3A_40 : i32
      "tpu.region"() ({
        %run_scoped3A = tpu.sem_alloc : memref<!tpu.dma_semaphore, #tpu.memory_space<semaphore_mem>>
        %dma_start3A_56 = arith.constant 0 : i32
        %dma_start3A_57 = tpu.memref_slice %arg4[%add3A_41, %dma_start3A_56] : memref<13312x568xf32, #tpu.memory_space<hbm>> -> memref<104x568xf32, #tpu.memory_space<hbm>>
        %dma_start3A_58 = arith.constant 0 : i32
        %dma_start3A_59 = tpu.memref_slice %arg4[%add3A_41, %dma_start3A_58] : memref<13312x568xf32, #tpu.memory_space<hbm>> -> memref<104x568xf32, #tpu.memory_space<hbm>>
        tpu.enqueue_dma source(%arg6 : memref<104x568xf32, #tpu.memory_space<vmem>>) target(%dma_start3A_59 : memref<104x568xf32, #tpu.memory_space<hbm>>) target_semaphore(%run_scoped3A : memref<!tpu.dma_semaphore, #tpu.memory_space<semaphore_mem>>)
        %dma_wait3A_60 = arith.constant 0 : i32
        %dma_wait3A_61 = tpu.memref_slice %arg4[%add3A_41, %dma_wait3A_60] : memref<13312x568xf32, #tpu.memory_space<hbm>> -> memref<104x568xf32, #tpu.memory_space<hbm>>
        %dma_wait3A_62 = arith.constant 0 : i32
        %dma_wait3A_63 = tpu.memref_slice %arg4[%add3A_41, %dma_wait3A_62] : memref<13312x568xf32, #tpu.memory_space<hbm>> -> memref<104x568xf32, #tpu.memory_space<hbm>>
        tpu.wait_dma2 semaphore(%run_scoped3A : memref<!tpu.dma_semaphore, #tpu.memory_space<semaphore_mem>>) src(%arg6 : memref<104x568xf32, #tpu.memory_space<vmem>>) dst(%dma_wait3A_63 : memref<104x568xf32, #tpu.memory_space<hbm>>)
        tpu.yield
      }) : () -> ()
      %mul3A_42 = arith.constant 2 : i32
      %mul3A_43 = arith.muli %scan3A_9, %mul3A_42 : i32
      %add3A_44 = arith.constant 1 : i32
      %add3A_45 = arith.addi %mul3A_43, %add3A_44 : i32
      %dma_wait3A_46 = arith.constant 0 : i32
      %dma_wait3A_47 = tpu.memref_slice %arg5[%add3A_23, %dma_wait3A_46] : memref<4x104xi32, #tpu.memory_space<vmem>> -> memref<1x104xi32, #tpu.memory_space<vmem>>
      %dma_wait3A_48 = tpu.memref_squeeze %dma_wait3A_47 : memref<1x104xi32, #tpu.memory_space<vmem>> -> memref<104xi32, #tpu.memory_space<vmem>>
      %dma_wait3A_49 = arith.constant 0 : i32
      %dma_wait3A_50 = arith.constant 0 : i32
      %dma_wait3A_51 = tpu.memref_slice %arg2[%dma_wait3A_49, %dma_wait3A_50] : memref<9152x568xf32, #tpu.memory_space<hbm>> -> memref<9152x568xf32, #tpu.memory_space<hbm>>
      tpu.wait_indirect_dma semaphore(%arg9 : memref<!tpu.dma_semaphore, #tpu.memory_space<semaphore_mem>>) src(%dma_wait3A_51 : memref<9152x568xf32, #tpu.memory_space<hbm>>) dst(%arg7 : memref<104x568xf32, #tpu.memory_space<vmem>>)
      %mul3A_52 = arith.constant 104 : i32
      %mul3A_53 = arith.muli %add3A_45, %mul3A_52 : i32
      %add3A_54 = arith.addi %mul3A_2, %mul3A_53 : i32
      "tpu.region"() ({
        %run_scoped3A = tpu.sem_alloc : memref<!tpu.dma_semaphore, #tpu.memory_space<semaphore_mem>>
        %dma_start3A_56 = arith.constant 0 : i32
        %dma_start3A_57 = tpu.memref_slice %arg4[%add3A_54, %dma_start3A_56] : memref<13312x568xf32, #tpu.memory_space<hbm>> -> memref<104x568xf32, #tpu.memory_space<hbm>>
        %dma_start3A_58 = arith.constant 0 : i32
        %dma_start3A_59 = tpu.memref_slice %arg4[%add3A_54, %dma_start3A_58] : memref<13312x568xf32, #tpu.memory_space<hbm>> -> memref<104x568xf32, #tpu.memory_space<hbm>>
        tpu.enqueue_dma source(%arg7 : memref<104x568xf32, #tpu.memory_space<vmem>>) target(%dma_start3A_59 : memref<104x568xf32, #tpu.memory_space<hbm>>) target_semaphore(%run_scoped3A : memref<!tpu.dma_semaphore, #tpu.memory_space<semaphore_mem>>)
        %dma_wait3A_60 = arith.constant 0 : i32
        %dma_wait3A_61 = tpu.memref_slice %arg4[%add3A_54, %dma_wait3A_60] : memref<13312x568xf32, #tpu.memory_space<hbm>> -> memref<104x568xf32, #tpu.memory_space<hbm>>
        %dma_wait3A_62 = arith.constant 0 : i32
        %dma_wait3A_63 = tpu.memref_slice %arg4[%add3A_54, %dma_wait3A_62] : memref<13312x568xf32, #tpu.memory_space<hbm>> -> memref<104x568xf32, #tpu.memory_space<hbm>>
        tpu.wait_dma2 semaphore(%run_scoped3A : memref<!tpu.dma_semaphore, #tpu.memory_space<semaphore_mem>>) src(%arg7 : memref<104x568xf32, #tpu.memory_space<vmem>>) dst(%dma_wait3A_63 : memref<104x568xf32, #tpu.memory_space<hbm>>)
        tpu.yield
      }) : () -> ()
      %scan3A_55 = arith.constant 0 : i32
      scf.yield %scan3A_55 : i32
    }
    %scan3A_8 = arith.constant 2 : i32
    return
  }
}

#map = affine_map<(d0, d1) -> (0, 0)>
#map1 = affine_map<(d0, d1) -> (0, 0, 0)>
module attributes {stable_mosaic.version = 14 : i64} {
  func.func @_sc_gather(%arg0: i32, %arg1: i32, %arg2: memref<9152x568xf32, #tpu.memory_space<hbm>>, %arg3: memref<32x4x104xi32, #tpu.memory_space<hbm>>, %arg4: memref<13312x568xf32, #tpu.memory_space<hbm>>, %arg5: memref<4x104xi32, #tpu.memory_space<vmem>>, %arg6: memref<104x568xf32, #tpu.memory_space<vmem>>, %arg7: memref<104x568xf32, #tpu.memory_space<vmem>>, %arg8: memref<!tpu.dma_semaphore, #tpu.memory_space<semaphore_mem>>, %arg9: memref<!tpu.dma_semaphore, #tpu.memory_space<semaphore_mem>>) attributes {dimension_semantics = [#tpu.dimension_semantics<core_parallel>, #tpu.dimension_semantics<subcore_parallel>], iteration_bounds = array<i64: 2, 16>, scalar_prefetch = 0 : i64, scratch_operands = 5 : i64, tpu.core_type = #tpu.core_type<sc_vector_subcore>, window_params = [{transform_indices = #map}, {transform_indices = #map1}, {transform_indices = #map}]} {
    %mul3A = arith.constant 2 : i32
    %mul3A_0 = arith.muli %arg1, %mul3A : i32
    %add3A = arith.addi %mul3A_0, %arg0 : i32
    %mul3A_1 = arith.constant 416 : i32
    %mul3A_2 = arith.muli %add3A, %mul3A_1 : i32
    "tpu.region"() ({
      %run_scoped3A = tpu.sem_alloc : memref<!tpu.dma_semaphore, #tpu.memory_space<semaphore_mem>>
      %dma_start3A = arith.constant 0 : i32
      %dma_start3A_9 = arith.constant 0 : i32
      %dma_start3A_10 = tpu.memref_slice %arg3[%add3A, %dma_start3A, %dma_start3A_9] : memref<32x4x104xi32, #tpu.memory_space<hbm>> -> memref<1x4x104xi32, #tpu.memory_space<hbm>>
      %dma_start3A_11 = tpu.memref_squeeze %dma_start3A_10 : memref<1x4x104xi32, #tpu.memory_space<hbm>> -> memref<4x104xi32, #tpu.memory_space<hbm>>
      %dma_start3A_12 = arith.constant 0 : i32
      %dma_start3A_13 = arith.constant 0 : i32
      %dma_start3A_14 = tpu.memref_slice %arg3[%add3A, %dma_start3A_12, %dma_start3A_13] : memref<32x4x104xi32, #tpu.memory_space<hbm>> -> memref<1x4x104xi32, #tpu.memory_space<hbm>>
      %dma_start3A_15 = tpu.memref_squeeze %dma_start3A_14 : memref<1x4x104xi32, #tpu.memory_space<hbm>> -> memref<4x104xi32, #tpu.memory_space<hbm>>
      tpu.enqueue_dma source(%dma_start3A_15 : memref<4x104xi32, #tpu.memory_space<hbm>>) target(%arg5 : memref<4x104xi32, #tpu.memory_space<vmem>>) target_semaphore(%run_scoped3A : memref<!tpu.dma_semaphore, #tpu.memory_space<semaphore_mem>>)
      %dma_wait3A = arith.constant 0 : i32
      %dma_wait3A_16 = arith.constant 0 : i32
      %dma_wait3A_17 = tpu.memref_slice %arg3[%add3A, %dma_wait3A, %dma_wait3A_16] : memref<32x4x104xi32, #tpu.memory_space<hbm>> -> memref<1x4x104xi32, #tpu.memory_space<hbm>>
      %dma_wait3A_18 = tpu.memref_squeeze %dma_wait3A_17 : memref<1x4x104xi32, #tpu.memory_space<hbm>> -> memref<4x104xi32, #tpu.memory_space<hbm>>
      %dma_wait3A_19 = arith.constant 0 : i32
      %dma_wait3A_20 = arith.constant 0 : i32
      %dma_wait3A_21 = tpu.memref_slice %arg3[%add3A, %dma_wait3A_19, %dma_wait3A_20] : memref<32x4x104xi32, #tpu.memory_space<hbm>> -> memref<1x4x104xi32, #tpu.memory_space<hbm>>
      %dma_wait3A_22 = tpu.memref_squeeze %dma_wait3A_21 : memref<1x4x104xi32, #tpu.memory_space<hbm>> -> memref<4x104xi32, #tpu.memory_space<hbm>>
      tpu.wait_dma2 semaphore(%run_scoped3A : memref<!tpu.dma_semaphore, #tpu.memory_space<semaphore_mem>>) src(%dma_wait3A_22 : memref<4x104xi32, #tpu.memory_space<hbm>>) dst(%arg5 : memref<4x104xi32, #tpu.memory_space<vmem>>)
      tpu.yield
    }) : () -> ()
    %scan3A = arith.constant 0 : i32
    %scan3A_3 = arith.constant 0 : i32
    %scan3A_4 = arith.constant 2 : i32
    %scan3A_5 = arith.addi %scan3A_3, %scan3A_4 : i32
    %scan3A_6 = arith.constant 1 : i32
    %scan3A_7 = scf.for %scan3A_9 = %scan3A_3 to %scan3A_5 step %scan3A_6 iter_args(%scan3A_10 = %scan3A) -> (i32)  : i32 {
      %mul3A_11 = arith.constant 2 : i32
      %mul3A_12 = arith.muli %scan3A_9, %mul3A_11 : i32
      %add3A_13 = arith.constant 0 : i32
      %add3A_14 = arith.addi %mul3A_12, %add3A_13 : i32
      %dma_start3A = arith.constant 0 : i32
      %dma_start3A_15 = tpu.memref_slice %arg5[%add3A_14, %dma_start3A] : memref<4x104xi32, #tpu.memory_space<vmem>> -> memref<1x104xi32, #tpu.memory_space<vmem>>
      %dma_start3A_16 = tpu.memref_squeeze %dma_start3A_15 : memref<1x104xi32, #tpu.memory_space<vmem>> -> memref<104xi32, #tpu.memory_space<vmem>>
      %dma_start3A_17 = arith.constant 0 : i32
      %dma_start3A_18 = arith.constant 0 : i32
      %dma_start3A_19 = tpu.memref_slice %arg2[%dma_start3A_17, %dma_start3A_18] : memref<9152x568xf32, #tpu.memory_space<hbm>> -> memref<9152x568xf32, #tpu.memory_space<hbm>>
      tpu.enqueue_indirect_dma source(%dma_start3A_19 : memref<9152x568xf32, #tpu.memory_space<hbm>>) target(%arg6 : memref<104x568xf32, #tpu.memory_space<vmem>>) offsets(%dma_start3A_16 : memref<104xi32, #tpu.memory_space<vmem>>) semaphore(%arg8 : memref<!tpu.dma_semaphore, #tpu.memory_space<semaphore_mem>>)
      %mul3A_20 = arith.constant 2 : i32
      %mul3A_21 = arith.muli %scan3A_9, %mul3A_20 : i32
      %add3A_22 = arith.constant 1 : i32
      %add3A_23 = arith.addi %mul3A_21, %add3A_22 : i32
      %dma_start3A_24 = arith.constant 0 : i32
      %dma_start3A_25 = tpu.memref_slice %arg5[%add3A_23, %dma_start3A_24] : memref<4x104xi32, #tpu.memory_space<vmem>> -> memref<1x104xi32, #tpu.memory_space<vmem>>
      %dma_start3A_26 = tpu.memref_squeeze %dma_start3A_25 : memref<1x104xi32, #tpu.memory_space<vmem>> -> memref<104xi32, #tpu.memory_space<vmem>>
      %dma_start3A_27 = arith.constant 0 : i32
      %dma_start3A_28 = arith.constant 0 : i32
      %dma_start3A_29 = tpu.memref_slice %arg2[%dma_start3A_27, %dma_start3A_28] : memref<9152x568xf32, #tpu.memory_space<hbm>> -> memref<9152x568xf32, #tpu.memory_space<hbm>>
      tpu.enqueue_indirect_dma source(%dma_start3A_29 : memref<9152x568xf32, #tpu.memory_space<hbm>>) target(%arg7 : memref<104x568xf32, #tpu.memory_space<vmem>>) offsets(%dma_start3A_26 : memref<104xi32, #tpu.memory_space<vmem>>) semaphore(%arg9 : memref<!tpu.dma_semaphore, #tpu.memory_space<semaphore_mem>>)
      %mul3A_30 = arith.constant 2 : i32
      %mul3A_31 = arith.muli %scan3A_9, %mul3A_30 : i32
      %add3A_32 = arith.constant 0 : i32
      %add3A_33 = arith.addi %mul3A_31, %add3A_32 : i32
      %dma_wait3A = arith.constant 0 : i32
      %dma_wait3A_34 = tpu.memref_slice %arg5[%add3A_14, %dma_wait3A] : memref<4x104xi32, #tpu.memory_space<vmem>> -> memref<1x104xi32, #tpu.memory_space<vmem>>
      %dma_wait3A_35 = tpu.memref_squeeze %dma_wait3A_34 : memref<1x104xi32, #tpu.memory_space<vmem>> -> memref<104xi32, #tpu.memory_space<vmem>>
      %dma_wait3A_36 = arith.constant 0 : i32
      %dma_wait3A_37 = arith.constant 0 : i32
      %dma_wait3A_38 = tpu.memref_slice %arg2[%dma_wait3A_36, %dma_wait3A_37] : memref<9152x568xf32, #tpu.memory_space<hbm>> -> memref<9152x568xf32, #tpu.memory_space<hbm>>
      tpu.wait_indirect_dma semaphore(%arg8 : memref<!tpu.dma_semaphore, #tpu.memory_space<semaphore_mem>>) src(%dma_wait3A_38 : memref<9152x568xf32, #tpu.memory_space<hbm>>) dst(%arg6 : memref<104x568xf32, #tpu.memory_space<vmem>>)
      %mul3A_39 = arith.constant 104 : i32
      %mul3A_40 = arith.muli %add3A_33, %mul3A_39 : i32
      %add3A_41 = arith.addi %mul3A_2, %mul3A_40 : i32
      "tpu.region"() ({
        %run_scoped3A = tpu.sem_alloc : memref<!tpu.dma_semaphore, #tpu.memory_space<semaphore_mem>>
        %dma_start3A_56 = arith.constant 0 : i32
        %dma_start3A_57 = tpu.memref_slice %arg4[%add3A_41, %dma_start3A_56] : memref<13312x568xf32, #tpu.memory_space<hbm>> -> memref<104x568xf32, #tpu.memory_space<hbm>>
        %dma_start3A_58 = arith.constant 0 : i32
        %dma_start3A_59 = tpu.memref_slice %arg4[%add3A_41, %dma_start3A_58] : memref<13312x568xf32, #tpu.memory_space<hbm>> -> memref<104x568xf32, #tpu.memory_space<hbm>>
        tpu.enqueue_dma source(%arg6 : memref<104x568xf32, #tpu.memory_space<vmem>>) target(%dma_start3A_59 : memref<104x568xf32, #tpu.memory_space<hbm>>) target_semaphore(%run_scoped3A : memref<!tpu.dma_semaphore, #tpu.memory_space<semaphore_mem>>)
        %dma_wait3A_60 = arith.constant 0 : i32
        %dma_wait3A_61 = tpu.memref_slice %arg4[%add3A_41, %dma_wait3A_60] : memref<13312x568xf32, #tpu.memory_space<hbm>> -> memref<104x568xf32, #tpu.memory_space<hbm>>
        %dma_wait3A_62 = arith.constant 0 : i32
        %dma_wait3A_63 = tpu.memref_slice %arg4[%add3A_41, %dma_wait3A_62] : memref<13312x568xf32, #tpu.memory_space<hbm>> -> memref<104x568xf32, #tpu.memory_space<hbm>>
        tpu.wait_dma2 semaphore(%run_scoped3A : memref<!tpu.dma_semaphore, #tpu.memory_space<semaphore_mem>>) src(%arg6 : memref<104x568xf32, #tpu.memory_space<vmem>>) dst(%dma_wait3A_63 : memref<104x568xf32, #tpu.memory_space<hbm>>)
        tpu.yield
      }) : () -> ()
      %mul3A_42 = arith.constant 2 : i32
      %mul3A_43 = arith.muli %scan3A_9, %mul3A_42 : i32
      %add3A_44 = arith.constant 1 : i32
      %add3A_45 = arith.addi %mul3A_43, %add3A_44 : i32
      %dma_wait3A_46 = arith.constant 0 : i32
      %dma_wait3A_47 = tpu.memref_slice %arg5[%add3A_23, %dma_wait3A_46] : memref<4x104xi32, #tpu.memory_space<vmem>> -> memref<1x104xi32, #tpu.memory_space<vmem>>
      %dma_wait3A_48 = tpu.memref_squeeze %dma_wait3A_47 : memref<1x104xi32, #tpu.memory_space<vmem>> -> memref<104xi32, #tpu.memory_space<vmem>>
      %dma_wait3A_49 = arith.constant 0 : i32
      %dma_wait3A_50 = arith.constant 0 : i32
      %dma_wait3A_51 = tpu.memref_slice %arg2[%dma_wait3A_49, %dma_wait3A_50] : memref<9152x568xf32, #tpu.memory_space<hbm>> -> memref<9152x568xf32, #tpu.memory_space<hbm>>
      tpu.wait_indirect_dma semaphore(%arg9 : memref<!tpu.dma_semaphore, #tpu.memory_space<semaphore_mem>>) src(%dma_wait3A_51 : memref<9152x568xf32, #tpu.memory_space<hbm>>) dst(%arg7 : memref<104x568xf32, #tpu.memory_space<vmem>>)
      %mul3A_52 = arith.constant 104 : i32
      %mul3A_53 = arith.muli %add3A_45, %mul3A_52 : i32
      %add3A_54 = arith.addi %mul3A_2, %mul3A_53 : i32
      "tpu.region"() ({
        %run_scoped3A = tpu.sem_alloc : memref<!tpu.dma_semaphore, #tpu.memory_space<semaphore_mem>>
        %dma_start3A_56 = arith.constant 0 : i32
        %dma_start3A_57 = tpu.memref_slice %arg4[%add3A_54, %dma_start3A_56] : memref<13312x568xf32, #tpu.memory_space<hbm>> -> memref<104x568xf32, #tpu.memory_space<hbm>>
        %dma_start3A_58 = arith.constant 0 : i32
        %dma_start3A_59 = tpu.memref_slice %arg4[%add3A_54, %dma_start3A_58] : memref<13312x568xf32, #tpu.memory_space<hbm>> -> memref<104x568xf32, #tpu.memory_space<hbm>>
        tpu.enqueue_dma source(%arg7 : memref<104x568xf32, #tpu.memory_space<vmem>>) target(%dma_start3A_59 : memref<104x568xf32, #tpu.memory_space<hbm>>) target_semaphore(%run_scoped3A : memref<!tpu.dma_semaphore, #tpu.memory_space<semaphore_mem>>)
        %dma_wait3A_60 = arith.constant 0 : i32
        %dma_wait3A_61 = tpu.memref_slice %arg4[%add3A_54, %dma_wait3A_60] : memref<13312x568xf32, #tpu.memory_space<hbm>> -> memref<104x568xf32, #tpu.memory_space<hbm>>
        %dma_wait3A_62 = arith.constant 0 : i32
        %dma_wait3A_63 = tpu.memref_slice %arg4[%add3A_54, %dma_wait3A_62] : memref<13312x568xf32, #tpu.memory_space<hbm>> -> memref<104x568xf32, #tpu.memory_space<hbm>>
        tpu.wait_dma2 semaphore(%run_scoped3A : memref<!tpu.dma_semaphore, #tpu.memory_space<semaphore_mem>>) src(%arg7 : memref<104x568xf32, #tpu.memory_space<vmem>>) dst(%dma_wait3A_63 : memref<104x568xf32, #tpu.memory_space<hbm>>)
        tpu.yield
      }) : () -> ()
      %scan3A_55 = arith.constant 0 : i32
      scf.yield %scan3A_55 : i32
    }
    %scan3A_8 = arith.constant 2 : i32
    return
  }
}

#map = affine_map<(d0, d1) -> (0, 0)>
#map1 = affine_map<(d0, d1) -> (0, 0, 0)>
module attributes {stable_mosaic.version = 14 : i64} {
  func.func @_sc_gather(%arg0: i32, %arg1: i32, %arg2: memref<9152x568xf32, #tpu.memory_space<hbm>>, %arg3: memref<32x4x104xi32, #tpu.memory_space<hbm>>, %arg4: memref<13312x568xf32, #tpu.memory_space<hbm>>, %arg5: memref<4x104xi32, #tpu.memory_space<vmem>>, %arg6: memref<104x568xf32, #tpu.memory_space<vmem>>, %arg7: memref<104x568xf32, #tpu.memory_space<vmem>>, %arg8: memref<!tpu.dma_semaphore, #tpu.memory_space<semaphore_mem>>, %arg9: memref<!tpu.dma_semaphore, #tpu.memory_space<semaphore_mem>>) attributes {dimension_semantics = [#tpu.dimension_semantics<core_parallel>, #tpu.dimension_semantics<subcore_parallel>], iteration_bounds = array<i64: 2, 16>, scalar_prefetch = 0 : i64, scratch_operands = 5 : i64, tpu.core_type = #tpu.core_type<sc_vector_subcore>, window_params = [{transform_indices = #map}, {transform_indices = #map1}, {transform_indices = #map}]} {
    %mul3A = arith.constant 2 : i32
    %mul3A_0 = arith.muli %arg1, %mul3A : i32
    %add3A = arith.addi %mul3A_0, %arg0 : i32
    %mul3A_1 = arith.constant 416 : i32
    %mul3A_2 = arith.muli %add3A, %mul3A_1 : i32
    "tpu.region"() ({
      %run_scoped3A = tpu.sem_alloc : memref<!tpu.dma_semaphore, #tpu.memory_space<semaphore_mem>>
      %dma_start3A = arith.constant 0 : i32
      %dma_start3A_9 = arith.constant 0 : i32
      %dma_start3A_10 = tpu.memref_slice %arg3[%add3A, %dma_start3A, %dma_start3A_9] : memref<32x4x104xi32, #tpu.memory_space<hbm>> -> memref<1x4x104xi32, #tpu.memory_space<hbm>>
      %dma_start3A_11 = tpu.memref_squeeze %dma_start3A_10 : memref<1x4x104xi32, #tpu.memory_space<hbm>> -> memref<4x104xi32, #tpu.memory_space<hbm>>
      %dma_start3A_12 = arith.constant 0 : i32
      %dma_start3A_13 = arith.constant 0 : i32
      %dma_start3A_14 = tpu.memref_slice %arg3[%add3A, %dma_start3A_12, %dma_start3A_13] : memref<32x4x104xi32, #tpu.memory_space<hbm>> -> memref<1x4x104xi32, #tpu.memory_space<hbm>>
      %dma_start3A_15 = tpu.memref_squeeze %dma_start3A_14 : memref<1x4x104xi32, #tpu.memory_space<hbm>> -> memref<4x104xi32, #tpu.memory_space<hbm>>
      tpu.enqueue_dma source(%dma_start3A_15 : memref<4x104xi32, #tpu.memory_space<hbm>>) target(%arg5 : memref<4x104xi32, #tpu.memory_space<vmem>>) target_semaphore(%run_scoped3A : memref<!tpu.dma_semaphore, #tpu.memory_space<semaphore_mem>>)
      %dma_wait3A = arith.constant 0 : i32
      %dma_wait3A_16 = arith.constant 0 : i32
      %dma_wait3A_17 = tpu.memref_slice %arg3[%add3A, %dma_wait3A, %dma_wait3A_16] : memref<32x4x104xi32, #tpu.memory_space<hbm>> -> memref<1x4x104xi32, #tpu.memory_space<hbm>>
      %dma_wait3A_18 = tpu.memref_squeeze %dma_wait3A_17 : memref<1x4x104xi32, #tpu.memory_space<hbm>> -> memref<4x104xi32, #tpu.memory_space<hbm>>
      %dma_wait3A_19 = arith.constant 0 : i32
      %dma_wait3A_20 = arith.constant 0 : i32
      %dma_wait3A_21 = tpu.memref_slice %arg3[%add3A, %dma_wait3A_19, %dma_wait3A_20] : memref<32x4x104xi32, #tpu.memory_space<hbm>> -> memref<1x4x104xi32, #tpu.memory_space<hbm>>
      %dma_wait3A_22 = tpu.memref_squeeze %dma_wait3A_21 : memref<1x4x104xi32, #tpu.memory_space<hbm>> -> memref<4x104xi32, #tpu.memory_space<hbm>>
      tpu.wait_dma2 semaphore(%run_scoped3A : memref<!tpu.dma_semaphore, #tpu.memory_space<semaphore_mem>>) src(%dma_wait3A_22 : memref<4x104xi32, #tpu.memory_space<hbm>>) dst(%arg5 : memref<4x104xi32, #tpu.memory_space<vmem>>)
      tpu.yield
    }) : () -> ()
    %scan3A = arith.constant 0 : i32
    %scan3A_3 = arith.constant 0 : i32
    %scan3A_4 = arith.constant 2 : i32
    %scan3A_5 = arith.addi %scan3A_3, %scan3A_4 : i32
    %scan3A_6 = arith.constant 1 : i32
    %scan3A_7 = scf.for %scan3A_9 = %scan3A_3 to %scan3A_5 step %scan3A_6 iter_args(%scan3A_10 = %scan3A) -> (i32)  : i32 {
      %mul3A_11 = arith.constant 2 : i32
      %mul3A_12 = arith.muli %scan3A_9, %mul3A_11 : i32
      %add3A_13 = arith.constant 0 : i32
      %add3A_14 = arith.addi %mul3A_12, %add3A_13 : i32
      %dma_start3A = arith.constant 0 : i32
      %dma_start3A_15 = tpu.memref_slice %arg5[%add3A_14, %dma_start3A] : memref<4x104xi32, #tpu.memory_space<vmem>> -> memref<1x104xi32, #tpu.memory_space<vmem>>
      %dma_start3A_16 = tpu.memref_squeeze %dma_start3A_15 : memref<1x104xi32, #tpu.memory_space<vmem>> -> memref<104xi32, #tpu.memory_space<vmem>>
      %dma_start3A_17 = arith.constant 0 : i32
      %dma_start3A_18 = arith.constant 0 : i32
      %dma_start3A_19 = tpu.memref_slice %arg2[%dma_start3A_17, %dma_start3A_18] : memref<9152x568xf32, #tpu.memory_space<hbm>> -> memref<9152x568xf32, #tpu.memory_space<hbm>>
      tpu.enqueue_indirect_dma source(%dma_start3A_19 : memref<9152x568xf32, #tpu.memory_space<hbm>>) target(%arg6 : memref<104x568xf32, #tpu.memory_space<vmem>>) offsets(%dma_start3A_16 : memref<104xi32, #tpu.memory_space<vmem>>) semaphore(%arg8 : memref<!tpu.dma_semaphore, #tpu.memory_space<semaphore_mem>>)
      %mul3A_20 = arith.constant 2 : i32
      %mul3A_21 = arith.muli %scan3A_9, %mul3A_20 : i32
      %add3A_22 = arith.constant 1 : i32
      %add3A_23 = arith.addi %mul3A_21, %add3A_22 : i32
      %dma_start3A_24 = arith.constant 0 : i32
      %dma_start3A_25 = tpu.memref_slice %arg5[%add3A_23, %dma_start3A_24] : memref<4x104xi32, #tpu.memory_space<vmem>> -> memref<1x104xi32, #tpu.memory_space<vmem>>
      %dma_start3A_26 = tpu.memref_squeeze %dma_start3A_25 : memref<1x104xi32, #tpu.memory_space<vmem>> -> memref<104xi32, #tpu.memory_space<vmem>>
      %dma_start3A_27 = arith.constant 0 : i32
      %dma_start3A_28 = arith.constant 0 : i32
      %dma_start3A_29 = tpu.memref_slice %arg2[%dma_start3A_27, %dma_start3A_28] : memref<9152x568xf32, #tpu.memory_space<hbm>> -> memref<9152x568xf32, #tpu.memory_space<hbm>>
      tpu.enqueue_indirect_dma source(%dma_start3A_29 : memref<9152x568xf32, #tpu.memory_space<hbm>>) target(%arg7 : memref<104x568xf32, #tpu.memory_space<vmem>>) offsets(%dma_start3A_26 : memref<104xi32, #tpu.memory_space<vmem>>) semaphore(%arg9 : memref<!tpu.dma_semaphore, #tpu.memory_space<semaphore_mem>>)
      %mul3A_30 = arith.constant 2 : i32
      %mul3A_31 = arith.muli %scan3A_9, %mul3A_30 : i32
      %add3A_32 = arith.constant 0 : i32
      %add3A_33 = arith.addi %mul3A_31, %add3A_32 : i32
      %dma_wait3A = arith.constant 0 : i32
      %dma_wait3A_34 = tpu.memref_slice %arg5[%add3A_14, %dma_wait3A] : memref<4x104xi32, #tpu.memory_space<vmem>> -> memref<1x104xi32, #tpu.memory_space<vmem>>
      %dma_wait3A_35 = tpu.memref_squeeze %dma_wait3A_34 : memref<1x104xi32, #tpu.memory_space<vmem>> -> memref<104xi32, #tpu.memory_space<vmem>>
      %dma_wait3A_36 = arith.constant 0 : i32
      %dma_wait3A_37 = arith.constant 0 : i32
      %dma_wait3A_38 = tpu.memref_slice %arg2[%dma_wait3A_36, %dma_wait3A_37] : memref<9152x568xf32, #tpu.memory_space<hbm>> -> memref<9152x568xf32, #tpu.memory_space<hbm>>
      tpu.wait_indirect_dma semaphore(%arg8 : memref<!tpu.dma_semaphore, #tpu.memory_space<semaphore_mem>>) src(%dma_wait3A_38 : memref<9152x568xf32, #tpu.memory_space<hbm>>) dst(%arg6 : memref<104x568xf32, #tpu.memory_space<vmem>>)
      %mul3A_39 = arith.constant 104 : i32
      %mul3A_40 = arith.muli %add3A_33, %mul3A_39 : i32
      %add3A_41 = arith.addi %mul3A_2, %mul3A_40 : i32
      "tpu.region"() ({
        %run_scoped3A = tpu.sem_alloc : memref<!tpu.dma_semaphore, #tpu.memory_space<semaphore_mem>>
        %dma_start3A_56 = arith.constant 0 : i32
        %dma_start3A_57 = tpu.memref_slice %arg4[%add3A_41, %dma_start3A_56] : memref<13312x568xf32, #tpu.memory_space<hbm>> -> memref<104x568xf32, #tpu.memory_space<hbm>>
        %dma_start3A_58 = arith.constant 0 : i32
        %dma_start3A_59 = tpu.memref_slice %arg4[%add3A_41, %dma_start3A_58] : memref<13312x568xf32, #tpu.memory_space<hbm>> -> memref<104x568xf32, #tpu.memory_space<hbm>>
        tpu.enqueue_dma source(%arg6 : memref<104x568xf32, #tpu.memory_space<vmem>>) target(%dma_start3A_59 : memref<104x568xf32, #tpu.memory_space<hbm>>) target_semaphore(%run_scoped3A : memref<!tpu.dma_semaphore, #tpu.memory_space<semaphore_mem>>)
        %dma_wait3A_60 = arith.constant 0 : i32
        %dma_wait3A_61 = tpu.memref_slice %arg4[%add3A_41, %dma_wait3A_60] : memref<13312x568xf32, #tpu.memory_space<hbm>> -> memref<104x568xf32, #tpu.memory_space<hbm>>
        %dma_wait3A_62 = arith.constant 0 : i32
        %dma_wait3A_63 = tpu.memref_slice %arg4[%add3A_41, %dma_wait3A_62] : memref<13312x568xf32, #tpu.memory_space<hbm>> -> memref<104x568xf32, #tpu.memory_space<hbm>>
        tpu.wait_dma2 semaphore(%run_scoped3A : memref<!tpu.dma_semaphore, #tpu.memory_space<semaphore_mem>>) src(%arg6 : memref<104x568xf32, #tpu.memory_space<vmem>>) dst(%dma_wait3A_63 : memref<104x568xf32, #tpu.memory_space<hbm>>)
        tpu.yield
      }) : () -> ()
      %mul3A_42 = arith.constant 2 : i32
      %mul3A_43 = arith.muli %scan3A_9, %mul3A_42 : i32
      %add3A_44 = arith.constant 1 : i32
      %add3A_45 = arith.addi %mul3A_43, %add3A_44 : i32
      %dma_wait3A_46 = arith.constant 0 : i32
      %dma_wait3A_47 = tpu.memref_slice %arg5[%add3A_23, %dma_wait3A_46] : memref<4x104xi32, #tpu.memory_space<vmem>> -> memref<1x104xi32, #tpu.memory_space<vmem>>
      %dma_wait3A_48 = tpu.memref_squeeze %dma_wait3A_47 : memref<1x104xi32, #tpu.memory_space<vmem>> -> memref<104xi32, #tpu.memory_space<vmem>>
      %dma_wait3A_49 = arith.constant 0 : i32
      %dma_wait3A_50 = arith.constant 0 : i32
      %dma_wait3A_51 = tpu.memref_slice %arg2[%dma_wait3A_49, %dma_wait3A_50] : memref<9152x568xf32, #tpu.memory_space<hbm>> -> memref<9152x568xf32, #tpu.memory_space<hbm>>
      tpu.wait_indirect_dma semaphore(%arg9 : memref<!tpu.dma_semaphore, #tpu.memory_space<semaphore_mem>>) src(%dma_wait3A_51 : memref<9152x568xf32, #tpu.memory_space<hbm>>) dst(%arg7 : memref<104x568xf32, #tpu.memory_space<vmem>>)
      %mul3A_52 = arith.constant 104 : i32
      %mul3A_53 = arith.muli %add3A_45, %mul3A_52 : i32
      %add3A_54 = arith.addi %mul3A_2, %mul3A_53 : i32
      "tpu.region"() ({
        %run_scoped3A = tpu.sem_alloc : memref<!tpu.dma_semaphore, #tpu.memory_space<semaphore_mem>>
        %dma_start3A_56 = arith.constant 0 : i32
        %dma_start3A_57 = tpu.memref_slice %arg4[%add3A_54, %dma_start3A_56] : memref<13312x568xf32, #tpu.memory_space<hbm>> -> memref<104x568xf32, #tpu.memory_space<hbm>>
        %dma_start3A_58 = arith.constant 0 : i32
        %dma_start3A_59 = tpu.memref_slice %arg4[%add3A_54, %dma_start3A_58] : memref<13312x568xf32, #tpu.memory_space<hbm>> -> memref<104x568xf32, #tpu.memory_space<hbm>>
        tpu.enqueue_dma source(%arg7 : memref<104x568xf32, #tpu.memory_space<vmem>>) target(%dma_start3A_59 : memref<104x568xf32, #tpu.memory_space<hbm>>) target_semaphore(%run_scoped3A : memref<!tpu.dma_semaphore, #tpu.memory_space<semaphore_mem>>)
        %dma_wait3A_60 = arith.constant 0 : i32
        %dma_wait3A_61 = tpu.memref_slice %arg4[%add3A_54, %dma_wait3A_60] : memref<13312x568xf32, #tpu.memory_space<hbm>> -> memref<104x568xf32, #tpu.memory_space<hbm>>
        %dma_wait3A_62 = arith.constant 0 : i32
        %dma_wait3A_63 = tpu.memref_slice %arg4[%add3A_54, %dma_wait3A_62] : memref<13312x568xf32, #tpu.memory_space<hbm>> -> memref<104x568xf32, #tpu.memory_space<hbm>>
        tpu.wait_dma2 semaphore(%run_scoped3A : memref<!tpu.dma_semaphore, #tpu.memory_space<semaphore_mem>>) src(%arg7 : memref<104x568xf32, #tpu.memory_space<vmem>>) dst(%dma_wait3A_63 : memref<104x568xf32, #tpu.memory_space<hbm>>)
        tpu.yield
      }) : () -> ()
      %scan3A_55 = arith.constant 0 : i32
      scf.yield %scan3A_55 : i32
    }
    %scan3A_8 = arith.constant 2 : i32
    return
  }
}

#map = affine_map<(d0, d1) -> (0, 0)>
#map1 = affine_map<(d0, d1) -> (0, 0, 0)>
module attributes {stable_mosaic.version = 14 : i64} {
  func.func @_sc_gather(%arg0: i32, %arg1: i32, %arg2: memref<9152x568xf32, #tpu.memory_space<hbm>>, %arg3: memref<32x4x104xi32, #tpu.memory_space<hbm>>, %arg4: memref<13312x568xf32, #tpu.memory_space<hbm>>, %arg5: memref<4x104xi32, #tpu.memory_space<vmem>>, %arg6: memref<104x568xf32, #tpu.memory_space<vmem>>, %arg7: memref<104x568xf32, #tpu.memory_space<vmem>>, %arg8: memref<!tpu.dma_semaphore, #tpu.memory_space<semaphore_mem>>, %arg9: memref<!tpu.dma_semaphore, #tpu.memory_space<semaphore_mem>>) attributes {dimension_semantics = [#tpu.dimension_semantics<core_parallel>, #tpu.dimension_semantics<subcore_parallel>], iteration_bounds = array<i64: 2, 16>, scalar_prefetch = 0 : i64, scratch_operands = 5 : i64, tpu.core_type = #tpu.core_type<sc_vector_subcore>, window_params = [{transform_indices = #map}, {transform_indices = #map1}, {transform_indices = #map}]} {
    %mul3A = arith.constant 2 : i32
    %mul3A_0 = arith.muli %arg1, %mul3A : i32
    %add3A = arith.addi %mul3A_0, %arg0 : i32
    %mul3A_1 = arith.constant 416 : i32
    %mul3A_2 = arith.muli %add3A, %mul3A_1 : i32
    "tpu.region"() ({
      %run_scoped3A = tpu.sem_alloc : memref<!tpu.dma_semaphore, #tpu.memory_space<semaphore_mem>>
      %dma_start3A = arith.constant 0 : i32
      %dma_start3A_9 = arith.constant 0 : i32
      %dma_start3A_10 = tpu.memref_slice %arg3[%add3A, %dma_start3A, %dma_start3A_9] : memref<32x4x104xi32, #tpu.memory_space<hbm>> -> memref<1x4x104xi32, #tpu.memory_space<hbm>>
      %dma_start3A_11 = tpu.memref_squeeze %dma_start3A_10 : memref<1x4x104xi32, #tpu.memory_space<hbm>> -> memref<4x104xi32, #tpu.memory_space<hbm>>
      %dma_start3A_12 = arith.constant 0 : i32
      %dma_start3A_13 = arith.constant 0 : i32
      %dma_start3A_14 = tpu.memref_slice %arg3[%add3A, %dma_start3A_12, %dma_start3A_13] : memref<32x4x104xi32, #tpu.memory_space<hbm>> -> memref<1x4x104xi32, #tpu.memory_space<hbm>>
      %dma_start3A_15 = tpu.memref_squeeze %dma_start3A_14 : memref<1x4x104xi32, #tpu.memory_space<hbm>> -> memref<4x104xi32, #tpu.memory_space<hbm>>
      tpu.enqueue_dma source(%dma_start3A_15 : memref<4x104xi32, #tpu.memory_space<hbm>>) target(%arg5 : memref<4x104xi32, #tpu.memory_space<vmem>>) target_semaphore(%run_scoped3A : memref<!tpu.dma_semaphore, #tpu.memory_space<semaphore_mem>>)
      %dma_wait3A = arith.constant 0 : i32
      %dma_wait3A_16 = arith.constant 0 : i32
      %dma_wait3A_17 = tpu.memref_slice %arg3[%add3A, %dma_wait3A, %dma_wait3A_16] : memref<32x4x104xi32, #tpu.memory_space<hbm>> -> memref<1x4x104xi32, #tpu.memory_space<hbm>>
      %dma_wait3A_18 = tpu.memref_squeeze %dma_wait3A_17 : memref<1x4x104xi32, #tpu.memory_space<hbm>> -> memref<4x104xi32, #tpu.memory_space<hbm>>
      %dma_wait3A_19 = arith.constant 0 : i32
      %dma_wait3A_20 = arith.constant 0 : i32
      %dma_wait3A_21 = tpu.memref_slice %arg3[%add3A, %dma_wait3A_19, %dma_wait3A_20] : memref<32x4x104xi32, #tpu.memory_space<hbm>> -> memref<1x4x104xi32, #tpu.memory_space<hbm>>
      %dma_wait3A_22 = tpu.memref_squeeze %dma_wait3A_21 : memref<1x4x104xi32, #tpu.memory_space<hbm>> -> memref<4x104xi32, #tpu.memory_space<hbm>>
      tpu.wait_dma2 semaphore(%run_scoped3A : memref<!tpu.dma_semaphore, #tpu.memory_space<semaphore_mem>>) src(%dma_wait3A_22 : memref<4x104xi32, #tpu.memory_space<hbm>>) dst(%arg5 : memref<4x104xi32, #tpu.memory_space<vmem>>)
      tpu.yield
    }) : () -> ()
    %scan3A = arith.constant 0 : i32
    %scan3A_3 = arith.constant 0 : i32
    %scan3A_4 = arith.constant 2 : i32
    %scan3A_5 = arith.addi %scan3A_3, %scan3A_4 : i32
    %scan3A_6 = arith.constant 1 : i32
    %scan3A_7 = scf.for %scan3A_9 = %scan3A_3 to %scan3A_5 step %scan3A_6 iter_args(%scan3A_10 = %scan3A) -> (i32)  : i32 {
      %mul3A_11 = arith.constant 2 : i32
      %mul3A_12 = arith.muli %scan3A_9, %mul3A_11 : i32
      %add3A_13 = arith.constant 0 : i32
      %add3A_14 = arith.addi %mul3A_12, %add3A_13 : i32
      %dma_start3A = arith.constant 0 : i32
      %dma_start3A_15 = tpu.memref_slice %arg5[%add3A_14, %dma_start3A] : memref<4x104xi32, #tpu.memory_space<vmem>> -> memref<1x104xi32, #tpu.memory_space<vmem>>
      %dma_start3A_16 = tpu.memref_squeeze %dma_start3A_15 : memref<1x104xi32, #tpu.memory_space<vmem>> -> memref<104xi32, #tpu.memory_space<vmem>>
      %dma_start3A_17 = arith.constant 0 : i32
      %dma_start3A_18 = arith.constant 0 : i32
      %dma_start3A_19 = tpu.memref_slice %arg2[%dma_start3A_17, %dma_start3A_18] : memref<9152x568xf32, #tpu.memory_space<hbm>> -> memref<9152x568xf32, #tpu.memory_space<hbm>>
      tpu.enqueue_indirect_dma source(%dma_start3A_19 : memref<9152x568xf32, #tpu.memory_space<hbm>>) target(%arg6 : memref<104x568xf32, #tpu.memory_space<vmem>>) offsets(%dma_start3A_16 : memref<104xi32, #tpu.memory_space<vmem>>) semaphore(%arg8 : memref<!tpu.dma_semaphore, #tpu.memory_space<semaphore_mem>>)
      %mul3A_20 = arith.constant 2 : i32
      %mul3A_21 = arith.muli %scan3A_9, %mul3A_20 : i32
      %add3A_22 = arith.constant 1 : i32
      %add3A_23 = arith.addi %mul3A_21, %add3A_22 : i32
      %dma_start3A_24 = arith.constant 0 : i32
      %dma_start3A_25 = tpu.memref_slice %arg5[%add3A_23, %dma_start3A_24] : memref<4x104xi32, #tpu.memory_space<vmem>> -> memref<1x104xi32, #tpu.memory_space<vmem>>
      %dma_start3A_26 = tpu.memref_squeeze %dma_start3A_25 : memref<1x104xi32, #tpu.memory_space<vmem>> -> memref<104xi32, #tpu.memory_space<vmem>>
      %dma_start3A_27 = arith.constant 0 : i32
      %dma_start3A_28 = arith.constant 0 : i32
      %dma_start3A_29 = tpu.memref_slice %arg2[%dma_start3A_27, %dma_start3A_28] : memref<9152x568xf32, #tpu.memory_space<hbm>> -> memref<9152x568xf32, #tpu.memory_space<hbm>>
      tpu.enqueue_indirect_dma source(%dma_start3A_29 : memref<9152x568xf32, #tpu.memory_space<hbm>>) target(%arg7 : memref<104x568xf32, #tpu.memory_space<vmem>>) offsets(%dma_start3A_26 : memref<104xi32, #tpu.memory_space<vmem>>) semaphore(%arg9 : memref<!tpu.dma_semaphore, #tpu.memory_space<semaphore_mem>>)
      %mul3A_30 = arith.constant 2 : i32
      %mul3A_31 = arith.muli %scan3A_9, %mul3A_30 : i32
      %add3A_32 = arith.constant 0 : i32
      %add3A_33 = arith.addi %mul3A_31, %add3A_32 : i32
      %dma_wait3A = arith.constant 0 : i32
      %dma_wait3A_34 = tpu.memref_slice %arg5[%add3A_14, %dma_wait3A] : memref<4x104xi32, #tpu.memory_space<vmem>> -> memref<1x104xi32, #tpu.memory_space<vmem>>
      %dma_wait3A_35 = tpu.memref_squeeze %dma_wait3A_34 : memref<1x104xi32, #tpu.memory_space<vmem>> -> memref<104xi32, #tpu.memory_space<vmem>>
      %dma_wait3A_36 = arith.constant 0 : i32
      %dma_wait3A_37 = arith.constant 0 : i32
      %dma_wait3A_38 = tpu.memref_slice %arg2[%dma_wait3A_36, %dma_wait3A_37] : memref<9152x568xf32, #tpu.memory_space<hbm>> -> memref<9152x568xf32, #tpu.memory_space<hbm>>
      tpu.wait_indirect_dma semaphore(%arg8 : memref<!tpu.dma_semaphore, #tpu.memory_space<semaphore_mem>>) src(%dma_wait3A_38 : memref<9152x568xf32, #tpu.memory_space<hbm>>) dst(%arg6 : memref<104x568xf32, #tpu.memory_space<vmem>>)
      %mul3A_39 = arith.constant 104 : i32
      %mul3A_40 = arith.muli %add3A_33, %mul3A_39 : i32
      %add3A_41 = arith.addi %mul3A_2, %mul3A_40 : i32
      "tpu.region"() ({
        %run_scoped3A = tpu.sem_alloc : memref<!tpu.dma_semaphore, #tpu.memory_space<semaphore_mem>>
        %dma_start3A_56 = arith.constant 0 : i32
        %dma_start3A_57 = tpu.memref_slice %arg4[%add3A_41, %dma_start3A_56] : memref<13312x568xf32, #tpu.memory_space<hbm>> -> memref<104x568xf32, #tpu.memory_space<hbm>>
        %dma_start3A_58 = arith.constant 0 : i32
        %dma_start3A_59 = tpu.memref_slice %arg4[%add3A_41, %dma_start3A_58] : memref<13312x568xf32, #tpu.memory_space<hbm>> -> memref<104x568xf32, #tpu.memory_space<hbm>>
        tpu.enqueue_dma source(%arg6 : memref<104x568xf32, #tpu.memory_space<vmem>>) target(%dma_start3A_59 : memref<104x568xf32, #tpu.memory_space<hbm>>) target_semaphore(%run_scoped3A : memref<!tpu.dma_semaphore, #tpu.memory_space<semaphore_mem>>)
        %dma_wait3A_60 = arith.constant 0 : i32
        %dma_wait3A_61 = tpu.memref_slice %arg4[%add3A_41, %dma_wait3A_60] : memref<13312x568xf32, #tpu.memory_space<hbm>> -> memref<104x568xf32, #tpu.memory_space<hbm>>
        %dma_wait3A_62 = arith.constant 0 : i32
        %dma_wait3A_63 = tpu.memref_slice %arg4[%add3A_41, %dma_wait3A_62] : memref<13312x568xf32, #tpu.memory_space<hbm>> -> memref<104x568xf32, #tpu.memory_space<hbm>>
        tpu.wait_dma2 semaphore(%run_scoped3A : memref<!tpu.dma_semaphore, #tpu.memory_space<semaphore_mem>>) src(%arg6 : memref<104x568xf32, #tpu.memory_space<vmem>>) dst(%dma_wait3A_63 : memref<104x568xf32, #tpu.memory_space<hbm>>)
        tpu.yield
      }) : () -> ()
      %mul3A_42 = arith.constant 2 : i32
      %mul3A_43 = arith.muli %scan3A_9, %mul3A_42 : i32
      %add3A_44 = arith.constant 1 : i32
      %add3A_45 = arith.addi %mul3A_43, %add3A_44 : i32
      %dma_wait3A_46 = arith.constant 0 : i32
      %dma_wait3A_47 = tpu.memref_slice %arg5[%add3A_23, %dma_wait3A_46] : memref<4x104xi32, #tpu.memory_space<vmem>> -> memref<1x104xi32, #tpu.memory_space<vmem>>
      %dma_wait3A_48 = tpu.memref_squeeze %dma_wait3A_47 : memref<1x104xi32, #tpu.memory_space<vmem>> -> memref<104xi32, #tpu.memory_space<vmem>>
      %dma_wait3A_49 = arith.constant 0 : i32
      %dma_wait3A_50 = arith.constant 0 : i32
      %dma_wait3A_51 = tpu.memref_slice %arg2[%dma_wait3A_49, %dma_wait3A_50] : memref<9152x568xf32, #tpu.memory_space<hbm>> -> memref<9152x568xf32, #tpu.memory_space<hbm>>
      tpu.wait_indirect_dma semaphore(%arg9 : memref<!tpu.dma_semaphore, #tpu.memory_space<semaphore_mem>>) src(%dma_wait3A_51 : memref<9152x568xf32, #tpu.memory_space<hbm>>) dst(%arg7 : memref<104x568xf32, #tpu.memory_space<vmem>>)
      %mul3A_52 = arith.constant 104 : i32
      %mul3A_53 = arith.muli %add3A_45, %mul3A_52 : i32
      %add3A_54 = arith.addi %mul3A_2, %mul3A_53 : i32
      "tpu.region"() ({
        %run_scoped3A = tpu.sem_alloc : memref<!tpu.dma_semaphore, #tpu.memory_space<semaphore_mem>>
        %dma_start3A_56 = arith.constant 0 : i32
        %dma_start3A_57 = tpu.memref_slice %arg4[%add3A_54, %dma_start3A_56] : memref<13312x568xf32, #tpu.memory_space<hbm>> -> memref<104x568xf32, #tpu.memory_space<hbm>>
        %dma_start3A_58 = arith.constant 0 : i32
        %dma_start3A_59 = tpu.memref_slice %arg4[%add3A_54, %dma_start3A_58] : memref<13312x568xf32, #tpu.memory_space<hbm>> -> memref<104x568xf32, #tpu.memory_space<hbm>>
        tpu.enqueue_dma source(%arg7 : memref<104x568xf32, #tpu.memory_space<vmem>>) target(%dma_start3A_59 : memref<104x568xf32, #tpu.memory_space<hbm>>) target_semaphore(%run_scoped3A : memref<!tpu.dma_semaphore, #tpu.memory_space<semaphore_mem>>)
        %dma_wait3A_60 = arith.constant 0 : i32
        %dma_wait3A_61 = tpu.memref_slice %arg4[%add3A_54, %dma_wait3A_60] : memref<13312x568xf32, #tpu.memory_space<hbm>> -> memref<104x568xf32, #tpu.memory_space<hbm>>
        %dma_wait3A_62 = arith.constant 0 : i32
        %dma_wait3A_63 = tpu.memref_slice %arg4[%add3A_54, %dma_wait3A_62] : memref<13312x568xf32, #tpu.memory_space<hbm>> -> memref<104x568xf32, #tpu.memory_space<hbm>>
        tpu.wait_dma2 semaphore(%run_scoped3A : memref<!tpu.dma_semaphore, #tpu.memory_space<semaphore_mem>>) src(%arg7 : memref<104x568xf32, #tpu.memory_space<vmem>>) dst(%dma_wait3A_63 : memref<104x568xf32, #tpu.memory_space<hbm>>)
        tpu.yield
      }) : () -> ()
      %scan3A_55 = arith.constant 0 : i32
      scf.yield %scan3A_55 : i32
    }
    %scan3A_8 = arith.constant 2 : i32
    return
  }
}

module attributes {stable_mosaic.version = 14 : i64} {
  func.func @_table_kernel(%arg0: i32, %arg1: memref<4x284xf32, #tpu.memory_space<vmem>>, %arg2: memref<143x284xf32, #tpu.memory_space<vmem>>, %arg3: memref<143x284xf32, #tpu.memory_space<vmem>>, %arg4: memref<2x284xf32, #tpu.memory_space<vmem>>, %arg5: memref<1x284xf32, #tpu.memory_space<vmem>>, %arg6: memref<1x284xf32, #tpu.memory_space<vmem>>, %arg7: memref<1x143x568xf32, #tpu.memory_space<vmem>>) attributes {dimension_semantics = [#tpu.dimension_semantics<arbitrary>], iteration_bounds = array<i64: 64>, scalar_prefetch = 0 : i64, scratch_operands = 0 : i64, tpu.core_type = #tpu.core_type<tc>, window_params = [{pipeline_mode = #tpu.pipeline_mode<synchronous>, transform_indices = @transform_0, window_bounds = array<i64: 4, 284>}, {pipeline_mode = #tpu.pipeline_mode<synchronous>, transform_indices = @transform_1, window_bounds = array<i64: 143, 284>}, {pipeline_mode = #tpu.pipeline_mode<synchronous>, transform_indices = @transform_2, window_bounds = array<i64: 143, 284>}, {pipeline_mode = #tpu.pipeline_mode<synchronous>, transform_indices = @transform_3, window_bounds = array<i64: 2, 284>}, {pipeline_mode = #tpu.pipeline_mode<synchronous>, transform_indices = @transform_4, window_bounds = array<i64: 1, 284>}, {pipeline_mode = #tpu.pipeline_mode<synchronous>, transform_indices = @transform_5, window_bounds = array<i64: 1, 284>}, {transform_indices = @transform_6, window_bounds = array<i64: 1, 143, 568>}]} {
    %jit3A = arith.constant 8 : i32
    %div3A = arith.divsi %arg0, %jit3A : i32
    %sign3A = arith.constant 0 : i32
    %sign3A_0 = arith.cmpi sgt, %arg0, %sign3A : i32
    %sign3A_1 = arith.extui %sign3A_0 : i1 to i32
    %sign3A_2 = arith.constant 0 : i32
    %sign3A_3 = arith.cmpi slt, %arg0, %sign3A_2 : i32
    %sign3A_4 = arith.extui %sign3A_3 : i1 to i32
    %sign3A_5 = arith.subi %sign3A_1, %sign3A_4 : i32
    %sign3A_6 = arith.constant 0 : i32
    %sign3A_7 = arith.cmpi sgt, %jit3A, %sign3A_6 : i32
    %sign3A_8 = arith.extui %sign3A_7 : i1 to i32
    %sign3A_9 = arith.constant 0 : i32
    %sign3A_10 = arith.cmpi slt, %jit3A, %sign3A_9 : i32
    %sign3A_11 = arith.extui %sign3A_10 : i1 to i32
    %sign3A_12 = arith.subi %sign3A_8, %sign3A_11 : i32
    %ne3A = arith.cmpi ne, %sign3A_5, %sign3A_12 : i32
    %rem3A = arith.remsi %arg0, %jit3A : i32
    %ne3A_13 = arith.constant 0 : i32
    %ne3A_14 = arith.cmpi ne, %rem3A, %ne3A_13 : i32
    %and3A = arith.andi %ne3A, %ne3A_14 : i1
    %sub3A = arith.constant 1 : i32
    %sub3A_15 = arith.subi %div3A, %sub3A : i32
    %select_n3A = arith.select %and3A, %sub3A_15, %div3A : i32
    %jit3A_16 = arith.constant 8 : i32
    %eq3A = arith.constant 0 : i32
    %eq3A_17 = arith.cmpi eq, %jit3A_16, %eq3A : i32
    %jit3A_18 = arith.constant 1 : i32
    %select_n3A_19 = arith.select %eq3A_17, %jit3A_18, %jit3A_16 : i32
    %rem3A_20 = arith.remsi %arg0, %select_n3A_19 : i32
    %ne3A_21 = arith.constant 0 : i32
    %ne3A_22 = arith.cmpi ne, %rem3A_20, %ne3A_21 : i32
    %lt3A = arith.constant 0 : i32
    %lt3A_23 = arith.cmpi slt, %rem3A_20, %lt3A : i32
    %lt3A_24 = arith.constant 0 : i32
    %lt3A_25 = arith.cmpi slt, %select_n3A_19, %lt3A_24 : i32
    %ne3A_26 = arith.xori %lt3A_23, %lt3A_25 : i1
    %and3A_27 = arith.andi %ne3A_26, %ne3A_22 : i1
    %add3A = arith.addi %rem3A_20, %select_n3A_19 : i32
    %select_n3A_28 = arith.select %and3A_27, %add3A, %rem3A_20 : i32
    %jit3A_29 = arith.constant 2 : i32
    %div3A_30 = arith.divsi %select_n3A, %jit3A_29 : i32
    %sign3A_31 = arith.constant 0 : i32
    %sign3A_32 = arith.cmpi sgt, %select_n3A, %sign3A_31 : i32
    %sign3A_33 = arith.extui %sign3A_32 : i1 to i32
    %sign3A_34 = arith.constant 0 : i32
    %sign3A_35 = arith.cmpi slt, %select_n3A, %sign3A_34 : i32
    %sign3A_36 = arith.extui %sign3A_35 : i1 to i32
    %sign3A_37 = arith.subi %sign3A_33, %sign3A_36 : i32
    %sign3A_38 = arith.constant 0 : i32
    %sign3A_39 = arith.cmpi sgt, %jit3A_29, %sign3A_38 : i32
    %sign3A_40 = arith.extui %sign3A_39 : i1 to i32
    %sign3A_41 = arith.constant 0 : i32
    %sign3A_42 = arith.cmpi slt, %jit3A_29, %sign3A_41 : i32
    %sign3A_43 = arith.extui %sign3A_42 : i1 to i32
    %sign3A_44 = arith.subi %sign3A_40, %sign3A_43 : i32
    %ne3A_45 = arith.cmpi ne, %sign3A_37, %sign3A_44 : i32
    %rem3A_46 = arith.remsi %select_n3A, %jit3A_29 : i32
    %ne3A_47 = arith.constant 0 : i32
    %ne3A_48 = arith.cmpi ne, %rem3A_46, %ne3A_47 : i32
    %and3A_49 = arith.andi %ne3A_45, %ne3A_48 : i1
    %sub3A_50 = arith.constant 1 : i32
    %sub3A_51 = arith.subi %div3A_30, %sub3A_50 : i32
    %select_n3A_52 = arith.select %and3A_49, %sub3A_51, %div3A_30 : i32
    %jit3A_53 = arith.constant 2 : i32
    %eq3A_54 = arith.constant 0 : i32
    %eq3A_55 = arith.cmpi eq, %jit3A_53, %eq3A_54 : i32
    %jit3A_56 = arith.constant 1 : i32
    %select_n3A_57 = arith.select %eq3A_55, %jit3A_56, %jit3A_53 : i32
    %rem3A_58 = arith.remsi %select_n3A, %select_n3A_57 : i32
    %ne3A_59 = arith.constant 0 : i32
    %ne3A_60 = arith.cmpi ne, %rem3A_58, %ne3A_59 : i32
    %lt3A_61 = arith.constant 0 : i32
    %lt3A_62 = arith.cmpi slt, %rem3A_58, %lt3A_61 : i32
    %lt3A_63 = arith.constant 0 : i32
    %lt3A_64 = arith.cmpi slt, %select_n3A_57, %lt3A_63 : i32
    %ne3A_65 = arith.xori %lt3A_62, %lt3A_64 : i1
    %and3A_66 = arith.andi %ne3A_65, %ne3A_60 : i1
    %add3A_67 = arith.addi %rem3A_58, %select_n3A_57 : i32
    %select_n3A_68 = arith.select %and3A_66, %add3A_67, %rem3A_58 : i32
    %jit3A_69 = arith.constant 2 : i32
    %div3A_70 = arith.divsi %select_n3A_28, %jit3A_69 : i32
    %sign3A_71 = arith.constant 0 : i32
    %sign3A_72 = arith.cmpi sgt, %select_n3A_28, %sign3A_71 : i32
    %sign3A_73 = arith.extui %sign3A_72 : i1 to i32
    %sign3A_74 = arith.constant 0 : i32
    %sign3A_75 = arith.cmpi slt, %select_n3A_28, %sign3A_74 : i32
    %sign3A_76 = arith.extui %sign3A_75 : i1 to i32
    %sign3A_77 = arith.subi %sign3A_73, %sign3A_76 : i32
    %sign3A_78 = arith.constant 0 : i32
    %sign3A_79 = arith.cmpi sgt, %jit3A_69, %sign3A_78 : i32
    %sign3A_80 = arith.extui %sign3A_79 : i1 to i32
    %sign3A_81 = arith.constant 0 : i32
    %sign3A_82 = arith.cmpi slt, %jit3A_69, %sign3A_81 : i32
    %sign3A_83 = arith.extui %sign3A_82 : i1 to i32
    %sign3A_84 = arith.subi %sign3A_80, %sign3A_83 : i32
    %ne3A_85 = arith.cmpi ne, %sign3A_77, %sign3A_84 : i32
    %rem3A_86 = arith.remsi %select_n3A_28, %jit3A_69 : i32
    %ne3A_87 = arith.constant 0 : i32
    %ne3A_88 = arith.cmpi ne, %rem3A_86, %ne3A_87 : i32
    %and3A_89 = arith.andi %ne3A_85, %ne3A_88 : i1
    %sub3A_90 = arith.constant 1 : i32
    %sub3A_91 = arith.subi %div3A_70, %sub3A_90 : i32
    %select_n3A_92 = arith.select %and3A_89, %sub3A_91, %div3A_70 : i32
    %jit3A_93 = arith.constant 2 : i32
    %eq3A_94 = arith.constant 0 : i32
    %eq3A_95 = arith.cmpi eq, %jit3A_93, %eq3A_94 : i32
    %jit3A_96 = arith.constant 1 : i32
    %select_n3A_97 = arith.select %eq3A_95, %jit3A_96, %jit3A_93 : i32
    %rem3A_98 = arith.remsi %select_n3A_28, %select_n3A_97 : i32
    %ne3A_99 = arith.constant 0 : i32
    %ne3A_100 = arith.cmpi ne, %rem3A_98, %ne3A_99 : i32
    %lt3A_101 = arith.constant 0 : i32
    %lt3A_102 = arith.cmpi slt, %rem3A_98, %lt3A_101 : i32
    %lt3A_103 = arith.constant 0 : i32
    %lt3A_104 = arith.cmpi slt, %select_n3A_97, %lt3A_103 : i32
    %ne3A_105 = arith.xori %lt3A_102, %lt3A_104 : i1
    %and3A_106 = arith.andi %ne3A_105, %ne3A_100 : i1
    %add3A_107 = arith.addi %rem3A_98, %select_n3A_97 : i32
    %select_n3A_108 = arith.select %and3A_106, %add3A_107, %rem3A_98 : i32
    %get3A = arith.constant 0 : index
    %get3A_109 = arith.constant 0 : index
    %get3A_110 = vector.load %arg5[%get3A, %get3A_109] : memref<1x284xf32, #tpu.memory_space<vmem>>, vector<1x284xf32>
    %get3A_111 = vector.shape_cast %get3A_110 : vector<1x284xf32> to vector<284xf32>
    %broadcast_in_dim3A = vector.shape_cast %get3A_111 : vector<284xf32> to vector<1x284xf32>
    %get3A_112 = arith.constant 0 : index
    %get3A_113 = arith.constant 0 : index
    %get3A_114 = vector.load %arg6[%get3A_112, %get3A_113] : memref<1x284xf32, #tpu.memory_space<vmem>>, vector<1x284xf32>
    %get3A_115 = vector.shape_cast %get3A_114 : vector<1x284xf32> to vector<284xf32>
    %broadcast_in_dim3A_116 = vector.shape_cast %get3A_115 : vector<284xf32> to vector<1x284xf32>
    %get3A_117 = arith.index_cast %select_n3A_52 : i32 to index
    %get3A_118 = arith.constant 0 : index
    %get3A_119 = vector.load %arg1[%get3A_117, %get3A_118] : memref<4x284xf32, #tpu.memory_space<vmem>>, vector<1x284xf32>
    %get3A_120 = arith.index_cast %select_n3A_68 : i32 to index
    %get3A_121 = arith.constant 0 : index
    %get3A_122 = vector.load %arg4[%get3A_120, %get3A_121] : memref<2x284xf32, #tpu.memory_space<vmem>>, vector<1x284xf32>
    %add3A_123 = arith.addf %get3A_119, %get3A_122 : vector<1x284xf32>
    %get3A_124 = arith.index_cast %select_n3A_92 : i32 to index
    %get3A_125 = arith.constant 0 : index
    %get3A_126 = vector.load %arg1[%get3A_124, %get3A_125] : memref<4x284xf32, #tpu.memory_space<vmem>>, vector<1x284xf32>
    %get3A_127 = arith.index_cast %select_n3A_108 : i32 to index
    %get3A_128 = arith.constant 0 : index
    %get3A_129 = vector.load %arg4[%get3A_127, %get3A_128] : memref<2x284xf32, #tpu.memory_space<vmem>>, vector<1x284xf32>
    %add3A_130 = arith.addf %get3A_126, %get3A_129 : vector<1x284xf32>
    %get3A_131 = arith.constant 0 : index
    %get3A_132 = arith.constant 0 : index
    %get3A_133 = vector.load %arg2[%get3A_131, %get3A_132] : memref<143x284xf32, #tpu.memory_space<vmem>>, vector<143x284xf32>
    %add3A_134 = vector.broadcast %add3A_123 : vector<1x284xf32> to vector<143x284xf32>
    %add3A_135 = arith.addf %add3A_134, %get3A_133 : vector<143x284xf32>
    %reduce_sum3A = arith.constant dense<0.000000e+00> : vector<143xf32>
    %reduce_sum3A_136 = vector.multi_reduction <add>, %add3A_135, %reduce_sum3A [1] : vector<143x284xf32> to vector<143xf32>
    %broadcast_in_dim3A_137 = vector.shape_cast %reduce_sum3A_136 : vector<143xf32> to vector<143x1xf32>
    %div3A_138 = arith.constant 2.840000e+02 : f32
    %div3A_139 = vector.broadcast %div3A_138 : f32 to vector<143x1xf32>
    %div3A_140 = arith.divf %broadcast_in_dim3A_137, %div3A_139 : vector<143x1xf32>
    %sub3A_141 = vector.broadcast %div3A_140 : vector<143x1xf32> to vector<143x284xf32>
    %sub3A_142 = arith.subf %add3A_135, %sub3A_141 : vector<143x284xf32>
    %mul3A = arith.mulf %sub3A_142, %sub3A_142 : vector<143x284xf32>
    %reduce_sum3A_143 = arith.constant dense<0.000000e+00> : vector<143xf32>
    %reduce_sum3A_144 = vector.multi_reduction <add>, %mul3A, %reduce_sum3A_143 [1] : vector<143x284xf32> to vector<143xf32>
    %broadcast_in_dim3A_145 = vector.shape_cast %reduce_sum3A_144 : vector<143xf32> to vector<143x1xf32>
    %div3A_146 = arith.constant 2.840000e+02 : f32
    %div3A_147 = vector.broadcast %div3A_146 : f32 to vector<143x1xf32>
    %div3A_148 = arith.divf %broadcast_in_dim3A_145, %div3A_147 : vector<143x1xf32>
    %add3A_149 = arith.constant 9.99999974E-6 : f32
    %add3A_150 = vector.broadcast %add3A_149 : f32 to vector<143x1xf32>
    %add3A_151 = arith.addf %div3A_148, %add3A_150 : vector<143x1xf32>
    %rsqrt3A = math.rsqrt %add3A_151 : vector<143x1xf32>
    %mul3A_152 = vector.broadcast %rsqrt3A : vector<143x1xf32> to vector<143x284xf32>
    %mul3A_153 = arith.mulf %sub3A_142, %mul3A_152 : vector<143x284xf32>
    %mul3A_154 = vector.broadcast %broadcast_in_dim3A : vector<1x284xf32> to vector<143x284xf32>
    %mul3A_155 = arith.mulf %mul3A_153, %mul3A_154 : vector<143x284xf32>
    %add3A_156 = vector.broadcast %broadcast_in_dim3A_116 : vector<1x284xf32> to vector<143x284xf32>
    %add3A_157 = arith.addf %mul3A_155, %add3A_156 : vector<143x284xf32>
    %get3A_158 = arith.constant 0 : index
    %get3A_159 = arith.constant 0 : index
    %get3A_160 = vector.load %arg3[%get3A_158, %get3A_159] : memref<143x284xf32, #tpu.memory_space<vmem>>, vector<143x284xf32>
    %add3A_161 = vector.broadcast %add3A_130 : vector<1x284xf32> to vector<143x284xf32>
    %add3A_162 = arith.addf %add3A_161, %get3A_160 : vector<143x284xf32>
    %reduce_sum3A_163 = arith.constant dense<0.000000e+00> : vector<143xf32>
    %reduce_sum3A_164 = vector.multi_reduction <add>, %add3A_162, %reduce_sum3A_163 [1] : vector<143x284xf32> to vector<143xf32>
    %broadcast_in_dim3A_165 = vector.shape_cast %reduce_sum3A_164 : vector<143xf32> to vector<143x1xf32>
    %div3A_166 = arith.constant 2.840000e+02 : f32
    %div3A_167 = vector.broadcast %div3A_166 : f32 to vector<143x1xf32>
    %div3A_168 = arith.divf %broadcast_in_dim3A_165, %div3A_167 : vector<143x1xf32>
    %sub3A_169 = vector.broadcast %div3A_168 : vector<143x1xf32> to vector<143x284xf32>
    %sub3A_170 = arith.subf %add3A_162, %sub3A_169 : vector<143x284xf32>
    %mul3A_171 = arith.mulf %sub3A_170, %sub3A_170 : vector<143x284xf32>
    %reduce_sum3A_172 = arith.constant dense<0.000000e+00> : vector<143xf32>
    %reduce_sum3A_173 = vector.multi_reduction <add>, %mul3A_171, %reduce_sum3A_172 [1] : vector<143x284xf32> to vector<143xf32>
    %broadcast_in_dim3A_174 = vector.shape_cast %reduce_sum3A_173 : vector<143xf32> to vector<143x1xf32>
    %div3A_175 = arith.constant 2.840000e+02 : f32
    %div3A_176 = vector.broadcast %div3A_175 : f32 to vector<143x1xf32>
    %div3A_177 = arith.divf %broadcast_in_dim3A_174, %div3A_176 : vector<143x1xf32>
    %add3A_178 = arith.constant 9.99999974E-6 : f32
    %add3A_179 = vector.broadcast %add3A_178 : f32 to vector<143x1xf32>
    %add3A_180 = arith.addf %div3A_177, %add3A_179 : vector<143x1xf32>
    %rsqrt3A_181 = math.rsqrt %add3A_180 : vector<143x1xf32>
    %mul3A_182 = vector.broadcast %rsqrt3A_181 : vector<143x1xf32> to vector<143x284xf32>
    %mul3A_183 = arith.mulf %sub3A_170, %mul3A_182 : vector<143x284xf32>
    %mul3A_184 = vector.broadcast %broadcast_in_dim3A : vector<1x284xf32> to vector<143x284xf32>
    %mul3A_185 = arith.mulf %mul3A_183, %mul3A_184 : vector<143x284xf32>
    %add3A_186 = vector.broadcast %broadcast_in_dim3A_116 : vector<1x284xf32> to vector<143x284xf32>
    %add3A_187 = arith.addf %mul3A_185, %add3A_186 : vector<143x284xf32>
    %concatenate3A = tpu.concatenate %add3A_157, %add3A_187 in 1 : vector<143x284xf32>, vector<143x284xf32> -> vector<143x568xf32>
    %swap3A = arith.constant 0 : index
    %swap3A_188 = arith.constant 0 : index
    %swap3A_189 = arith.constant 0 : index
    %swap3A_190 = vector.load %arg7[%swap3A, %swap3A_188, %swap3A_189] : memref<1x143x568xf32, #tpu.memory_space<vmem>>, vector<1x143x568xf32>
    %swap3A_191 = vector.shape_cast %swap3A_190 : vector<1x143x568xf32> to vector<143x568xf32>
    %swap3A_192 = vector.shape_cast %concatenate3A : vector<143x568xf32> to vector<1x143x568xf32>
    tpu.vector_store %arg7[%swap3A, %swap3A_188, %swap3A_189], %swap3A_192 {strides = array<i32>} : memref<1x143x568xf32, #tpu.memory_space<vmem>>, vector<1x143x568xf32>,
    return
  }
  func.func @transform_0(%arg0: i32) -> (i32, i32) {
    %c0_i32 = arith.constant 0 : i32
    %c0_i32_0 = arith.constant 0 : i32
    %c0_i32_1 = arith.constant 0 : i32
    return %c0_i32, %c0_i32_0 : i32, i32
  }
  func.func @transform_1(%arg0: i32) -> (i32, i32) {
    %c0_i32 = arith.constant 0 : i32
    %c0_i32_0 = arith.constant 0 : i32
    %c0_i32_1 = arith.constant 0 : i32
    return %c0_i32, %c0_i32_0 : i32, i32
  }
  func.func @transform_2(%arg0: i32) -> (i32, i32) {
    %c0_i32 = arith.constant 0 : i32
    %c0_i32_0 = arith.constant 0 : i32
    %c0_i32_1 = arith.constant 0 : i32
    return %c0_i32, %c0_i32_0 : i32, i32
  }
  func.func @transform_3(%arg0: i32) -> (i32, i32) {
    %c0_i32 = arith.constant 0 : i32
    %c0_i32_0 = arith.constant 0 : i32
    %c0_i32_1 = arith.constant 0 : i32
    return %c0_i32, %c0_i32_0 : i32, i32
  }
  func.func @transform_4(%arg0: i32) -> (i32, i32) {
    %c0_i32 = arith.constant 0 : i32
    %c0_i32_0 = arith.constant 0 : i32
    %c0_i32_1 = arith.constant 0 : i32
    return %c0_i32, %c0_i32_0 : i32, i32
  }
  func.func @transform_5(%arg0: i32) -> (i32, i32) {
    %c0_i32 = arith.constant 0 : i32
    %c0_i32_0 = arith.constant 0 : i32
    %c0_i32_1 = arith.constant 0 : i32
    return %c0_i32, %c0_i32_0 : i32, i32
  }
  func.func @transform_6(%arg0: i32) -> (i32, i32, i32) {
    %c0_i32 = arith.constant 0 : i32
    %c0_i32_0 = arith.constant 0 : i32
    %c0_i32_1 = arith.constant 0 : i32
    return %arg0, %c0_i32, %c0_i32_0 : i32, i32, i32
  }
}

module attributes {stable_mosaic.version = 14 : i64} {
  func.func @_rows_kernel(%arg0: memref<1024x143xi32, #tpu.memory_space<vmem>>, %arg1: memref<1024x143xi32, #tpu.memory_space<vmem>>, %arg2: memref<1024x143xi32, #tpu.memory_space<vmem>>, %arg3: memref<1024x143xi32, #tpu.memory_space<vmem>>, %arg4: memref<1024x143xi32, #tpu.memory_space<vmem>>) attributes {dimension_semantics = [], scalar_prefetch = 0 : i64, scratch_operands = 0 : i64, tpu.core_type = #tpu.core_type<tc>} {
    %get3A = arith.constant 0 : index
    %get3A_0 = arith.constant 0 : index
    %get3A_1 = vector.load %arg0[%get3A, %get3A_0] : memref<1024x143xi32, #tpu.memory_space<vmem>>, vector<1024x143xi32>
    %mul3A = arith.constant 2 : i32
    %mul3A_2 = vector.broadcast %mul3A : i32 to vector<1024x143xi32>
    %mul3A_3 = arith.muli %get3A_1, %mul3A_2 : vector<1024x143xi32>
    %get3A_4 = arith.constant 0 : index
    %get3A_5 = arith.constant 0 : index
    %get3A_6 = vector.load %arg2[%get3A_4, %get3A_5] : memref<1024x143xi32, #tpu.memory_space<vmem>>, vector<1024x143xi32>
    %add3A = arith.addi %mul3A_3, %get3A_6 : vector<1024x143xi32>
    %get3A_7 = arith.constant 0 : index
    %get3A_8 = arith.constant 0 : index
    %get3A_9 = vector.load %arg1[%get3A_7, %get3A_8] : memref<1024x143xi32, #tpu.memory_space<vmem>>, vector<1024x143xi32>
    %mul3A_10 = arith.constant 2 : i32
    %mul3A_11 = vector.broadcast %mul3A_10 : i32 to vector<1024x143xi32>
    %mul3A_12 = arith.muli %get3A_9, %mul3A_11 : vector<1024x143xi32>
    %get3A_13 = arith.constant 0 : index
    %get3A_14 = arith.constant 0 : index
    %get3A_15 = vector.load %arg3[%get3A_13, %get3A_14] : memref<1024x143xi32, #tpu.memory_space<vmem>>, vector<1024x143xi32>
    %add3A_16 = arith.addi %mul3A_12, %get3A_15 : vector<1024x143xi32>
    %iota3A = tpu.iota {dimensions = array<i32: 1>} : vector<1024x143xi32>
    %mul3A_17 = arith.constant 8 : i32
    %mul3A_18 = vector.broadcast %mul3A_17 : i32 to vector<1024x143xi32>
    %mul3A_19 = arith.muli %add3A, %mul3A_18 : vector<1024x143xi32>
    %add3A_20 = arith.addi %mul3A_19, %add3A_16 : vector<1024x143xi32>
    %mul3A_21 = arith.constant 143 : i32
    %mul3A_22 = vector.broadcast %mul3A_21 : i32 to vector<1024x143xi32>
    %mul3A_23 = arith.muli %add3A_20, %mul3A_22 : vector<1024x143xi32>
    %add3A_24 = arith.addi %mul3A_23, %iota3A : vector<1024x143xi32>
    %swap3A = arith.constant 0 : index
    %swap3A_25 = arith.constant 0 : index
    %swap3A_26 = vector.load %arg4[%swap3A, %swap3A_25] : memref<1024x143xi32, #tpu.memory_space<vmem>>, vector<1024x143xi32>
    tpu.vector_store %arg4[%swap3A, %swap3A_25], %add3A_24 {strides = array<i32>} : memref<1024x143xi32, #tpu.memory_space<vmem>>, vector<1024x143xi32>,
    return
  }
}

</mosaic_0001>

<sc_bundles>
// kernel: kernel.15.cloned.1.call-start
scs
__scs_entry_jumppad:
0x0: {  	(pc) =	sbr.rel $0x88, $3  }
0x1: {  	(tag) =	ssettag $0x0;
	lr =	simm.s32 $0x1  }
0x2: {  	[smem:$0x3F9A] =	sst lr;
	_ =	strace $0xD0000000  }
0x3: {  	_ = 	snop  }
0x4: {  	_ = 	snop  }
0x5: {  	_ = 	snop  }
0x6: {  	_ = 	snop  }
0x7: {  	_ = 	snop  }
__scs_overlays_trampoline_lowered:
0x8: {  	[smem:$0x3FA9] =	sst s0  }
0x9: {  	[smem:$0x3FAA] =	sst s1  }
0xa: {  	[smem:$0x3FAB] =	sst s2  }
0xb: {  	[smem:$0x3FAC] =	sst s3  }
0xc: {  	[smem:$0x3FAD] =	sst s4  }
0xd: {  	[smem:$0x3FAE] =	sst s5  }
0xe: {  	[smem:$0x3FAF] =	sst s6  }
0xf: {  	[smem:$0x3FB0] =	sst s7  }
0x10: {  	[smem:$0x3FB1] =	sst s8  }
0x11: {  	[smem:$0x3FB2] =	sst s9;
	s0 =	simm.s32 @!p0 $0x0  }
0x12: {  	s1 =	sld [smem:$0x3F98];
	s0 =	simm.s32 @p0 $0x1  }
0x13: {  	[smem:$0x3FB3] =	sst s0;
	s0 =	simm.s32 @!p1 $0x0  }
0x14: {  	s2 =	sld [smem:$0x3F97];
	s0 =	simm.s32 @p1 $0x1  }
0x15: {  	[smem:$0x3FB4] =	sst s0;
	s0 =	simm.s32 @!p2 $0x0  }
0x16: {  	s3 =	sld [smem:$0x3FDB];
	s0 =	simm.s32 @p2 $0x1  }
0x17: {  	s4 =	simm.s32 $0x1BF5;
	[smem:$0x3FB6] =	sst s0  }
0x18: {  	s0 =	sld [smem:$0x3F99];
	_ =	swait.ge [sflag:s4], $0x0  }
0x19: {  	s7 =	sld [smem:$0x3F9A]  }
0x1a: {  	s8 =	sadd.s32 $0xFFFFE003, lr  }
0x1b: {  	s9 =	sadd.s32 $0xFFFFFEF7, lr;
	s5 =	simm.s32 $0xFFFFFFFF;
	p2 =	slt.u32 s8, $0xFFFFF086  }
0x1c: {  	p1 =	slt.u32 s9, $0xF7A;
	s5 =	simm.s32 @!p2 $0x0  }
0x1d: {  	s5 =	simm.s32 @p1 $0x1;
	p0 =	seq.s32 s7, s2  }
0x1e: {  	s7 =	smul.u32 @!p0 $0xF7A, s2;
	p2 =	seq.s32 @!p0 s5, $0x0  }
0x1f: {  	s9 =	smul.u32 $0xF7A, s1;
	s8 =	simm.s32 @!p0 $0x1BF5;
	p2 =	por !p2, p0  }
0x20: {  	[sflag:s8] =	ssyncset.s32 @!p0 $0xFFFFF086;
	s6 =	sadd.s32 @!p0 s3, s7;
	s7 =	simm.s32 @!p0 $0x108  }
0x21: {  	s3 =	sadd.s32 s3, s9;
	s6 =	sadd.s32 @!p0 $0x88, s6;
	s7 =	simm.s32 @p2 $0x1082  }
0x22: {  	[simem:s7], [sflag:s8] =	dma.local @!p0 [hbm:s6], $0xF7A  }
0x23: {  	s9 =	sor.u32 $0xD0000000, s2;
	s6 =	simm.s32 $0x108;
	_ =	swait.ge @!p0 [sflag:s8], $0x0  }
0x24: {  	s3 =	sadd.s32 $0x88, s3;
	s6 =	simm.s32 @!p1 $0x1082;
	[sflag:s4] =	ssyncset.s32 $0xFFFFF086  }
0x25: {  	[simem:s6], [sflag:s4] =	dma.local [hbm:s3], $0xF7A  }
0x26: {  	[smem:$0x3F9A] =	sst s1;
	(tag) =	ssettag s2;
	_ =	strace s9  }
0x27: {  	s1 =	sld [smem:$0x3FAA]  }
0x28: {  	s2 =	sld [smem:$0x3FAB]  }
0x29: {  	s4 =	sld [smem:$0x3FAD]  }
0x2a: {  	p0 =	seq.s32 s5, $0x0;
	s5 =	sld [smem:$0x3FAE]  }
0x2b: {  	s6 =	sld [smem:$0x3FAF]  }
0x2c: {  	s7 =	sld [smem:$0x3FB0]  }
0x2d: {  	s3 =	simm.s32 $0x108;
	s8 =	sld [smem:$0x3FB1]  }
0x2e: {  	s3 =	simm.s32 @!p0 $0x1082;
	s9 =	sld [smem:$0x3FB2]  }
0x2f: {  	lr =	sadd.s32 s0, s3;
	s0 =	sld [smem:$0x3FA9]  }
0x30: {  	s3 =	sld [smem:$0x3FAC]  }
0x31: {  	[smem:$0x3FB5] =	sst s10  }
0x32: {  	s10 =	sld [smem:$0x3FB3];
	_ =	sdelay $0x3  }
0x33: {  	p0 =	seq.s32 s10, $0x1;
	s10 =	sld [smem:$0x3FB5];
	_ =	sdelay $0x3  }
0x34: {  	[smem:$0x3FB5] =	sst s10  }
0x35: {  	s10 =	sld [smem:$0x3FB4];
	_ =	sdelay $0x3  }
0x36: {  	p1 =	seq.s32 s10, $0x1;
	s10 =	sld [smem:$0x3FB5];
	_ =	sdelay $0x3  }
0x37: {  	[smem:$0x3FB5] =	sst s10  }
0x38: {  	s10 =	sld [smem:$0x3FB6]  }
0x39: {  	_ = 	snop;
	(pc) =	sbr.ind lr, $3  }
0x3a: {  	_ = 	snop  }
0x3b: {  	_ = 	snop  }
0x3c: {  	p2 =	seq.s32 s10, $0x1;
	s10 =	sld [smem:$0x3FB5]  }
0x3d: {  	_ =	shalt  }
0x3e: {  	_ =	shalt  }
0x3f: {  	_ =	shalt  }
0x40: {  	_ =	shalt  }
0x41: {  	_ =	shalt  }
0x42: {  	_ =	shalt  }
0x43: {  	_ =	shalt  }
0x44: {  	_ =	shalt  }
0x45: {  	_ =	shalt  }
0x46: {  	_ =	shalt  }
0x47: {  	_ =	shalt  }
0x48: {  	_ =	shalt  }
0x49: {  	_ =	shalt  }
0x4a: {  	_ =	shalt  }
0x4b: {  	_ =	shalt  }
0x4c: {  	_ =	shalt  }
0x4d: {  	_ =	shalt  }
0x4e: {  	_ =	shalt  }
0x4f: {  	_ =	shalt  }
0x50: {  	_ =	shalt  }
0x51: {  	_ =	shalt  }
0x52: {  	_ =	shalt  }
0x53: {  	_ =	shalt  }
0x54: {  	_ =	shalt  }
0x55: {  	_ =	shalt  }
0x56: {  	_ =	shalt  }
0x57: {  	_ =	shalt  }
0x58: {  	_ =	shalt  }
0x59: {  	_ =	shalt  }
0x5a: {  	_ =	shalt  }
0x5b: {  	_ =	shalt  }
0x5c: {  	_ =	shalt  }
0x5d: {  	_ =	shalt  }
0x5e: {  	_ =	shalt  }
0x5f: {  	_ =	shalt  }
0x60: {  	_ =	shalt  }
0x61: {  	_ =	shalt  }
0x62: {  	_ =	shalt  }
0x63: {  	_ =	shalt  }
0x64: {  	_ =	shalt  }
0x65: {  	_ =	shalt  }
0x66: {  	_ =	shalt  }
0x67: {  	_ =	shalt  }
0x68: {  	_ =	shalt  }
0x69: {  	_ =	shalt  }
0x6a: {  	_ =	shalt  }
0x6b: {  	_ =	shalt  }
0x6c: {  	_ =	shalt  }
0x6d: {  	_ =	shalt  }
0x6e: {  	_ =	shalt  }
0x6f: {  	_ =	shalt  }
0x70: {  	_ =	shalt  }
0x71: {  	_ =	shalt  }
0x72: {  	_ =	shalt  }
0x73: {  	_ =	shalt  }
0x74: {  	_ =	shalt  }
0x75: {  	_ =	shalt  }
0x76: {  	_ =	shalt  }
0x77: {  	_ =	shalt  }
0x78: {  	_ =	shalt  }
0x79: {  	_ =	shalt  }
0x7a: {  	_ =	shalt  }
0x7b: {  	_ =	shalt  }
0x7c: {  	_ =	shalt  }
0x7d: {  	_ =	shalt  }
0x7e: {  	_ =	shalt  }
0x7f: {  	_ =	shalt  }
0x80: {  	_ =	shalt  }
0x81: {  	_ =	shalt  }
0x82: {  	_ =	shalt  }
0x83: {  	_ =	shalt  }
0x84: {  	_ =	shalt  }
0x85: {  	_ =	shalt  }
0x86: {  	_ =	shalt  }
0x87: {  	_ =	shalt  }
.Lfunc_end0:
.L_simem_size_0:
called_computation.1_lowered:
.L_overlay_start_0:
0x88: {  	s2 =	sld [smem:$0x3FD9]  }
0x89: {  	s3 =	sld [smem:$0x3FFE];
	_ =	sdelay $0x1  }
0x8a: {  	s1 =	srdreg.scid  }
0x8b: {  	s0 =	sand.u32 $0x1, s1  }
0x8c: {  	s16 =	sshll.u32 s0, $0xA;
	s2 =	sadd.s32 s3, s2  }
0x8d: {  	s2 =	sadd.s32 s2, s16  }
0x8e: {  	[smem:$0x3FC1] =	sst s2  }
0x8f: {  	_ = 	snop  }
0x90: {  	(tm) =	ssettm $0x1  }
0x91: {  	s17 =	sld [smem:$0x3FFB];
	_ =	sdelay $0x3  }
0x92: {  	_ =	strace s17  }
0x93: {  	s2 =	sld [smem:$0x3FFC];
	_ =	sdelay $0x3  }
0x94: {  	_ =	strace s2  }
0x95: {  	s2 =	sld [smem:$0x3FFD];
	_ =	sdelay $0x3  }
0x96: {  	_ =	strace s2  }
0x97: {  	_ =	strace $0x8FFFFFFF  }
0x98: {  	s18 =	sld [smem:$0x3FDB];
	_ =	sdelay $0x1  }
0x99: {  	s19 =	simm.s32 $_scs_section_size  }
0x9a: {  	s4 =	simm.s32 $_size__tile_overlayer_lowered;
	s5 =	simm.s32 $_tile_overlayer_lowered  }
0x9b: {  	s22 =	simm.s32 $0x1BFF;
	s21 =	sshll.u32 s5, $0x1;
	s2 =	sadd.s32 s19, s18  }
0x9c: {  	s6 =	simm.s32 $0x0;
	s20 =	sshll.u32 s4, $0x1;
	s4 =	sadd.s32 s21, s2  }
0x9d: {  	[timem:s6], [sflag:s22] =	dma.local [hbm:s4], s20  }
0x9e: {  	_ =	swait.ge [sflag:s22], s20  }
0x9f: {  	s3 =	ssub.s32 $0x0, s20;
	[sflag:s22] =	ssyncset.done $0x0  }
0xa0: {  	[sflag:s22] =	ssyncadd.s32 s3;
	_ =	sdelay $0x1  }
0xa1: {  	s23 =	simm.s32 $0x1B8B  }
0xa2: {  	_ =	swait.ge [sflag:s23], $0x1  }
0xa3: {  	[sflag:s23] =	ssyncset.done $0x0  }
0xa4: {  	s25 =	simm.s32 $0x1B8E;
	s24 =	sld [smem:$0x3FFE];
	[sflag:s23] =	ssyncadd.s32 $0xFFFFFFFF  }
0xa5: {  	s26 =	simm.s32 $execute0_lowered;
	[smem:$0x3FD2] =	sst s25  }
0xa6: {  	s4 =	sshll.u32 s26, $0x1;
	_ =	strace $0x80000046;
	[dreg:$0x1] =	wrdreg $0xFFFFFFFF  }
0xa7: {  	s28 =	simm.s32 $_size_execute0_lowered;
	s2 =	sadd.s32 s2, s4;
	[dreg:$0x0] =	wrdreg $0x0  }
0xa8: {  	s4 =	sshll.u32 s28, $0x1;
	[dreg:$0x2] =	wrdreg s2  }
0xa9: {  	[dreg:$0x3] =	wrdreg s4  }
0xaa: {  	[dreg:$0x4] =	wrdreg $0xC0  }
0xab: {  	_ =	task [dreg:s6], $0x5FFFF  }
0xac: {  	[dreg:$0x1] =	wrdreg $0xFFFFFFFF  }
0xad: {  	[dreg:$0x0] =	wrdreg $0x60  }
0xae: {  	[dreg:$0x2] =	wrdreg s24  }
0xaf: {  	[dreg:$0x3] =	wrdreg $0x9  }
0xb0: {  	_ =	task.clear_ibuf [dreg:s6], $0x4FFFF;
	_ =	strace $0x90000046  }
0xb1: {  	s29 =	simm.s32 $0x9;
	_ =	strace $0x80000048  }
0xb2: {  	_ =	swait.ge [sflag:s29], $0x1  }
0xb3: {  	[sflag:s29] =	ssyncadd.s32 $0xFFFFFFFF  }
0xb4: {  	_ =	strace $0x90000048  }
0xb5: {  	_ =	sfence  }
0xb6: {  	s30 =	sld [smem:$0x0];
	_ =	sdelay $0x2  }
0xb7: {  	s31 =	sshll.u32 s1, $0xD;
	s1 =	sshrl.u32 s1, $0x2  }
0xb8: {  	s3 =	sand.u32 $0x4000, s31;
	s1 =	sadd.s32 s1, s30  }
0xb9: {  	s0 =	sor.u32 s3, s0;
	s1 =	sshll.u32 s1, $0x11  }
0xba: {  	s0 =	sor.u32 s1, s0  }
0xbb: {  	s0 =	sadd.s32 $0x8F2B, s0  }
0xbc: {  	[sflag:s0] =	ssyncadd.remote.s32 $0x1  }
0xbd: {  	_ =	sfence.sel $0xFFFF  }
0xbe: {  	[dreg:$0x0] =	wrdreg $0xFFFFFFFF;
	(pc) =	sbr.abs _section_cstart, $3  }
0xbf: {  	[dreg:$0x1] =	wrdreg $0xFFFFFFFF  }
0xc0: {  	_ =	task.clear_ibuf [dreg:s6], $0x2FFFF;
	_ =	strace $0x9FFFFFFF  }
0xc1: {  	(tm) =	ssettm $0x7FFFFFFF  }
tec
execute0_lowered:
.L_overlay_start_1:
0x0: {  	(tag) =	ssettag $0x1  }
0x1: {  	s1 =	srdreg.scid;
	s0 =	stileid.u32  }
0x2: {  	s16 =	sand.u32 $0x1, s1;
	s31 =	sshll.u32 s0, $0x1  }
0x3: {  	s8 =	sor.u32 s16, s31  }
0x4: {  	s10 =	rddreg [dreg:$0x0];
	s3 =	smul.u32 $0x34, s8  }
0x5: {  	s2 =	simm.s32 $0x0;
	s1 =	rddreg [dreg:$0x1]  }
0x6: {  	[smem:$0x7FF] =	sst s2;
	s3 =	sadd.s32 s3, s10  }
0x7: {  	_ =	strace $0x80000047;
	s4 =	sadd.s32 $0xAD800, s3;
	s3 =	simm.s32 $0x3  }
0x8: {  	[tilespmem:s2], [sflag:$0x3] =	stream.linear.gather [hbm4b:s4+s2], $0x1A0, $0x38;
	[tilespmem:$0x1CF20] =	vst v63  }
0x9: {  	_ =	swait.ge [sflag:s3], $0x1A0  }
0xa: {  	s6 =	simm.s32 $0x68;
	[sflag:s3] =	ssyncset.done $0x0  }
0xb: {  	s7 =	simm.s32 $0x1A0;
	s5 =	sadd.s32 $0xB400, s10;
	[sflag:s3] =	ssyncadd.s32 $0xFFFFFE60  }
0xc: {  	[tilespmem:s7], [sflag:$0x1] =	stream.indirect.gather [hbm4b:s5+s6], $0x238, s2, s6, $0xb8;
	[tilespmem:$0x1CF20] =	vst v63  }
0xd: {  	s9 =	simm.s32 $0x1;
	s11 =	smul.u32 $0x7360, s8;
	s8 =	simm.s32 $0xE860  }
0xe: {  	[tilespmem:s8], [sflag:$0x2] =	stream.indirect.gather [hbm4b:s5+s6], $0x238, s6, s6, $0xb8;
	[tilespmem:$0x1CF20] =	vst v63  }
0xf: {  	_ =	swait.ge [sflag:s9], $0xE6C0  }
0x10: {  	s17 =	sadd.s32 s11, s10;
	[sflag:s9] =	ssyncset.done $0x0  }
0x11: {  	s10 =	sadd.s32 $0xAE000, s17;
	[sflag:s9] =	ssyncadd.s32 $0xFFFF1940  }
0x12: {  	[hbm4b:s10+s2] =	stream.linear.scatter [tilespmem:s7], [sflag:$0x3], $0xE6C0, $0x38;
	[tilespmem:$0x1CF20] =	vst v63  }
0x13: {  	_ =	swait.ge [sflag:s3], $0xE6C0  }
0x14: {  	[sflag:s3] =	ssyncset.done $0x0  }
0x15: {  	s11 =	simm.s32 $0x2;
	[sflag:s3] =	ssyncadd.s32 $0xFFFF1940  }
0x16: {  	_ =	swait.ge [sflag:s11], $0xE6C0  }
0x17: {  	[sflag:s11] =	ssyncset.done $0x0  }
0x18: {  	s12 =	sadd.s32 $0xAFCD8, s17;
	[sflag:s11] =	ssyncadd.s32 $0xFFFF1940  }
0x19: {  	[hbm4b:s12+s2] =	stream.linear.scatter [tilespmem:s8], [sflag:$0x3], $0xE6C0, $0x38;
	[tilespmem:$0x1CF20] =	vst v63  }
0x1a: {  	_ =	swait.ge [sflag:s3], $0xE6C0  }
0x1b: {  	[sflag:s3] =	ssyncset.done $0x0  }
0x1c: {  	s13 =	simm.s32 $0xD0;
	[sflag:s3] =	ssyncadd.s32 $0xFFFF1940  }
0x1d: {  	[tilespmem:s7], [sflag:$0x1] =	stream.indirect.gather [hbm4b:s5+s6], $0x238, s13, s6, $0xb8;
	[tilespmem:$0x1CF20] =	vst v63  }
0x1e: {  	s14 =	simm.s32 $0x138  }
0x1f: {  	[tilespmem:s8], [sflag:$0x2] =	stream.indirect.gather [hbm4b:s5+s6], $0x238, s14, s6, $0xb8;
	[tilespmem:$0x1CF20] =	vst v63  }
0x20: {  	_ =	swait.ge [sflag:s9], $0xE6C0  }
0x21: {  	[sflag:s9] =	ssyncset.done $0x0  }
0x22: {  	s16 =	ssub.s32 $0x2, s16;
	s15 =	sadd.s32 $0xB19B0, s17;
	[sflag:s9] =	ssyncadd.s32 $0xFFFF1940  }
0x23: {  	[hbm4b:s15+s2] =	stream.linear.scatter [tilespmem:s7], [sflag:$0x3], $0xE6C0, $0x38;
	[tilespmem:$0x1CF20] =	vst v63  }
0x24: {  	s18 =	sshrl.u32 s16, $0x1;
	_ =	swait.ge [sflag:s3], $0xE6C0  }
0x25: {  	s16 =	ssub.s32 s16, s18;
	[sflag:s3] =	ssyncset.done $0x0  }
0x26: {  	s18 =	smax.u32 s16, $0x1;
	[sflag:s3] =	ssyncadd.s32 $0xFFFF1940  }
0x27: {  	p0 =	sne.s32 s18, $0x1;
	_ =	swait.ge [sflag:s11], $0xE6C0  }
.Ltmp0:
0x28: {  	[sflag:s11] =	ssyncset.done $0x0;
	(pc) =	sbr.rel @!p0 .LBB2_2-.Ltmp0, $4  }
0x29: {  	s16 =	sadd.s32 $0xB3688, s17;
	[sflag:s11] =	ssyncadd.s32 $0xFFFF1940  }
0x2a: {  	[hbm4b:s16+s2] =	stream.linear.scatter [tilespmem:s8], [sflag:$0x3], $0xE6C0, $0x38;
	[tilespmem:$0x1CF20] =	vst v63  }
0x2b: {  	_ =	swait.ge [sflag:s3], $0xE6C0  }
0x2c: {  	s17 =	sadd.s32 $0xFFFFFFFF, s18;
	[sflag:s3] =	ssyncset.done $0x0  }
.LBB2_1:
0x2d: {  	p0 =	sne.s32 s17, $0x1;
	s17 =	sadd.s32 $0xFFFFFFFF, s17;
	[sflag:s3] =	ssyncadd.s32 $0xFFFF1940  }
0x2e: {  	[tilespmem:s2], [sflag:$0x3] =	stream.linear.gather [hbm4b:s4+s2], $0x1A0, $0x38;
	[tilespmem:$0x1CF20] =	vst v63  }
0x2f: {  	_ =	swait.ge [sflag:s3], $0x1A0  }
0x30: {  	[sflag:s3] =	ssyncset.done $0x0  }
0x31: {  	[sflag:s3] =	ssyncadd.s32 $0xFFFFFE60  }
0x32: {  	[tilespmem:s7], [sflag:$0x1] =	stream.indirect.gather [hbm4b:s5+s6], $0x238, s2, s6, $0xb8;
	[tilespmem:$0x1CF20] =	vst v63  }
0x33: {  	_ = 	snop  }
0x34: {  	[tilespmem:s8], [sflag:$0x2] =	stream.indirect.gather [hbm4b:s5+s6], $0x238, s6, s6, $0xb8;
	[tilespmem:$0x1CF20] =	vst v63  }
0x35: {  	_ =	swait.ge [sflag:s9], $0xE6C0  }
0x36: {  	[sflag:s9] =	ssyncset.done $0x0  }
0x37: {  	[sflag:s9] =	ssyncadd.s32 $0xFFFF1940  }
0x38: {  	[hbm4b:s10+s2] =	stream.linear.scatter [tilespmem:s7], [sflag:$0x3], $0xE6C0, $0x38;
	[tilespmem:$0x1CF20] =	vst v63  }
0x39: {  	_ =	swait.ge [sflag:s3], $0xE6C0  }
0x3a: {  	[sflag:s3] =	ssyncset.done $0x0  }
0x3b: {  	[sflag:s3] =	ssyncadd.s32 $0xFFFF1940  }
0x3c: {  	_ =	swait.ge [sflag:s11], $0xE6C0  }
0x3d: {  	[sflag:s11] =	ssyncset.done $0x0  }
0x3e: {  	[sflag:s11] =	ssyncadd.s32 $0xFFFF1940  }
0x3f: {  	[hbm4b:s12+s2] =	stream.linear.scatter [tilespmem:s8], [sflag:$0x3], $0xE6C0, $0x38;
	[tilespmem:$0x1CF20] =	vst v63  }
0x40: {  	_ =	swait.ge [sflag:s3], $0xE6C0  }
0x41: {  	[sflag:s3] =	ssyncset.done $0x0  }
0x42: {  	[sflag:s3] =	ssyncadd.s32 $0xFFFF1940  }
0x43: {  	[tilespmem:s7], [sflag:$0x1] =	stream.indirect.gather [hbm4b:s5+s6], $0x238, s13, s6, $0xb8;
	[tilespmem:$0x1CF20] =	vst v63  }
0x44: {  	_ = 	snop  }
0x45: {  	[tilespmem:s8], [sflag:$0x2] =	stream.indirect.gather [hbm4b:s5+s6], $0x238, s14, s6, $0xb8;
	[tilespmem:$0x1CF20] =	vst v63  }
0x46: {  	_ =	swait.ge [sflag:s9], $0xE6C0  }
0x47: {  	[sflag:s9] =	ssyncset.done $0x0  }
0x48: {  	[sflag:s9] =	ssyncadd.s32 $0xFFFF1940  }
0x49: {  	[hbm4b:s15+s2] =	stream.linear.scatter [tilespmem:s7], [sflag:$0x3], $0xE6C0, $0x38;
	[tilespmem:$0x1CF20] =	vst v63  }
0x4a: {  	_ =	swait.ge [sflag:s3], $0xE6C0  }
0x4b: {  	[sflag:s3] =	ssyncset.done $0x0  }
0x4c: {  	[sflag:s3] =	ssyncadd.s32 $0xFFFF1940  }
0x4d: {  	_ =	swait.ge [sflag:s11], $0xE6C0  }
.Ltmp1:
0x4e: {  	[sflag:s11] =	ssyncset.done $0x0;
	(pc) =	sbr.rel @p0 .LBB2_1-.Ltmp1, $4  }
0x4f: {  	[sflag:s11] =	ssyncadd.s32 $0xFFFF1940  }
0x50: {  	[hbm4b:s16+s2] =	stream.linear.scatter [tilespmem:s8], [sflag:$0x3], $0xE6C0, $0x38;
	[tilespmem:$0x1CF20] =	vst v63  }
0x51: {  	_ =	swait.ge [sflag:s3], $0xE6C0  }
0x52: {  	[sflag:s3] =	ssyncset.done $0x0  }
.LBB2_2:
0x53: {  	[sflag:s3] =	ssyncadd.s32 $0xFFFF1940  }
0x54: {  	_ =	sfence.sel $0x180000  }
0x55: {  	[bflag:$0x0] =	sbarrier.arrive $0xFFFF  }
0x56: {  	p0 =	sne.s32 s0, $0x0;
	_ =	strace $0x90000047  }
0x57: {  	s0 =	sadd.s32 @!p0 $0x100000, s1;
	[bflag:$0x2] =	sbarrier.arrive $0xFFFF  }
0x58: {  	[sflag:s0] =	ssyncadd.tile.s32 @!p0 $0x1;
	_ =	shalt  }
.Lfunc_end2:
_tile_overlayer_lowered:
.L_overlay_start_2:
0x59: {  	(tag) =	ssettag $0x2  }
0x5a: {  	s0 =	rddreg [dreg:$0x0];
	s2 =	stileid.u32  }
0x5b: {  	s1 =	rddreg [dreg:$0x1];
	p0 =	sne.s32 s2, $0x0  }
0x5c: {  	s3 =	rddreg [dreg:$0x2];
	[bflag:$0x3] =	sbarrier.arrive $0xFFFF;
	s2 =	simm.s32 @!p0 $0x1C03  }
0x5d: {  	[timem:s3], [sflag:s2] =	dma.local @!p0 [hbm:s0], s1  }
0x5e: {  	s0 =	simm.s32 @!p0 $0x3  }
0x5f: {  	_ =	swait.ge @!p0 [sflag:s0], s1  }
0x60: {  	s1 =	ssub.s32 @!p0 $0x0, s1;
	[sflag:s0] =	ssyncset.done @!p0 $0x0  }
0x61: {  	[sflag:s0] =	ssyncadd.s32 @!p0 s1  }
0x62: {  	[bflag:$0x3] =	sbarrier.arrive $0xFFFF  }
0x63: {  	_ =	shalt  }

// kernel: kernel.18.cloned.1.call-start
scs
__scs_entry_jumppad:
0x0: {  	(pc) =	sbr.rel $0x88, $3  }
0x1: {  	(tag) =	ssettag $0x0;
	lr =	simm.s32 $0x1  }
0x2: {  	[smem:$0x3F9A] =	sst lr;
	_ =	strace $0xD0000000  }
0x3: {  	_ = 	snop  }
0x4: {  	_ = 	snop  }
0x5: {  	_ = 	snop  }
0x6: {  	_ = 	snop  }
0x7: {  	_ = 	snop  }
__scs_overlays_trampoline_lowered:
0x8: {  	[smem:$0x3FA9] =	sst s0  }
0x9: {  	[smem:$0x3FAA] =	sst s1  }
0xa: {  	[smem:$0x3FAB] =	sst s2  }
0xb: {  	[smem:$0x3FAC] =	sst s3  }
0xc: {  	[smem:$0x3FAD] =	sst s4  }
0xd: {  	[smem:$0x3FAE] =	sst s5  }
0xe: {  	[smem:$0x3FAF] =	sst s6  }
0xf: {  	[smem:$0x3FB0] =	sst s7  }
0x10: {  	[smem:$0x3FB1] =	sst s8  }
0x11: {  	[smem:$0x3FB2] =	sst s9;
	s0 =	simm.s32 @!p0 $0x0  }
0x12: {  	s1 =	sld [smem:$0x3F98];
	s0 =	simm.s32 @p0 $0x1  }
0x13: {  	[smem:$0x3FB3] =	sst s0;
	s0 =	simm.s32 @!p1 $0x0  }
0x14: {  	s2 =	sld [smem:$0x3F97];
	s0 =	simm.s32 @p1 $0x1  }
0x15: {  	[smem:$0x3FB4] =	sst s0;
	s0 =	simm.s32 @!p2 $0x0  }
0x16: {  	s3 =	sld [smem:$0x3FDB];
	s0 =	simm.s32 @p2 $0x1  }
0x17: {  	s4 =	simm.s32 $0x1BF5;
	[smem:$0x3FB6] =	sst s0  }
0x18: {  	s0 =	sld [smem:$0x3F99];
	_ =	swait.ge [sflag:s4], $0x0  }
0x19: {  	s7 =	sld [smem:$0x3F9A]  }
0x1a: {  	s8 =	sadd.s32 $0xFFFFE003, lr  }
0x1b: {  	s9 =	sadd.s32 $0xFFFFFEF7, lr;
	s5 =	simm.s32 $0xFFFFFFFF;
	p2 =	slt.u32 s8, $0xFFFFF086  }
0x1c: {  	p1 =	slt.u32 s9, $0xF7A;
	s5 =	simm.s32 @!p2 $0x0  }
0x1d: {  	s5 =	simm.s32 @p1 $0x1;
	p0 =	seq.s32 s7, s2  }
0x1e: {  	s7 =	smul.u32 @!p0 $0xF7A, s2;
	p2 =	seq.s32 @!p0 s5, $0x0  }
0x1f: {  	s9 =	smul.u32 $0xF7A, s1;
	s8 =	simm.s32 @!p0 $0x1BF5;
	p2 =	por !p2, p0  }
0x20: {  	[sflag:s8] =	ssyncset.s32 @!p0 $0xFFFFF086;
	s6 =	sadd.s32 @!p0 s3, s7;
	s7 =	simm.s32 @!p0 $0x108  }
0x21: {  	s3 =	sadd.s32 s3, s9;
	s6 =	sadd.s32 @!p0 $0x88, s6;
	s7 =	simm.s32 @p2 $0x1082  }
0x22: {  	[simem:s7], [sflag:s8] =	dma.local @!p0 [hbm:s6], $0xF7A  }
0x23: {  	s9 =	sor.u32 $0xD0000000, s2;
	s6 =	simm.s32 $0x108;
	_ =	swait.ge @!p0 [sflag:s8], $0x0  }
0x24: {  	s3 =	sadd.s32 $0x88, s3;
	s6 =	simm.s32 @!p1 $0x1082;
	[sflag:s4] =	ssyncset.s32 $0xFFFFF086  }
0x25: {  	[simem:s6], [sflag:s4] =	dma.local [hbm:s3], $0xF7A  }
0x26: {  	[smem:$0x3F9A] =	sst s1;
	(tag) =	ssettag s2;
	_ =	strace s9  }
0x27: {  	s1 =	sld [smem:$0x3FAA]  }
0x28: {  	s2 =	sld [smem:$0x3FAB]  }
0x29: {  	s4 =	sld [smem:$0x3FAD]  }
0x2a: {  	p0 =	seq.s32 s5, $0x0;
	s5 =	sld [smem:$0x3FAE]  }
0x2b: {  	s6 =	sld [smem:$0x3FAF]  }
0x2c: {  	s7 =	sld [smem:$0x3FB0]  }
0x2d: {  	s3 =	simm.s32 $0x108;
	s8 =	sld [smem:$0x3FB1]  }
0x2e: {  	s3 =	simm.s32 @!p0 $0x1082;
	s9 =	sld [smem:$0x3FB2]  }
0x2f: {  	lr =	sadd.s32 s0, s3;
	s0 =	sld [smem:$0x3FA9]  }
0x30: {  	s3 =	sld [smem:$0x3FAC]  }
0x31: {  	[smem:$0x3FB5] =	sst s10  }
0x32: {  	s10 =	sld [smem:$0x3FB3];
	_ =	sdelay $0x3  }
0x33: {  	p0 =	seq.s32 s10, $0x1;
	s10 =	sld [smem:$0x3FB5];
	_ =	sdelay $0x3  }
0x34: {  	[smem:$0x3FB5] =	sst s10  }
0x35: {  	s10 =	sld [smem:$0x3FB4];
	_ =	sdelay $0x3  }
0x36: {  	p1 =	seq.s32 s10, $0x1;
	s10 =	sld [smem:$0x3FB5];
	_ =	sdelay $0x3  }
0x37: {  	[smem:$0x3FB5] =	sst s10  }
0x38: {  	s10 =	sld [smem:$0x3FB6]  }
0x39: {  	_ = 	snop;
	(pc) =	sbr.ind lr, $3  }
0x3a: {  	_ = 	snop  }
0x3b: {  	_ = 	snop  }
0x3c: {  	p2 =	seq.s32 s10, $0x1;
	s10 =	sld [smem:$0x3FB5]  }
0x3d: {  	_ =	shalt  }
0x3e: {  	_ =	shalt  }
0x3f: {  	_ =	shalt  }
0x40: {  	_ =	shalt  }
0x41: {  	_ =	shalt  }
0x42: {  	_ =	shalt  }
0x43: {  	_ =	shalt  }
0x44: {  	_ =	shalt  }
0x45: {  	_ =	shalt  }
0x46: {  	_ =	shalt  }
0x47: {  	_ =	shalt  }
0x48: {  	_ =	shalt  }
0x49: {  	_ =	shalt  }
0x4a: {  	_ =	shalt  }
0x4b: {  	_ =	shalt  }
0x4c: {  	_ =	shalt  }
0x4d: {  	_ =	shalt  }
0x4e: {  	_ =	shalt  }
0x4f: {  	_ =	shalt  }
0x50: {  	_ =	shalt  }
0x51: {  	_ =	shalt  }
0x52: {  	_ =	shalt  }
0x53: {  	_ =	shalt  }
0x54: {  	_ =	shalt  }
0x55: {  	_ =	shalt  }
0x56: {  	_ =	shalt  }
0x57: {  	_ =	shalt  }
0x58: {  	_ =	shalt  }
0x59: {  	_ =	shalt  }
0x5a: {  	_ =	shalt  }
0x5b: {  	_ =	shalt  }
0x5c: {  	_ =	shalt  }
0x5d: {  	_ =	shalt  }
0x5e: {  	_ =	shalt  }
0x5f: {  	_ =	shalt  }
0x60: {  	_ =	shalt  }
0x61: {  	_ =	shalt  }
0x62: {  	_ =	shalt  }
0x63: {  	_ =	shalt  }
0x64: {  	_ =	shalt  }
0x65: {  	_ =	shalt  }
0x66: {  	_ =	shalt  }
0x67: {  	_ =	shalt  }
0x68: {  	_ =	shalt  }
0x69: {  	_ =	shalt  }
0x6a: {  	_ =	shalt  }
0x6b: {  	_ =	shalt  }
0x6c: {  	_ =	shalt  }
0x6d: {  	_ =	shalt  }
0x6e: {  	_ =	shalt  }
0x6f: {  	_ =	shalt  }
0x70: {  	_ =	shalt  }
0x71: {  	_ =	shalt  }
0x72: {  	_ =	shalt  }
0x73: {  	_ =	shalt  }
0x74: {  	_ =	shalt  }
0x75: {  	_ =	shalt  }
0x76: {  	_ =	shalt  }
0x77: {  	_ =	shalt  }
0x78: {  	_ =	shalt  }
0x79: {  	_ =	shalt  }
0x7a: {  	_ =	shalt  }
0x7b: {  	_ =	shalt  }
0x7c: {  	_ =	shalt  }
0x7d: {  	_ =	shalt  }
0x7e: {  	_ =	shalt  }
0x7f: {  	_ =	shalt  }
0x80: {  	_ =	shalt  }
0x81: {  	_ =	shalt  }
0x82: {  	_ =	shalt  }
0x83: {  	_ =	shalt  }
0x84: {  	_ =	shalt  }
0x85: {  	_ =	shalt  }
0x86: {  	_ =	shalt  }
0x87: {  	_ =	shalt  }
.Lfunc_end0:
.L_simem_size_0:
called_computation.2_lowered:
.L_overlay_start_0:
0x88: {  	s2 =	sld [smem:$0x3FD9]  }
0x89: {  	s3 =	sld [smem:$0x3FFE];
	_ =	sdelay $0x1  }
0x8a: {  	s1 =	srdreg.scid  }
0x8b: {  	s0 =	sand.u32 $0x1, s1  }
0x8c: {  	s17 =	sshll.u32 s0, $0xA;
	s2 =	sadd.s32 s3, s2  }
0x8d: {  	s2 =	sadd.s32 s2, s17  }
0x8e: {  	[smem:$0x3FC1] =	sst s2  }
0x8f: {  	_ = 	snop  }
0x90: {  	(tm) =	ssettm $0x1  }
0x91: {  	s18 =	sld [smem:$0x3FFB];
	_ =	sdelay $0x3  }
0x92: {  	_ =	strace s18  }
0x93: {  	s2 =	sld [smem:$0x3FFC];
	_ =	sdelay $0x3  }
0x94: {  	_ =	strace s2  }
0x95: {  	s2 =	sld [smem:$0x3FFD];
	_ =	sdelay $0x3  }
0x96: {  	_ =	strace s2  }
0x97: {  	_ =	strace $0x8FFFFFFF  }
0x98: {  	s19 =	sld [smem:$0x3FDB];
	_ =	sdelay $0x1  }
0x99: {  	s20 =	simm.s32 $_scs_section_size  }
0x9a: {  	s4 =	simm.s32 $_size__tile_overlayer_lowered;
	s5 =	simm.s32 $_tile_overlayer_lowered  }
0x9b: {  	s6 =	simm.s32 $0x1BFF;
	s21 =	sshll.u32 s5, $0x1;
	s3 =	sadd.s32 s20, s19  }
0x9c: {  	s22 =	simm.s32 $0x0;
	s4 =	sshll.u32 s4, $0x1;
	s5 =	sadd.s32 s21, s3  }
0x9d: {  	[timem:s22], [sflag:s6] =	dma.local [hbm:s5], s4  }
0x9e: {  	_ =	swait.ge [sflag:s6], s4  }
0x9f: {  	s4 =	ssub.s32 $0x0, s4;
	[sflag:s6] =	ssyncset.done $0x0  }
0xa0: {  	[sflag:s6] =	ssyncadd.s32 s4;
	_ =	sdelay $0x1  }
0xa1: {  	s23 =	simm.s32 $0x1B8B  }
0xa2: {  	_ =	swait.ge [sflag:s23], $0x1  }
0xa3: {  	[sflag:s23] =	ssyncset.done $0x0  }
0xa4: {  	[sflag:s23] =	ssyncadd.s32 $0xFFFFFFFF  }
0xa5: {  	s4 =	sld [smem:$0x0]  }
0xa6: {  	s5 =	sand.u32 $0xFFFFFFFE, s1  }
0xa7: {  	p0 =	sne.s32 s1, s5  }
0xa8: {  	s5 =	sshll.u32 @p0 s5, $0xE  }
0xa9: {  	s5 =	sadd.s32 @p0 $0x11B8D, s5;
	s6 =	sshll.u32 @p0 s4, $0x11  }
0xaa: {  	s5 =	sor.u32 @p0 s6, s5  }
0xab: {  	[sflag:s5] =	ssyncadd.remote.s32 @p0 $0x1;
	_ =	sdelay $0x1  }
0xac: {  	s5 =	simm.s32 @p0 $0x1B8D  }
0xad: {  	_ =	swait.eq @p0 [sflag:s5], $0x1  }
0xae: {  	[sflag:s5] =	ssyncadd.s32 @p0 $0xFFFFFFFF  }
0xaf: {  	s6 =	sshll.u32 @!p0 s1, $0xE  }
0xb0: {  	s6 =	sor.u32 @!p0 $0x4000, s6;
	s5 =	simm.s32 @!p0 $0x1B8D  }
0xb1: {  	s4 =	sshll.u32 @!p0 s4, $0x11;
	s6 =	sadd.s32 @!p0 $0x11B8D, s6;
	_ =	swait.eq @!p0 [sflag:s5], $0x1  }
0xb2: {  	s4 =	sor.u32 @!p0 s4, s6;
	[sflag:s5] =	ssyncadd.s32 @!p0 $0xFFFFFFFF  }
0xb3: {  	s25 =	simm.s32 $0x1B8E;
	s24 =	sld [smem:$0x3FFE];
	[sflag:s4] =	ssyncadd.remote.s32 @!p0 $0x1  }
0xb4: {  	s26 =	simm.s32 $execute0_lowered;
	[smem:$0x3FD2] =	sst s25  }
0xb5: {  	s5 =	sshll.u32 s26, $0x1;
	_ =	strace $0x80000049;
	[dreg:$0x1] =	wrdreg $0xFFFFFFFF  }
0xb6: {  	s28 =	simm.s32 $_size_execute0_lowered;
	s3 =	sadd.s32 s3, s5;
	[dreg:$0x0] =	wrdreg $0x0  }
0xb7: {  	s5 =	sshll.u32 s28, $0x1;
	[dreg:$0x2] =	wrdreg s3  }
0xb8: {  	[dreg:$0x3] =	wrdreg s5  }
0xb9: {  	[dreg:$0x4] =	wrdreg $0xC0  }
0xba: {  	_ =	task [dreg:s22], $0x5FFFF  }
0xbb: {  	[dreg:$0x1] =	wrdreg $0xFFFFFFFF  }
0xbc: {  	[dreg:$0x0] =	wrdreg $0x60  }
0xbd: {  	[dreg:$0x2] =	wrdreg s24  }
0xbe: {  	[dreg:$0x3] =	wrdreg $0xA  }
0xbf: {  	_ =	task.clear_ibuf [dreg:s22], $0x4FFFF;
	_ =	strace $0x90000049  }
0xc0: {  	s29 =	simm.s32 $0xA;
	_ =	strace $0x8000004B  }
0xc1: {  	_ =	swait.ge [sflag:s29], $0x1  }
0xc2: {  	[sflag:s29] =	ssyncadd.s32 $0xFFFFFFFF  }
0xc3: {  	_ =	strace $0x9000004B  }
0xc4: {  	_ =	sfence  }
0xc5: {  	s30 =	sld [smem:$0x0];
	_ =	sdelay $0x2  }
0xc6: {  	s31 =	sshll.u32 s1, $0xD;
	s1 =	sshrl.u32 s1, $0x2  }
0xc7: {  	s4 =	sand.u32 $0x4000, s31;
	s1 =	sadd.s32 s1, s30  }
0xc8: {  	s0 =	sor.u32 s4, s0;
	s1 =	sshll.u32 s1, $0x11  }
0xc9: {  	s0 =	sor.u32 s1, s0  }
0xca: {  	s0 =	sadd.s32 $0x8F2B, s0  }
0xcb: {  	[sflag:s0] =	ssyncadd.remote.s32 $0x1  }
0xcc: {  	_ =	sfence.sel $0xFFFF  }
0xcd: {  	[dreg:$0x0] =	wrdreg $0xFFFFFFFF;
	(pc) =	sbr.abs _section_cstart, $3  }
0xce: {  	[dreg:$0x1] =	wrdreg $0xFFFFFFFF  }
0xcf: {  	_ =	task.clear_ibuf [dreg:s22], $0x2FFFF;
	_ =	strace $0x9FFFFFFF  }
0xd0: {  	(tm) =	ssettm $0x7FFFFFFF  }
0xd1: {  	_ =	shalt  }
tec
execute0_lowered:
.L_overlay_start_1:
0x0: {  	(tag) =	ssettag $0x1  }
0x1: {  	s1 =	srdreg.scid;
	s0 =	stileid.u32  }
0x2: {  	s16 =	sand.u32 $0x1, s1;
	s31 =	sshll.u32 s0, $0x1  }
0x3: {  	s8 =	sor.u32 s16, s31  }
0x4: {  	s10 =	rddreg [dreg:$0x0];
	s3 =	smul.u32 $0x34, s8  }
0x5: {  	s2 =	simm.s32 $0x0;
	s1 =	rddreg [dreg:$0x1]  }
0x6: {  	[smem:$0x7FF] =	sst s2;
	s3 =	sadd.s32 s3, s10  }
0x7: {  	_ =	strace $0x8000004A;
	s4 =	sadd.s32 $0x194C00, s3;
	s3 =	simm.s32 $0x3  }
0x8: {  	[tilespmem:s2], [sflag:$0x3] =	stream.linear.gather [hbm4b:s4+s2], $0x1A0, $0x38;
	[tilespmem:$0x1CF20] =	vst v63  }
0x9: {  	_ =	swait.ge [sflag:s3], $0x1A0  }
0xa: {  	s6 =	simm.s32 $0x68;
	[sflag:s3] =	ssyncset.done $0x0  }
0xb: {  	s7 =	simm.s32 $0x1A0;
	s5 =	sadd.s32 $0xB400, s10;
	[sflag:s3] =	ssyncadd.s32 $0xFFFFFE60  }
0xc: {  	[tilespmem:s7], [sflag:$0x1] =	stream.indirect.gather [hbm4b:s5+s6], $0x238, s2, s6, $0xb8;
	[tilespmem:$0x1CF20] =	vst v63  }
0xd: {  	s9 =	simm.s32 $0x1;
	s11 =	smul.u32 $0x7360, s8;
	s8 =	simm.s32 $0xE860  }
0xe: {  	[tilespmem:s8], [sflag:$0x2] =	stream.indirect.gather [hbm4b:s5+s6], $0x238, s6, s6, $0xb8;
	[tilespmem:$0x1CF20] =	vst v63  }
0xf: {  	_ =	swait.ge [sflag:s9], $0xE6C0  }
0x10: {  	s17 =	sadd.s32 s11, s10;
	[sflag:s9] =	ssyncset.done $0x0  }
0x11: {  	s10 =	sadd.s32 $0x195400, s17;
	[sflag:s9] =	ssyncadd.s32 $0xFFFF1940  }
0x12: {  	[hbm4b:s10+s2] =	stream.linear.scatter [tilespmem:s7], [sflag:$0x3], $0xE6C0, $0x38;
	[tilespmem:$0x1CF20] =	vst v63  }
0x13: {  	_ =	swait.ge [sflag:s3], $0xE6C0  }
0x14: {  	[sflag:s3] =	ssyncset.done $0x0  }
0x15: {  	s11 =	simm.s32 $0x2;
	[sflag:s3] =	ssyncadd.s32 $0xFFFF1940  }
0x16: {  	_ =	swait.ge [sflag:s11], $0xE6C0  }
0x17: {  	[sflag:s11] =	ssyncset.done $0x0  }
0x18: {  	s12 =	sadd.s32 $0x1970D8, s17;
	[sflag:s11] =	ssyncadd.s32 $0xFFFF1940  }
0x19: {  	[hbm4b:s12+s2] =	stream.linear.scatter [tilespmem:s8], [sflag:$0x3], $0xE6C0, $0x38;
	[tilespmem:$0x1CF20] =	vst v63  }
0x1a: {  	_ =	swait.ge [sflag:s3], $0xE6C0  }
0x1b: {  	[sflag:s3] =	ssyncset.done $0x0  }
0x1c: {  	s13 =	simm.s32 $0xD0;
	[sflag:s3] =	ssyncadd.s32 $0xFFFF1940  }
0x1d: {  	[tilespmem:s7], [sflag:$0x1] =	stream.indirect.gather [hbm4b:s5+s6], $0x238, s13, s6, $0xb8;
	[tilespmem:$0x1CF20] =	vst v63  }
0x1e: {  	s14 =	simm.s32 $0x138  }
0x1f: {  	[tilespmem:s8], [sflag:$0x2] =	stream.indirect.gather [hbm4b:s5+s6], $0x238, s14, s6, $0xb8;
	[tilespmem:$0x1CF20] =	vst v63  }
0x20: {  	_ =	swait.ge [sflag:s9], $0xE6C0  }
0x21: {  	[sflag:s9] =	ssyncset.done $0x0  }
0x22: {  	s16 =	ssub.s32 $0x2, s16;
	s15 =	sadd.s32 $0x198DB0, s17;
	[sflag:s9] =	ssyncadd.s32 $0xFFFF1940  }
0x23: {  	[hbm4b:s15+s2] =	stream.linear.scatter [tilespmem:s7], [sflag:$0x3], $0xE6C0, $0x38;
	[tilespmem:$0x1CF20] =	vst v63  }
0x24: {  	s18 =	sshrl.u32 s16, $0x1;
	_ =	swait.ge [sflag:s3], $0xE6C0  }
0x25: {  	s16 =	ssub.s32 s16, s18;
	[sflag:s3] =	ssyncset.done $0x0  }
0x26: {  	s18 =	smax.u32 s16, $0x1;
	[sflag:s3] =	ssyncadd.s32 $0xFFFF1940  }
0x27: {  	p0 =	sne.s32 s18, $0x1;
	_ =	swait.ge [sflag:s11], $0xE6C0  }
.Ltmp0:
0x28: {  	[sflag:s11] =	ssyncset.done $0x0;
	(pc) =	sbr.rel @!p0 .LBB2_2-.Ltmp0, $4  }
0x29: {  	s16 =	sadd.s32 $0x19AA88, s17;
	[sflag:s11] =	ssyncadd.s32 $0xFFFF1940  }
0x2a: {  	[hbm4b:s16+s2] =	stream.linear.scatter [tilespmem:s8], [sflag:$0x3], $0xE6C0, $0x38;
	[tilespmem:$0x1CF20] =	vst v63  }
0x2b: {  	_ =	swait.ge [sflag:s3], $0xE6C0  }
0x2c: {  	s17 =	sadd.s32 $0xFFFFFFFF, s18;
	[sflag:s3] =	ssyncset.done $0x0  }
.LBB2_1:
0x2d: {  	p0 =	sne.s32 s17, $0x1;
	s17 =	sadd.s32 $0xFFFFFFFF, s17;
	[sflag:s3] =	ssyncadd.s32 $0xFFFF1940  }
0x2e: {  	[tilespmem:s2], [sflag:$0x3] =	stream.linear.gather [hbm4b:s4+s2], $0x1A0, $0x38;
	[tilespmem:$0x1CF20] =	vst v63  }
0x2f: {  	_ =	swait.ge [sflag:s3], $0x1A0  }
0x30: {  	[sflag:s3] =	ssyncset.done $0x0  }
0x31: {  	[sflag:s3] =	ssyncadd.s32 $0xFFFFFE60  }
0x32: {  	[tilespmem:s7], [sflag:$0x1] =	stream.indirect.gather [hbm4b:s5+s6], $0x238, s2, s6, $0xb8;
	[tilespmem:$0x1CF20] =	vst v63  }
0x33: {  	_ = 	snop  }
0x34: {  	[tilespmem:s8], [sflag:$0x2] =	stream.indirect.gather [hbm4b:s5+s6], $0x238, s6, s6, $0xb8;
	[tilespmem:$0x1CF20] =	vst v63  }
0x35: {  	_ =	swait.ge [sflag:s9], $0xE6C0  }
0x36: {  	[sflag:s9] =	ssyncset.done $0x0  }
0x37: {  	[sflag:s9] =	ssyncadd.s32 $0xFFFF1940  }
0x38: {  	[hbm4b:s10+s2] =	stream.linear.scatter [tilespmem:s7], [sflag:$0x3], $0xE6C0, $0x38;
	[tilespmem:$0x1CF20] =	vst v63  }
0x39: {  	_ =	swait.ge [sflag:s3], $0xE6C0  }
0x3a: {  	[sflag:s3] =	ssyncset.done $0x0  }
0x3b: {  	[sflag:s3] =	ssyncadd.s32 $0xFFFF1940  }
0x3c: {  	_ =	swait.ge [sflag:s11], $0xE6C0  }
0x3d: {  	[sflag:s11] =	ssyncset.done $0x0  }
0x3e: {  	[sflag:s11] =	ssyncadd.s32 $0xFFFF1940  }
0x3f: {  	[hbm4b:s12+s2] =	stream.linear.scatter [tilespmem:s8], [sflag:$0x3], $0xE6C0, $0x38;
	[tilespmem:$0x1CF20] =	vst v63  }
0x40: {  	_ =	swait.ge [sflag:s3], $0xE6C0  }
0x41: {  	[sflag:s3] =	ssyncset.done $0x0  }
0x42: {  	[sflag:s3] =	ssyncadd.s32 $0xFFFF1940  }
0x43: {  	[tilespmem:s7], [sflag:$0x1] =	stream.indirect.gather [hbm4b:s5+s6], $0x238, s13, s6, $0xb8;
	[tilespmem:$0x1CF20] =	vst v63  }
0x44: {  	_ = 	snop  }
0x45: {  	[tilespmem:s8], [sflag:$0x2] =	stream.indirect.gather [hbm4b:s5+s6], $0x238, s14, s6, $0xb8;
	[tilespmem:$0x1CF20] =	vst v63  }
0x46: {  	_ =	swait.ge [sflag:s9], $0xE6C0  }
0x47: {  	[sflag:s9] =	ssyncset.done $0x0  }
0x48: {  	[sflag:s9] =	ssyncadd.s32 $0xFFFF1940  }
0x49: {  	[hbm4b:s15+s2] =	stream.linear.scatter [tilespmem:s7], [sflag:$0x3], $0xE6C0, $0x38;
	[tilespmem:$0x1CF20] =	vst v63  }
0x4a: {  	_ =	swait.ge [sflag:s3], $0xE6C0  }
0x4b: {  	[sflag:s3] =	ssyncset.done $0x0  }
0x4c: {  	[sflag:s3] =	ssyncadd.s32 $0xFFFF1940  }
0x4d: {  	_ =	swait.ge [sflag:s11], $0xE6C0  }
.Ltmp1:
0x4e: {  	[sflag:s11] =	ssyncset.done $0x0;
	(pc) =	sbr.rel @p0 .LBB2_1-.Ltmp1, $4  }
0x4f: {  	[sflag:s11] =	ssyncadd.s32 $0xFFFF1940  }
0x50: {  	[hbm4b:s16+s2] =	stream.linear.scatter [tilespmem:s8], [sflag:$0x3], $0xE6C0, $0x38;
	[tilespmem:$0x1CF20] =	vst v63  }
0x51: {  	_ =	swait.ge [sflag:s3], $0xE6C0  }
0x52: {  	[sflag:s3] =	ssyncset.done $0x0  }
.LBB2_2:
0x53: {  	[sflag:s3] =	ssyncadd.s32 $0xFFFF1940  }
0x54: {  	_ =	sfence.sel $0x180000  }
0x55: {  	[bflag:$0x0] =	sbarrier.arrive $0xFFFF  }
0x56: {  	p0 =	sne.s32 s0, $0x0;
	_ =	strace $0x9000004A  }
0x57: {  	s0 =	sadd.s32 @!p0 $0x100000, s1;
	[bflag:$0x2] =	sbarrier.arrive $0xFFFF  }
0x58: {  	[sflag:s0] =	ssyncadd.tile.s32 @!p0 $0x1;
	_ =	shalt  }
.Lfunc_end2:
_tile_overlayer_lowered:
.L_overlay_start_2:
0x59: {  	(tag) =	ssettag $0x2  }
0x5a: {  	s0 =	rddreg [dreg:$0x0];
	s2 =	stileid.u32  }
0x5b: {  	s1 =	rddreg [dreg:$0x1];
	p0 =	sne.s32 s2, $0x0  }
0x5c: {  	s3 =	rddreg [dreg:$0x2];
	[bflag:$0x3] =	sbarrier.arrive $0xFFFF;
	s2 =	simm.s32 @!p0 $0x1C03  }
0x5d: {  	[timem:s3], [sflag:s2] =	dma.local @!p0 [hbm:s0], s1  }
0x5e: {  	s0 =	simm.s32 @!p0 $0x3  }
0x5f: {  	_ =	swait.ge @!p0 [sflag:s0], s1  }
0x60: {  	s1 =	ssub.s32 @!p0 $0x0, s1;
	[sflag:s0] =	ssyncset.done @!p0 $0x0  }
0x61: {  	[sflag:s0] =	ssyncadd.s32 @!p0 s1  }
0x62: {  	[bflag:$0x3] =	sbarrier.arrive $0xFFFF  }
0x63: {  	_ =	shalt  }

// kernel: kernel.21.cloned.1.call-start
scs
__scs_entry_jumppad:
0x0: {  	(pc) =	sbr.rel $0x88, $3  }
0x1: {  	(tag) =	ssettag $0x0;
	lr =	simm.s32 $0x1  }
0x2: {  	[smem:$0x3F9A] =	sst lr;
	_ =	strace $0xD0000000  }
0x3: {  	_ = 	snop  }
0x4: {  	_ = 	snop  }
0x5: {  	_ = 	snop  }
0x6: {  	_ = 	snop  }
0x7: {  	_ = 	snop  }
__scs_overlays_trampoline_lowered:
0x8: {  	[smem:$0x3FA9] =	sst s0  }
0x9: {  	[smem:$0x3FAA] =	sst s1  }
0xa: {  	[smem:$0x3FAB] =	sst s2  }
0xb: {  	[smem:$0x3FAC] =	sst s3  }
0xc: {  	[smem:$0x3FAD] =	sst s4  }
0xd: {  	[smem:$0x3FAE] =	sst s5  }
0xe: {  	[smem:$0x3FAF] =	sst s6  }
0xf: {  	[smem:$0x3FB0] =	sst s7  }
0x10: {  	[smem:$0x3FB1] =	sst s8  }
0x11: {  	[smem:$0x3FB2] =	sst s9;
	s0 =	simm.s32 @!p0 $0x0  }
0x12: {  	s1 =	sld [smem:$0x3F98];
	s0 =	simm.s32 @p0 $0x1  }
0x13: {  	[smem:$0x3FB3] =	sst s0;
	s0 =	simm.s32 @!p1 $0x0  }
0x14: {  	s2 =	sld [smem:$0x3F97];
	s0 =	simm.s32 @p1 $0x1  }
0x15: {  	[smem:$0x3FB4] =	sst s0;
	s0 =	simm.s32 @!p2 $0x0  }
0x16: {  	s3 =	sld [smem:$0x3FDB];
	s0 =	simm.s32 @p2 $0x1  }
0x17: {  	s4 =	simm.s32 $0x1BF5;
	[smem:$0x3FB6] =	sst s0  }
0x18: {  	s0 =	sld [smem:$0x3F99];
	_ =	swait.ge [sflag:s4], $0x0  }
0x19: {  	s7 =	sld [smem:$0x3F9A]  }
0x1a: {  	s8 =	sadd.s32 $0xFFFFE003, lr  }
0x1b: {  	s9 =	sadd.s32 $0xFFFFFEF7, lr;
	s5 =	simm.s32 $0xFFFFFFFF;
	p2 =	slt.u32 s8, $0xFFFFF086  }
0x1c: {  	p1 =	slt.u32 s9, $0xF7A;
	s5 =	simm.s32 @!p2 $0x0  }
0x1d: {  	s5 =	simm.s32 @p1 $0x1;
	p0 =	seq.s32 s7, s2  }
0x1e: {  	s7 =	smul.u32 @!p0 $0xF7A, s2;
	p2 =	seq.s32 @!p0 s5, $0x0  }
0x1f: {  	s9 =	smul.u32 $0xF7A, s1;
	s8 =	simm.s32 @!p0 $0x1BF5;
	p2 =	por !p2, p0  }
0x20: {  	[sflag:s8] =	ssyncset.s32 @!p0 $0xFFFFF086;
	s6 =	sadd.s32 @!p0 s3, s7;
	s7 =	simm.s32 @!p0 $0x108  }
0x21: {  	s3 =	sadd.s32 s3, s9;
	s6 =	sadd.s32 @!p0 $0x88, s6;
	s7 =	simm.s32 @p2 $0x1082  }
0x22: {  	[simem:s7], [sflag:s8] =	dma.local @!p0 [hbm:s6], $0xF7A  }
0x23: {  	s9 =	sor.u32 $0xD0000000, s2;
	s6 =	simm.s32 $0x108;
	_ =	swait.ge @!p0 [sflag:s8], $0x0  }
0x24: {  	s3 =	sadd.s32 $0x88, s3;
	s6 =	simm.s32 @!p1 $0x1082;
	[sflag:s4] =	ssyncset.s32 $0xFFFFF086  }
0x25: {  	[simem:s6], [sflag:s4] =	dma.local [hbm:s3], $0xF7A  }
0x26: {  	[smem:$0x3F9A] =	sst s1;
	(tag) =	ssettag s2;
	_ =	strace s9  }
0x27: {  	s1 =	sld [smem:$0x3FAA]  }
0x28: {  	s2 =	sld [smem:$0x3FAB]  }
0x29: {  	s4 =	sld [smem:$0x3FAD]  }
0x2a: {  	p0 =	seq.s32 s5, $0x0;
	s5 =	sld [smem:$0x3FAE]  }
0x2b: {  	s6 =	sld [smem:$0x3FAF]  }
0x2c: {  	s7 =	sld [smem:$0x3FB0]  }
0x2d: {  	s3 =	simm.s32 $0x108;
	s8 =	sld [smem:$0x3FB1]  }
0x2e: {  	s3 =	simm.s32 @!p0 $0x1082;
	s9 =	sld [smem:$0x3FB2]  }
0x2f: {  	lr =	sadd.s32 s0, s3;
	s0 =	sld [smem:$0x3FA9]  }
0x30: {  	s3 =	sld [smem:$0x3FAC]  }
0x31: {  	[smem:$0x3FB5] =	sst s10  }
0x32: {  	s10 =	sld [smem:$0x3FB3];
	_ =	sdelay $0x3  }
0x33: {  	p0 =	seq.s32 s10, $0x1;
	s10 =	sld [smem:$0x3FB5];
	_ =	sdelay $0x3  }
0x34: {  	[smem:$0x3FB5] =	sst s10  }
0x35: {  	s10 =	sld [smem:$0x3FB4];
	_ =	sdelay $0x3  }
0x36: {  	p1 =	seq.s32 s10, $0x1;
	s10 =	sld [smem:$0x3FB5];
	_ =	sdelay $0x3  }
0x37: {  	[smem:$0x3FB5] =	sst s10  }
0x38: {  	s10 =	sld [smem:$0x3FB6]  }
0x39: {  	_ = 	snop;
	(pc) =	sbr.ind lr, $3  }
0x3a: {  	_ = 	snop  }
0x3b: {  	_ = 	snop  }
0x3c: {  	p2 =	seq.s32 s10, $0x1;
	s10 =	sld [smem:$0x3FB5]  }
0x3d: {  	_ =	shalt  }
0x3e: {  	_ =	shalt  }
0x3f: {  	_ =	shalt  }
0x40: {  	_ =	shalt  }
0x41: {  	_ =	shalt  }
0x42: {  	_ =	shalt  }
0x43: {  	_ =	shalt  }
0x44: {  	_ =	shalt  }
0x45: {  	_ =	shalt  }
0x46: {  	_ =	shalt  }
0x47: {  	_ =	shalt  }
0x48: {  	_ =	shalt  }
0x49: {  	_ =	shalt  }
0x4a: {  	_ =	shalt  }
0x4b: {  	_ =	shalt  }
0x4c: {  	_ =	shalt  }
0x4d: {  	_ =	shalt  }
0x4e: {  	_ =	shalt  }
0x4f: {  	_ =	shalt  }
0x50: {  	_ =	shalt  }
0x51: {  	_ =	shalt  }
0x52: {  	_ =	shalt  }
0x53: {  	_ =	shalt  }
0x54: {  	_ =	shalt  }
0x55: {  	_ =	shalt  }
0x56: {  	_ =	shalt  }
0x57: {  	_ =	shalt  }
0x58: {  	_ =	shalt  }
0x59: {  	_ =	shalt  }
0x5a: {  	_ =	shalt  }
0x5b: {  	_ =	shalt  }
0x5c: {  	_ =	shalt  }
0x5d: {  	_ =	shalt  }
0x5e: {  	_ =	shalt  }
0x5f: {  	_ =	shalt  }
0x60: {  	_ =	shalt  }
0x61: {  	_ =	shalt  }
0x62: {  	_ =	shalt  }
0x63: {  	_ =	shalt  }
0x64: {  	_ =	shalt  }
0x65: {  	_ =	shalt  }
0x66: {  	_ =	shalt  }
0x67: {  	_ =	shalt  }
0x68: {  	_ =	shalt  }
0x69: {  	_ =	shalt  }
0x6a: {  	_ =	shalt  }
0x6b: {  	_ =	shalt  }
0x6c: {  	_ =	shalt  }
0x6d: {  	_ =	shalt  }
0x6e: {  	_ =	shalt  }
0x6f: {  	_ =	shalt  }
0x70: {  	_ =	shalt  }
0x71: {  	_ =	shalt  }
0x72: {  	_ =	shalt  }
0x73: {  	_ =	shalt  }
0x74: {  	_ =	shalt  }
0x75: {  	_ =	shalt  }
0x76: {  	_ =	shalt  }
0x77: {  	_ =	shalt  }
0x78: {  	_ =	shalt  }
0x79: {  	_ =	shalt  }
0x7a: {  	_ =	shalt  }
0x7b: {  	_ =	shalt  }
0x7c: {  	_ =	shalt  }
0x7d: {  	_ =	shalt  }
0x7e: {  	_ =	shalt  }
0x7f: {  	_ =	shalt  }
0x80: {  	_ =	shalt  }
0x81: {  	_ =	shalt  }
0x82: {  	_ =	shalt  }
0x83: {  	_ =	shalt  }
0x84: {  	_ =	shalt  }
0x85: {  	_ =	shalt  }
0x86: {  	_ =	shalt  }
0x87: {  	_ =	shalt  }
.Lfunc_end0:
.L_simem_size_0:
called_computation.3_lowered:
.L_overlay_start_0:
0x88: {  	s2 =	sld [smem:$0x3FD9]  }
0x89: {  	s3 =	sld [smem:$0x3FFE];
	_ =	sdelay $0x1  }
0x8a: {  	s1 =	srdreg.scid  }
0x8b: {  	s0 =	sand.u32 $0x1, s1  }
0x8c: {  	s17 =	sshll.u32 s0, $0xA;
	s2 =	sadd.s32 s3, s2  }
0x8d: {  	s2 =	sadd.s32 s2, s17  }
0x8e: {  	[smem:$0x3FC1] =	sst s2  }
0x8f: {  	_ = 	snop  }
0x90: {  	(tm) =	ssettm $0x1  }
0x91: {  	s18 =	sld [smem:$0x3FFB];
	_ =	sdelay $0x3  }
0x92: {  	_ =	strace s18  }
0x93: {  	s2 =	sld [smem:$0x3FFC];
	_ =	sdelay $0x3  }
0x94: {  	_ =	strace s2  }
0x95: {  	s2 =	sld [smem:$0x3FFD];
	_ =	sdelay $0x3  }
0x96: {  	_ =	strace s2  }
0x97: {  	_ =	strace $0x8FFFFFFF  }
0x98: {  	s19 =	sld [smem:$0x3FDB];
	_ =	sdelay $0x1  }
0x99: {  	s20 =	simm.s32 $_scs_section_size  }
0x9a: {  	s4 =	simm.s32 $_size__tile_overlayer_lowered;
	s5 =	simm.s32 $_tile_overlayer_lowered  }
0x9b: {  	s6 =	simm.s32 $0x1BFF;
	s21 =	sshll.u32 s5, $0x1;
	s3 =	sadd.s32 s20, s19  }
0x9c: {  	s22 =	simm.s32 $0x0;
	s4 =	sshll.u32 s4, $0x1;
	s5 =	sadd.s32 s21, s3  }
0x9d: {  	[timem:s22], [sflag:s6] =	dma.local [hbm:s5], s4  }
0x9e: {  	_ =	swait.ge [sflag:s6], s4  }
0x9f: {  	s4 =	ssub.s32 $0x0, s4;
	[sflag:s6] =	ssyncset.done $0x0  }
0xa0: {  	[sflag:s6] =	ssyncadd.s32 s4;
	_ =	sdelay $0x1  }
0xa1: {  	s23 =	simm.s32 $0x1B8B  }
0xa2: {  	_ =	swait.ge [sflag:s23], $0x1  }
0xa3: {  	[sflag:s23] =	ssyncset.done $0x0  }
0xa4: {  	[sflag:s23] =	ssyncadd.s32 $0xFFFFFFFF  }
0xa5: {  	s4 =	sld [smem:$0x0]  }
0xa6: {  	s5 =	sand.u32 $0xFFFFFFFE, s1  }
0xa7: {  	p0 =	sne.s32 s1, s5  }
0xa8: {  	s5 =	sshll.u32 @p0 s5, $0xE  }
0xa9: {  	s5 =	sadd.s32 @p0 $0x11B8D, s5;
	s6 =	sshll.u32 @p0 s4, $0x11  }
0xaa: {  	s5 =	sor.u32 @p0 s6, s5  }
0xab: {  	[sflag:s5] =	ssyncadd.remote.s32 @p0 $0x1;
	_ =	sdelay $0x1  }
0xac: {  	s5 =	simm.s32 @p0 $0x1B8D  }
0xad: {  	_ =	swait.eq @p0 [sflag:s5], $0x1  }
0xae: {  	[sflag:s5] =	ssyncadd.s32 @p0 $0xFFFFFFFF  }
0xaf: {  	s6 =	sshll.u32 @!p0 s1, $0xE  }
0xb0: {  	s6 =	sor.u32 @!p0 $0x4000, s6;
	s5 =	simm.s32 @!p0 $0x1B8D  }
0xb1: {  	s4 =	sshll.u32 @!p0 s4, $0x11;
	s6 =	sadd.s32 @!p0 $0x11B8D, s6;
	_ =	swait.eq @!p0 [sflag:s5], $0x1  }
0xb2: {  	s4 =	sor.u32 @!p0 s4, s6;
	[sflag:s5] =	ssyncadd.s32 @!p0 $0xFFFFFFFF  }
0xb3: {  	s25 =	simm.s32 $0x1B8E;
	s24 =	sld [smem:$0x3FFE];
	[sflag:s4] =	ssyncadd.remote.s32 @!p0 $0x1  }
0xb4: {  	s26 =	simm.s32 $execute0_lowered;
	[smem:$0x3FD2] =	sst s25  }
0xb5: {  	s5 =	sshll.u32 s26, $0x1;
	_ =	strace $0x8000004C;
	[dreg:$0x1] =	wrdreg $0xFFFFFFFF  }
0xb6: {  	s28 =	simm.s32 $_size_execute0_lowered;
	s3 =	sadd.s32 s3, s5;
	[dreg:$0x0] =	wrdreg $0x0  }
0xb7: {  	s5 =	sshll.u32 s28, $0x1;
	[dreg:$0x2] =	wrdreg s3  }
0xb8: {  	[dreg:$0x3] =	wrdreg s5  }
0xb9: {  	[dreg:$0x4] =	wrdreg $0xC0  }
0xba: {  	_ =	task [dreg:s22], $0x5FFFF  }
0xbb: {  	[dreg:$0x1] =	wrdreg $0xFFFFFFFF  }
0xbc: {  	[dreg:$0x0] =	wrdreg $0x60  }
0xbd: {  	[dreg:$0x2] =	wrdreg s24  }
0xbe: {  	[dreg:$0x3] =	wrdreg $0xB  }
0xbf: {  	_ =	task.clear_ibuf [dreg:s22], $0x4FFFF;
	_ =	strace $0x9000004C  }
0xc0: {  	s29 =	simm.s32 $0xB;
	_ =	strace $0x8000004E  }
0xc1: {  	_ =	swait.ge [sflag:s29], $0x1  }
0xc2: {  	[sflag:s29] =	ssyncadd.s32 $0xFFFFFFFF  }
0xc3: {  	_ =	strace $0x9000004E  }
0xc4: {  	_ =	sfence  }
0xc5: {  	s30 =	sld [smem:$0x0];
	_ =	sdelay $0x2  }
0xc6: {  	s31 =	sshll.u32 s1, $0xD;
	s1 =	sshrl.u32 s1, $0x2  }
0xc7: {  	s4 =	sand.u32 $0x4000, s31;
	s1 =	sadd.s32 s1, s30  }
0xc8: {  	s0 =	sor.u32 s4, s0;
	s1 =	sshll.u32 s1, $0x11  }
0xc9: {  	s0 =	sor.u32 s1, s0  }
0xca: {  	s0 =	sadd.s32 $0x8F2B, s0  }
0xcb: {  	[sflag:s0] =	ssyncadd.remote.s32 $0x1  }
0xcc: {  	_ =	sfence.sel $0xFFFF  }
0xcd: {  	[dreg:$0x0] =	wrdreg $0xFFFFFFFF;
	(pc) =	sbr.abs _section_cstart, $3  }
0xce: {  	[dreg:$0x1] =	wrdreg $0xFFFFFFFF  }
0xcf: {  	_ =	task.clear_ibuf [dreg:s22], $0x2FFFF;
	_ =	strace $0x9FFFFFFF  }
0xd0: {  	(tm) =	ssettm $0x7FFFFFFF  }
0xd1: {  	_ =	shalt  }
tec
execute0_lowered:
.L_overlay_start_1:
0x0: {  	(tag) =	ssettag $0x1  }
0x1: {  	s1 =	srdreg.scid;
	s0 =	stileid.u32  }
0x2: {  	s16 =	sand.u32 $0x1, s1;
	s31 =	sshll.u32 s0, $0x1  }
0x3: {  	s8 =	sor.u32 s16, s31  }
0x4: {  	s10 =	rddreg [dreg:$0x0];
	s3 =	smul.u32 $0x34, s8  }
0x5: {  	s2 =	simm.s32 $0x0;
	s1 =	rddreg [dreg:$0x1]  }
0x6: {  	[smem:$0x7FF] =	sst s2;
	s3 =	sadd.s32 s3, s10  }
0x7: {  	_ =	strace $0x8000004D;
	s4 =	sadd.s32 $0x27C000, s3;
	s3 =	simm.s32 $0x3  }
0x8: {  	[tilespmem:s2], [sflag:$0x3] =	stream.linear.gather [hbm4b:s4+s2], $0x1A0, $0x38;
	[tilespmem:$0x1CF20] =	vst v63  }
0x9: {  	_ =	swait.ge [sflag:s3], $0x1A0  }
0xa: {  	s6 =	simm.s32 $0x68;
	[sflag:s3] =	ssyncset.done $0x0  }
0xb: {  	s7 =	simm.s32 $0x1A0;
	s5 =	sadd.s32 $0xB400, s10;
	[sflag:s3] =	ssyncadd.s32 $0xFFFFFE60  }
0xc: {  	[tilespmem:s7], [sflag:$0x1] =	stream.indirect.gather [hbm4b:s5+s6], $0x238, s2, s6, $0xb8;
	[tilespmem:$0x1CF20] =	vst v63  }
0xd: {  	s9 =	simm.s32 $0x1;
	s11 =	smul.u32 $0x7360, s8;
	s8 =	simm.s32 $0xE860  }
0xe: {  	[tilespmem:s8], [sflag:$0x2] =	stream.indirect.gather [hbm4b:s5+s6], $0x238, s6, s6, $0xb8;
	[tilespmem:$0x1CF20] =	vst v63  }
0xf: {  	_ =	swait.ge [sflag:s9], $0xE6C0  }
0x10: {  	s17 =	sadd.s32 s11, s10;
	[sflag:s9] =	ssyncset.done $0x0  }
0x11: {  	s10 =	sadd.s32 $0x27C800, s17;
	[sflag:s9] =	ssyncadd.s32 $0xFFFF1940  }
0x12: {  	[hbm4b:s10+s2] =	stream.linear.scatter [tilespmem:s7], [sflag:$0x3], $0xE6C0, $0x38;
	[tilespmem:$0x1CF20] =	vst v63  }
0x13: {  	_ =	swait.ge [sflag:s3], $0xE6C0  }
0x14: {  	[sflag:s3] =	ssyncset.done $0x0  }
0x15: {  	s11 =	simm.s32 $0x2;
	[sflag:s3] =	ssyncadd.s32 $0xFFFF1940  }
0x16: {  	_ =	swait.ge [sflag:s11], $0xE6C0  }
0x17: {  	[sflag:s11] =	ssyncset.done $0x0  }
0x18: {  	s12 =	sadd.s32 $0x27E4D8, s17;
	[sflag:s11] =	ssyncadd.s32 $0xFFFF1940  }
0x19: {  	[hbm4b:s12+s2] =	stream.linear.scatter [tilespmem:s8], [sflag:$0x3], $0xE6C0, $0x38;
	[tilespmem:$0x1CF20] =	vst v63  }
0x1a: {  	_ =	swait.ge [sflag:s3], $0xE6C0  }
0x1b: {  	[sflag:s3] =	ssyncset.done $0x0  }
0x1c: {  	s13 =	simm.s32 $0xD0;
	[sflag:s3] =	ssyncadd.s32 $0xFFFF1940  }
0x1d: {  	[tilespmem:s7], [sflag:$0x1] =	stream.indirect.gather [hbm4b:s5+s6], $0x238, s13, s6, $0xb8;
	[tilespmem:$0x1CF20] =	vst v63  }
0x1e: {  	s14 =	simm.s32 $0x138  }
0x1f: {  	[tilespmem:s8], [sflag:$0x2] =	stream.indirect.gather [hbm4b:s5+s6], $0x238, s14, s6, $0xb8;
	[tilespmem:$0x1CF20] =	vst v63  }
0x20: {  	_ =	swait.ge [sflag:s9], $0xE6C0  }
0x21: {  	[sflag:s9] =	ssyncset.done $0x0  }
0x22: {  	s16 =	ssub.s32 $0x2, s16;
	s15 =	sadd.s32 $0x2801B0, s17;
	[sflag:s9] =	ssyncadd.s32 $0xFFFF1940  }
0x23: {  	[hbm4b:s15+s2] =	stream.linear.scatter [tilespmem:s7], [sflag:$0x3], $0xE6C0, $0x38;
	[tilespmem:$0x1CF20] =	vst v63  }
0x24: {  	s18 =	sshrl.u32 s16, $0x1;
	_ =	swait.ge [sflag:s3], $0xE6C0  }
0x25: {  	s16 =	ssub.s32 s16, s18;
	[sflag:s3] =	ssyncset.done $0x0  }
0x26: {  	s18 =	smax.u32 s16, $0x1;
	[sflag:s3] =	ssyncadd.s32 $0xFFFF1940  }
0x27: {  	p0 =	sne.s32 s18, $0x1;
	_ =	swait.ge [sflag:s11], $0xE6C0  }
.Ltmp0:
0x28: {  	[sflag:s11] =	ssyncset.done $0x0;
	(pc) =	sbr.rel @!p0 .LBB2_2-.Ltmp0, $4  }
0x29: {  	s16 =	sadd.s32 $0x281E88, s17;
	[sflag:s11] =	ssyncadd.s32 $0xFFFF1940  }
0x2a: {  	[hbm4b:s16+s2] =	stream.linear.scatter [tilespmem:s8], [sflag:$0x3], $0xE6C0, $0x38;
	[tilespmem:$0x1CF20] =	vst v63  }
0x2b: {  	_ =	swait.ge [sflag:s3], $0xE6C0  }
0x2c: {  	s17 =	sadd.s32 $0xFFFFFFFF, s18;
	[sflag:s3] =	ssyncset.done $0x0  }
.LBB2_1:
0x2d: {  	p0 =	sne.s32 s17, $0x1;
	s17 =	sadd.s32 $0xFFFFFFFF, s17;
	[sflag:s3] =	ssyncadd.s32 $0xFFFF1940  }
0x2e: {  	[tilespmem:s2], [sflag:$0x3] =	stream.linear.gather [hbm4b:s4+s2], $0x1A0, $0x38;
	[tilespmem:$0x1CF20] =	vst v63  }
0x2f: {  	_ =	swait.ge [sflag:s3], $0x1A0  }
0x30: {  	[sflag:s3] =	ssyncset.done $0x0  }
0x31: {  	[sflag:s3] =	ssyncadd.s32 $0xFFFFFE60  }
0x32: {  	[tilespmem:s7], [sflag:$0x1] =	stream.indirect.gather [hbm4b:s5+s6], $0x238, s2, s6, $0xb8;
	[tilespmem:$0x1CF20] =	vst v63  }
0x33: {  	_ = 	snop  }
0x34: {  	[tilespmem:s8], [sflag:$0x2] =	stream.indirect.gather [hbm4b:s5+s6], $0x238, s6, s6, $0xb8;
	[tilespmem:$0x1CF20] =	vst v63  }
0x35: {  	_ =	swait.ge [sflag:s9], $0xE6C0  }
0x36: {  	[sflag:s9] =	ssyncset.done $0x0  }
0x37: {  	[sflag:s9] =	ssyncadd.s32 $0xFFFF1940  }
0x38: {  	[hbm4b:s10+s2] =	stream.linear.scatter [tilespmem:s7], [sflag:$0x3], $0xE6C0, $0x38;
	[tilespmem:$0x1CF20] =	vst v63  }
0x39: {  	_ =	swait.ge [sflag:s3], $0xE6C0  }
0x3a: {  	[sflag:s3] =	ssyncset.done $0x0  }
0x3b: {  	[sflag:s3] =	ssyncadd.s32 $0xFFFF1940  }
0x3c: {  	_ =	swait.ge [sflag:s11], $0xE6C0  }
0x3d: {  	[sflag:s11] =	ssyncset.done $0x0  }
0x3e: {  	[sflag:s11] =	ssyncadd.s32 $0xFFFF1940  }
0x3f: {  	[hbm4b:s12+s2] =	stream.linear.scatter [tilespmem:s8], [sflag:$0x3], $0xE6C0, $0x38;
	[tilespmem:$0x1CF20] =	vst v63  }
0x40: {  	_ =	swait.ge [sflag:s3], $0xE6C0  }
0x41: {  	[sflag:s3] =	ssyncset.done $0x0  }
0x42: {  	[sflag:s3] =	ssyncadd.s32 $0xFFFF1940  }
0x43: {  	[tilespmem:s7], [sflag:$0x1] =	stream.indirect.gather [hbm4b:s5+s6], $0x238, s13, s6, $0xb8;
	[tilespmem:$0x1CF20] =	vst v63  }
0x44: {  	_ = 	snop  }
0x45: {  	[tilespmem:s8], [sflag:$0x2] =	stream.indirect.gather [hbm4b:s5+s6], $0x238, s14, s6, $0xb8;
	[tilespmem:$0x1CF20] =	vst v63  }
0x46: {  	_ =	swait.ge [sflag:s9], $0xE6C0  }
0x47: {  	[sflag:s9] =	ssyncset.done $0x0  }
0x48: {  	[sflag:s9] =	ssyncadd.s32 $0xFFFF1940  }
0x49: {  	[hbm4b:s15+s2] =	stream.linear.scatter [tilespmem:s7], [sflag:$0x3], $0xE6C0, $0x38;
	[tilespmem:$0x1CF20] =	vst v63  }
0x4a: {  	_ =	swait.ge [sflag:s3], $0xE6C0  }
0x4b: {  	[sflag:s3] =	ssyncset.done $0x0  }
0x4c: {  	[sflag:s3] =	ssyncadd.s32 $0xFFFF1940  }
0x4d: {  	_ =	swait.ge [sflag:s11], $0xE6C0  }
.Ltmp1:
0x4e: {  	[sflag:s11] =	ssyncset.done $0x0;
	(pc) =	sbr.rel @p0 .LBB2_1-.Ltmp1, $4  }
0x4f: {  	[sflag:s11] =	ssyncadd.s32 $0xFFFF1940  }
0x50: {  	[hbm4b:s16+s2] =	stream.linear.scatter [tilespmem:s8], [sflag:$0x3], $0xE6C0, $0x38;
	[tilespmem:$0x1CF20] =	vst v63  }
0x51: {  	_ =	swait.ge [sflag:s3], $0xE6C0  }
0x52: {  	[sflag:s3] =	ssyncset.done $0x0  }
.LBB2_2:
0x53: {  	[sflag:s3] =	ssyncadd.s32 $0xFFFF1940  }
0x54: {  	_ =	sfence.sel $0x180000  }
0x55: {  	[bflag:$0x0] =	sbarrier.arrive $0xFFFF  }
0x56: {  	p0 =	sne.s32 s0, $0x0;
	_ =	strace $0x9000004D  }
0x57: {  	s0 =	sadd.s32 @!p0 $0x100000, s1;
	[bflag:$0x2] =	sbarrier.arrive $0xFFFF  }
0x58: {  	[sflag:s0] =	ssyncadd.tile.s32 @!p0 $0x1;
	_ =	shalt  }
.Lfunc_end2:
_tile_overlayer_lowered:
.L_overlay_start_2:
0x59: {  	(tag) =	ssettag $0x2  }
0x5a: {  	s0 =	rddreg [dreg:$0x0];
	s2 =	stileid.u32  }
0x5b: {  	s1 =	rddreg [dreg:$0x1];
	p0 =	sne.s32 s2, $0x0  }
0x5c: {  	s3 =	rddreg [dreg:$0x2];
	[bflag:$0x3] =	sbarrier.arrive $0xFFFF;
	s2 =	simm.s32 @!p0 $0x1C03  }
0x5d: {  	[timem:s3], [sflag:s2] =	dma.local @!p0 [hbm:s0], s1  }
0x5e: {  	s0 =	simm.s32 @!p0 $0x3  }
0x5f: {  	_ =	swait.ge @!p0 [sflag:s0], s1  }
0x60: {  	s1 =	ssub.s32 @!p0 $0x0, s1;
	[sflag:s0] =	ssyncset.done @!p0 $0x0  }
0x61: {  	[sflag:s0] =	ssyncadd.s32 @!p0 s1  }
0x62: {  	[bflag:$0x3] =	sbarrier.arrive $0xFFFF  }
0x63: {  	_ =	shalt  }

// kernel: kernel.24.cloned.1.call-start
scs
__scs_entry_jumppad:
0x0: {  	(pc) =	sbr.rel $0x88, $3  }
0x1: {  	(tag) =	ssettag $0x0;
	lr =	simm.s32 $0x1  }
0x2: {  	[smem:$0x3F9A] =	sst lr;
	_ =	strace $0xD0000000  }
0x3: {  	_ = 	snop  }
0x4: {  	_ = 	snop  }
0x5: {  	_ = 	snop  }
0x6: {  	_ = 	snop  }
0x7: {  	_ = 	snop  }
__scs_overlays_trampoline_lowered:
0x8: {  	[smem:$0x3FA9] =	sst s0  }
0x9: {  	[smem:$0x3FAA] =	sst s1  }
0xa: {  	[smem:$0x3FAB] =	sst s2  }
0xb: {  	[smem:$0x3FAC] =	sst s3  }
0xc: {  	[smem:$0x3FAD] =	sst s4  }
0xd: {  	[smem:$0x3FAE] =	sst s5  }
0xe: {  	[smem:$0x3FAF] =	sst s6  }
0xf: {  	[smem:$0x3FB0] =	sst s7  }
0x10: {  	[smem:$0x3FB1] =	sst s8  }
0x11: {  	[smem:$0x3FB2] =	sst s9;
	s0 =	simm.s32 @!p0 $0x0  }
0x12: {  	s1 =	sld [smem:$0x3F98];
	s0 =	simm.s32 @p0 $0x1  }
0x13: {  	[smem:$0x3FB3] =	sst s0;
	s0 =	simm.s32 @!p1 $0x0  }
0x14: {  	s2 =	sld [smem:$0x3F97];
	s0 =	simm.s32 @p1 $0x1  }
0x15: {  	[smem:$0x3FB4] =	sst s0;
	s0 =	simm.s32 @!p2 $0x0  }
0x16: {  	s3 =	sld [smem:$0x3FDB];
	s0 =	simm.s32 @p2 $0x1  }
0x17: {  	s4 =	simm.s32 $0x1BF5;
	[smem:$0x3FB6] =	sst s0  }
0x18: {  	s0 =	sld [smem:$0x3F99];
	_ =	swait.ge [sflag:s4], $0x0  }
0x19: {  	s7 =	sld [smem:$0x3F9A]  }
0x1a: {  	s8 =	sadd.s32 $0xFFFFE003, lr  }
0x1b: {  	s9 =	sadd.s32 $0xFFFFFEF7, lr;
	s5 =	simm.s32 $0xFFFFFFFF;
	p2 =	slt.u32 s8, $0xFFFFF086  }
0x1c: {  	p1 =	slt.u32 s9, $0xF7A;
	s5 =	simm.s32 @!p2 $0x0  }
0x1d: {  	s5 =	simm.s32 @p1 $0x1;
	p0 =	seq.s32 s7, s2  }
0x1e: {  	s7 =	smul.u32 @!p0 $0xF7A, s2;
	p2 =	seq.s32 @!p0 s5, $0x0  }
0x1f: {  	s9 =	smul.u32 $0xF7A, s1;
	s8 =	simm.s32 @!p0 $0x1BF5;
	p2 =	por !p2, p0  }
0x20: {  	[sflag:s8] =	ssyncset.s32 @!p0 $0xFFFFF086;
	s6 =	sadd.s32 @!p0 s3, s7;
	s7 =	simm.s32 @!p0 $0x108  }
0x21: {  	s3 =	sadd.s32 s3, s9;
	s6 =	sadd.s32 @!p0 $0x88, s6;
	s7 =	simm.s32 @p2 $0x1082  }
0x22: {  	[simem:s7], [sflag:s8] =	dma.local @!p0 [hbm:s6], $0xF7A  }
0x23: {  	s9 =	sor.u32 $0xD0000000, s2;
	s6 =	simm.s32 $0x108;
	_ =	swait.ge @!p0 [sflag:s8], $0x0  }
0x24: {  	s3 =	sadd.s32 $0x88, s3;
	s6 =	simm.s32 @!p1 $0x1082;
	[sflag:s4] =	ssyncset.s32 $0xFFFFF086  }
0x25: {  	[simem:s6], [sflag:s4] =	dma.local [hbm:s3], $0xF7A  }
0x26: {  	[smem:$0x3F9A] =	sst s1;
	(tag) =	ssettag s2;
	_ =	strace s9  }
0x27: {  	s1 =	sld [smem:$0x3FAA]  }
0x28: {  	s2 =	sld [smem:$0x3FAB]  }
0x29: {  	s4 =	sld [smem:$0x3FAD]  }
0x2a: {  	p0 =	seq.s32 s5, $0x0;
	s5 =	sld [smem:$0x3FAE]  }
0x2b: {  	s6 =	sld [smem:$0x3FAF]  }
0x2c: {  	s7 =	sld [smem:$0x3FB0]  }
0x2d: {  	s3 =	simm.s32 $0x108;
	s8 =	sld [smem:$0x3FB1]  }
0x2e: {  	s3 =	simm.s32 @!p0 $0x1082;
	s9 =	sld [smem:$0x3FB2]  }
0x2f: {  	lr =	sadd.s32 s0, s3;
	s0 =	sld [smem:$0x3FA9]  }
0x30: {  	s3 =	sld [smem:$0x3FAC]  }
0x31: {  	[smem:$0x3FB5] =	sst s10  }
0x32: {  	s10 =	sld [smem:$0x3FB3];
	_ =	sdelay $0x3  }
0x33: {  	p0 =	seq.s32 s10, $0x1;
	s10 =	sld [smem:$0x3FB5];
	_ =	sdelay $0x3  }
0x34: {  	[smem:$0x3FB5] =	sst s10  }
0x35: {  	s10 =	sld [smem:$0x3FB4];
	_ =	sdelay $0x3  }
0x36: {  	p1 =	seq.s32 s10, $0x1;
	s10 =	sld [smem:$0x3FB5];
	_ =	sdelay $0x3  }
0x37: {  	[smem:$0x3FB5] =	sst s10  }
0x38: {  	s10 =	sld [smem:$0x3FB6]  }
0x39: {  	_ = 	snop;
	(pc) =	sbr.ind lr, $3  }
0x3a: {  	_ = 	snop  }
0x3b: {  	_ = 	snop  }
0x3c: {  	p2 =	seq.s32 s10, $0x1;
	s10 =	sld [smem:$0x3FB5]  }
0x3d: {  	_ =	shalt  }
0x3e: {  	_ =	shalt  }
0x3f: {  	_ =	shalt  }
0x40: {  	_ =	shalt  }
0x41: {  	_ =	shalt  }
0x42: {  	_ =	shalt  }
0x43: {  	_ =	shalt  }
0x44: {  	_ =	shalt  }
0x45: {  	_ =	shalt  }
0x46: {  	_ =	shalt  }
0x47: {  	_ =	shalt  }
0x48: {  	_ =	shalt  }
0x49: {  	_ =	shalt  }
0x4a: {  	_ =	shalt  }
0x4b: {  	_ =	shalt  }
0x4c: {  	_ =	shalt  }
0x4d: {  	_ =	shalt  }
0x4e: {  	_ =	shalt  }
0x4f: {  	_ =	shalt  }
0x50: {  	_ =	shalt  }
0x51: {  	_ =	shalt  }
0x52: {  	_ =	shalt  }
0x53: {  	_ =	shalt  }
0x54: {  	_ =	shalt  }
0x55: {  	_ =	shalt  }
0x56: {  	_ =	shalt  }
0x57: {  	_ =	shalt  }
0x58: {  	_ =	shalt  }
0x59: {  	_ =	shalt  }
0x5a: {  	_ =	shalt  }
0x5b: {  	_ =	shalt  }
0x5c: {  	_ =	shalt  }
0x5d: {  	_ =	shalt  }
0x5e: {  	_ =	shalt  }
0x5f: {  	_ =	shalt  }
0x60: {  	_ =	shalt  }
0x61: {  	_ =	shalt  }
0x62: {  	_ =	shalt  }
0x63: {  	_ =	shalt  }
0x64: {  	_ =	shalt  }
0x65: {  	_ =	shalt  }
0x66: {  	_ =	shalt  }
0x67: {  	_ =	shalt  }
0x68: {  	_ =	shalt  }
0x69: {  	_ =	shalt  }
0x6a: {  	_ =	shalt  }
0x6b: {  	_ =	shalt  }
0x6c: {  	_ =	shalt  }
0x6d: {  	_ =	shalt  }
0x6e: {  	_ =	shalt  }
0x6f: {  	_ =	shalt  }
0x70: {  	_ =	shalt  }
0x71: {  	_ =	shalt  }
0x72: {  	_ =	shalt  }
0x73: {  	_ =	shalt  }
0x74: {  	_ =	shalt  }
0x75: {  	_ =	shalt  }
0x76: {  	_ =	shalt  }
0x77: {  	_ =	shalt  }
0x78: {  	_ =	shalt  }
0x79: {  	_ =	shalt  }
0x7a: {  	_ =	shalt  }
0x7b: {  	_ =	shalt  }
0x7c: {  	_ =	shalt  }
0x7d: {  	_ =	shalt  }
0x7e: {  	_ =	shalt  }
0x7f: {  	_ =	shalt  }
0x80: {  	_ =	shalt  }
0x81: {  	_ =	shalt  }
0x82: {  	_ =	shalt  }
0x83: {  	_ =	shalt  }
0x84: {  	_ =	shalt  }
0x85: {  	_ =	shalt  }
0x86: {  	_ =	shalt  }
0x87: {  	_ =	shalt  }
.Lfunc_end0:
.L_simem_size_0:
called_computation.4_lowered:
.L_overlay_start_0:
0x88: {  	s2 =	sld [smem:$0x3FD9]  }
0x89: {  	s3 =	sld [smem:$0x3FFE];
	_ =	sdelay $0x1  }
0x8a: {  	s1 =	srdreg.scid  }
0x8b: {  	s0 =	sand.u32 $0x1, s1  }
0x8c: {  	s17 =	sshll.u32 s0, $0xA;
	s2 =	sadd.s32 s3, s2  }
0x8d: {  	s2 =	sadd.s32 s2, s17  }
0x8e: {  	[smem:$0x3FC1] =	sst s2  }
0x8f: {  	_ = 	snop  }
0x90: {  	(tm) =	ssettm $0x1  }
0x91: {  	s18 =	sld [smem:$0x3FFB];
	_ =	sdelay $0x3  }
0x92: {  	_ =	strace s18  }
0x93: {  	s2 =	sld [smem:$0x3FFC];
	_ =	sdelay $0x3  }
0x94: {  	_ =	strace s2  }
0x95: {  	s2 =	sld [smem:$0x3FFD];
	_ =	sdelay $0x3  }
0x96: {  	_ =	strace s2  }
0x97: {  	_ =	strace $0x8FFFFFFF  }
0x98: {  	s19 =	sld [smem:$0x3FDB];
	_ =	sdelay $0x1  }
0x99: {  	s20 =	simm.s32 $_scs_section_size  }
0x9a: {  	s4 =	simm.s32 $_size__tile_overlayer_lowered;
	s5 =	simm.s32 $_tile_overlayer_lowered  }
0x9b: {  	s6 =	simm.s32 $0x1BFF;
	s21 =	sshll.u32 s5, $0x1;
	s3 =	sadd.s32 s20, s19  }
0x9c: {  	s22 =	simm.s32 $0x0;
	s4 =	sshll.u32 s4, $0x1;
	s5 =	sadd.s32 s21, s3  }
0x9d: {  	[timem:s22], [sflag:s6] =	dma.local [hbm:s5], s4  }
0x9e: {  	_ =	swait.ge [sflag:s6], s4  }
0x9f: {  	s4 =	ssub.s32 $0x0, s4;
	[sflag:s6] =	ssyncset.done $0x0  }
0xa0: {  	[sflag:s6] =	ssyncadd.s32 s4;
	_ =	sdelay $0x1  }
0xa1: {  	s23 =	simm.s32 $0x1B8B  }
0xa2: {  	_ =	swait.ge [sflag:s23], $0x1  }
0xa3: {  	[sflag:s23] =	ssyncset.done $0x0  }
0xa4: {  	[sflag:s23] =	ssyncadd.s32 $0xFFFFFFFF  }
0xa5: {  	s4 =	sld [smem:$0x0]  }
0xa6: {  	s5 =	sand.u32 $0xFFFFFFFE, s1  }
0xa7: {  	p0 =	sne.s32 s1, s5  }
0xa8: {  	s5 =	sshll.u32 @p0 s5, $0xE  }
0xa9: {  	s5 =	sadd.s32 @p0 $0x11B8D, s5;
	s6 =	sshll.u32 @p0 s4, $0x11  }
0xaa: {  	s5 =	sor.u32 @p0 s6, s5  }
0xab: {  	[sflag:s5] =	ssyncadd.remote.s32 @p0 $0x1;
	_ =	sdelay $0x1  }
0xac: {  	s5 =	simm.s32 @p0 $0x1B8D  }
0xad: {  	_ =	swait.eq @p0 [sflag:s5], $0x1  }
0xae: {  	[sflag:s5] =	ssyncadd.s32 @p0 $0xFFFFFFFF  }
0xaf: {  	s6 =	sshll.u32 @!p0 s1, $0xE  }
0xb0: {  	s6 =	sor.u32 @!p0 $0x4000, s6;
	s5 =	simm.s32 @!p0 $0x1B8D  }
0xb1: {  	s4 =	sshll.u32 @!p0 s4, $0x11;
	s6 =	sadd.s32 @!p0 $0x11B8D, s6;
	_ =	swait.eq @!p0 [sflag:s5], $0x1  }
0xb2: {  	s4 =	sor.u32 @!p0 s4, s6;
	[sflag:s5] =	ssyncadd.s32 @!p0 $0xFFFFFFFF  }
0xb3: {  	s25 =	simm.s32 $0x1B8E;
	s24 =	sld [smem:$0x3FFE];
	[sflag:s4] =	ssyncadd.remote.s32 @!p0 $0x1  }
0xb4: {  	s26 =	simm.s32 $execute0_lowered;
	[smem:$0x3FD2] =	sst s25  }
0xb5: {  	s5 =	sshll.u32 s26, $0x1;
	_ =	strace $0x8000004F;
	[dreg:$0x1] =	wrdreg $0xFFFFFFFF  }
0xb6: {  	s28 =	simm.s32 $_size_execute0_lowered;
	s3 =	sadd.s32 s3, s5;
	[dreg:$0x0] =	wrdreg $0x0  }
0xb7: {  	s5 =	sshll.u32 s28, $0x1;
	[dreg:$0x2] =	wrdreg s3  }
0xb8: {  	[dreg:$0x3] =	wrdreg s5  }
0xb9: {  	[dreg:$0x4] =	wrdreg $0xC0  }
0xba: {  	_ =	task [dreg:s22], $0x5FFFF  }
0xbb: {  	[dreg:$0x1] =	wrdreg $0xFFFFFFFF  }
0xbc: {  	[dreg:$0x0] =	wrdreg $0x60  }
0xbd: {  	[dreg:$0x2] =	wrdreg s24  }
0xbe: {  	[dreg:$0x3] =	wrdreg $0xC  }
0xbf: {  	_ =	task.clear_ibuf [dreg:s22], $0x4FFFF;
	_ =	strace $0x9000004F  }
0xc0: {  	s29 =	simm.s32 $0xC;
	_ =	strace $0x80000051  }
0xc1: {  	_ =	swait.ge [sflag:s29], $0x1  }
0xc2: {  	[sflag:s29] =	ssyncadd.s32 $0xFFFFFFFF  }
0xc3: {  	_ =	strace $0x90000051  }
0xc4: {  	_ =	sfence  }
0xc5: {  	s30 =	sld [smem:$0x0];
	_ =	sdelay $0x2  }
0xc6: {  	s31 =	sshll.u32 s1, $0xD;
	s1 =	sshrl.u32 s1, $0x2  }
0xc7: {  	s4 =	sand.u32 $0x4000, s31;
	s1 =	sadd.s32 s1, s30  }
0xc8: {  	s0 =	sor.u32 s4, s0;
	s1 =	sshll.u32 s1, $0x11  }
0xc9: {  	s0 =	sor.u32 s1, s0  }
0xca: {  	s0 =	sadd.s32 $0x8F2B, s0  }
0xcb: {  	[sflag:s0] =	ssyncadd.remote.s32 $0x1  }
0xcc: {  	_ =	sfence.sel $0xFFFF  }
0xcd: {  	[dreg:$0x0] =	wrdreg $0xFFFFFFFF;
	(pc) =	sbr.abs _section_cstart, $3  }
0xce: {  	[dreg:$0x1] =	wrdreg $0xFFFFFFFF  }
0xcf: {  	_ =	task.clear_ibuf [dreg:s22], $0x2FFFF;
	_ =	strace $0x9FFFFFFF  }
0xd0: {  	(tm) =	ssettm $0x7FFFFFFF  }
0xd1: {  	_ =	shalt  }
tec
execute0_lowered:
.L_overlay_start_1:
0x0: {  	(tag) =	ssettag $0x1  }
0x1: {  	s1 =	srdreg.scid;
	s0 =	stileid.u32  }
0x2: {  	s16 =	sand.u32 $0x1, s1;
	s31 =	sshll.u32 s0, $0x1  }
0x3: {  	s8 =	sor.u32 s16, s31  }
0x4: {  	s10 =	rddreg [dreg:$0x0];
	s3 =	smul.u32 $0x34, s8  }
0x5: {  	s2 =	simm.s32 $0x0;
	s1 =	rddreg [dreg:$0x1]  }
0x6: {  	[smem:$0x7FF] =	sst s2;
	s3 =	sadd.s32 s3, s10  }
0x7: {  	_ =	strace $0x80000050;
	s4 =	sadd.s32 $0xAA000, s3;
	s3 =	simm.s32 $0x3  }
0x8: {  	[tilespmem:s2], [sflag:$0x3] =	stream.linear.gather [hbm4b:s4+s2], $0x1A0, $0x38;
	[tilespmem:$0x1CF20] =	vst v63  }
0x9: {  	_ =	swait.ge [sflag:s3], $0x1A0  }
0xa: {  	s6 =	simm.s32 $0x68;
	[sflag:s3] =	ssyncset.done $0x0  }
0xb: {  	s7 =	simm.s32 $0x1A0;
	s5 =	sadd.s32 $0xB400, s10;
	[sflag:s3] =	ssyncadd.s32 $0xFFFFFE60  }
0xc: {  	[tilespmem:s7], [sflag:$0x1] =	stream.indirect.gather [hbm4b:s5+s6], $0x238, s2, s6, $0xb8;
	[tilespmem:$0x1CF20] =	vst v63  }
0xd: {  	s9 =	simm.s32 $0x1;
	s11 =	smul.u32 $0x7360, s8;
	s8 =	simm.s32 $0xE860  }
0xe: {  	[tilespmem:s8], [sflag:$0x2] =	stream.indirect.gather [hbm4b:s5+s6], $0x238, s6, s6, $0xb8;
	[tilespmem:$0x1CF20] =	vst v63  }
0xf: {  	_ =	swait.ge [sflag:s9], $0xE6C0  }
0x10: {  	s17 =	sadd.s32 s11, s10;
	[sflag:s9] =	ssyncset.done $0x0  }
0x11: {  	s10 =	sadd.s32 $0x363400, s17;
	[sflag:s9] =	ssyncadd.s32 $0xFFFF1940  }
0x12: {  	[hbm4b:s10+s2] =	stream.linear.scatter [tilespmem:s7], [sflag:$0x3], $0xE6C0, $0x38;
	[tilespmem:$0x1CF20] =	vst v63  }
0x13: {  	_ =	swait.ge [sflag:s3], $0xE6C0  }
0x14: {  	[sflag:s3] =	ssyncset.done $0x0  }
0x15: {  	s11 =	simm.s32 $0x2;
	[sflag:s3] =	ssyncadd.s32 $0xFFFF1940  }
0x16: {  	_ =	swait.ge [sflag:s11], $0xE6C0  }
0x17: {  	[sflag:s11] =	ssyncset.done $0x0  }
0x18: {  	s12 =	sadd.s32 $0x3650D8, s17;
	[sflag:s11] =	ssyncadd.s32 $0xFFFF1940  }
0x19: {  	[hbm4b:s12+s2] =	stream.linear.scatter [tilespmem:s8], [sflag:$0x3], $0xE6C0, $0x38;
	[tilespmem:$0x1CF20] =	vst v63  }
0x1a: {  	_ =	swait.ge [sflag:s3], $0xE6C0  }
0x1b: {  	[sflag:s3] =	ssyncset.done $0x0  }
0x1c: {  	s13 =	simm.s32 $0xD0;
	[sflag:s3] =	ssyncadd.s32 $0xFFFF1940  }
0x1d: {  	[tilespmem:s7], [sflag:$0x1] =	stream.indirect.gather [hbm4b:s5+s6], $0x238, s13, s6, $0xb8;
	[tilespmem:$0x1CF20] =	vst v63  }
0x1e: {  	s14 =	simm.s32 $0x138  }
0x1f: {  	[tilespmem:s8], [sflag:$0x2] =	stream.indirect.gather [hbm4b:s5+s6], $0x238, s14, s6, $0xb8;
	[tilespmem:$0x1CF20] =	vst v63  }
0x20: {  	_ =	swait.ge [sflag:s9], $0xE6C0  }
0x21: {  	[sflag:s9] =	ssyncset.done $0x0  }
0x22: {  	s16 =	ssub.s32 $0x2, s16;
	s15 =	sadd.s32 $0x366DB0, s17;
	[sflag:s9] =	ssyncadd.s32 $0xFFFF1940  }
0x23: {  	[hbm4b:s15+s2] =	stream.linear.scatter [tilespmem:s7], [sflag:$0x3], $0xE6C0, $0x38;
	[tilespmem:$0x1CF20] =	vst v63  }
0x24: {  	s18 =	sshrl.u32 s16, $0x1;
	_ =	swait.ge [sflag:s3], $0xE6C0  }
0x25: {  	s16 =	ssub.s32 s16, s18;
	[sflag:s3] =	ssyncset.done $0x0  }
0x26: {  	s18 =	smax.u32 s16, $0x1;
	[sflag:s3] =	ssyncadd.s32 $0xFFFF1940  }
0x27: {  	p0 =	sne.s32 s18, $0x1;
	_ =	swait.ge [sflag:s11], $0xE6C0  }
.Ltmp0:
0x28: {  	[sflag:s11] =	ssyncset.done $0x0;
	(pc) =	sbr.rel @!p0 .LBB2_2-.Ltmp0, $4  }
0x29: {  	s16 =	sadd.s32 $0x368A88, s17;
	[sflag:s11] =	ssyncadd.s32 $0xFFFF1940  }
0x2a: {  	[hbm4b:s16+s2] =	stream.linear.scatter [tilespmem:s8], [sflag:$0x3], $0xE6C0, $0x38;
	[tilespmem:$0x1CF20] =	vst v63  }
0x2b: {  	_ =	swait.ge [sflag:s3], $0xE6C0  }
0x2c: {  	s17 =	sadd.s32 $0xFFFFFFFF, s18;
	[sflag:s3] =	ssyncset.done $0x0  }
.LBB2_1:
0x2d: {  	p0 =	sne.s32 s17, $0x1;
	s17 =	sadd.s32 $0xFFFFFFFF, s17;
	[sflag:s3] =	ssyncadd.s32 $0xFFFF1940  }
0x2e: {  	[tilespmem:s2], [sflag:$0x3] =	stream.linear.gather [hbm4b:s4+s2], $0x1A0, $0x38;
	[tilespmem:$0x1CF20] =	vst v63  }
0x2f: {  	_ =	swait.ge [sflag:s3], $0x1A0  }
0x30: {  	[sflag:s3] =	ssyncset.done $0x0  }
0x31: {  	[sflag:s3] =	ssyncadd.s32 $0xFFFFFE60  }
0x32: {  	[tilespmem:s7], [sflag:$0x1] =	stream.indirect.gather [hbm4b:s5+s6], $0x238, s2, s6, $0xb8;
	[tilespmem:$0x1CF20] =	vst v63  }
0x33: {  	_ = 	snop  }
0x34: {  	[tilespmem:s8], [sflag:$0x2] =	stream.indirect.gather [hbm4b:s5+s6], $0x238, s6, s6, $0xb8;
	[tilespmem:$0x1CF20] =	vst v63  }
0x35: {  	_ =	swait.ge [sflag:s9], $0xE6C0  }
0x36: {  	[sflag:s9] =	ssyncset.done $0x0  }
0x37: {  	[sflag:s9] =	ssyncadd.s32 $0xFFFF1940  }
0x38: {  	[hbm4b:s10+s2] =	stream.linear.scatter [tilespmem:s7], [sflag:$0x3], $0xE6C0, $0x38;
	[tilespmem:$0x1CF20] =	vst v63  }
0x39: {  	_ =	swait.ge [sflag:s3], $0xE6C0  }
0x3a: {  	[sflag:s3] =	ssyncset.done $0x0  }
0x3b: {  	[sflag:s3] =	ssyncadd.s32 $0xFFFF1940  }
0x3c: {  	_ =	swait.ge [sflag:s11], $0xE6C0  }
0x3d: {  	[sflag:s11] =	ssyncset.done $0x0  }
0x3e: {  	[sflag:s11] =	ssyncadd.s32 $0xFFFF1940  }
0x3f: {  	[hbm4b:s12+s2] =	stream.linear.scatter [tilespmem:s8], [sflag:$0x3], $0xE6C0, $0x38;
	[tilespmem:$0x1CF20] =	vst v63  }
0x40: {  	_ =	swait.ge [sflag:s3], $0xE6C0  }
0x41: {  	[sflag:s3] =	ssyncset.done $0x0  }
0x42: {  	[sflag:s3] =	ssyncadd.s32 $0xFFFF1940  }
0x43: {  	[tilespmem:s7], [sflag:$0x1] =	stream.indirect.gather [hbm4b:s5+s6], $0x238, s13, s6, $0xb8;
	[tilespmem:$0x1CF20] =	vst v63  }
0x44: {  	_ = 	snop  }
0x45: {  	[tilespmem:s8], [sflag:$0x2] =	stream.indirect.gather [hbm4b:s5+s6], $0x238, s14, s6, $0xb8;
	[tilespmem:$0x1CF20] =	vst v63  }
0x46: {  	_ =	swait.ge [sflag:s9], $0xE6C0  }
0x47: {  	[sflag:s9] =	ssyncset.done $0x0  }
0x48: {  	[sflag:s9] =	ssyncadd.s32 $0xFFFF1940  }
0x49: {  	[hbm4b:s15+s2] =	stream.linear.scatter [tilespmem:s7], [sflag:$0x3], $0xE6C0, $0x38;
	[tilespmem:$0x1CF20] =	vst v63  }
0x4a: {  	_ =	swait.ge [sflag:s3], $0xE6C0  }
0x4b: {  	[sflag:s3] =	ssyncset.done $0x0  }
0x4c: {  	[sflag:s3] =	ssyncadd.s32 $0xFFFF1940  }
0x4d: {  	_ =	swait.ge [sflag:s11], $0xE6C0  }
.Ltmp1:
0x4e: {  	[sflag:s11] =	ssyncset.done $0x0;
	(pc) =	sbr.rel @p0 .LBB2_1-.Ltmp1, $4  }
0x4f: {  	[sflag:s11] =	ssyncadd.s32 $0xFFFF1940  }
0x50: {  	[hbm4b:s16+s2] =	stream.linear.scatter [tilespmem:s8], [sflag:$0x3], $0xE6C0, $0x38;
	[tilespmem:$0x1CF20] =	vst v63  }
0x51: {  	_ =	swait.ge [sflag:s3], $0xE6C0  }
0x52: {  	[sflag:s3] =	ssyncset.done $0x0  }
.LBB2_2:
0x53: {  	[sflag:s3] =	ssyncadd.s32 $0xFFFF1940  }
0x54: {  	_ =	sfence.sel $0x180000  }
0x55: {  	[bflag:$0x0] =	sbarrier.arrive $0xFFFF  }
0x56: {  	p0 =	sne.s32 s0, $0x0;
	_ =	strace $0x90000050  }
0x57: {  	s0 =	sadd.s32 @!p0 $0x100000, s1;
	[bflag:$0x2] =	sbarrier.arrive $0xFFFF  }
0x58: {  	[sflag:s0] =	ssyncadd.tile.s32 @!p0 $0x1;
	_ =	shalt  }
.Lfunc_end2:
_tile_overlayer_lowered:
.L_overlay_start_2:
0x59: {  	(tag) =	ssettag $0x2  }
0x5a: {  	s0 =	rddreg [dreg:$0x0];
	s2 =	stileid.u32  }
0x5b: {  	s1 =	rddreg [dreg:$0x1];
	p0 =	sne.s32 s2, $0x0  }
0x5c: {  	s3 =	rddreg [dreg:$0x2];
	[bflag:$0x3] =	sbarrier.arrive $0xFFFF;
	s2 =	simm.s32 @!p0 $0x1C03  }
0x5d: {  	[timem:s3], [sflag:s2] =	dma.local @!p0 [hbm:s0], s1  }
0x5e: {  	s0 =	simm.s32 @!p0 $0x3  }
0x5f: {  	_ =	swait.ge @!p0 [sflag:s0], s1  }
0x60: {  	s1 =	ssub.s32 @!p0 $0x0, s1;
	[sflag:s0] =	ssyncset.done @!p0 $0x0  }
0x61: {  	[sflag:s0] =	ssyncadd.s32 @!p0 s1  }
0x62: {  	[bflag:$0x3] =	sbarrier.arrive $0xFFFF  }
0x63: {  	_ =	shalt  }

// kernel: kernel.27.cloned.1.call-start
scs
__scs_entry_jumppad:
0x0: {  	(pc) =	sbr.rel $0x88, $3  }
0x1: {  	(tag) =	ssettag $0x0;
	lr =	simm.s32 $0x1  }
0x2: {  	[smem:$0x3F9A] =	sst lr;
	_ =	strace $0xD0000000  }
0x3: {  	_ = 	snop  }
0x4: {  	_ = 	snop  }
0x5: {  	_ = 	snop  }
0x6: {  	_ = 	snop  }
0x7: {  	_ = 	snop  }
__scs_overlays_trampoline_lowered:
0x8: {  	[smem:$0x3FA9] =	sst s0  }
0x9: {  	[smem:$0x3FAA] =	sst s1  }
0xa: {  	[smem:$0x3FAB] =	sst s2  }
0xb: {  	[smem:$0x3FAC] =	sst s3  }
0xc: {  	[smem:$0x3FAD] =	sst s4  }
0xd: {  	[smem:$0x3FAE] =	sst s5  }
0xe: {  	[smem:$0x3FAF] =	sst s6  }
0xf: {  	[smem:$0x3FB0] =	sst s7  }
0x10: {  	[smem:$0x3FB1] =	sst s8  }
0x11: {  	[smem:$0x3FB2] =	sst s9;
	s0 =	simm.s32 @!p0 $0x0  }
0x12: {  	s1 =	sld [smem:$0x3F98];
	s0 =	simm.s32 @p0 $0x1  }
0x13: {  	[smem:$0x3FB3] =	sst s0;
	s0 =	simm.s32 @!p1 $0x0  }
0x14: {  	s2 =	sld [smem:$0x3F97];
	s0 =	simm.s32 @p1 $0x1  }
0x15: {  	[smem:$0x3FB4] =	sst s0;
	s0 =	simm.s32 @!p2 $0x0  }
0x16: {  	s3 =	sld [smem:$0x3FDB];
	s0 =	simm.s32 @p2 $0x1  }
0x17: {  	s4 =	simm.s32 $0x1BF5;
	[smem:$0x3FB6] =	sst s0  }
0x18: {  	s0 =	sld [smem:$0x3F99];
	_ =	swait.ge [sflag:s4], $0x0  }
0x19: {  	s7 =	sld [smem:$0x3F9A]  }
0x1a: {  	s8 =	sadd.s32 $0xFFFFE003, lr  }
0x1b: {  	s9 =	sadd.s32 $0xFFFFFEF7, lr;
	s5 =	simm.s32 $0xFFFFFFFF;
	p2 =	slt.u32 s8, $0xFFFFF086  }
0x1c: {  	p1 =	slt.u32 s9, $0xF7A;
	s5 =	simm.s32 @!p2 $0x0  }
0x1d: {  	s5 =	simm.s32 @p1 $0x1;
	p0 =	seq.s32 s7, s2  }
0x1e: {  	s7 =	smul.u32 @!p0 $0xF7A, s2;
	p2 =	seq.s32 @!p0 s5, $0x0  }
0x1f: {  	s9 =	smul.u32 $0xF7A, s1;
	s8 =	simm.s32 @!p0 $0x1BF5;
	p2 =	por !p2, p0  }
0x20: {  	[sflag:s8] =	ssyncset.s32 @!p0 $0xFFFFF086;
	s6 =	sadd.s32 @!p0 s3, s7;
	s7 =	simm.s32 @!p0 $0x108  }
0x21: {  	s3 =	sadd.s32 s3, s9;
	s6 =	sadd.s32 @!p0 $0x88, s6;
	s7 =	simm.s32 @p2 $0x1082  }
0x22: {  	[simem:s7], [sflag:s8] =	dma.local @!p0 [hbm:s6], $0xF7A  }
0x23: {  	s9 =	sor.u32 $0xD0000000, s2;
	s6 =	simm.s32 $0x108;
	_ =	swait.ge @!p0 [sflag:s8], $0x0  }
0x24: {  	s3 =	sadd.s32 $0x88, s3;
	s6 =	simm.s32 @!p1 $0x1082;
	[sflag:s4] =	ssyncset.s32 $0xFFFFF086  }
0x25: {  	[simem:s6], [sflag:s4] =	dma.local [hbm:s3], $0xF7A  }
0x26: {  	[smem:$0x3F9A] =	sst s1;
	(tag) =	ssettag s2;
	_ =	strace s9  }
0x27: {  	s1 =	sld [smem:$0x3FAA]  }
0x28: {  	s2 =	sld [smem:$0x3FAB]  }
0x29: {  	s4 =	sld [smem:$0x3FAD]  }
0x2a: {  	p0 =	seq.s32 s5, $0x0;
	s5 =	sld [smem:$0x3FAE]  }
0x2b: {  	s6 =	sld [smem:$0x3FAF]  }
0x2c: {  	s7 =	sld [smem:$0x3FB0]  }
0x2d: {  	s3 =	simm.s32 $0x108;
	s8 =	sld [smem:$0x3FB1]  }
0x2e: {  	s3 =	simm.s32 @!p0 $0x1082;
	s9 =	sld [smem:$0x3FB2]  }
0x2f: {  	lr =	sadd.s32 s0, s3;
	s0 =	sld [smem:$0x3FA9]  }
0x30: {  	s3 =	sld [smem:$0x3FAC]  }
0x31: {  	[smem:$0x3FB5] =	sst s10  }
0x32: {  	s10 =	sld [smem:$0x3FB3];
	_ =	sdelay $0x3  }
0x33: {  	p0 =	seq.s32 s10, $0x1;
	s10 =	sld [smem:$0x3FB5];
	_ =	sdelay $0x3  }
0x34: {  	[smem:$0x3FB5] =	sst s10  }
0x35: {  	s10 =	sld [smem:$0x3FB4];
	_ =	sdelay $0x3  }
0x36: {  	p1 =	seq.s32 s10, $0x1;
	s10 =	sld [smem:$0x3FB5];
	_ =	sdelay $0x3  }
0x37: {  	[smem:$0x3FB5] =	sst s10  }
0x38: {  	s10 =	sld [smem:$0x3FB6]  }
0x39: {  	_ = 	snop;
	(pc) =	sbr.ind lr, $3  }
0x3a: {  	_ = 	snop  }
0x3b: {  	_ = 	snop  }
0x3c: {  	p2 =	seq.s32 s10, $0x1;
	s10 =	sld [smem:$0x3FB5]  }
0x3d: {  	_ =	shalt  }
0x3e: {  	_ =	shalt  }
0x3f: {  	_ =	shalt  }
0x40: {  	_ =	shalt  }
0x41: {  	_ =	shalt  }
0x42: {  	_ =	shalt  }
0x43: {  	_ =	shalt  }
0x44: {  	_ =	shalt  }
0x45: {  	_ =	shalt  }
0x46: {  	_ =	shalt  }
0x47: {  	_ =	shalt  }
0x48: {  	_ =	shalt  }
0x49: {  	_ =	shalt  }
0x4a: {  	_ =	shalt  }
0x4b: {  	_ =	shalt  }
0x4c: {  	_ =	shalt  }
0x4d: {  	_ =	shalt  }
0x4e: {  	_ =	shalt  }
0x4f: {  	_ =	shalt  }
0x50: {  	_ =	shalt  }
0x51: {  	_ =	shalt  }
0x52: {  	_ =	shalt  }
0x53: {  	_ =	shalt  }
0x54: {  	_ =	shalt  }
0x55: {  	_ =	shalt  }
0x56: {  	_ =	shalt  }
0x57: {  	_ =	shalt  }
0x58: {  	_ =	shalt  }
0x59: {  	_ =	shalt  }
0x5a: {  	_ =	shalt  }
0x5b: {  	_ =	shalt  }
0x5c: {  	_ =	shalt  }
0x5d: {  	_ =	shalt  }
0x5e: {  	_ =	shalt  }
0x5f: {  	_ =	shalt  }
0x60: {  	_ =	shalt  }
0x61: {  	_ =	shalt  }
0x62: {  	_ =	shalt  }
0x63: {  	_ =	shalt  }
0x64: {  	_ =	shalt  }
0x65: {  	_ =	shalt  }
0x66: {  	_ =	shalt  }
0x67: {  	_ =	shalt  }
0x68: {  	_ =	shalt  }
0x69: {  	_ =	shalt  }
0x6a: {  	_ =	shalt  }
0x6b: {  	_ =	shalt  }
0x6c: {  	_ =	shalt  }
0x6d: {  	_ =	shalt  }
0x6e: {  	_ =	shalt  }
0x6f: {  	_ =	shalt  }
0x70: {  	_ =	shalt  }
0x71: {  	_ =	shalt  }
0x72: {  	_ =	shalt  }
0x73: {  	_ =	shalt  }
0x74: {  	_ =	shalt  }
0x75: {  	_ =	shalt  }
0x76: {  	_ =	shalt  }
0x77: {  	_ =	shalt  }
0x78: {  	_ =	shalt  }
0x79: {  	_ =	shalt  }
0x7a: {  	_ =	shalt  }
0x7b: {  	_ =	shalt  }
0x7c: {  	_ =	shalt  }
0x7d: {  	_ =	shalt  }
0x7e: {  	_ =	shalt  }
0x7f: {  	_ =	shalt  }
0x80: {  	_ =	shalt  }
0x81: {  	_ =	shalt  }
0x82: {  	_ =	shalt  }
0x83: {  	_ =	shalt  }
0x84: {  	_ =	shalt  }
0x85: {  	_ =	shalt  }
0x86: {  	_ =	shalt  }
0x87: {  	_ =	shalt  }
.Lfunc_end0:
.L_simem_size_0:
called_computation.5_lowered:
.L_overlay_start_0:
0x88: {  	s2 =	sld [smem:$0x3FD9]  }
0x89: {  	s3 =	sld [smem:$0x3FFE];
	_ =	sdelay $0x1  }
0x8a: {  	s1 =	srdreg.scid  }
0x8b: {  	s0 =	sand.u32 $0x1, s1  }
0x8c: {  	s17 =	sshll.u32 s0, $0xA;
	s2 =	sadd.s32 s3, s2  }
0x8d: {  	s2 =	sadd.s32 s2, s17  }
0x8e: {  	[smem:$0x3FC1] =	sst s2  }
0x8f: {  	_ = 	snop  }
0x90: {  	(tm) =	ssettm $0x1  }
0x91: {  	s18 =	sld [smem:$0x3FFB];
	_ =	sdelay $0x3  }
0x92: {  	_ =	strace s18  }
0x93: {  	s2 =	sld [smem:$0x3FFC];
	_ =	sdelay $0x3  }
0x94: {  	_ =	strace s2  }
0x95: {  	s2 =	sld [smem:$0x3FFD];
	_ =	sdelay $0x3  }
0x96: {  	_ =	strace s2  }
0x97: {  	_ =	strace $0x8FFFFFFF  }
0x98: {  	s19 =	sld [smem:$0x3FDB];
	_ =	sdelay $0x1  }
0x99: {  	s20 =	simm.s32 $_scs_section_size  }
0x9a: {  	s4 =	simm.s32 $_size__tile_overlayer_lowered;
	s5 =	simm.s32 $_tile_overlayer_lowered  }
0x9b: {  	s6 =	simm.s32 $0x1BFF;
	s21 =	sshll.u32 s5, $0x1;
	s3 =	sadd.s32 s20, s19  }
0x9c: {  	s22 =	simm.s32 $0x0;
	s4 =	sshll.u32 s4, $0x1;
	s5 =	sadd.s32 s21, s3  }
0x9d: {  	[timem:s22], [sflag:s6] =	dma.local [hbm:s5], s4  }
0x9e: {  	_ =	swait.ge [sflag:s6], s4  }
0x9f: {  	s4 =	ssub.s32 $0x0, s4;
	[sflag:s6] =	ssyncset.done $0x0  }
0xa0: {  	[sflag:s6] =	ssyncadd.s32 s4;
	_ =	sdelay $0x1  }
0xa1: {  	s23 =	simm.s32 $0x1B8B  }
0xa2: {  	_ =	swait.ge [sflag:s23], $0x1  }
0xa3: {  	[sflag:s23] =	ssyncset.done $0x0  }
0xa4: {  	[sflag:s23] =	ssyncadd.s32 $0xFFFFFFFF  }
0xa5: {  	s4 =	sld [smem:$0x0]  }
0xa6: {  	s5 =	sand.u32 $0xFFFFFFFE, s1  }
0xa7: {  	p0 =	sne.s32 s1, s5  }
0xa8: {  	s5 =	sshll.u32 @p0 s5, $0xE  }
0xa9: {  	s5 =	sadd.s32 @p0 $0x11B8D, s5;
	s6 =	sshll.u32 @p0 s4, $0x11  }
0xaa: {  	s5 =	sor.u32 @p0 s6, s5  }
0xab: {  	[sflag:s5] =	ssyncadd.remote.s32 @p0 $0x1;
	_ =	sdelay $0x1  }
0xac: {  	s5 =	simm.s32 @p0 $0x1B8D  }
0xad: {  	_ =	swait.eq @p0 [sflag:s5], $0x1  }
0xae: {  	[sflag:s5] =	ssyncadd.s32 @p0 $0xFFFFFFFF  }
0xaf: {  	s6 =	sshll.u32 @!p0 s1, $0xE  }
0xb0: {  	s6 =	sor.u32 @!p0 $0x4000, s6;
	s5 =	simm.s32 @!p0 $0x1B8D  }
0xb1: {  	s4 =	sshll.u32 @!p0 s4, $0x11;
	s6 =	sadd.s32 @!p0 $0x11B8D, s6;
	_ =	swait.eq @!p0 [sflag:s5], $0x1  }
0xb2: {  	s4 =	sor.u32 @!p0 s4, s6;
	[sflag:s5] =	ssyncadd.s32 @!p0 $0xFFFFFFFF  }
0xb3: {  	s25 =	simm.s32 $0x1B8E;
	s24 =	sld [smem:$0x3FFE];
	[sflag:s4] =	ssyncadd.remote.s32 @!p0 $0x1  }
0xb4: {  	s26 =	simm.s32 $execute0_lowered;
	[smem:$0x3FD2] =	sst s25  }
0xb5: {  	s5 =	sshll.u32 s26, $0x1;
	_ =	strace $0x80000052;
	[dreg:$0x1] =	wrdreg $0xFFFFFFFF  }
0xb6: {  	s28 =	simm.s32 $_size_execute0_lowered;
	s3 =	sadd.s32 s3, s5;
	[dreg:$0x0] =	wrdreg $0x0  }
0xb7: {  	s5 =	sshll.u32 s28, $0x1;
	[dreg:$0x2] =	wrdreg s3  }
0xb8: {  	[dreg:$0x3] =	wrdreg s5  }
0xb9: {  	[dreg:$0x4] =	wrdreg $0xC0  }
0xba: {  	_ =	task [dreg:s22], $0x5FFFF  }
0xbb: {  	[dreg:$0x1] =	wrdreg $0xFFFFFFFF  }
0xbc: {  	[dreg:$0x0] =	wrdreg $0x60  }
0xbd: {  	[dreg:$0x2] =	wrdreg s24  }
0xbe: {  	[dreg:$0x3] =	wrdreg $0xD  }
0xbf: {  	_ =	task.clear_ibuf [dreg:s22], $0x4FFFF;
	_ =	strace $0x90000052  }
0xc0: {  	s29 =	simm.s32 $0xD;
	_ =	strace $0x80000054  }
0xc1: {  	_ =	swait.ge [sflag:s29], $0x1  }
0xc2: {  	[sflag:s29] =	ssyncadd.s32 $0xFFFFFFFF  }
0xc3: {  	_ =	strace $0x90000054  }
0xc4: {  	_ =	sfence  }
0xc5: {  	s30 =	sld [smem:$0x0];
	_ =	sdelay $0x2  }
0xc6: {  	s31 =	sshll.u32 s1, $0xD;
	s1 =	sshrl.u32 s1, $0x2  }
0xc7: {  	s4 =	sand.u32 $0x4000, s31;
	s1 =	sadd.s32 s1, s30  }
0xc8: {  	s0 =	sor.u32 s4, s0;
	s1 =	sshll.u32 s1, $0x11  }
0xc9: {  	s0 =	sor.u32 s1, s0  }
0xca: {  	s0 =	sadd.s32 $0x8F2B, s0  }
0xcb: {  	[sflag:s0] =	ssyncadd.remote.s32 $0x1  }
0xcc: {  	_ =	sfence.sel $0xFFFF  }
0xcd: {  	[dreg:$0x0] =	wrdreg $0xFFFFFFFF;
	(pc) =	sbr.abs _section_cstart, $3  }
0xce: {  	[dreg:$0x1] =	wrdreg $0xFFFFFFFF  }
0xcf: {  	_ =	task.clear_ibuf [dreg:s22], $0x2FFFF;
	_ =	strace $0x9FFFFFFF  }
0xd0: {  	(tm) =	ssettm $0x7FFFFFFF  }
0xd1: {  	_ =	shalt  }
tec
execute0_lowered:
.L_overlay_start_1:
0x0: {  	(tag) =	ssettag $0x1  }
0x1: {  	s1 =	srdreg.scid;
	s0 =	stileid.u32  }
0x2: {  	s16 =	sand.u32 $0x1, s1;
	s31 =	sshll.u32 s0, $0x1  }
0x3: {  	s8 =	sor.u32 s16, s31  }
0x4: {  	s10 =	rddreg [dreg:$0x0];
	s3 =	smul.u32 $0x34, s8  }
0x5: {  	s2 =	simm.s32 $0x0;
	s1 =	rddreg [dreg:$0x1]  }
0x6: {  	[smem:$0x7FF] =	sst s2;
	s3 =	sadd.s32 s3, s10  }
0x7: {  	_ =	strace $0x80000053;
	s4 =	sadd.s32 $0xAA800, s3;
	s3 =	simm.s32 $0x3  }
0x8: {  	[tilespmem:s2], [sflag:$0x3] =	stream.linear.gather [hbm4b:s4+s2], $0x1A0, $0x38;
	[tilespmem:$0x1CF20] =	vst v63  }
0x9: {  	_ =	swait.ge [sflag:s3], $0x1A0  }
0xa: {  	s6 =	simm.s32 $0x68;
	[sflag:s3] =	ssyncset.done $0x0  }
0xb: {  	s7 =	simm.s32 $0x1A0;
	s5 =	sadd.s32 $0xB400, s10;
	[sflag:s3] =	ssyncadd.s32 $0xFFFFFE60  }
0xc: {  	[tilespmem:s7], [sflag:$0x1] =	stream.indirect.gather [hbm4b:s5+s6], $0x238, s2, s6, $0xb8;
	[tilespmem:$0x1CF20] =	vst v63  }
0xd: {  	s9 =	simm.s32 $0x1;
	s11 =	smul.u32 $0x7360, s8;
	s8 =	simm.s32 $0xE860  }
0xe: {  	[tilespmem:s8], [sflag:$0x2] =	stream.indirect.gather [hbm4b:s5+s6], $0x238, s6, s6, $0xb8;
	[tilespmem:$0x1CF20] =	vst v63  }
0xf: {  	_ =	swait.ge [sflag:s9], $0xE6C0  }
0x10: {  	s17 =	sadd.s32 s11, s10;
	[sflag:s9] =	ssyncset.done $0x0  }
0x11: {  	s10 =	sadd.s32 $0x44A000, s17;
	[sflag:s9] =	ssyncadd.s32 $0xFFFF1940  }
0x12: {  	[hbm4b:s10+s2] =	stream.linear.scatter [tilespmem:s7], [sflag:$0x3], $0xE6C0, $0x38;
	[tilespmem:$0x1CF20] =	vst v63  }
0x13: {  	_ =	swait.ge [sflag:s3], $0xE6C0  }
0x14: {  	[sflag:s3] =	ssyncset.done $0x0  }
0x15: {  	s11 =	simm.s32 $0x2;
	[sflag:s3] =	ssyncadd.s32 $0xFFFF1940  }
0x16: {  	_ =	swait.ge [sflag:s11], $0xE6C0  }
0x17: {  	[sflag:s11] =	ssyncset.done $0x0  }
0x18: {  	s12 =	sadd.s32 $0x44BCD8, s17;
	[sflag:s11] =	ssyncadd.s32 $0xFFFF1940  }
0x19: {  	[hbm4b:s12+s2] =	stream.linear.scatter [tilespmem:s8], [sflag:$0x3], $0xE6C0, $0x38;
	[tilespmem:$0x1CF20] =	vst v63  }
0x1a: {  	_ =	swait.ge [sflag:s3], $0xE6C0  }
0x1b: {  	[sflag:s3] =	ssyncset.done $0x0  }
0x1c: {  	s13 =	simm.s32 $0xD0;
	[sflag:s3] =	ssyncadd.s32 $0xFFFF1940  }
0x1d: {  	[tilespmem:s7], [sflag:$0x1] =	stream.indirect.gather [hbm4b:s5+s6], $0x238, s13, s6, $0xb8;
	[tilespmem:$0x1CF20] =	vst v63  }
0x1e: {  	s14 =	simm.s32 $0x138  }
0x1f: {  	[tilespmem:s8], [sflag:$0x2] =	stream.indirect.gather [hbm4b:s5+s6], $0x238, s14, s6, $0xb8;
	[tilespmem:$0x1CF20] =	vst v63  }
0x20: {  	_ =	swait.ge [sflag:s9], $0xE6C0  }
0x21: {  	[sflag:s9] =	ssyncset.done $0x0  }
0x22: {  	s16 =	ssub.s32 $0x2, s16;
	s15 =	sadd.s32 $0x44D9B0, s17;
	[sflag:s9] =	ssyncadd.s32 $0xFFFF1940  }
0x23: {  	[hbm4b:s15+s2] =	stream.linear.scatter [tilespmem:s7], [sflag:$0x3], $0xE6C0, $0x38;
	[tilespmem:$0x1CF20] =	vst v63  }
0x24: {  	s18 =	sshrl.u32 s16, $0x1;
	_ =	swait.ge [sflag:s3], $0xE6C0  }
0x25: {  	s16 =	ssub.s32 s16, s18;
	[sflag:s3] =	ssyncset.done $0x0  }
0x26: {  	s18 =	smax.u32 s16, $0x1;
	[sflag:s3] =	ssyncadd.s32 $0xFFFF1940  }
0x27: {  	p0 =	sne.s32 s18, $0x1;
	_ =	swait.ge [sflag:s11], $0xE6C0  }
.Ltmp0:
0x28: {  	[sflag:s11] =	ssyncset.done $0x0;
	(pc) =	sbr.rel @!p0 .LBB2_2-.Ltmp0, $4  }
0x29: {  	s16 =	sadd.s32 $0x44F688, s17;
	[sflag:s11] =	ssyncadd.s32 $0xFFFF1940  }
0x2a: {  	[hbm4b:s16+s2] =	stream.linear.scatter [tilespmem:s8], [sflag:$0x3], $0xE6C0, $0x38;
	[tilespmem:$0x1CF20] =	vst v63  }
0x2b: {  	_ =	swait.ge [sflag:s3], $0xE6C0  }
0x2c: {  	s17 =	sadd.s32 $0xFFFFFFFF, s18;
	[sflag:s3] =	ssyncset.done $0x0  }
.LBB2_1:
0x2d: {  	p0 =	sne.s32 s17, $0x1;
	s17 =	sadd.s32 $0xFFFFFFFF, s17;
	[sflag:s3] =	ssyncadd.s32 $0xFFFF1940  }
0x2e: {  	[tilespmem:s2], [sflag:$0x3] =	stream.linear.gather [hbm4b:s4+s2], $0x1A0, $0x38;
	[tilespmem:$0x1CF20] =	vst v63  }
0x2f: {  	_ =	swait.ge [sflag:s3], $0x1A0  }
0x30: {  	[sflag:s3] =	ssyncset.done $0x0  }
0x31: {  	[sflag:s3] =	ssyncadd.s32 $0xFFFFFE60  }
0x32: {  	[tilespmem:s7], [sflag:$0x1] =	stream.indirect.gather [hbm4b:s5+s6], $0x238, s2, s6, $0xb8;
	[tilespmem:$0x1CF20] =	vst v63  }
0x33: {  	_ = 	snop  }
0x34: {  	[tilespmem:s8], [sflag:$0x2] =	stream.indirect.gather [hbm4b:s5+s6], $0x238, s6, s6, $0xb8;
	[tilespmem:$0x1CF20] =	vst v63  }
0x35: {  	_ =	swait.ge [sflag:s9], $0xE6C0  }
0x36: {  	[sflag:s9] =	ssyncset.done $0x0  }
0x37: {  	[sflag:s9] =	ssyncadd.s32 $0xFFFF1940  }
0x38: {  	[hbm4b:s10+s2] =	stream.linear.scatter [tilespmem:s7], [sflag:$0x3], $0xE6C0, $0x38;
	[tilespmem:$0x1CF20] =	vst v63  }
0x39: {  	_ =	swait.ge [sflag:s3], $0xE6C0  }
0x3a: {  	[sflag:s3] =	ssyncset.done $0x0  }
0x3b: {  	[sflag:s3] =	ssyncadd.s32 $0xFFFF1940  }
0x3c: {  	_ =	swait.ge [sflag:s11], $0xE6C0  }
0x3d: {  	[sflag:s11] =	ssyncset.done $0x0  }
0x3e: {  	[sflag:s11] =	ssyncadd.s32 $0xFFFF1940  }
0x3f: {  	[hbm4b:s12+s2] =	stream.linear.scatter [tilespmem:s8], [sflag:$0x3], $0xE6C0, $0x38;
	[tilespmem:$0x1CF20] =	vst v63  }
0x40: {  	_ =	swait.ge [sflag:s3], $0xE6C0  }
0x41: {  	[sflag:s3] =	ssyncset.done $0x0  }
0x42: {  	[sflag:s3] =	ssyncadd.s32 $0xFFFF1940  }
0x43: {  	[tilespmem:s7], [sflag:$0x1] =	stream.indirect.gather [hbm4b:s5+s6], $0x238, s13, s6, $0xb8;
	[tilespmem:$0x1CF20] =	vst v63  }
0x44: {  	_ = 	snop  }
0x45: {  	[tilespmem:s8], [sflag:$0x2] =	stream.indirect.gather [hbm4b:s5+s6], $0x238, s14, s6, $0xb8;
	[tilespmem:$0x1CF20] =	vst v63  }
0x46: {  	_ =	swait.ge [sflag:s9], $0xE6C0  }
0x47: {  	[sflag:s9] =	ssyncset.done $0x0  }
0x48: {  	[sflag:s9] =	ssyncadd.s32 $0xFFFF1940  }
0x49: {  	[hbm4b:s15+s2] =	stream.linear.scatter [tilespmem:s7], [sflag:$0x3], $0xE6C0, $0x38;
	[tilespmem:$0x1CF20] =	vst v63  }
0x4a: {  	_ =	swait.ge [sflag:s3], $0xE6C0  }
0x4b: {  	[sflag:s3] =	ssyncset.done $0x0  }
0x4c: {  	[sflag:s3] =	ssyncadd.s32 $0xFFFF1940  }
0x4d: {  	_ =	swait.ge [sflag:s11], $0xE6C0  }
.Ltmp1:
0x4e: {  	[sflag:s11] =	ssyncset.done $0x0;
	(pc) =	sbr.rel @p0 .LBB2_1-.Ltmp1, $4  }
0x4f: {  	[sflag:s11] =	ssyncadd.s32 $0xFFFF1940  }
0x50: {  	[hbm4b:s16+s2] =	stream.linear.scatter [tilespmem:s8], [sflag:$0x3], $0xE6C0, $0x38;
	[tilespmem:$0x1CF20] =	vst v63  }
0x51: {  	_ =	swait.ge [sflag:s3], $0xE6C0  }
0x52: {  	[sflag:s3] =	ssyncset.done $0x0  }
.LBB2_2:
0x53: {  	[sflag:s3] =	ssyncadd.s32 $0xFFFF1940  }
0x54: {  	_ =	sfence.sel $0x180000  }
0x55: {  	[bflag:$0x0] =	sbarrier.arrive $0xFFFF  }
0x56: {  	p0 =	sne.s32 s0, $0x0;
	_ =	strace $0x90000053  }
0x57: {  	s0 =	sadd.s32 @!p0 $0x100000, s1;
	[bflag:$0x2] =	sbarrier.arrive $0xFFFF  }
0x58: {  	[sflag:s0] =	ssyncadd.tile.s32 @!p0 $0x1;
	_ =	shalt  }
.Lfunc_end2:
_tile_overlayer_lowered:
.L_overlay_start_2:
0x59: {  	(tag) =	ssettag $0x2  }
0x5a: {  	s0 =	rddreg [dreg:$0x0];
	s2 =	stileid.u32  }
0x5b: {  	s1 =	rddreg [dreg:$0x1];
	p0 =	sne.s32 s2, $0x0  }
0x5c: {  	s3 =	rddreg [dreg:$0x2];
	[bflag:$0x3] =	sbarrier.arrive $0xFFFF;
	s2 =	simm.s32 @!p0 $0x1C03  }
0x5d: {  	[timem:s3], [sflag:s2] =	dma.local @!p0 [hbm:s0], s1  }
0x5e: {  	s0 =	simm.s32 @!p0 $0x3  }
0x5f: {  	_ =	swait.ge @!p0 [sflag:s0], s1  }
0x60: {  	s1 =	ssub.s32 @!p0 $0x0, s1;
	[sflag:s0] =	ssyncset.done @!p0 $0x0  }
0x61: {  	[sflag:s0] =	ssyncadd.s32 @!p0 s1  }
0x62: {  	[bflag:$0x3] =	sbarrier.arrive $0xFFFF  }
0x63: {  	_ =	shalt  }

// kernel: kernel.30.cloned.1.call-start
scs
__scs_entry_jumppad:
0x0: {  	(pc) =	sbr.rel $0x88, $3  }
0x1: {  	(tag) =	ssettag $0x0;
	lr =	simm.s32 $0x1  }
0x2: {  	[smem:$0x3F9A] =	sst lr;
	_ =	strace $0xD0000000  }
0x3: {  	_ = 	snop  }
0x4: {  	_ = 	snop  }
0x5: {  	_ = 	snop  }
0x6: {  	_ = 	snop  }
0x7: {  	_ = 	snop  }
__scs_overlays_trampoline_lowered:
0x8: {  	[smem:$0x3FA9] =	sst s0  }
0x9: {  	[smem:$0x3FAA] =	sst s1  }
0xa: {  	[smem:$0x3FAB] =	sst s2  }
0xb: {  	[smem:$0x3FAC] =	sst s3  }
0xc: {  	[smem:$0x3FAD] =	sst s4  }
0xd: {  	[smem:$0x3FAE] =	sst s5  }
0xe: {  	[smem:$0x3FAF] =	sst s6  }
0xf: {  	[smem:$0x3FB0] =	sst s7  }
0x10: {  	[smem:$0x3FB1] =	sst s8  }
0x11: {  	[smem:$0x3FB2] =	sst s9;
	s0 =	simm.s32 @!p0 $0x0  }
0x12: {  	s1 =	sld [smem:$0x3F98];
	s0 =	simm.s32 @p0 $0x1  }
0x13: {  	[smem:$0x3FB3] =	sst s0;
	s0 =	simm.s32 @!p1 $0x0  }
0x14: {  	s2 =	sld [smem:$0x3F97];
	s0 =	simm.s32 @p1 $0x1  }
0x15: {  	[smem:$0x3FB4] =	sst s0;
	s0 =	simm.s32 @!p2 $0x0  }
0x16: {  	s3 =	sld [smem:$0x3FDB];
	s0 =	simm.s32 @p2 $0x1  }
0x17: {  	s4 =	simm.s32 $0x1BF5;
	[smem:$0x3FB6] =	sst s0  }
0x18: {  	s0 =	sld [smem:$0x3F99];
	_ =	swait.ge [sflag:s4], $0x0  }
0x19: {  	s7 =	sld [smem:$0x3F9A]  }
0x1a: {  	s8 =	sadd.s32 $0xFFFFE003, lr  }
0x1b: {  	s9 =	sadd.s32 $0xFFFFFEF7, lr;
	s5 =	simm.s32 $0xFFFFFFFF;
	p2 =	slt.u32 s8, $0xFFFFF086  }
0x1c: {  	p1 =	slt.u32 s9, $0xF7A;
	s5 =	simm.s32 @!p2 $0x0  }
0x1d: {  	s5 =	simm.s32 @p1 $0x1;
	p0 =	seq.s32 s7, s2  }
0x1e: {  	s7 =	smul.u32 @!p0 $0xF7A, s2;
	p2 =	seq.s32 @!p0 s5, $0x0  }
0x1f: {  	s9 =	smul.u32 $0xF7A, s1;
	s8 =	simm.s32 @!p0 $0x1BF5;
	p2 =	por !p2, p0  }
0x20: {  	[sflag:s8] =	ssyncset.s32 @!p0 $0xFFFFF086;
	s6 =	sadd.s32 @!p0 s3, s7;
	s7 =	simm.s32 @!p0 $0x108  }
0x21: {  	s3 =	sadd.s32 s3, s9;
	s6 =	sadd.s32 @!p0 $0x88, s6;
	s7 =	simm.s32 @p2 $0x1082  }
0x22: {  	[simem:s7], [sflag:s8] =	dma.local @!p0 [hbm:s6], $0xF7A  }
0x23: {  	s9 =	sor.u32 $0xD0000000, s2;
	s6 =	simm.s32 $0x108;
	_ =	swait.ge @!p0 [sflag:s8], $0x0  }
0x24: {  	s3 =	sadd.s32 $0x88, s3;
	s6 =	simm.s32 @!p1 $0x1082;
	[sflag:s4] =	ssyncset.s32 $0xFFFFF086  }
0x25: {  	[simem:s6], [sflag:s4] =	dma.local [hbm:s3], $0xF7A  }
0x26: {  	[smem:$0x3F9A] =	sst s1;
	(tag) =	ssettag s2;
	_ =	strace s9  }
0x27: {  	s1 =	sld [smem:$0x3FAA]  }
0x28: {  	s2 =	sld [smem:$0x3FAB]  }
0x29: {  	s4 =	sld [smem:$0x3FAD]  }
0x2a: {  	p0 =	seq.s32 s5, $0x0;
	s5 =	sld [smem:$0x3FAE]  }
0x2b: {  	s6 =	sld [smem:$0x3FAF]  }
0x2c: {  	s7 =	sld [smem:$0x3FB0]  }
0x2d: {  	s3 =	simm.s32 $0x108;
	s8 =	sld [smem:$0x3FB1]  }
0x2e: {  	s3 =	simm.s32 @!p0 $0x1082;
	s9 =	sld [smem:$0x3FB2]  }
0x2f: {  	lr =	sadd.s32 s0, s3;
	s0 =	sld [smem:$0x3FA9]  }
0x30: {  	s3 =	sld [smem:$0x3FAC]  }
0x31: {  	[smem:$0x3FB5] =	sst s10  }
0x32: {  	s10 =	sld [smem:$0x3FB3];
	_ =	sdelay $0x3  }
0x33: {  	p0 =	seq.s32 s10, $0x1;
	s10 =	sld [smem:$0x3FB5];
	_ =	sdelay $0x3  }
0x34: {  	[smem:$0x3FB5] =	sst s10  }
0x35: {  	s10 =	sld [smem:$0x3FB4];
	_ =	sdelay $0x3  }
0x36: {  	p1 =	seq.s32 s10, $0x1;
	s10 =	sld [smem:$0x3FB5];
	_ =	sdelay $0x3  }
0x37: {  	[smem:$0x3FB5] =	sst s10  }
0x38: {  	s10 =	sld [smem:$0x3FB6]  }
0x39: {  	_ = 	snop;
	(pc) =	sbr.ind lr, $3  }
0x3a: {  	_ = 	snop  }
0x3b: {  	_ = 	snop  }
0x3c: {  	p2 =	seq.s32 s10, $0x1;
	s10 =	sld [smem:$0x3FB5]  }
0x3d: {  	_ =	shalt  }
0x3e: {  	_ =	shalt  }
0x3f: {  	_ =	shalt  }
0x40: {  	_ =	shalt  }
0x41: {  	_ =	shalt  }
0x42: {  	_ =	shalt  }
0x43: {  	_ =	shalt  }
0x44: {  	_ =	shalt  }
0x45: {  	_ =	shalt  }
0x46: {  	_ =	shalt  }
0x47: {  	_ =	shalt  }
0x48: {  	_ =	shalt  }
0x49: {  	_ =	shalt  }
0x4a: {  	_ =	shalt  }
0x4b: {  	_ =	shalt  }
0x4c: {  	_ =	shalt  }
0x4d: {  	_ =	shalt  }
0x4e: {  	_ =	shalt  }
0x4f: {  	_ =	shalt  }
0x50: {  	_ =	shalt  }
0x51: {  	_ =	shalt  }
0x52: {  	_ =	shalt  }
0x53: {  	_ =	shalt  }
0x54: {  	_ =	shalt  }
0x55: {  	_ =	shalt  }
0x56: {  	_ =	shalt  }
0x57: {  	_ =	shalt  }
0x58: {  	_ =	shalt  }
0x59: {  	_ =	shalt  }
0x5a: {  	_ =	shalt  }
0x5b: {  	_ =	shalt  }
0x5c: {  	_ =	shalt  }
0x5d: {  	_ =	shalt  }
0x5e: {  	_ =	shalt  }
0x5f: {  	_ =	shalt  }
0x60: {  	_ =	shalt  }
0x61: {  	_ =	shalt  }
0x62: {  	_ =	shalt  }
0x63: {  	_ =	shalt  }
0x64: {  	_ =	shalt  }
0x65: {  	_ =	shalt  }
0x66: {  	_ =	shalt  }
0x67: {  	_ =	shalt  }
0x68: {  	_ =	shalt  }
0x69: {  	_ =	shalt  }
0x6a: {  	_ =	shalt  }
0x6b: {  	_ =	shalt  }
0x6c: {  	_ =	shalt  }
0x6d: {  	_ =	shalt  }
0x6e: {  	_ =	shalt  }
0x6f: {  	_ =	shalt  }
0x70: {  	_ =	shalt  }
0x71: {  	_ =	shalt  }
0x72: {  	_ =	shalt  }
0x73: {  	_ =	shalt  }
0x74: {  	_ =	shalt  }
0x75: {  	_ =	shalt  }
0x76: {  	_ =	shalt  }
0x77: {  	_ =	shalt  }
0x78: {  	_ =	shalt  }
0x79: {  	_ =	shalt  }
0x7a: {  	_ =	shalt  }
0x7b: {  	_ =	shalt  }
0x7c: {  	_ =	shalt  }
0x7d: {  	_ =	shalt  }
0x7e: {  	_ =	shalt  }
0x7f: {  	_ =	shalt  }
0x80: {  	_ =	shalt  }
0x81: {  	_ =	shalt  }
0x82: {  	_ =	shalt  }
0x83: {  	_ =	shalt  }
0x84: {  	_ =	shalt  }
0x85: {  	_ =	shalt  }
0x86: {  	_ =	shalt  }
0x87: {  	_ =	shalt  }
.Lfunc_end0:
.L_simem_size_0:
called_computation.6_lowered:
.L_overlay_start_0:
0x88: {  	s2 =	sld [smem:$0x3FD9]  }
0x89: {  	s3 =	sld [smem:$0x3FFE];
	_ =	sdelay $0x1  }
0x8a: {  	s1 =	srdreg.scid  }
0x8b: {  	s0 =	sand.u32 $0x1, s1  }
0x8c: {  	s17 =	sshll.u32 s0, $0xA;
	s2 =	sadd.s32 s3, s2  }
0x8d: {  	s2 =	sadd.s32 s2, s17  }
0x8e: {  	[smem:$0x3FC1] =	sst s2  }
0x8f: {  	_ = 	snop  }
0x90: {  	(tm) =	ssettm $0x1  }
0x91: {  	s18 =	sld [smem:$0x3FFB];
	_ =	sdelay $0x3  }
0x92: {  	_ =	strace s18  }
0x93: {  	s2 =	sld [smem:$0x3FFC];
	_ =	sdelay $0x3  }
0x94: {  	_ =	strace s2  }
0x95: {  	s2 =	sld [smem:$0x3FFD];
	_ =	sdelay $0x3  }
0x96: {  	_ =	strace s2  }
0x97: {  	_ =	strace $0x8FFFFFFF  }
0x98: {  	s19 =	sld [smem:$0x3FDB];
	_ =	sdelay $0x1  }
0x99: {  	s20 =	simm.s32 $_scs_section_size  }
0x9a: {  	s4 =	simm.s32 $_size__tile_overlayer_lowered;
	s5 =	simm.s32 $_tile_overlayer_lowered  }
0x9b: {  	s6 =	simm.s32 $0x1BFF;
	s21 =	sshll.u32 s5, $0x1;
	s3 =	sadd.s32 s20, s19  }
0x9c: {  	s22 =	simm.s32 $0x0;
	s4 =	sshll.u32 s4, $0x1;
	s5 =	sadd.s32 s21, s3  }
0x9d: {  	[timem:s22], [sflag:s6] =	dma.local [hbm:s5], s4  }
0x9e: {  	_ =	swait.ge [sflag:s6], s4  }
0x9f: {  	s4 =	ssub.s32 $0x0, s4;
	[sflag:s6] =	ssyncset.done $0x0  }
0xa0: {  	[sflag:s6] =	ssyncadd.s32 s4;
	_ =	sdelay $0x1  }
0xa1: {  	s23 =	simm.s32 $0x1B8B  }
0xa2: {  	_ =	swait.ge [sflag:s23], $0x1  }
0xa3: {  	[sflag:s23] =	ssyncset.done $0x0  }
0xa4: {  	[sflag:s23] =	ssyncadd.s32 $0xFFFFFFFF  }
0xa5: {  	s4 =	sld [smem:$0x0]  }
0xa6: {  	s5 =	sand.u32 $0xFFFFFFFE, s1  }
0xa7: {  	p0 =	sne.s32 s1, s5  }
0xa8: {  	s5 =	sshll.u32 @p0 s5, $0xE  }
0xa9: {  	s5 =	sadd.s32 @p0 $0x11B8D, s5;
	s6 =	sshll.u32 @p0 s4, $0x11  }
0xaa: {  	s5 =	sor.u32 @p0 s6, s5  }
0xab: {  	[sflag:s5] =	ssyncadd.remote.s32 @p0 $0x1;
	_ =	sdelay $0x1  }
0xac: {  	s5 =	simm.s32 @p0 $0x1B8D  }
0xad: {  	_ =	swait.eq @p0 [sflag:s5], $0x1  }
0xae: {  	[sflag:s5] =	ssyncadd.s32 @p0 $0xFFFFFFFF  }
0xaf: {  	s6 =	sshll.u32 @!p0 s1, $0xE  }
0xb0: {  	s6 =	sor.u32 @!p0 $0x4000, s6;
	s5 =	simm.s32 @!p0 $0x1B8D  }
0xb1: {  	s4 =	sshll.u32 @!p0 s4, $0x11;
	s6 =	sadd.s32 @!p0 $0x11B8D, s6;
	_ =	swait.eq @!p0 [sflag:s5], $0x1  }
0xb2: {  	s4 =	sor.u32 @!p0 s4, s6;
	[sflag:s5] =	ssyncadd.s32 @!p0 $0xFFFFFFFF  }
0xb3: {  	s25 =	simm.s32 $0x1B8E;
	s24 =	sld [smem:$0x3FFE];
	[sflag:s4] =	ssyncadd.remote.s32 @!p0 $0x1  }
0xb4: {  	s26 =	simm.s32 $execute0_lowered;
	[smem:$0x3FD2] =	sst s25  }
0xb5: {  	s5 =	sshll.u32 s26, $0x1;
	_ =	strace $0x80000055;
	[dreg:$0x1] =	wrdreg $0xFFFFFFFF  }
0xb6: {  	s28 =	simm.s32 $_size_execute0_lowered;
	s3 =	sadd.s32 s3, s5;
	[dreg:$0x0] =	wrdreg $0x0  }
0xb7: {  	s5 =	sshll.u32 s28, $0x1;
	[dreg:$0x2] =	wrdreg s3  }
0xb8: {  	[dreg:$0x3] =	wrdreg s5  }
0xb9: {  	[dreg:$0x4] =	wrdreg $0xC0  }
0xba: {  	_ =	task [dreg:s22], $0x5FFFF  }
0xbb: {  	[dreg:$0x1] =	wrdreg $0xFFFFFFFF  }
0xbc: {  	[dreg:$0x0] =	wrdreg $0x60  }
0xbd: {  	[dreg:$0x2] =	wrdreg s24  }
0xbe: {  	[dreg:$0x3] =	wrdreg $0xE  }
0xbf: {  	_ =	task.clear_ibuf [dreg:s22], $0x4FFFF;
	_ =	strace $0x90000055  }
0xc0: {  	s29 =	simm.s32 $0xE;
	_ =	strace $0x80000057  }
0xc1: {  	_ =	swait.ge [sflag:s29], $0x1  }
0xc2: {  	[sflag:s29] =	ssyncadd.s32 $0xFFFFFFFF  }
0xc3: {  	_ =	strace $0x90000057  }
0xc4: {  	_ =	sfence  }
0xc5: {  	s30 =	sld [smem:$0x0];
	_ =	sdelay $0x2  }
0xc6: {  	s31 =	sshll.u32 s1, $0xD;
	s1 =	sshrl.u32 s1, $0x2  }
0xc7: {  	s4 =	sand.u32 $0x4000, s31;
	s1 =	sadd.s32 s1, s30  }
0xc8: {  	s0 =	sor.u32 s4, s0;
	s1 =	sshll.u32 s1, $0x11  }
0xc9: {  	s0 =	sor.u32 s1, s0  }
0xca: {  	s0 =	sadd.s32 $0x8F2B, s0  }
0xcb: {  	[sflag:s0] =	ssyncadd.remote.s32 $0x1  }
0xcc: {  	_ =	sfence.sel $0xFFFF  }
0xcd: {  	[dreg:$0x0] =	wrdreg $0xFFFFFFFF;
	(pc) =	sbr.abs _section_cstart, $3  }
0xce: {  	[dreg:$0x1] =	wrdreg $0xFFFFFFFF  }
0xcf: {  	_ =	task.clear_ibuf [dreg:s22], $0x2FFFF;
	_ =	strace $0x9FFFFFFF  }
0xd0: {  	(tm) =	ssettm $0x7FFFFFFF  }
0xd1: {  	_ =	shalt  }
tec
execute0_lowered:
.L_overlay_start_1:
0x0: {  	(tag) =	ssettag $0x1  }
0x1: {  	s1 =	srdreg.scid;
	s0 =	stileid.u32  }
0x2: {  	s16 =	sand.u32 $0x1, s1;
	s31 =	sshll.u32 s0, $0x1  }
0x3: {  	s8 =	sor.u32 s16, s31  }
0x4: {  	s10 =	rddreg [dreg:$0x0];
	s3 =	smul.u32 $0x34, s8  }
0x5: {  	s2 =	simm.s32 $0x0;
	s1 =	rddreg [dreg:$0x1]  }
0x6: {  	[smem:$0x7FF] =	sst s2;
	s3 =	sadd.s32 s3, s10  }
0x7: {  	_ =	strace $0x80000056;
	s4 =	sadd.s32 $0xAB000, s3;
	s3 =	simm.s32 $0x3  }
0x8: {  	[tilespmem:s2], [sflag:$0x3] =	stream.linear.gather [hbm4b:s4+s2], $0x1A0, $0x38;
	[tilespmem:$0x1CF20] =	vst v63  }
0x9: {  	_ =	swait.ge [sflag:s3], $0x1A0  }
0xa: {  	s6 =	simm.s32 $0x68;
	[sflag:s3] =	ssyncset.done $0x0  }
0xb: {  	s7 =	simm.s32 $0x1A0;
	s5 =	sadd.s32 $0xB400, s10;
	[sflag:s3] =	ssyncadd.s32 $0xFFFFFE60  }
0xc: {  	[tilespmem:s7], [sflag:$0x1] =	stream.indirect.gather [hbm4b:s5+s6], $0x238, s2, s6, $0xb8;
	[tilespmem:$0x1CF20] =	vst v63  }
0xd: {  	s9 =	simm.s32 $0x1;
	s11 =	smul.u32 $0x7360, s8;
	s8 =	simm.s32 $0xE860  }
0xe: {  	[tilespmem:s8], [sflag:$0x2] =	stream.indirect.gather [hbm4b:s5+s6], $0x238, s6, s6, $0xb8;
	[tilespmem:$0x1CF20] =	vst v63  }
0xf: {  	_ =	swait.ge [sflag:s9], $0xE6C0  }
0x10: {  	s17 =	sadd.s32 s11, s10;
	[sflag:s9] =	ssyncset.done $0x0  }
0x11: {  	s10 =	sadd.s32 $0x530C00, s17;
	[sflag:s9] =	ssyncadd.s32 $0xFFFF1940  }
0x12: {  	[hbm4b:s10+s2] =	stream.linear.scatter [tilespmem:s7], [sflag:$0x3], $0xE6C0, $0x38;
	[tilespmem:$0x1CF20] =	vst v63  }
0x13: {  	_ =	swait.ge [sflag:s3], $0xE6C0  }
0x14: {  	[sflag:s3] =	ssyncset.done $0x0  }
0x15: {  	s11 =	simm.s32 $0x2;
	[sflag:s3] =	ssyncadd.s32 $0xFFFF1940  }
0x16: {  	_ =	swait.ge [sflag:s11], $0xE6C0  }
0x17: {  	[sflag:s11] =	ssyncset.done $0x0  }
0x18: {  	s12 =	sadd.s32 $0x5328D8, s17;
	[sflag:s11] =	ssyncadd.s32 $0xFFFF1940  }
0x19: {  	[hbm4b:s12+s2] =	stream.linear.scatter [tilespmem:s8], [sflag:$0x3], $0xE6C0, $0x38;
	[tilespmem:$0x1CF20] =	vst v63  }
0x1a: {  	_ =	swait.ge [sflag:s3], $0xE6C0  }
0x1b: {  	[sflag:s3] =	ssyncset.done $0x0  }
0x1c: {  	s13 =	simm.s32 $0xD0;
	[sflag:s3] =	ssyncadd.s32 $0xFFFF1940  }
0x1d: {  	[tilespmem:s7], [sflag:$0x1] =	stream.indirect.gather [hbm4b:s5+s6], $0x238, s13, s6, $0xb8;
	[tilespmem:$0x1CF20] =	vst v63  }
0x1e: {  	s14 =	simm.s32 $0x138  }
0x1f: {  	[tilespmem:s8], [sflag:$0x2] =	stream.indirect.gather [hbm4b:s5+s6], $0x238, s14, s6, $0xb8;
	[tilespmem:$0x1CF20] =	vst v63  }
0x20: {  	_ =	swait.ge [sflag:s9], $0xE6C0  }
0x21: {  	[sflag:s9] =	ssyncset.done $0x0  }
0x22: {  	s16 =	ssub.s32 $0x2, s16;
	s15 =	sadd.s32 $0x5345B0, s17;
	[sflag:s9] =	ssyncadd.s32 $0xFFFF1940  }
0x23: {  	[hbm4b:s15+s2] =	stream.linear.scatter [tilespmem:s7], [sflag:$0x3], $0xE6C0, $0x38;
	[tilespmem:$0x1CF20] =	vst v63  }
0x24: {  	s18 =	sshrl.u32 s16, $0x1;
	_ =	swait.ge [sflag:s3], $0xE6C0  }
0x25: {  	s16 =	ssub.s32 s16, s18;
	[sflag:s3] =	ssyncset.done $0x0  }
0x26: {  	s18 =	smax.u32 s16, $0x1;
	[sflag:s3] =	ssyncadd.s32 $0xFFFF1940  }
0x27: {  	p0 =	sne.s32 s18, $0x1;
	_ =	swait.ge [sflag:s11], $0xE6C0  }
.Ltmp0:
0x28: {  	[sflag:s11] =	ssyncset.done $0x0;
	(pc) =	sbr.rel @!p0 .LBB2_2-.Ltmp0, $4  }
0x29: {  	s16 =	sadd.s32 $0x536288, s17;
	[sflag:s11] =	ssyncadd.s32 $0xFFFF1940  }
0x2a: {  	[hbm4b:s16+s2] =	stream.linear.scatter [tilespmem:s8], [sflag:$0x3], $0xE6C0, $0x38;
	[tilespmem:$0x1CF20] =	vst v63  }
0x2b: {  	_ =	swait.ge [sflag:s3], $0xE6C0  }
0x2c: {  	s17 =	sadd.s32 $0xFFFFFFFF, s18;
	[sflag:s3] =	ssyncset.done $0x0  }
.LBB2_1:
0x2d: {  	p0 =	sne.s32 s17, $0x1;
	s17 =	sadd.s32 $0xFFFFFFFF, s17;
	[sflag:s3] =	ssyncadd.s32 $0xFFFF1940  }
0x2e: {  	[tilespmem:s2], [sflag:$0x3] =	stream.linear.gather [hbm4b:s4+s2], $0x1A0, $0x38;
	[tilespmem:$0x1CF20] =	vst v63  }
0x2f: {  	_ =	swait.ge [sflag:s3], $0x1A0  }
0x30: {  	[sflag:s3] =	ssyncset.done $0x0  }
0x31: {  	[sflag:s3] =	ssyncadd.s32 $0xFFFFFE60  }
0x32: {  	[tilespmem:s7], [sflag:$0x1] =	stream.indirect.gather [hbm4b:s5+s6], $0x238, s2, s6, $0xb8;
	[tilespmem:$0x1CF20] =	vst v63  }
0x33: {  	_ = 	snop  }
0x34: {  	[tilespmem:s8], [sflag:$0x2] =	stream.indirect.gather [hbm4b:s5+s6], $0x238, s6, s6, $0xb8;
	[tilespmem:$0x1CF20] =	vst v63  }
0x35: {  	_ =	swait.ge [sflag:s9], $0xE6C0  }
0x36: {  	[sflag:s9] =	ssyncset.done $0x0  }
0x37: {  	[sflag:s9] =	ssyncadd.s32 $0xFFFF1940  }
0x38: {  	[hbm4b:s10+s2] =	stream.linear.scatter [tilespmem:s7], [sflag:$0x3], $0xE6C0, $0x38;
	[tilespmem:$0x1CF20] =	vst v63  }
0x39: {  	_ =	swait.ge [sflag:s3], $0xE6C0  }
0x3a: {  	[sflag:s3] =	ssyncset.done $0x0  }
0x3b: {  	[sflag:s3] =	ssyncadd.s32 $0xFFFF1940  }
0x3c: {  	_ =	swait.ge [sflag:s11], $0xE6C0  }
0x3d: {  	[sflag:s11] =	ssyncset.done $0x0  }
0x3e: {  	[sflag:s11] =	ssyncadd.s32 $0xFFFF1940  }
0x3f: {  	[hbm4b:s12+s2] =	stream.linear.scatter [tilespmem:s8], [sflag:$0x3], $0xE6C0, $0x38;
	[tilespmem:$0x1CF20] =	vst v63  }
0x40: {  	_ =	swait.ge [sflag:s3], $0xE6C0  }
0x41: {  	[sflag:s3] =	ssyncset.done $0x0  }
0x42: {  	[sflag:s3] =	ssyncadd.s32 $0xFFFF1940  }
0x43: {  	[tilespmem:s7], [sflag:$0x1] =	stream.indirect.gather [hbm4b:s5+s6], $0x238, s13, s6, $0xb8;
	[tilespmem:$0x1CF20] =	vst v63  }
0x44: {  	_ = 	snop  }
0x45: {  	[tilespmem:s8], [sflag:$0x2] =	stream.indirect.gather [hbm4b:s5+s6], $0x238, s14, s6, $0xb8;
	[tilespmem:$0x1CF20] =	vst v63  }
0x46: {  	_ =	swait.ge [sflag:s9], $0xE6C0  }
0x47: {  	[sflag:s9] =	ssyncset.done $0x0  }
0x48: {  	[sflag:s9] =	ssyncadd.s32 $0xFFFF1940  }
0x49: {  	[hbm4b:s15+s2] =	stream.linear.scatter [tilespmem:s7], [sflag:$0x3], $0xE6C0, $0x38;
	[tilespmem:$0x1CF20] =	vst v63  }
0x4a: {  	_ =	swait.ge [sflag:s3], $0xE6C0  }
0x4b: {  	[sflag:s3] =	ssyncset.done $0x0  }
0x4c: {  	[sflag:s3] =	ssyncadd.s32 $0xFFFF1940  }
0x4d: {  	_ =	swait.ge [sflag:s11], $0xE6C0  }
.Ltmp1:
0x4e: {  	[sflag:s11] =	ssyncset.done $0x0;
	(pc) =	sbr.rel @p0 .LBB2_1-.Ltmp1, $4  }
0x4f: {  	[sflag:s11] =	ssyncadd.s32 $0xFFFF1940  }
0x50: {  	[hbm4b:s16+s2] =	stream.linear.scatter [tilespmem:s8], [sflag:$0x3], $0xE6C0, $0x38;
	[tilespmem:$0x1CF20] =	vst v63  }
0x51: {  	_ =	swait.ge [sflag:s3], $0xE6C0  }
0x52: {  	[sflag:s3] =	ssyncset.done $0x0  }
.LBB2_2:
0x53: {  	[sflag:s3] =	ssyncadd.s32 $0xFFFF1940  }
0x54: {  	_ =	sfence.sel $0x180000  }
0x55: {  	[bflag:$0x0] =	sbarrier.arrive $0xFFFF  }
0x56: {  	p0 =	sne.s32 s0, $0x0;
	_ =	strace $0x90000056  }
0x57: {  	s0 =	sadd.s32 @!p0 $0x100000, s1;
	[bflag:$0x2] =	sbarrier.arrive $0xFFFF  }
0x58: {  	[sflag:s0] =	ssyncadd.tile.s32 @!p0 $0x1;
	_ =	shalt  }
.Lfunc_end2:
_tile_overlayer_lowered:
.L_overlay_start_2:
0x59: {  	(tag) =	ssettag $0x2  }
0x5a: {  	s0 =	rddreg [dreg:$0x0];
	s2 =	stileid.u32  }
0x5b: {  	s1 =	rddreg [dreg:$0x1];
	p0 =	sne.s32 s2, $0x0  }
0x5c: {  	s3 =	rddreg [dreg:$0x2];
	[bflag:$0x3] =	sbarrier.arrive $0xFFFF;
	s2 =	simm.s32 @!p0 $0x1C03  }
0x5d: {  	[timem:s3], [sflag:s2] =	dma.local @!p0 [hbm:s0], s1  }
0x5e: {  	s0 =	simm.s32 @!p0 $0x3  }
0x5f: {  	_ =	swait.ge @!p0 [sflag:s0], s1  }
0x60: {  	s1 =	ssub.s32 @!p0 $0x0, s1;
	[sflag:s0] =	ssyncset.done @!p0 $0x0  }
0x61: {  	[sflag:s0] =	ssyncadd.s32 @!p0 s1  }
0x62: {  	[bflag:$0x3] =	sbarrier.arrive $0xFFFF  }
0x63: {  	_ =	shalt  }

// kernel: kernel.33.cloned.1.call-start
scs
__scs_entry_jumppad:
0x0: {  	(pc) =	sbr.rel $0x88, $3  }
0x1: {  	(tag) =	ssettag $0x0;
	lr =	simm.s32 $0x1  }
0x2: {  	[smem:$0x3F9A] =	sst lr;
	_ =	strace $0xD0000000  }
0x3: {  	_ = 	snop  }
0x4: {  	_ = 	snop  }
0x5: {  	_ = 	snop  }
0x6: {  	_ = 	snop  }
0x7: {  	_ = 	snop  }
__scs_overlays_trampoline_lowered:
0x8: {  	[smem:$0x3FA9] =	sst s0  }
0x9: {  	[smem:$0x3FAA] =	sst s1  }
0xa: {  	[smem:$0x3FAB] =	sst s2  }
0xb: {  	[smem:$0x3FAC] =	sst s3  }
0xc: {  	[smem:$0x3FAD] =	sst s4  }
0xd: {  	[smem:$0x3FAE] =	sst s5  }
0xe: {  	[smem:$0x3FAF] =	sst s6  }
0xf: {  	[smem:$0x3FB0] =	sst s7  }
0x10: {  	[smem:$0x3FB1] =	sst s8  }
0x11: {  	[smem:$0x3FB2] =	sst s9;
	s0 =	simm.s32 @!p0 $0x0  }
0x12: {  	s1 =	sld [smem:$0x3F98];
	s0 =	simm.s32 @p0 $0x1  }
0x13: {  	[smem:$0x3FB3] =	sst s0;
	s0 =	simm.s32 @!p1 $0x0  }
0x14: {  	s2 =	sld [smem:$0x3F97];
	s0 =	simm.s32 @p1 $0x1  }
0x15: {  	[smem:$0x3FB4] =	sst s0;
	s0 =	simm.s32 @!p2 $0x0  }
0x16: {  	s3 =	sld [smem:$0x3FDB];
	s0 =	simm.s32 @p2 $0x1  }
0x17: {  	s4 =	simm.s32 $0x1BF5;
	[smem:$0x3FB6] =	sst s0  }
0x18: {  	s0 =	sld [smem:$0x3F99];
	_ =	swait.ge [sflag:s4], $0x0  }
0x19: {  	s7 =	sld [smem:$0x3F9A]  }
0x1a: {  	s8 =	sadd.s32 $0xFFFFE003, lr  }
0x1b: {  	s9 =	sadd.s32 $0xFFFFFEF7, lr;
	s5 =	simm.s32 $0xFFFFFFFF;
	p2 =	slt.u32 s8, $0xFFFFF086  }
0x1c: {  	p1 =	slt.u32 s9, $0xF7A;
	s5 =	simm.s32 @!p2 $0x0  }
0x1d: {  	s5 =	simm.s32 @p1 $0x1;
	p0 =	seq.s32 s7, s2  }
0x1e: {  	s7 =	smul.u32 @!p0 $0xF7A, s2;
	p2 =	seq.s32 @!p0 s5, $0x0  }
0x1f: {  	s9 =	smul.u32 $0xF7A, s1;
	s8 =	simm.s32 @!p0 $0x1BF5;
	p2 =	por !p2, p0  }
0x20: {  	[sflag:s8] =	ssyncset.s32 @!p0 $0xFFFFF086;
	s6 =	sadd.s32 @!p0 s3, s7;
	s7 =	simm.s32 @!p0 $0x108  }
0x21: {  	s3 =	sadd.s32 s3, s9;
	s6 =	sadd.s32 @!p0 $0x88, s6;
	s7 =	simm.s32 @p2 $0x1082  }
0x22: {  	[simem:s7], [sflag:s8] =	dma.local @!p0 [hbm:s6], $0xF7A  }
0x23: {  	s9 =	sor.u32 $0xD0000000, s2;
	s6 =	simm.s32 $0x108;
	_ =	swait.ge @!p0 [sflag:s8], $0x0  }
0x24: {  	s3 =	sadd.s32 $0x88, s3;
	s6 =	simm.s32 @!p1 $0x1082;
	[sflag:s4] =	ssyncset.s32 $0xFFFFF086  }
0x25: {  	[simem:s6], [sflag:s4] =	dma.local [hbm:s3], $0xF7A  }
0x26: {  	[smem:$0x3F9A] =	sst s1;
	(tag) =	ssettag s2;
	_ =	strace s9  }
0x27: {  	s1 =	sld [smem:$0x3FAA]  }
0x28: {  	s2 =	sld [smem:$0x3FAB]  }
0x29: {  	s4 =	sld [smem:$0x3FAD]  }
0x2a: {  	p0 =	seq.s32 s5, $0x0;
	s5 =	sld [smem:$0x3FAE]  }
0x2b: {  	s6 =	sld [smem:$0x3FAF]  }
0x2c: {  	s7 =	sld [smem:$0x3FB0]  }
0x2d: {  	s3 =	simm.s32 $0x108;
	s8 =	sld [smem:$0x3FB1]  }
0x2e: {  	s3 =	simm.s32 @!p0 $0x1082;
	s9 =	sld [smem:$0x3FB2]  }
0x2f: {  	lr =	sadd.s32 s0, s3;
	s0 =	sld [smem:$0x3FA9]  }
0x30: {  	s3 =	sld [smem:$0x3FAC]  }
0x31: {  	[smem:$0x3FB5] =	sst s10  }
0x32: {  	s10 =	sld [smem:$0x3FB3];
	_ =	sdelay $0x3  }
0x33: {  	p0 =	seq.s32 s10, $0x1;
	s10 =	sld [smem:$0x3FB5];
	_ =	sdelay $0x3  }
0x34: {  	[smem:$0x3FB5] =	sst s10  }
0x35: {  	s10 =	sld [smem:$0x3FB4];
	_ =	sdelay $0x3  }
0x36: {  	p1 =	seq.s32 s10, $0x1;
	s10 =	sld [smem:$0x3FB5];
	_ =	sdelay $0x3  }
0x37: {  	[smem:$0x3FB5] =	sst s10  }
0x38: {  	s10 =	sld [smem:$0x3FB6]  }
0x39: {  	_ = 	snop;
	(pc) =	sbr.ind lr, $3  }
0x3a: {  	_ = 	snop  }
0x3b: {  	_ = 	snop  }
0x3c: {  	p2 =	seq.s32 s10, $0x1;
	s10 =	sld [smem:$0x3FB5]  }
0x3d: {  	_ =	shalt  }
0x3e: {  	_ =	shalt  }
0x3f: {  	_ =	shalt  }
0x40: {  	_ =	shalt  }
0x41: {  	_ =	shalt  }
0x42: {  	_ =	shalt  }
0x43: {  	_ =	shalt  }
0x44: {  	_ =	shalt  }
0x45: {  	_ =	shalt  }
0x46: {  	_ =	shalt  }
0x47: {  	_ =	shalt  }
0x48: {  	_ =	shalt  }
0x49: {  	_ =	shalt  }
0x4a: {  	_ =	shalt  }
0x4b: {  	_ =	shalt  }
0x4c: {  	_ =	shalt  }
0x4d: {  	_ =	shalt  }
0x4e: {  	_ =	shalt  }
0x4f: {  	_ =	shalt  }
0x50: {  	_ =	shalt  }
0x51: {  	_ =	shalt  }
0x52: {  	_ =	shalt  }
0x53: {  	_ =	shalt  }
0x54: {  	_ =	shalt  }
0x55: {  	_ =	shalt  }
0x56: {  	_ =	shalt  }
0x57: {  	_ =	shalt  }
0x58: {  	_ =	shalt  }
0x59: {  	_ =	shalt  }
0x5a: {  	_ =	shalt  }
0x5b: {  	_ =	shalt  }
0x5c: {  	_ =	shalt  }
0x5d: {  	_ =	shalt  }
0x5e: {  	_ =	shalt  }
0x5f: {  	_ =	shalt  }
0x60: {  	_ =	shalt  }
0x61: {  	_ =	shalt  }
0x62: {  	_ =	shalt  }
0x63: {  	_ =	shalt  }
0x64: {  	_ =	shalt  }
0x65: {  	_ =	shalt  }
0x66: {  	_ =	shalt  }
0x67: {  	_ =	shalt  }
0x68: {  	_ =	shalt  }
0x69: {  	_ =	shalt  }
0x6a: {  	_ =	shalt  }
0x6b: {  	_ =	shalt  }
0x6c: {  	_ =	shalt  }
0x6d: {  	_ =	shalt  }
0x6e: {  	_ =	shalt  }
0x6f: {  	_ =	shalt  }
0x70: {  	_ =	shalt  }
0x71: {  	_ =	shalt  }
0x72: {  	_ =	shalt  }
0x73: {  	_ =	shalt  }
0x74: {  	_ =	shalt  }
0x75: {  	_ =	shalt  }
0x76: {  	_ =	shalt  }
0x77: {  	_ =	shalt  }
0x78: {  	_ =	shalt  }
0x79: {  	_ =	shalt  }
0x7a: {  	_ =	shalt  }
0x7b: {  	_ =	shalt  }
0x7c: {  	_ =	shalt  }
0x7d: {  	_ =	shalt  }
0x7e: {  	_ =	shalt  }
0x7f: {  	_ =	shalt  }
0x80: {  	_ =	shalt  }
0x81: {  	_ =	shalt  }
0x82: {  	_ =	shalt  }
0x83: {  	_ =	shalt  }
0x84: {  	_ =	shalt  }
0x85: {  	_ =	shalt  }
0x86: {  	_ =	shalt  }
0x87: {  	_ =	shalt  }
.Lfunc_end0:
.L_simem_size_0:
called_computation.7_lowered:
.L_overlay_start_0:
0x88: {  	s2 =	sld [smem:$0x3FD9]  }
0x89: {  	s3 =	sld [smem:$0x3FFE];
	_ =	sdelay $0x1  }
0x8a: {  	s1 =	srdreg.scid  }
0x8b: {  	s0 =	sand.u32 $0x1, s1  }
0x8c: {  	s17 =	sshll.u32 s0, $0xA;
	s2 =	sadd.s32 s3, s2  }
0x8d: {  	s2 =	sadd.s32 s2, s17  }
0x8e: {  	[smem:$0x3FC1] =	sst s2  }
0x8f: {  	_ = 	snop  }
0x90: {  	(tm) =	ssettm $0x1  }
0x91: {  	s18 =	sld [smem:$0x3FFB];
	_ =	sdelay $0x3  }
0x92: {  	_ =	strace s18  }
0x93: {  	s2 =	sld [smem:$0x3FFC];
	_ =	sdelay $0x3  }
0x94: {  	_ =	strace s2  }
0x95: {  	s2 =	sld [smem:$0x3FFD];
	_ =	sdelay $0x3  }
0x96: {  	_ =	strace s2  }
0x97: {  	_ =	strace $0x8FFFFFFF  }
0x98: {  	s19 =	sld [smem:$0x3FDB];
	_ =	sdelay $0x1  }
0x99: {  	s20 =	simm.s32 $_scs_section_size  }
0x9a: {  	s4 =	simm.s32 $_size__tile_overlayer_lowered;
	s5 =	simm.s32 $_tile_overlayer_lowered  }
0x9b: {  	s6 =	simm.s32 $0x1BFF;
	s21 =	sshll.u32 s5, $0x1;
	s3 =	sadd.s32 s20, s19  }
0x9c: {  	s22 =	simm.s32 $0x0;
	s4 =	sshll.u32 s4, $0x1;
	s5 =	sadd.s32 s21, s3  }
0x9d: {  	[timem:s22], [sflag:s6] =	dma.local [hbm:s5], s4  }
0x9e: {  	_ =	swait.ge [sflag:s6], s4  }
0x9f: {  	s4 =	ssub.s32 $0x0, s4;
	[sflag:s6] =	ssyncset.done $0x0  }
0xa0: {  	[sflag:s6] =	ssyncadd.s32 s4;
	_ =	sdelay $0x1  }
0xa1: {  	s23 =	simm.s32 $0x1B8B  }
0xa2: {  	_ =	swait.ge [sflag:s23], $0x1  }
0xa3: {  	[sflag:s23] =	ssyncset.done $0x0  }
0xa4: {  	[sflag:s23] =	ssyncadd.s32 $0xFFFFFFFF  }
0xa5: {  	s4 =	sld [smem:$0x0]  }
0xa6: {  	s5 =	sand.u32 $0xFFFFFFFE, s1  }
0xa7: {  	p0 =	sne.s32 s1, s5  }
0xa8: {  	s5 =	sshll.u32 @p0 s5, $0xE  }
0xa9: {  	s5 =	sadd.s32 @p0 $0x11B8D, s5;
	s6 =	sshll.u32 @p0 s4, $0x11  }
0xaa: {  	s5 =	sor.u32 @p0 s6, s5  }
0xab: {  	[sflag:s5] =	ssyncadd.remote.s32 @p0 $0x1;
	_ =	sdelay $0x1  }
0xac: {  	s5 =	simm.s32 @p0 $0x1B8D  }
0xad: {  	_ =	swait.eq @p0 [sflag:s5], $0x1  }
0xae: {  	[sflag:s5] =	ssyncadd.s32 @p0 $0xFFFFFFFF  }
0xaf: {  	s6 =	sshll.u32 @!p0 s1, $0xE  }
0xb0: {  	s6 =	sor.u32 @!p0 $0x4000, s6;
	s5 =	simm.s32 @!p0 $0x1B8D  }
0xb1: {  	s4 =	sshll.u32 @!p0 s4, $0x11;
	s6 =	sadd.s32 @!p0 $0x11B8D, s6;
	_ =	swait.eq @!p0 [sflag:s5], $0x1  }
0xb2: {  	s4 =	sor.u32 @!p0 s4, s6;
	[sflag:s5] =	ssyncadd.s32 @!p0 $0xFFFFFFFF  }
0xb3: {  	s25 =	simm.s32 $0x1B8E;
	s24 =	sld [smem:$0x3FFE];
	[sflag:s4] =	ssyncadd.remote.s32 @!p0 $0x1  }
0xb4: {  	s26 =	simm.s32 $execute0_lowered;
	[smem:$0x3FD2] =	sst s25  }
0xb5: {  	s5 =	sshll.u32 s26, $0x1;
	_ =	strace $0x80000058;
	[dreg:$0x1] =	wrdreg $0xFFFFFFFF  }
0xb6: {  	s28 =	simm.s32 $_size_execute0_lowered;
	s3 =	sadd.s32 s3, s5;
	[dreg:$0x0] =	wrdreg $0x0  }
0xb7: {  	s5 =	sshll.u32 s28, $0x1;
	[dreg:$0x2] =	wrdreg s3  }
0xb8: {  	[dreg:$0x3] =	wrdreg s5  }
0xb9: {  	[dreg:$0x4] =	wrdreg $0xC0  }
0xba: {  	_ =	task [dreg:s22], $0x5FFFF  }
0xbb: {  	[dreg:$0x1] =	wrdreg $0xFFFFFFFF  }
0xbc: {  	[dreg:$0x0] =	wrdreg $0x60  }
0xbd: {  	[dreg:$0x2] =	wrdreg s24  }
0xbe: {  	[dreg:$0x3] =	wrdreg $0xF  }
0xbf: {  	_ =	task.clear_ibuf [dreg:s22], $0x4FFFF;
	_ =	strace $0x90000058  }
0xc0: {  	s29 =	simm.s32 $0xF;
	_ =	strace $0x8000005A  }
0xc1: {  	_ =	swait.ge [sflag:s29], $0x1  }
0xc2: {  	[sflag:s29] =	ssyncadd.s32 $0xFFFFFFFF  }
0xc3: {  	_ =	strace $0x9000005A  }
0xc4: {  	_ =	sfence  }
0xc5: {  	s30 =	sld [smem:$0x0];
	_ =	sdelay $0x2  }
0xc6: {  	s31 =	sshll.u32 s1, $0xD;
	s1 =	sshrl.u32 s1, $0x2  }
0xc7: {  	s4 =	sand.u32 $0x4000, s31;
	s1 =	sadd.s32 s1, s30  }
0xc8: {  	s0 =	sor.u32 s4, s0;
	s1 =	sshll.u32 s1, $0x11  }
0xc9: {  	s0 =	sor.u32 s1, s0  }
0xca: {  	s0 =	sadd.s32 $0x8F2B, s0  }
0xcb: {  	[sflag:s0] =	ssyncadd.remote.s32 $0x1  }
0xcc: {  	_ =	sfence.sel $0xFFFF  }
0xcd: {  	[dreg:$0x0] =	wrdreg $0xFFFFFFFF;
	(pc) =	sbr.abs _section_cstart, $3  }
0xce: {  	[dreg:$0x1] =	wrdreg $0xFFFFFFFF  }
0xcf: {  	_ =	task.clear_ibuf [dreg:s22], $0x2FFFF;
	_ =	strace $0x9FFFFFFF  }
0xd0: {  	(tm) =	ssettm $0x7FFFFFFF  }
0xd1: {  	_ =	shalt  }
tec
execute0_lowered:
.L_overlay_start_1:
0x0: {  	(tag) =	ssettag $0x1  }
0x1: {  	s1 =	srdreg.scid;
	s0 =	stileid.u32  }
0x2: {  	s16 =	sand.u32 $0x1, s1;
	s31 =	sshll.u32 s0, $0x1  }
0x3: {  	s8 =	sor.u32 s16, s31  }
0x4: {  	s10 =	rddreg [dreg:$0x0];
	s3 =	smul.u32 $0x34, s8  }
0x5: {  	s2 =	simm.s32 $0x0;
	s1 =	rddreg [dreg:$0x1]  }
0x6: {  	[smem:$0x7FF] =	sst s2;
	s3 =	sadd.s32 s3, s10  }
0x7: {  	_ =	strace $0x80000059;
	s4 =	sadd.s32 $0xAB800, s3;
	s3 =	simm.s32 $0x3  }
0x8: {  	[tilespmem:s2], [sflag:$0x3] =	stream.linear.gather [hbm4b:s4+s2], $0x1A0, $0x38;
	[tilespmem:$0x1CF20] =	vst v63  }
0x9: {  	_ =	swait.ge [sflag:s3], $0x1A0  }
0xa: {  	s6 =	simm.s32 $0x68;
	[sflag:s3] =	ssyncset.done $0x0  }
0xb: {  	s7 =	simm.s32 $0x1A0;
	s5 =	sadd.s32 $0xB400, s10;
	[sflag:s3] =	ssyncadd.s32 $0xFFFFFE60  }
0xc: {  	[tilespmem:s7], [sflag:$0x1] =	stream.indirect.gather [hbm4b:s5+s6], $0x238, s2, s6, $0xb8;
	[tilespmem:$0x1CF20] =	vst v63  }
0xd: {  	s9 =	simm.s32 $0x1;
	s11 =	smul.u32 $0x7360, s8;
	s8 =	simm.s32 $0xE860  }
0xe: {  	[tilespmem:s8], [sflag:$0x2] =	stream.indirect.gather [hbm4b:s5+s6], $0x238, s6, s6, $0xb8;
	[tilespmem:$0x1CF20] =	vst v63  }
0xf: {  	_ =	swait.ge [sflag:s9], $0xE6C0  }
0x10: {  	s17 =	sadd.s32 s11, s10;
	[sflag:s9] =	ssyncset.done $0x0  }
0x11: {  	s10 =	sadd.s32 $0x617800, s17;
	[sflag:s9] =	ssyncadd.s32 $0xFFFF1940  }
0x12: {  	[hbm4b:s10+s2] =	stream.linear.scatter [tilespmem:s7], [sflag:$0x3], $0xE6C0, $0x38;
	[tilespmem:$0x1CF20] =	vst v63  }
0x13: {  	_ =	swait.ge [sflag:s3], $0xE6C0  }
0x14: {  	[sflag:s3] =	ssyncset.done $0x0  }
0x15: {  	s11 =	simm.s32 $0x2;
	[sflag:s3] =	ssyncadd.s32 $0xFFFF1940  }
0x16: {  	_ =	swait.ge [sflag:s11], $0xE6C0  }
0x17: {  	[sflag:s11] =	ssyncset.done $0x0  }
0x18: {  	s12 =	sadd.s32 $0x6194D8, s17;
	[sflag:s11] =	ssyncadd.s32 $0xFFFF1940  }
0x19: {  	[hbm4b:s12+s2] =	stream.linear.scatter [tilespmem:s8], [sflag:$0x3], $0xE6C0, $0x38;
	[tilespmem:$0x1CF20] =	vst v63  }
0x1a: {  	_ =	swait.ge [sflag:s3], $0xE6C0  }
0x1b: {  	[sflag:s3] =	ssyncset.done $0x0  }
0x1c: {  	s13 =	simm.s32 $0xD0;
	[sflag:s3] =	ssyncadd.s32 $0xFFFF1940  }
0x1d: {  	[tilespmem:s7], [sflag:$0x1] =	stream.indirect.gather [hbm4b:s5+s6], $0x238, s13, s6, $0xb8;
	[tilespmem:$0x1CF20] =	vst v63  }
0x1e: {  	s14 =	simm.s32 $0x138  }
0x1f: {  	[tilespmem:s8], [sflag:$0x2] =	stream.indirect.gather [hbm4b:s5+s6], $0x238, s14, s6, $0xb8;
	[tilespmem:$0x1CF20] =	vst v63  }
0x20: {  	_ =	swait.ge [sflag:s9], $0xE6C0  }
0x21: {  	[sflag:s9] =	ssyncset.done $0x0  }
0x22: {  	s16 =	ssub.s32 $0x2, s16;
	s15 =	sadd.s32 $0x61B1B0, s17;
	[sflag:s9] =	ssyncadd.s32 $0xFFFF1940  }
0x23: {  	[hbm4b:s15+s2] =	stream.linear.scatter [tilespmem:s7], [sflag:$0x3], $0xE6C0, $0x38;
	[tilespmem:$0x1CF20] =	vst v63  }
0x24: {  	s18 =	sshrl.u32 s16, $0x1;
	_ =	swait.ge [sflag:s3], $0xE6C0  }
0x25: {  	s16 =	ssub.s32 s16, s18;
	[sflag:s3] =	ssyncset.done $0x0  }
0x26: {  	s18 =	smax.u32 s16, $0x1;
	[sflag:s3] =	ssyncadd.s32 $0xFFFF1940  }
0x27: {  	p0 =	sne.s32 s18, $0x1;
	_ =	swait.ge [sflag:s11], $0xE6C0  }
.Ltmp0:
0x28: {  	[sflag:s11] =	ssyncset.done $0x0;
	(pc) =	sbr.rel @!p0 .LBB2_2-.Ltmp0, $4  }
0x29: {  	s16 =	sadd.s32 $0x61CE88, s17;
	[sflag:s11] =	ssyncadd.s32 $0xFFFF1940  }
0x2a: {  	[hbm4b:s16+s2] =	stream.linear.scatter [tilespmem:s8], [sflag:$0x3], $0xE6C0, $0x38;
	[tilespmem:$0x1CF20] =	vst v63  }
0x2b: {  	_ =	swait.ge [sflag:s3], $0xE6C0  }
0x2c: {  	s17 =	sadd.s32 $0xFFFFFFFF, s18;
	[sflag:s3] =	ssyncset.done $0x0  }
.LBB2_1:
0x2d: {  	p0 =	sne.s32 s17, $0x1;
	s17 =	sadd.s32 $0xFFFFFFFF, s17;
	[sflag:s3] =	ssyncadd.s32 $0xFFFF1940  }
0x2e: {  	[tilespmem:s2], [sflag:$0x3] =	stream.linear.gather [hbm4b:s4+s2], $0x1A0, $0x38;
	[tilespmem:$0x1CF20] =	vst v63  }
0x2f: {  	_ =	swait.ge [sflag:s3], $0x1A0  }
0x30: {  	[sflag:s3] =	ssyncset.done $0x0  }
0x31: {  	[sflag:s3] =	ssyncadd.s32 $0xFFFFFE60  }
0x32: {  	[tilespmem:s7], [sflag:$0x1] =	stream.indirect.gather [hbm4b:s5+s6], $0x238, s2, s6, $0xb8;
	[tilespmem:$0x1CF20] =	vst v63  }
0x33: {  	_ = 	snop  }
0x34: {  	[tilespmem:s8], [sflag:$0x2] =	stream.indirect.gather [hbm4b:s5+s6], $0x238, s6, s6, $0xb8;
	[tilespmem:$0x1CF20] =	vst v63  }
0x35: {  	_ =	swait.ge [sflag:s9], $0xE6C0  }
0x36: {  	[sflag:s9] =	ssyncset.done $0x0  }
0x37: {  	[sflag:s9] =	ssyncadd.s32 $0xFFFF1940  }
0x38: {  	[hbm4b:s10+s2] =	stream.linear.scatter [tilespmem:s7], [sflag:$0x3], $0xE6C0, $0x38;
	[tilespmem:$0x1CF20] =	vst v63  }
0x39: {  	_ =	swait.ge [sflag:s3], $0xE6C0  }
0x3a: {  	[sflag:s3] =	ssyncset.done $0x0  }
0x3b: {  	[sflag:s3] =	ssyncadd.s32 $0xFFFF1940  }
0x3c: {  	_ =	swait.ge [sflag:s11], $0xE6C0  }
0x3d: {  	[sflag:s11] =	ssyncset.done $0x0  }
0x3e: {  	[sflag:s11] =	ssyncadd.s32 $0xFFFF1940  }
0x3f: {  	[hbm4b:s12+s2] =	stream.linear.scatter [tilespmem:s8], [sflag:$0x3], $0xE6C0, $0x38;
	[tilespmem:$0x1CF20] =	vst v63  }
0x40: {  	_ =	swait.ge [sflag:s3], $0xE6C0  }
0x41: {  	[sflag:s3] =	ssyncset.done $0x0  }
0x42: {  	[sflag:s3] =	ssyncadd.s32 $0xFFFF1940  }
0x43: {  	[tilespmem:s7], [sflag:$0x1] =	stream.indirect.gather [hbm4b:s5+s6], $0x238, s13, s6, $0xb8;
	[tilespmem:$0x1CF20] =	vst v63  }
0x44: {  	_ = 	snop  }
0x45: {  	[tilespmem:s8], [sflag:$0x2] =	stream.indirect.gather [hbm4b:s5+s6], $0x238, s14, s6, $0xb8;
	[tilespmem:$0x1CF20] =	vst v63  }
0x46: {  	_ =	swait.ge [sflag:s9], $0xE6C0  }
0x47: {  	[sflag:s9] =	ssyncset.done $0x0  }
0x48: {  	[sflag:s9] =	ssyncadd.s32 $0xFFFF1940  }
0x49: {  	[hbm4b:s15+s2] =	stream.linear.scatter [tilespmem:s7], [sflag:$0x3], $0xE6C0, $0x38;
	[tilespmem:$0x1CF20] =	vst v63  }
0x4a: {  	_ =	swait.ge [sflag:s3], $0xE6C0  }
0x4b: {  	[sflag:s3] =	ssyncset.done $0x0  }
0x4c: {  	[sflag:s3] =	ssyncadd.s32 $0xFFFF1940  }
0x4d: {  	_ =	swait.ge [sflag:s11], $0xE6C0  }
.Ltmp1:
0x4e: {  	[sflag:s11] =	ssyncset.done $0x0;
	(pc) =	sbr.rel @p0 .LBB2_1-.Ltmp1, $4  }
0x4f: {  	[sflag:s11] =	ssyncadd.s32 $0xFFFF1940  }
0x50: {  	[hbm4b:s16+s2] =	stream.linear.scatter [tilespmem:s8], [sflag:$0x3], $0xE6C0, $0x38;
	[tilespmem:$0x1CF20] =	vst v63  }
0x51: {  	_ =	swait.ge [sflag:s3], $0xE6C0  }
0x52: {  	[sflag:s3] =	ssyncset.done $0x0  }
.LBB2_2:
0x53: {  	[sflag:s3] =	ssyncadd.s32 $0xFFFF1940  }
0x54: {  	_ =	sfence.sel $0x180000  }
0x55: {  	[bflag:$0x0] =	sbarrier.arrive $0xFFFF  }
0x56: {  	p0 =	sne.s32 s0, $0x0;
	_ =	strace $0x90000059  }
0x57: {  	s0 =	sadd.s32 @!p0 $0x100000, s1;
	[bflag:$0x2] =	sbarrier.arrive $0xFFFF  }
0x58: {  	[sflag:s0] =	ssyncadd.tile.s32 @!p0 $0x1;
	_ =	shalt  }
.Lfunc_end2:
_tile_overlayer_lowered:
.L_overlay_start_2:
0x59: {  	(tag) =	ssettag $0x2  }
0x5a: {  	s0 =	rddreg [dreg:$0x0];
	s2 =	stileid.u32  }
0x5b: {  	s1 =	rddreg [dreg:$0x1];
	p0 =	sne.s32 s2, $0x0  }
0x5c: {  	s3 =	rddreg [dreg:$0x2];
	[bflag:$0x3] =	sbarrier.arrive $0xFFFF;
	s2 =	simm.s32 @!p0 $0x1C03  }
0x5d: {  	[timem:s3], [sflag:s2] =	dma.local @!p0 [hbm:s0], s1  }
0x5e: {  	s0 =	simm.s32 @!p0 $0x3  }
0x5f: {  	_ =	swait.ge @!p0 [sflag:s0], s1  }
0x60: {  	s1 =	ssub.s32 @!p0 $0x0, s1;
	[sflag:s0] =	ssyncset.done @!p0 $0x0  }
0x61: {  	[sflag:s0] =	ssyncadd.s32 @!p0 s1  }
0x62: {  	[bflag:$0x3] =	sbarrier.arrive $0xFFFF  }
0x63: {  	_ =	shalt  }

// kernel: kernel.36.cloned.1.call-start
scs
__scs_entry_jumppad:
0x0: {  	(pc) =	sbr.rel $0x88, $3  }
0x1: {  	(tag) =	ssettag $0x0;
	lr =	simm.s32 $0x1  }
0x2: {  	[smem:$0x3F9A] =	sst lr;
	_ =	strace $0xD0000000  }
0x3: {  	_ = 	snop  }
0x4: {  	_ = 	snop  }
0x5: {  	_ = 	snop  }
0x6: {  	_ = 	snop  }
0x7: {  	_ = 	snop  }
__scs_overlays_trampoline_lowered:
0x8: {  	[smem:$0x3FA9] =	sst s0  }
0x9: {  	[smem:$0x3FAA] =	sst s1  }
0xa: {  	[smem:$0x3FAB] =	sst s2  }
0xb: {  	[smem:$0x3FAC] =	sst s3  }
0xc: {  	[smem:$0x3FAD] =	sst s4  }
0xd: {  	[smem:$0x3FAE] =	sst s5  }
0xe: {  	[smem:$0x3FAF] =	sst s6  }
0xf: {  	[smem:$0x3FB0] =	sst s7  }
0x10: {  	[smem:$0x3FB1] =	sst s8  }
0x11: {  	[smem:$0x3FB2] =	sst s9;
	s0 =	simm.s32 @!p0 $0x0  }
0x12: {  	s1 =	sld [smem:$0x3F98];
	s0 =	simm.s32 @p0 $0x1  }
0x13: {  	[smem:$0x3FB3] =	sst s0;
	s0 =	simm.s32 @!p1 $0x0  }
0x14: {  	s2 =	sld [smem:$0x3F97];
	s0 =	simm.s32 @p1 $0x1  }
0x15: {  	[smem:$0x3FB4] =	sst s0;
	s0 =	simm.s32 @!p2 $0x0  }
0x16: {  	s3 =	sld [smem:$0x3FDB];
	s0 =	simm.s32 @p2 $0x1  }
0x17: {  	s4 =	simm.s32 $0x1BF5;
	[smem:$0x3FB6] =	sst s0  }
0x18: {  	s0 =	sld [smem:$0x3F99];
	_ =	swait.ge [sflag:s4], $0x0  }
0x19: {  	s7 =	sld [smem:$0x3F9A]  }
0x1a: {  	s8 =	sadd.s32 $0xFFFFE003, lr  }
0x1b: {  	s9 =	sadd.s32 $0xFFFFFEF7, lr;
	s5 =	simm.s32 $0xFFFFFFFF;
	p2 =	slt.u32 s8, $0xFFFFF086  }
0x1c: {  	p1 =	slt.u32 s9, $0xF7A;
	s5 =	simm.s32 @!p2 $0x0  }
0x1d: {  	s5 =	simm.s32 @p1 $0x1;
	p0 =	seq.s32 s7, s2  }
0x1e: {  	s7 =	smul.u32 @!p0 $0xF7A, s2;
	p2 =	seq.s32 @!p0 s5, $0x0  }
0x1f: {  	s9 =	smul.u32 $0xF7A, s1;
	s8 =	simm.s32 @!p0 $0x1BF5;
	p2 =	por !p2, p0  }
0x20: {  	[sflag:s8] =	ssyncset.s32 @!p0 $0xFFFFF086;
	s6 =	sadd.s32 @!p0 s3, s7;
	s7 =	simm.s32 @!p0 $0x108  }
0x21: {  	s3 =	sadd.s32 s3, s9;
	s6 =	sadd.s32 @!p0 $0x88, s6;
	s7 =	simm.s32 @p2 $0x1082  }
0x22: {  	[simem:s7], [sflag:s8] =	dma.local @!p0 [hbm:s6], $0xF7A  }
0x23: {  	s9 =	sor.u32 $0xD0000000, s2;
	s6 =	simm.s32 $0x108;
	_ =	swait.ge @!p0 [sflag:s8], $0x0  }
0x24: {  	s3 =	sadd.s32 $0x88, s3;
	s6 =	simm.s32 @!p1 $0x1082;
	[sflag:s4] =	ssyncset.s32 $0xFFFFF086  }
0x25: {  	[simem:s6], [sflag:s4] =	dma.local [hbm:s3], $0xF7A  }
0x26: {  	[smem:$0x3F9A] =	sst s1;
	(tag) =	ssettag s2;
	_ =	strace s9  }
0x27: {  	s1 =	sld [smem:$0x3FAA]  }
0x28: {  	s2 =	sld [smem:$0x3FAB]  }
0x29: {  	s4 =	sld [smem:$0x3FAD]  }
0x2a: {  	p0 =	seq.s32 s5, $0x0;
	s5 =	sld [smem:$0x3FAE]  }
0x2b: {  	s6 =	sld [smem:$0x3FAF]  }
0x2c: {  	s7 =	sld [smem:$0x3FB0]  }
0x2d: {  	s3 =	simm.s32 $0x108;
	s8 =	sld [smem:$0x3FB1]  }
0x2e: {  	s3 =	simm.s32 @!p0 $0x1082;
	s9 =	sld [smem:$0x3FB2]  }
0x2f: {  	lr =	sadd.s32 s0, s3;
	s0 =	sld [smem:$0x3FA9]  }
0x30: {  	s3 =	sld [smem:$0x3FAC]  }
0x31: {  	[smem:$0x3FB5] =	sst s10  }
0x32: {  	s10 =	sld [smem:$0x3FB3];
	_ =	sdelay $0x3  }
0x33: {  	p0 =	seq.s32 s10, $0x1;
	s10 =	sld [smem:$0x3FB5];
	_ =	sdelay $0x3  }
0x34: {  	[smem:$0x3FB5] =	sst s10  }
0x35: {  	s10 =	sld [smem:$0x3FB4];
	_ =	sdelay $0x3  }
0x36: {  	p1 =	seq.s32 s10, $0x1;
	s10 =	sld [smem:$0x3FB5];
	_ =	sdelay $0x3  }
0x37: {  	[smem:$0x3FB5] =	sst s10  }
0x38: {  	s10 =	sld [smem:$0x3FB6]  }
0x39: {  	_ = 	snop;
	(pc) =	sbr.ind lr, $3  }
0x3a: {  	_ = 	snop  }
0x3b: {  	_ = 	snop  }
0x3c: {  	p2 =	seq.s32 s10, $0x1;
	s10 =	sld [smem:$0x3FB5]  }
0x3d: {  	_ =	shalt  }
0x3e: {  	_ =	shalt  }
0x3f: {  	_ =	shalt  }
0x40: {  	_ =	shalt  }
0x41: {  	_ =	shalt  }
0x42: {  	_ =	shalt  }
0x43: {  	_ =	shalt  }
0x44: {  	_ =	shalt  }
0x45: {  	_ =	shalt  }
0x46: {  	_ =	shalt  }
0x47: {  	_ =	shalt  }
0x48: {  	_ =	shalt  }
0x49: {  	_ =	shalt  }
0x4a: {  	_ =	shalt  }
0x4b: {  	_ =	shalt  }
0x4c: {  	_ =	shalt  }
0x4d: {  	_ =	shalt  }
0x4e: {  	_ =	shalt  }
0x4f: {  	_ =	shalt  }
0x50: {  	_ =	shalt  }
0x51: {  	_ =	shalt  }
0x52: {  	_ =	shalt  }
0x53: {  	_ =	shalt  }
0x54: {  	_ =	shalt  }
0x55: {  	_ =	shalt  }
0x56: {  	_ =	shalt  }
0x57: {  	_ =	shalt  }
0x58: {  	_ =	shalt  }
0x59: {  	_ =	shalt  }
0x5a: {  	_ =	shalt  }
0x5b: {  	_ =	shalt  }
0x5c: {  	_ =	shalt  }
0x5d: {  	_ =	shalt  }
0x5e: {  	_ =	shalt  }
0x5f: {  	_ =	shalt  }
0x60: {  	_ =	shalt  }
0x61: {  	_ =	shalt  }
0x62: {  	_ =	shalt  }
0x63: {  	_ =	shalt  }
0x64: {  	_ =	shalt  }
0x65: {  	_ =	shalt  }
0x66: {  	_ =	shalt  }
0x67: {  	_ =	shalt  }
0x68: {  	_ =	shalt  }
0x69: {  	_ =	shalt  }
0x6a: {  	_ =	shalt  }
0x6b: {  	_ =	shalt  }
0x6c: {  	_ =	shalt  }
0x6d: {  	_ =	shalt  }
0x6e: {  	_ =	shalt  }
0x6f: {  	_ =	shalt  }
0x70: {  	_ =	shalt  }
0x71: {  	_ =	shalt  }
0x72: {  	_ =	shalt  }
0x73: {  	_ =	shalt  }
0x74: {  	_ =	shalt  }
0x75: {  	_ =	shalt  }
0x76: {  	_ =	shalt  }
0x77: {  	_ =	shalt  }
0x78: {  	_ =	shalt  }
0x79: {  	_ =	shalt  }
0x7a: {  	_ =	shalt  }
0x7b: {  	_ =	shalt  }
0x7c: {  	_ =	shalt  }
0x7d: {  	_ =	shalt  }
0x7e: {  	_ =	shalt  }
0x7f: {  	_ =	shalt  }
0x80: {  	_ =	shalt  }
0x81: {  	_ =	shalt  }
0x82: {  	_ =	shalt  }
0x83: {  	_ =	shalt  }
0x84: {  	_ =	shalt  }
0x85: {  	_ =	shalt  }
0x86: {  	_ =	shalt  }
0x87: {  	_ =	shalt  }
.Lfunc_end0:
.L_simem_size_0:
called_computation.8_lowered:
.L_overlay_start_0:
0x88: {  	s2 =	sld [smem:$0x3FD9]  }
0x89: {  	s3 =	sld [smem:$0x3FFE];
	_ =	sdelay $0x1  }
0x8a: {  	s1 =	srdreg.scid  }
0x8b: {  	s0 =	sand.u32 $0x1, s1  }
0x8c: {  	s17 =	sshll.u32 s0, $0xA;
	s2 =	sadd.s32 s3, s2  }
0x8d: {  	s2 =	sadd.s32 s2, s17  }
0x8e: {  	[smem:$0x3FC1] =	sst s2  }
0x8f: {  	_ = 	snop  }
0x90: {  	(tm) =	ssettm $0x1  }
0x91: {  	s18 =	sld [smem:$0x3FFB];
	_ =	sdelay $0x3  }
0x92: {  	_ =	strace s18  }
0x93: {  	s2 =	sld [smem:$0x3FFC];
	_ =	sdelay $0x3  }
0x94: {  	_ =	strace s2  }
0x95: {  	s2 =	sld [smem:$0x3FFD];
	_ =	sdelay $0x3  }
0x96: {  	_ =	strace s2  }
0x97: {  	_ =	strace $0x8FFFFFFF  }
0x98: {  	s19 =	sld [smem:$0x3FDB];
	_ =	sdelay $0x1  }
0x99: {  	s20 =	simm.s32 $_scs_section_size  }
0x9a: {  	s4 =	simm.s32 $_size__tile_overlayer_lowered;
	s5 =	simm.s32 $_tile_overlayer_lowered  }
0x9b: {  	s6 =	simm.s32 $0x1BFF;
	s21 =	sshll.u32 s5, $0x1;
	s3 =	sadd.s32 s20, s19  }
0x9c: {  	s22 =	simm.s32 $0x0;
	s4 =	sshll.u32 s4, $0x1;
	s5 =	sadd.s32 s21, s3  }
0x9d: {  	[timem:s22], [sflag:s6] =	dma.local [hbm:s5], s4  }
0x9e: {  	_ =	swait.ge [sflag:s6], s4  }
0x9f: {  	s4 =	ssub.s32 $0x0, s4;
	[sflag:s6] =	ssyncset.done $0x0  }
0xa0: {  	[sflag:s6] =	ssyncadd.s32 s4;
	_ =	sdelay $0x1  }
0xa1: {  	s23 =	simm.s32 $0x1B8B  }
0xa2: {  	_ =	swait.ge [sflag:s23], $0x1  }
0xa3: {  	[sflag:s23] =	ssyncset.done $0x0  }
0xa4: {  	[sflag:s23] =	ssyncadd.s32 $0xFFFFFFFF  }
0xa5: {  	s4 =	sld [smem:$0x0]  }
0xa6: {  	s5 =	sand.u32 $0xFFFFFFFE, s1  }
0xa7: {  	p0 =	sne.s32 s1, s5  }
0xa8: {  	s5 =	sshll.u32 @p0 s5, $0xE  }
0xa9: {  	s5 =	sadd.s32 @p0 $0x11B8D, s5;
	s6 =	sshll.u32 @p0 s4, $0x11  }
0xaa: {  	s5 =	sor.u32 @p0 s6, s5  }
0xab: {  	[sflag:s5] =	ssyncadd.remote.s32 @p0 $0x1;
	_ =	sdelay $0x1  }
0xac: {  	s5 =	simm.s32 @p0 $0x1B8D  }
0xad: {  	_ =	swait.eq @p0 [sflag:s5], $0x1  }
0xae: {  	[sflag:s5] =	ssyncadd.s32 @p0 $0xFFFFFFFF  }
0xaf: {  	s6 =	sshll.u32 @!p0 s1, $0xE  }
0xb0: {  	s6 =	sor.u32 @!p0 $0x4000, s6;
	s5 =	simm.s32 @!p0 $0x1B8D  }
0xb1: {  	s4 =	sshll.u32 @!p0 s4, $0x11;
	s6 =	sadd.s32 @!p0 $0x11B8D, s6;
	_ =	swait.eq @!p0 [sflag:s5], $0x1  }
0xb2: {  	s4 =	sor.u32 @!p0 s4, s6;
	[sflag:s5] =	ssyncadd.s32 @!p0 $0xFFFFFFFF  }
0xb3: {  	s25 =	simm.s32 $0x1B8E;
	s24 =	sld [smem:$0x3FFE];
	[sflag:s4] =	ssyncadd.remote.s32 @!p0 $0x1  }
0xb4: {  	s26 =	simm.s32 $execute0_lowered;
	[smem:$0x3FD2] =	sst s25  }
0xb5: {  	s5 =	sshll.u32 s26, $0x1;
	_ =	strace $0x8000005B;
	[dreg:$0x1] =	wrdreg $0xFFFFFFFF  }
0xb6: {  	s28 =	simm.s32 $_size_execute0_lowered;
	s3 =	sadd.s32 s3, s5;
	[dreg:$0x0] =	wrdreg $0x0  }
0xb7: {  	s5 =	sshll.u32 s28, $0x1;
	[dreg:$0x2] =	wrdreg s3  }
0xb8: {  	[dreg:$0x3] =	wrdreg s5  }
0xb9: {  	[dreg:$0x4] =	wrdreg $0xC0  }
0xba: {  	_ =	task [dreg:s22], $0x5FFFF  }
0xbb: {  	[dreg:$0x1] =	wrdreg $0xFFFFFFFF  }
0xbc: {  	[dreg:$0x0] =	wrdreg $0x60  }
0xbd: {  	[dreg:$0x2] =	wrdreg s24  }
0xbe: {  	[dreg:$0x3] =	wrdreg $0x10  }
0xbf: {  	_ =	task.clear_ibuf [dreg:s22], $0x4FFFF;
	_ =	strace $0x9000005B  }
0xc0: {  	s29 =	simm.s32 $0x10;
	_ =	strace $0x8000005D  }
0xc1: {  	_ =	swait.ge [sflag:s29], $0x1  }
0xc2: {  	[sflag:s29] =	ssyncadd.s32 $0xFFFFFFFF  }
0xc3: {  	_ =	strace $0x9000005D  }
0xc4: {  	_ =	sfence  }
0xc5: {  	s30 =	sld [smem:$0x0];
	_ =	sdelay $0x2  }
0xc6: {  	s31 =	sshll.u32 s1, $0xD;
	s1 =	sshrl.u32 s1, $0x2  }
0xc7: {  	s4 =	sand.u32 $0x4000, s31;
	s1 =	sadd.s32 s1, s30  }
0xc8: {  	s0 =	sor.u32 s4, s0;
	s1 =	sshll.u32 s1, $0x11  }
0xc9: {  	s0 =	sor.u32 s1, s0  }
0xca: {  	s0 =	sadd.s32 $0x8F2B, s0  }
0xcb: {  	[sflag:s0] =	ssyncadd.remote.s32 $0x1  }
0xcc: {  	_ =	sfence.sel $0xFFFF  }
0xcd: {  	[dreg:$0x0] =	wrdreg $0xFFFFFFFF;
	(pc) =	sbr.abs _section_cstart, $3  }
0xce: {  	[dreg:$0x1] =	wrdreg $0xFFFFFFFF  }
0xcf: {  	_ =	task.clear_ibuf [dreg:s22], $0x2FFFF;
	_ =	strace $0x9FFFFFFF  }
0xd0: {  	(tm) =	ssettm $0x7FFFFFFF  }
0xd1: {  	_ =	shalt  }
tec
execute0_lowered:
.L_overlay_start_1:
0x0: {  	(tag) =	ssettag $0x1  }
0x1: {  	s1 =	srdreg.scid;
	s0 =	stileid.u32  }
0x2: {  	s16 =	sand.u32 $0x1, s1;
	s31 =	sshll.u32 s0, $0x1  }
0x3: {  	s8 =	sor.u32 s16, s31  }
0x4: {  	s10 =	rddreg [dreg:$0x0];
	s3 =	smul.u32 $0x34, s8  }
0x5: {  	s2 =	simm.s32 $0x0;
	s1 =	rddreg [dreg:$0x1]  }
0x6: {  	[smem:$0x7FF] =	sst s2;
	s3 =	sadd.s32 s3, s10  }
0x7: {  	_ =	strace $0x8000005C;
	s4 =	sadd.s32 $0xAC000, s3;
	s3 =	simm.s32 $0x3  }
0x8: {  	[tilespmem:s2], [sflag:$0x3] =	stream.linear.gather [hbm4b:s4+s2], $0x1A0, $0x38;
	[tilespmem:$0x1CF20] =	vst v63  }
0x9: {  	_ =	swait.ge [sflag:s3], $0x1A0  }
0xa: {  	s6 =	simm.s32 $0x68;
	[sflag:s3] =	ssyncset.done $0x0  }
0xb: {  	s7 =	simm.s32 $0x1A0;
	s5 =	sadd.s32 $0xB400, s10;
	[sflag:s3] =	ssyncadd.s32 $0xFFFFFE60  }
0xc: {  	[tilespmem:s7], [sflag:$0x1] =	stream.indirect.gather [hbm4b:s5+s6], $0x238, s2, s6, $0xb8;
	[tilespmem:$0x1CF20] =	vst v63  }
0xd: {  	s9 =	simm.s32 $0x1;
	s11 =	smul.u32 $0x7360, s8;
	s8 =	simm.s32 $0xE860  }
0xe: {  	[tilespmem:s8], [sflag:$0x2] =	stream.indirect.gather [hbm4b:s5+s6], $0x238, s6, s6, $0xb8;
	[tilespmem:$0x1CF20] =	vst v63  }
0xf: {  	_ =	swait.ge [sflag:s9], $0xE6C0  }
0x10: {  	s17 =	sadd.s32 s11, s10;
	[sflag:s9] =	ssyncset.done $0x0  }
0x11: {  	s10 =	sadd.s32 $0x6FE400, s17;
	[sflag:s9] =	ssyncadd.s32 $0xFFFF1940  }
0x12: {  	[hbm4b:s10+s2] =	stream.linear.scatter [tilespmem:s7], [sflag:$0x3], $0xE6C0, $0x38;
	[tilespmem:$0x1CF20] =	vst v63  }
0x13: {  	_ =	swait.ge [sflag:s3], $0xE6C0  }
0x14: {  	[sflag:s3] =	ssyncset.done $0x0  }
0x15: {  	s11 =	simm.s32 $0x2;
	[sflag:s3] =	ssyncadd.s32 $0xFFFF1940  }
0x16: {  	_ =	swait.ge [sflag:s11], $0xE6C0  }
0x17: {  	[sflag:s11] =	ssyncset.done $0x0  }
0x18: {  	s12 =	sadd.s32 $0x7000D8, s17;
	[sflag:s11] =	ssyncadd.s32 $0xFFFF1940  }
0x19: {  	[hbm4b:s12+s2] =	stream.linear.scatter [tilespmem:s8], [sflag:$0x3], $0xE6C0, $0x38;
	[tilespmem:$0x1CF20] =	vst v63  }
0x1a: {  	_ =	swait.ge [sflag:s3], $0xE6C0  }
0x1b: {  	[sflag:s3] =	ssyncset.done $0x0  }
0x1c: {  	s13 =	simm.s32 $0xD0;
	[sflag:s3] =	ssyncadd.s32 $0xFFFF1940  }
0x1d: {  	[tilespmem:s7], [sflag:$0x1] =	stream.indirect.gather [hbm4b:s5+s6], $0x238, s13, s6, $0xb8;
	[tilespmem:$0x1CF20] =	vst v63  }
0x1e: {  	s14 =	simm.s32 $0x138  }
0x1f: {  	[tilespmem:s8], [sflag:$0x2] =	stream.indirect.gather [hbm4b:s5+s6], $0x238, s14, s6, $0xb8;
	[tilespmem:$0x1CF20] =	vst v63  }
0x20: {  	_ =	swait.ge [sflag:s9], $0xE6C0  }
0x21: {  	[sflag:s9] =	ssyncset.done $0x0  }
0x22: {  	s16 =	ssub.s32 $0x2, s16;
	s15 =	sadd.s32 $0x701DB0, s17;
	[sflag:s9] =	ssyncadd.s32 $0xFFFF1940  }
0x23: {  	[hbm4b:s15+s2] =	stream.linear.scatter [tilespmem:s7], [sflag:$0x3], $0xE6C0, $0x38;
	[tilespmem:$0x1CF20] =	vst v63  }
0x24: {  	s18 =	sshrl.u32 s16, $0x1;
	_ =	swait.ge [sflag:s3], $0xE6C0  }
0x25: {  	s16 =	ssub.s32 s16, s18;
	[sflag:s3] =	ssyncset.done $0x0  }
0x26: {  	s18 =	smax.u32 s16, $0x1;
	[sflag:s3] =	ssyncadd.s32 $0xFFFF1940  }
0x27: {  	p0 =	sne.s32 s18, $0x1;
	_ =	swait.ge [sflag:s11], $0xE6C0  }
.Ltmp0:
0x28: {  	[sflag:s11] =	ssyncset.done $0x0;
	(pc) =	sbr.rel @!p0 .LBB2_2-.Ltmp0, $4  }
0x29: {  	s16 =	sadd.s32 $0x703A88, s17;
	[sflag:s11] =	ssyncadd.s32 $0xFFFF1940  }
0x2a: {  	[hbm4b:s16+s2] =	stream.linear.scatter [tilespmem:s8], [sflag:$0x3], $0xE6C0, $0x38;
	[tilespmem:$0x1CF20] =	vst v63  }
0x2b: {  	_ =	swait.ge [sflag:s3], $0xE6C0  }
0x2c: {  	s17 =	sadd.s32 $0xFFFFFFFF, s18;
	[sflag:s3] =	ssyncset.done $0x0  }
.LBB2_1:
0x2d: {  	p0 =	sne.s32 s17, $0x1;
	s17 =	sadd.s32 $0xFFFFFFFF, s17;
	[sflag:s3] =	ssyncadd.s32 $0xFFFF1940  }
0x2e: {  	[tilespmem:s2], [sflag:$0x3] =	stream.linear.gather [hbm4b:s4+s2], $0x1A0, $0x38;
	[tilespmem:$0x1CF20] =	vst v63  }
0x2f: {  	_ =	swait.ge [sflag:s3], $0x1A0  }
0x30: {  	[sflag:s3] =	ssyncset.done $0x0  }
0x31: {  	[sflag:s3] =	ssyncadd.s32 $0xFFFFFE60  }
0x32: {  	[tilespmem:s7], [sflag:$0x1] =	stream.indirect.gather [hbm4b:s5+s6], $0x238, s2, s6, $0xb8;
	[tilespmem:$0x1CF20] =	vst v63  }
0x33: {  	_ = 	snop  }
0x34: {  	[tilespmem:s8], [sflag:$0x2] =	stream.indirect.gather [hbm4b:s5+s6], $0x238, s6, s6, $0xb8;
	[tilespmem:$0x1CF20] =	vst v63  }
0x35: {  	_ =	swait.ge [sflag:s9], $0xE6C0  }
0x36: {  	[sflag:s9] =	ssyncset.done $0x0  }
0x37: {  	[sflag:s9] =	ssyncadd.s32 $0xFFFF1940  }
0x38: {  	[hbm4b:s10+s2] =	stream.linear.scatter [tilespmem:s7], [sflag:$0x3], $0xE6C0, $0x38;
	[tilespmem:$0x1CF20] =	vst v63  }
0x39: {  	_ =	swait.ge [sflag:s3], $0xE6C0  }
0x3a: {  	[sflag:s3] =	ssyncset.done $0x0  }
0x3b: {  	[sflag:s3] =	ssyncadd.s32 $0xFFFF1940  }
0x3c: {  	_ =	swait.ge [sflag:s11], $0xE6C0  }
0x3d: {  	[sflag:s11] =	ssyncset.done $0x0  }
0x3e: {  	[sflag:s11] =	ssyncadd.s32 $0xFFFF1940  }
0x3f: {  	[hbm4b:s12+s2] =	stream.linear.scatter [tilespmem:s8], [sflag:$0x3], $0xE6C0, $0x38;
	[tilespmem:$0x1CF20] =	vst v63  }
0x40: {  	_ =	swait.ge [sflag:s3], $0xE6C0  }
0x41: {  	[sflag:s3] =	ssyncset.done $0x0  }
0x42: {  	[sflag:s3] =	ssyncadd.s32 $0xFFFF1940  }
0x43: {  	[tilespmem:s7], [sflag:$0x1] =	stream.indirect.gather [hbm4b:s5+s6], $0x238, s13, s6, $0xb8;
	[tilespmem:$0x1CF20] =	vst v63  }
0x44: {  	_ = 	snop  }
0x45: {  	[tilespmem:s8], [sflag:$0x2] =	stream.indirect.gather [hbm4b:s5+s6], $0x238, s14, s6, $0xb8;
	[tilespmem:$0x1CF20] =	vst v63  }
0x46: {  	_ =	swait.ge [sflag:s9], $0xE6C0  }
0x47: {  	[sflag:s9] =	ssyncset.done $0x0  }
0x48: {  	[sflag:s9] =	ssyncadd.s32 $0xFFFF1940  }
0x49: {  	[hbm4b:s15+s2] =	stream.linear.scatter [tilespmem:s7], [sflag:$0x3], $0xE6C0, $0x38;
	[tilespmem:$0x1CF20] =	vst v63  }
0x4a: {  	_ =	swait.ge [sflag:s3], $0xE6C0  }
0x4b: {  	[sflag:s3] =	ssyncset.done $0x0  }
0x4c: {  	[sflag:s3] =	ssyncadd.s32 $0xFFFF1940  }
0x4d: {  	_ =	swait.ge [sflag:s11], $0xE6C0  }
.Ltmp1:
0x4e: {  	[sflag:s11] =	ssyncset.done $0x0;
	(pc) =	sbr.rel @p0 .LBB2_1-.Ltmp1, $4  }
0x4f: {  	[sflag:s11] =	ssyncadd.s32 $0xFFFF1940  }
0x50: {  	[hbm4b:s16+s2] =	stream.linear.scatter [tilespmem:s8], [sflag:$0x3], $0xE6C0, $0x38;
	[tilespmem:$0x1CF20] =	vst v63  }
0x51: {  	_ =	swait.ge [sflag:s3], $0xE6C0  }
0x52: {  	[sflag:s3] =	ssyncset.done $0x0  }
.LBB2_2:
0x53: {  	[sflag:s3] =	ssyncadd.s32 $0xFFFF1940  }
0x54: {  	_ =	sfence.sel $0x180000  }
0x55: {  	[bflag:$0x0] =	sbarrier.arrive $0xFFFF  }
0x56: {  	p0 =	sne.s32 s0, $0x0;
	_ =	strace $0x9000005C  }
0x57: {  	s0 =	sadd.s32 @!p0 $0x100000, s1;
	[bflag:$0x2] =	sbarrier.arrive $0xFFFF  }
0x58: {  	[sflag:s0] =	ssyncadd.tile.s32 @!p0 $0x1;
	_ =	shalt  }
.Lfunc_end2:
_tile_overlayer_lowered:
.L_overlay_start_2:
0x59: {  	(tag) =	ssettag $0x2  }
0x5a: {  	s0 =	rddreg [dreg:$0x0];
	s2 =	stileid.u32  }
0x5b: {  	s1 =	rddreg [dreg:$0x1];
	p0 =	sne.s32 s2, $0x0  }
0x5c: {  	s3 =	rddreg [dreg:$0x2];
	[bflag:$0x3] =	sbarrier.arrive $0xFFFF;
	s2 =	simm.s32 @!p0 $0x1C03  }
0x5d: {  	[timem:s3], [sflag:s2] =	dma.local @!p0 [hbm:s0], s1  }
0x5e: {  	s0 =	simm.s32 @!p0 $0x3  }
0x5f: {  	_ =	swait.ge @!p0 [sflag:s0], s1  }
0x60: {  	s1 =	ssub.s32 @!p0 $0x0, s1;
	[sflag:s0] =	ssyncset.done @!p0 $0x0  }
0x61: {  	[sflag:s0] =	ssyncadd.s32 @!p0 s1  }
0x62: {  	[bflag:$0x3] =	sbarrier.arrive $0xFFFF  }
0x63: {  	_ =	shalt  }

// kernel: kernel.39.cloned.1.call-start
scs
__scs_entry_jumppad:
0x0: {  	(pc) =	sbr.rel $0x88, $3  }
0x1: {  	(tag) =	ssettag $0x0;
	lr =	simm.s32 $0x1  }
0x2: {  	[smem:$0x3F9A] =	sst lr;
	_ =	strace $0xD0000000  }
0x3: {  	_ = 	snop  }
0x4: {  	_ = 	snop  }
0x5: {  	_ = 	snop  }
0x6: {  	_ = 	snop  }
0x7: {  	_ = 	snop  }
__scs_overlays_trampoline_lowered:
0x8: {  	[smem:$0x3FA9] =	sst s0  }
0x9: {  	[smem:$0x3FAA] =	sst s1  }
0xa: {  	[smem:$0x3FAB] =	sst s2  }
0xb: {  	[smem:$0x3FAC] =	sst s3  }
0xc: {  	[smem:$0x3FAD] =	sst s4  }
0xd: {  	[smem:$0x3FAE] =	sst s5  }
0xe: {  	[smem:$0x3FAF] =	sst s6  }
0xf: {  	[smem:$0x3FB0] =	sst s7  }
0x10: {  	[smem:$0x3FB1] =	sst s8  }
0x11: {  	[smem:$0x3FB2] =	sst s9;
	s0 =	simm.s32 @!p0 $0x0  }
0x12: {  	s1 =	sld [smem:$0x3F98];
	s0 =	simm.s32 @p0 $0x1  }
0x13: {  	[smem:$0x3FB3] =	sst s0;
	s0 =	simm.s32 @!p1 $0x0  }
0x14: {  	s2 =	sld [smem:$0x3F97];
	s0 =	simm.s32 @p1 $0x1  }
0x15: {  	[smem:$0x3FB4] =	sst s0;
	s0 =	simm.s32 @!p2 $0x0  }
0x16: {  	s3 =	sld [smem:$0x3FDB];
	s0 =	simm.s32 @p2 $0x1  }
0x17: {  	s4 =	simm.s32 $0x1BF5;
	[smem:$0x3FB6] =	sst s0  }
0x18: {  	s0 =	sld [smem:$0x3F99];
	_ =	swait.ge [sflag:s4], $0x0  }
0x19: {  	s7 =	sld [smem:$0x3F9A]  }
0x1a: {  	s8 =	sadd.s32 $0xFFFFE003, lr  }
0x1b: {  	s9 =	sadd.s32 $0xFFFFFEF7, lr;
	s5 =	simm.s32 $0xFFFFFFFF;
	p2 =	slt.u32 s8, $0xFFFFF086  }
0x1c: {  	p1 =	slt.u32 s9, $0xF7A;
	s5 =	simm.s32 @!p2 $0x0  }
0x1d: {  	s5 =	simm.s32 @p1 $0x1;
	p0 =	seq.s32 s7, s2  }
0x1e: {  	s7 =	smul.u32 @!p0 $0xF7A, s2;
	p2 =	seq.s32 @!p0 s5, $0x0  }
0x1f: {  	s9 =	smul.u32 $0xF7A, s1;
	s8 =	simm.s32 @!p0 $0x1BF5;
	p2 =	por !p2, p0  }
0x20: {  	[sflag:s8] =	ssyncset.s32 @!p0 $0xFFFFF086;
	s6 =	sadd.s32 @!p0 s3, s7;
	s7 =	simm.s32 @!p0 $0x108  }
0x21: {  	s3 =	sadd.s32 s3, s9;
	s6 =	sadd.s32 @!p0 $0x88, s6;
	s7 =	simm.s32 @p2 $0x1082  }
0x22: {  	[simem:s7], [sflag:s8] =	dma.local @!p0 [hbm:s6], $0xF7A  }
0x23: {  	s9 =	sor.u32 $0xD0000000, s2;
	s6 =	simm.s32 $0x108;
	_ =	swait.ge @!p0 [sflag:s8], $0x0  }
0x24: {  	s3 =	sadd.s32 $0x88, s3;
	s6 =	simm.s32 @!p1 $0x1082;
	[sflag:s4] =	ssyncset.s32 $0xFFFFF086  }
0x25: {  	[simem:s6], [sflag:s4] =	dma.local [hbm:s3], $0xF7A  }
0x26: {  	[smem:$0x3F9A] =	sst s1;
	(tag) =	ssettag s2;
	_ =	strace s9  }
0x27: {  	s1 =	sld [smem:$0x3FAA]  }
0x28: {  	s2 =	sld [smem:$0x3FAB]  }
0x29: {  	s4 =	sld [smem:$0x3FAD]  }
0x2a: {  	p0 =	seq.s32 s5, $0x0;
	s5 =	sld [smem:$0x3FAE]  }
0x2b: {  	s6 =	sld [smem:$0x3FAF]  }
0x2c: {  	s7 =	sld [smem:$0x3FB0]  }
0x2d: {  	s3 =	simm.s32 $0x108;
	s8 =	sld [smem:$0x3FB1]  }
0x2e: {  	s3 =	simm.s32 @!p0 $0x1082;
	s9 =	sld [smem:$0x3FB2]  }
0x2f: {  	lr =	sadd.s32 s0, s3;
	s0 =	sld [smem:$0x3FA9]  }
0x30: {  	s3 =	sld [smem:$0x3FAC]  }
0x31: {  	[smem:$0x3FB5] =	sst s10  }
0x32: {  	s10 =	sld [smem:$0x3FB3];
	_ =	sdelay $0x3  }
0x33: {  	p0 =	seq.s32 s10, $0x1;
	s10 =	sld [smem:$0x3FB5];
	_ =	sdelay $0x3  }
0x34: {  	[smem:$0x3FB5] =	sst s10  }
0x35: {  	s10 =	sld [smem:$0x3FB4];
	_ =	sdelay $0x3  }
0x36: {  	p1 =	seq.s32 s10, $0x1;
	s10 =	sld [smem:$0x3FB5];
	_ =	sdelay $0x3  }
0x37: {  	[smem:$0x3FB5] =	sst s10  }
0x38: {  	s10 =	sld [smem:$0x3FB6]  }
0x39: {  	_ = 	snop;
	(pc) =	sbr.ind lr, $3  }
0x3a: {  	_ = 	snop  }
0x3b: {  	_ = 	snop  }
0x3c: {  	p2 =	seq.s32 s10, $0x1;
	s10 =	sld [smem:$0x3FB5]  }
0x3d: {  	_ =	shalt  }
0x3e: {  	_ =	shalt  }
0x3f: {  	_ =	shalt  }
0x40: {  	_ =	shalt  }
0x41: {  	_ =	shalt  }
0x42: {  	_ =	shalt  }
0x43: {  	_ =	shalt  }
0x44: {  	_ =	shalt  }
0x45: {  	_ =	shalt  }
0x46: {  	_ =	shalt  }
0x47: {  	_ =	shalt  }
0x48: {  	_ =	shalt  }
0x49: {  	_ =	shalt  }
0x4a: {  	_ =	shalt  }
0x4b: {  	_ =	shalt  }
0x4c: {  	_ =	shalt  }
0x4d: {  	_ =	shalt  }
0x4e: {  	_ =	shalt  }
0x4f: {  	_ =	shalt  }
0x50: {  	_ =	shalt  }
0x51: {  	_ =	shalt  }
0x52: {  	_ =	shalt  }
0x53: {  	_ =	shalt  }
0x54: {  	_ =	shalt  }
0x55: {  	_ =	shalt  }
0x56: {  	_ =	shalt  }
0x57: {  	_ =	shalt  }
0x58: {  	_ =	shalt  }
0x59: {  	_ =	shalt  }
0x5a: {  	_ =	shalt  }
0x5b: {  	_ =	shalt  }
0x5c: {  	_ =	shalt  }
0x5d: {  	_ =	shalt  }
0x5e: {  	_ =	shalt  }
0x5f: {  	_ =	shalt  }
0x60: {  	_ =	shalt  }
0x61: {  	_ =	shalt  }
0x62: {  	_ =	shalt  }
0x63: {  	_ =	shalt  }
0x64: {  	_ =	shalt  }
0x65: {  	_ =	shalt  }
0x66: {  	_ =	shalt  }
0x67: {  	_ =	shalt  }
0x68: {  	_ =	shalt  }
0x69: {  	_ =	shalt  }
0x6a: {  	_ =	shalt  }
0x6b: {  	_ =	shalt  }
0x6c: {  	_ =	shalt  }
0x6d: {  	_ =	shalt  }
0x6e: {  	_ =	shalt  }
0x6f: {  	_ =	shalt  }
0x70: {  	_ =	shalt  }
0x71: {  	_ =	shalt  }
0x72: {  	_ =	shalt  }
0x73: {  	_ =	shalt  }
0x74: {  	_ =	shalt  }
0x75: {  	_ =	shalt  }
0x76: {  	_ =	shalt  }
0x77: {  	_ =	shalt  }
0x78: {  	_ =	shalt  }
0x79: {  	_ =	shalt  }
0x7a: {  	_ =	shalt  }
0x7b: {  	_ =	shalt  }
0x7c: {  	_ =	shalt  }
0x7d: {  	_ =	shalt  }
0x7e: {  	_ =	shalt  }
0x7f: {  	_ =	shalt  }
0x80: {  	_ =	shalt  }
0x81: {  	_ =	shalt  }
0x82: {  	_ =	shalt  }
0x83: {  	_ =	shalt  }
0x84: {  	_ =	shalt  }
0x85: {  	_ =	shalt  }
0x86: {  	_ =	shalt  }
0x87: {  	_ =	shalt  }
.Lfunc_end0:
.L_simem_size_0:
called_computation.9_lowered:
.L_overlay_start_0:
0x88: {  	s2 =	sld [smem:$0x3FD9]  }
0x89: {  	s3 =	sld [smem:$0x3FFE];
	_ =	sdelay $0x1  }
0x8a: {  	s1 =	srdreg.scid  }
0x8b: {  	s0 =	sand.u32 $0x1, s1  }
0x8c: {  	s17 =	sshll.u32 s0, $0xA;
	s2 =	sadd.s32 s3, s2  }
0x8d: {  	s2 =	sadd.s32 s2, s17  }
0x8e: {  	[smem:$0x3FC1] =	sst s2  }
0x8f: {  	_ = 	snop  }
0x90: {  	(tm) =	ssettm $0x1  }
0x91: {  	s18 =	sld [smem:$0x3FFB];
	_ =	sdelay $0x3  }
0x92: {  	_ =	strace s18  }
0x93: {  	s2 =	sld [smem:$0x3FFC];
	_ =	sdelay $0x3  }
0x94: {  	_ =	strace s2  }
0x95: {  	s2 =	sld [smem:$0x3FFD];
	_ =	sdelay $0x3  }
0x96: {  	_ =	strace s2  }
0x97: {  	_ =	strace $0x8FFFFFFF  }
0x98: {  	s19 =	sld [smem:$0x3FDB];
	_ =	sdelay $0x1  }
0x99: {  	s20 =	simm.s32 $_scs_section_size  }
0x9a: {  	s4 =	simm.s32 $_size__tile_overlayer_lowered;
	s5 =	simm.s32 $_tile_overlayer_lowered  }
0x9b: {  	s6 =	simm.s32 $0x1BFF;
	s21 =	sshll.u32 s5, $0x1;
	s3 =	sadd.s32 s20, s19  }
0x9c: {  	s22 =	simm.s32 $0x0;
	s4 =	sshll.u32 s4, $0x1;
	s5 =	sadd.s32 s21, s3  }
0x9d: {  	[timem:s22], [sflag:s6] =	dma.local [hbm:s5], s4  }
0x9e: {  	_ =	swait.ge [sflag:s6], s4  }
0x9f: {  	s4 =	ssub.s32 $0x0, s4;
	[sflag:s6] =	ssyncset.done $0x0  }
0xa0: {  	[sflag:s6] =	ssyncadd.s32 s4;
	_ =	sdelay $0x1  }
0xa1: {  	s23 =	simm.s32 $0x1B8B  }
0xa2: {  	_ =	swait.ge [sflag:s23], $0x1  }
0xa3: {  	[sflag:s23] =	ssyncset.done $0x0  }
0xa4: {  	[sflag:s23] =	ssyncadd.s32 $0xFFFFFFFF  }
0xa5: {  	s4 =	sld [smem:$0x0]  }
0xa6: {  	s5 =	sand.u32 $0xFFFFFFFE, s1  }
0xa7: {  	p0 =	sne.s32 s1, s5  }
0xa8: {  	s5 =	sshll.u32 @p0 s5, $0xE  }
0xa9: {  	s5 =	sadd.s32 @p0 $0x11B8D, s5;
	s6 =	sshll.u32 @p0 s4, $0x11  }
0xaa: {  	s5 =	sor.u32 @p0 s6, s5  }
0xab: {  	[sflag:s5] =	ssyncadd.remote.s32 @p0 $0x1;
	_ =	sdelay $0x1  }
0xac: {  	s5 =	simm.s32 @p0 $0x1B8D  }
0xad: {  	_ =	swait.eq @p0 [sflag:s5], $0x1  }
0xae: {  	[sflag:s5] =	ssyncadd.s32 @p0 $0xFFFFFFFF  }
0xaf: {  	s6 =	sshll.u32 @!p0 s1, $0xE  }
0xb0: {  	s6 =	sor.u32 @!p0 $0x4000, s6;
	s5 =	simm.s32 @!p0 $0x1B8D  }
0xb1: {  	s4 =	sshll.u32 @!p0 s4, $0x11;
	s6 =	sadd.s32 @!p0 $0x11B8D, s6;
	_ =	swait.eq @!p0 [sflag:s5], $0x1  }
0xb2: {  	s4 =	sor.u32 @!p0 s4, s6;
	[sflag:s5] =	ssyncadd.s32 @!p0 $0xFFFFFFFF  }
0xb3: {  	s25 =	simm.s32 $0x1B8E;
	s24 =	sld [smem:$0x3FFE];
	[sflag:s4] =	ssyncadd.remote.s32 @!p0 $0x1  }
0xb4: {  	s26 =	simm.s32 $execute0_lowered;
	[smem:$0x3FD2] =	sst s25  }
0xb5: {  	s5 =	sshll.u32 s26, $0x1;
	_ =	strace $0x8000005E;
	[dreg:$0x1] =	wrdreg $0xFFFFFFFF  }
0xb6: {  	s28 =	simm.s32 $_size_execute0_lowered;
	s3 =	sadd.s32 s3, s5;
	[dreg:$0x0] =	wrdreg $0x0  }
0xb7: {  	s5 =	sshll.u32 s28, $0x1;
	[dreg:$0x2] =	wrdreg s3  }
0xb8: {  	[dreg:$0x3] =	wrdreg s5  }
0xb9: {  	[dreg:$0x4] =	wrdreg $0xC0  }
0xba: {  	_ =	task [dreg:s22], $0x5FFFF  }
0xbb: {  	[dreg:$0x1] =	wrdreg $0xFFFFFFFF  }
0xbc: {  	[dreg:$0x0] =	wrdreg $0x60  }
0xbd: {  	[dreg:$0x2] =	wrdreg s24  }
0xbe: {  	[dreg:$0x3] =	wrdreg $0x11  }
0xbf: {  	_ =	task.clear_ibuf [dreg:s22], $0x4FFFF;
	_ =	strace $0x9000005E  }
0xc0: {  	s29 =	simm.s32 $0x11;
	_ =	strace $0x80000060  }
0xc1: {  	_ =	swait.ge [sflag:s29], $0x1  }
0xc2: {  	[sflag:s29] =	ssyncadd.s32 $0xFFFFFFFF  }
0xc3: {  	_ =	strace $0x90000060  }
0xc4: {  	_ =	sfence  }
0xc5: {  	s30 =	sld [smem:$0x0];
	_ =	sdelay $0x2  }
0xc6: {  	s31 =	sshll.u32 s1, $0xD;
	s1 =	sshrl.u32 s1, $0x2  }
0xc7: {  	s4 =	sand.u32 $0x4000, s31;
	s1 =	sadd.s32 s1, s30  }
0xc8: {  	s0 =	sor.u32 s4, s0;
	s1 =	sshll.u32 s1, $0x11  }
0xc9: {  	s0 =	sor.u32 s1, s0  }
0xca: {  	s0 =	sadd.s32 $0x8F2B, s0  }
0xcb: {  	[sflag:s0] =	ssyncadd.remote.s32 $0x1  }
0xcc: {  	_ =	sfence.sel $0xFFFF  }
0xcd: {  	[dreg:$0x0] =	wrdreg $0xFFFFFFFF;
	(pc) =	sbr.abs _section_cstart, $3  }
0xce: {  	[dreg:$0x1] =	wrdreg $0xFFFFFFFF  }
0xcf: {  	_ =	task.clear_ibuf [dreg:s22], $0x2FFFF;
	_ =	strace $0x9FFFFFFF  }
0xd0: {  	(tm) =	ssettm $0x7FFFFFFF  }
0xd1: {  	_ =	shalt  }
tec
execute0_lowered:
.L_overlay_start_1:
0x0: {  	(tag) =	ssettag $0x1  }
0x1: {  	s1 =	srdreg.scid;
	s0 =	stileid.u32  }
0x2: {  	s16 =	sand.u32 $0x1, s1;
	s31 =	sshll.u32 s0, $0x1  }
0x3: {  	s8 =	sor.u32 s16, s31  }
0x4: {  	s10 =	rddreg [dreg:$0x0];
	s3 =	smul.u32 $0x34, s8  }
0x5: {  	s2 =	simm.s32 $0x0;
	s1 =	rddreg [dreg:$0x1]  }
0x6: {  	[smem:$0x7FF] =	sst s2;
	s3 =	sadd.s32 s3, s10  }
0x7: {  	_ =	strace $0x8000005F;
	s4 =	sadd.s32 $0xAC800, s3;
	s3 =	simm.s32 $0x3  }
0x8: {  	[tilespmem:s2], [sflag:$0x3] =	stream.linear.gather [hbm4b:s4+s2], $0x1A0, $0x38;
	[tilespmem:$0x1CF20] =	vst v63  }
0x9: {  	_ =	swait.ge [sflag:s3], $0x1A0  }
0xa: {  	s6 =	simm.s32 $0x68;
	[sflag:s3] =	ssyncset.done $0x0  }
0xb: {  	s7 =	simm.s32 $0x1A0;
	s5 =	sadd.s32 $0xB400, s10;
	[sflag:s3] =	ssyncadd.s32 $0xFFFFFE60  }
0xc: {  	[tilespmem:s7], [sflag:$0x1] =	stream.indirect.gather [hbm4b:s5+s6], $0x238, s2, s6, $0xb8;
	[tilespmem:$0x1CF20] =	vst v63  }
0xd: {  	s9 =	simm.s32 $0x1;
	s11 =	smul.u32 $0x7360, s8;
	s8 =	simm.s32 $0xE860  }
0xe: {  	[tilespmem:s8], [sflag:$0x2] =	stream.indirect.gather [hbm4b:s5+s6], $0x238, s6, s6, $0xb8;
	[tilespmem:$0x1CF20] =	vst v63  }
0xf: {  	_ =	swait.ge [sflag:s9], $0xE6C0  }
0x10: {  	s17 =	sadd.s32 s11, s10;
	[sflag:s9] =	ssyncset.done $0x0  }
0x11: {  	s10 =	sadd.s32 $0x7E5000, s17;
	[sflag:s9] =	ssyncadd.s32 $0xFFFF1940  }
0x12: {  	[hbm4b:s10+s2] =	stream.linear.scatter [tilespmem:s7], [sflag:$0x3], $0xE6C0, $0x38;
	[tilespmem:$0x1CF20] =	vst v63  }
0x13: {  	_ =	swait.ge [sflag:s3], $0xE6C0  }
0x14: {  	[sflag:s3] =	ssyncset.done $0x0  }
0x15: {  	s11 =	simm.s32 $0x2;
	[sflag:s3] =	ssyncadd.s32 $0xFFFF1940  }
0x16: {  	_ =	swait.ge [sflag:s11], $0xE6C0  }
0x17: {  	[sflag:s11] =	ssyncset.done $0x0  }
0x18: {  	s12 =	sadd.s32 $0x7E6CD8, s17;
	[sflag:s11] =	ssyncadd.s32 $0xFFFF1940  }
0x19: {  	[hbm4b:s12+s2] =	stream.linear.scatter [tilespmem:s8], [sflag:$0x3], $0xE6C0, $0x38;
	[tilespmem:$0x1CF20] =	vst v63  }
0x1a: {  	_ =	swait.ge [sflag:s3], $0xE6C0  }
0x1b: {  	[sflag:s3] =	ssyncset.done $0x0  }
0x1c: {  	s13 =	simm.s32 $0xD0;
	[sflag:s3] =	ssyncadd.s32 $0xFFFF1940  }
0x1d: {  	[tilespmem:s7], [sflag:$0x1] =	stream.indirect.gather [hbm4b:s5+s6], $0x238, s13, s6, $0xb8;
	[tilespmem:$0x1CF20] =	vst v63  }
0x1e: {  	s14 =	simm.s32 $0x138  }
0x1f: {  	[tilespmem:s8], [sflag:$0x2] =	stream.indirect.gather [hbm4b:s5+s6], $0x238, s14, s6, $0xb8;
	[tilespmem:$0x1CF20] =	vst v63  }
0x20: {  	_ =	swait.ge [sflag:s9], $0xE6C0  }
0x21: {  	[sflag:s9] =	ssyncset.done $0x0  }
0x22: {  	s16 =	ssub.s32 $0x2, s16;
	s15 =	sadd.s32 $0x7E89B0, s17;
	[sflag:s9] =	ssyncadd.s32 $0xFFFF1940  }
0x23: {  	[hbm4b:s15+s2] =	stream.linear.scatter [tilespmem:s7], [sflag:$0x3], $0xE6C0, $0x38;
	[tilespmem:$0x1CF20] =	vst v63  }
0x24: {  	s18 =	sshrl.u32 s16, $0x1;
	_ =	swait.ge [sflag:s3], $0xE6C0  }
0x25: {  	s16 =	ssub.s32 s16, s18;
	[sflag:s3] =	ssyncset.done $0x0  }
0x26: {  	s18 =	smax.u32 s16, $0x1;
	[sflag:s3] =	ssyncadd.s32 $0xFFFF1940  }
0x27: {  	p0 =	sne.s32 s18, $0x1;
	_ =	swait.ge [sflag:s11], $0xE6C0  }
.Ltmp0:
0x28: {  	[sflag:s11] =	ssyncset.done $0x0;
	(pc) =	sbr.rel @!p0 .LBB2_2-.Ltmp0, $4  }
0x29: {  	s16 =	sadd.s32 $0x7EA688, s17;
	[sflag:s11] =	ssyncadd.s32 $0xFFFF1940  }
0x2a: {  	[hbm4b:s16+s2] =	stream.linear.scatter [tilespmem:s8], [sflag:$0x3], $0xE6C0, $0x38;
	[tilespmem:$0x1CF20] =	vst v63  }
0x2b: {  	_ =	swait.ge [sflag:s3], $0xE6C0  }
0x2c: {  	s17 =	sadd.s32 $0xFFFFFFFF, s18;
	[sflag:s3] =	ssyncset.done $0x0  }
.LBB2_1:
0x2d: {  	p0 =	sne.s32 s17, $0x1;
	s17 =	sadd.s32 $0xFFFFFFFF, s17;
	[sflag:s3] =	ssyncadd.s32 $0xFFFF1940  }
0x2e: {  	[tilespmem:s2], [sflag:$0x3] =	stream.linear.gather [hbm4b:s4+s2], $0x1A0, $0x38;
	[tilespmem:$0x1CF20] =	vst v63  }
0x2f: {  	_ =	swait.ge [sflag:s3], $0x1A0  }
0x30: {  	[sflag:s3] =	ssyncset.done $0x0  }
0x31: {  	[sflag:s3] =	ssyncadd.s32 $0xFFFFFE60  }
0x32: {  	[tilespmem:s7], [sflag:$0x1] =	stream.indirect.gather [hbm4b:s5+s6], $0x238, s2, s6, $0xb8;
	[tilespmem:$0x1CF20] =	vst v63  }
0x33: {  	_ = 	snop  }
0x34: {  	[tilespmem:s8], [sflag:$0x2] =	stream.indirect.gather [hbm4b:s5+s6], $0x238, s6, s6, $0xb8;
	[tilespmem:$0x1CF20] =	vst v63  }
0x35: {  	_ =	swait.ge [sflag:s9], $0xE6C0  }
0x36: {  	[sflag:s9] =	ssyncset.done $0x0  }
0x37: {  	[sflag:s9] =	ssyncadd.s32 $0xFFFF1940  }
0x38: {  	[hbm4b:s10+s2] =	stream.linear.scatter [tilespmem:s7], [sflag:$0x3], $0xE6C0, $0x38;
	[tilespmem:$0x1CF20] =	vst v63  }
0x39: {  	_ =	swait.ge [sflag:s3], $0xE6C0  }
0x3a: {  	[sflag:s3] =	ssyncset.done $0x0  }
0x3b: {  	[sflag:s3] =	ssyncadd.s32 $0xFFFF1940  }
0x3c: {  	_ =	swait.ge [sflag:s11], $0xE6C0  }
0x3d: {  	[sflag:s11] =	ssyncset.done $0x0  }
0x3e: {  	[sflag:s11] =	ssyncadd.s32 $0xFFFF1940  }
0x3f: {  	[hbm4b:s12+s2] =	stream.linear.scatter [tilespmem:s8], [sflag:$0x3], $0xE6C0, $0x38;
	[tilespmem:$0x1CF20] =	vst v63  }
0x40: {  	_ =	swait.ge [sflag:s3], $0xE6C0  }
0x41: {  	[sflag:s3] =	ssyncset.done $0x0  }
0x42: {  	[sflag:s3] =	ssyncadd.s32 $0xFFFF1940  }
0x43: {  	[tilespmem:s7], [sflag:$0x1] =	stream.indirect.gather [hbm4b:s5+s6], $0x238, s13, s6, $0xb8;
	[tilespmem:$0x1CF20] =	vst v63  }
0x44: {  	_ = 	snop  }
0x45: {  	[tilespmem:s8], [sflag:$0x2] =	stream.indirect.gather [hbm4b:s5+s6], $0x238, s14, s6, $0xb8;
	[tilespmem:$0x1CF20] =	vst v63  }
0x46: {  	_ =	swait.ge [sflag:s9], $0xE6C0  }
0x47: {  	[sflag:s9] =	ssyncset.done $0x0  }
0x48: {  	[sflag:s9] =	ssyncadd.s32 $0xFFFF1940  }
0x49: {  	[hbm4b:s15+s2] =	stream.linear.scatter [tilespmem:s7], [sflag:$0x3], $0xE6C0, $0x38;
	[tilespmem:$0x1CF20] =	vst v63  }
0x4a: {  	_ =	swait.ge [sflag:s3], $0xE6C0  }
0x4b: {  	[sflag:s3] =	ssyncset.done $0x0  }
0x4c: {  	[sflag:s3] =	ssyncadd.s32 $0xFFFF1940  }
0x4d: {  	_ =	swait.ge [sflag:s11], $0xE6C0  }
.Ltmp1:
0x4e: {  	[sflag:s11] =	ssyncset.done $0x0;
	(pc) =	sbr.rel @p0 .LBB2_1-.Ltmp1, $4  }
0x4f: {  	[sflag:s11] =	ssyncadd.s32 $0xFFFF1940  }
0x50: {  	[hbm4b:s16+s2] =	stream.linear.scatter [tilespmem:s8], [sflag:$0x3], $0xE6C0, $0x38;
	[tilespmem:$0x1CF20] =	vst v63  }
0x51: {  	_ =	swait.ge [sflag:s3], $0xE6C0  }
0x52: {  	[sflag:s3] =	ssyncset.done $0x0  }
.LBB2_2:
0x53: {  	[sflag:s3] =	ssyncadd.s32 $0xFFFF1940  }
0x54: {  	_ =	sfence.sel $0x180000  }
0x55: {  	[bflag:$0x0] =	sbarrier.arrive $0xFFFF  }
0x56: {  	p0 =	sne.s32 s0, $0x0;
	_ =	strace $0x9000005F  }
0x57: {  	s0 =	sadd.s32 @!p0 $0x100000, s1;
	[bflag:$0x2] =	sbarrier.arrive $0xFFFF  }
0x58: {  	[sflag:s0] =	ssyncadd.tile.s32 @!p0 $0x1;
	_ =	shalt  }
.Lfunc_end2:
_tile_overlayer_lowered:
.L_overlay_start_2:
0x59: {  	(tag) =	ssettag $0x2  }
0x5a: {  	s0 =	rddreg [dreg:$0x0];
	s2 =	stileid.u32  }
0x5b: {  	s1 =	rddreg [dreg:$0x1];
	p0 =	sne.s32 s2, $0x0  }
0x5c: {  	s3 =	rddreg [dreg:$0x2];
	[bflag:$0x3] =	sbarrier.arrive $0xFFFF;
	s2 =	simm.s32 @!p0 $0x1C03  }
0x5d: {  	[timem:s3], [sflag:s2] =	dma.local @!p0 [hbm:s0], s1  }
0x5e: {  	s0 =	simm.s32 @!p0 $0x3  }
0x5f: {  	_ =	swait.ge @!p0 [sflag:s0], s1  }
0x60: {  	s1 =	ssub.s32 @!p0 $0x0, s1;
	[sflag:s0] =	ssyncset.done @!p0 $0x0  }
0x61: {  	[sflag:s0] =	ssyncadd.s32 @!p0 s1  }
0x62: {  	[bflag:$0x3] =	sbarrier.arrive $0xFFFF  }
0x63: {  	_ =	shalt  }

// kernel: kernel.42.cloned.1.call-start
scs
__scs_entry_jumppad:
0x0: {  	(pc) =	sbr.rel $0x88, $3  }
0x1: {  	(tag) =	ssettag $0x0;
	lr =	simm.s32 $0x1  }
0x2: {  	[smem:$0x3F9A] =	sst lr;
	_ =	strace $0xD0000000  }
0x3: {  	_ = 	snop  }
0x4: {  	_ = 	snop  }
0x5: {  	_ = 	snop  }
0x6: {  	_ = 	snop  }
0x7: {  	_ = 	snop  }
__scs_overlays_trampoline_lowered:
0x8: {  	[smem:$0x3FA9] =	sst s0  }
0x9: {  	[smem:$0x3FAA] =	sst s1  }
0xa: {  	[smem:$0x3FAB] =	sst s2  }
0xb: {  	[smem:$0x3FAC] =	sst s3  }
0xc: {  	[smem:$0x3FAD] =	sst s4  }
0xd: {  	[smem:$0x3FAE] =	sst s5  }
0xe: {  	[smem:$0x3FAF] =	sst s6  }
0xf: {  	[smem:$0x3FB0] =	sst s7  }
0x10: {  	[smem:$0x3FB1] =	sst s8  }
0x11: {  	[smem:$0x3FB2] =	sst s9;
	s0 =	simm.s32 @!p0 $0x0  }
0x12: {  	s1 =	sld [smem:$0x3F98];
	s0 =	simm.s32 @p0 $0x1  }
0x13: {  	[smem:$0x3FB3] =	sst s0;
	s0 =	simm.s32 @!p1 $0x0  }
0x14: {  	s2 =	sld [smem:$0x3F97];
	s0 =	simm.s32 @p1 $0x1  }
0x15: {  	[smem:$0x3FB4] =	sst s0;
	s0 =	simm.s32 @!p2 $0x0  }
0x16: {  	s3 =	sld [smem:$0x3FDB];
	s0 =	simm.s32 @p2 $0x1  }
0x17: {  	s4 =	simm.s32 $0x1BF5;
	[smem:$0x3FB6] =	sst s0  }
0x18: {  	s0 =	sld [smem:$0x3F99];
	_ =	swait.ge [sflag:s4], $0x0  }
0x19: {  	s7 =	sld [smem:$0x3F9A]  }
0x1a: {  	s8 =	sadd.s32 $0xFFFFE003, lr  }
0x1b: {  	s9 =	sadd.s32 $0xFFFFFEF7, lr;
	s5 =	simm.s32 $0xFFFFFFFF;
	p2 =	slt.u32 s8, $0xFFFFF086  }
0x1c: {  	p1 =	slt.u32 s9, $0xF7A;
	s5 =	simm.s32 @!p2 $0x0  }
0x1d: {  	s5 =	simm.s32 @p1 $0x1;
	p0 =	seq.s32 s7, s2  }
0x1e: {  	s7 =	smul.u32 @!p0 $0xF7A, s2;
	p2 =	seq.s32 @!p0 s5, $0x0  }
0x1f: {  	s9 =	smul.u32 $0xF7A, s1;
	s8 =	simm.s32 @!p0 $0x1BF5;
	p2 =	por !p2, p0  }
0x20: {  	[sflag:s8] =	ssyncset.s32 @!p0 $0xFFFFF086;
	s6 =	sadd.s32 @!p0 s3, s7;
	s7 =	simm.s32 @!p0 $0x108  }
0x21: {  	s3 =	sadd.s32 s3, s9;
	s6 =	sadd.s32 @!p0 $0x88, s6;
	s7 =	simm.s32 @p2 $0x1082  }
0x22: {  	[simem:s7], [sflag:s8] =	dma.local @!p0 [hbm:s6], $0xF7A  }
0x23: {  	s9 =	sor.u32 $0xD0000000, s2;
	s6 =	simm.s32 $0x108;
	_ =	swait.ge @!p0 [sflag:s8], $0x0  }
0x24: {  	s3 =	sadd.s32 $0x88, s3;
	s6 =	simm.s32 @!p1 $0x1082;
	[sflag:s4] =	ssyncset.s32 $0xFFFFF086  }
0x25: {  	[simem:s6], [sflag:s4] =	dma.local [hbm:s3], $0xF7A  }
0x26: {  	[smem:$0x3F9A] =	sst s1;
	(tag) =	ssettag s2;
	_ =	strace s9  }
0x27: {  	s1 =	sld [smem:$0x3FAA]  }
0x28: {  	s2 =	sld [smem:$0x3FAB]  }
0x29: {  	s4 =	sld [smem:$0x3FAD]  }
0x2a: {  	p0 =	seq.s32 s5, $0x0;
	s5 =	sld [smem:$0x3FAE]  }
0x2b: {  	s6 =	sld [smem:$0x3FAF]  }
0x2c: {  	s7 =	sld [smem:$0x3FB0]  }
0x2d: {  	s3 =	simm.s32 $0x108;
	s8 =	sld [smem:$0x3FB1]  }
0x2e: {  	s3 =	simm.s32 @!p0 $0x1082;
	s9 =	sld [smem:$0x3FB2]  }
0x2f: {  	lr =	sadd.s32 s0, s3;
	s0 =	sld [smem:$0x3FA9]  }
0x30: {  	s3 =	sld [smem:$0x3FAC]  }
0x31: {  	[smem:$0x3FB5] =	sst s10  }
0x32: {  	s10 =	sld [smem:$0x3FB3];
	_ =	sdelay $0x3  }
0x33: {  	p0 =	seq.s32 s10, $0x1;
	s10 =	sld [smem:$0x3FB5];
	_ =	sdelay $0x3  }
0x34: {  	[smem:$0x3FB5] =	sst s10  }
0x35: {  	s10 =	sld [smem:$0x3FB4];
	_ =	sdelay $0x3  }
0x36: {  	p1 =	seq.s32 s10, $0x1;
	s10 =	sld [smem:$0x3FB5];
	_ =	sdelay $0x3  }
0x37: {  	[smem:$0x3FB5] =	sst s10  }
0x38: {  	s10 =	sld [smem:$0x3FB6]  }
0x39: {  	_ = 	snop;
	(pc) =	sbr.ind lr, $3  }
0x3a: {  	_ = 	snop  }
0x3b: {  	_ = 	snop  }
0x3c: {  	p2 =	seq.s32 s10, $0x1;
	s10 =	sld [smem:$0x3FB5]  }
0x3d: {  	_ =	shalt  }
0x3e: {  	_ =	shalt  }
0x3f: {  	_ =	shalt  }
0x40: {  	_ =	shalt  }
0x41: {  	_ =	shalt  }
0x42: {  	_ =	shalt  }
0x43: {  	_ =	shalt  }
0x44: {  	_ =	shalt  }
0x45: {  	_ =	shalt  }
0x46: {  	_ =	shalt  }
0x47: {  	_ =	shalt  }
0x48: {  	_ =	shalt  }
0x49: {  	_ =	shalt  }
0x4a: {  	_ =	shalt  }
0x4b: {  	_ =	shalt  }
0x4c: {  	_ =	shalt  }
0x4d: {  	_ =	shalt  }
0x4e: {  	_ =	shalt  }
0x4f: {  	_ =	shalt  }
0x50: {  	_ =	shalt  }
0x51: {  	_ =	shalt  }
0x52: {  	_ =	shalt  }
0x53: {  	_ =	shalt  }
0x54: {  	_ =	shalt  }
0x55: {  	_ =	shalt  }
0x56: {  	_ =	shalt  }
0x57: {  	_ =	shalt  }
0x58: {  	_ =	shalt  }
0x59: {  	_ =	shalt  }
0x5a: {  	_ =	shalt  }
0x5b: {  	_ =	shalt  }
0x5c: {  	_ =	shalt  }
0x5d: {  	_ =	shalt  }
0x5e: {  	_ =	shalt  }
0x5f: {  	_ =	shalt  }
0x60: {  	_ =	shalt  }
0x61: {  	_ =	shalt  }
0x62: {  	_ =	shalt  }
0x63: {  	_ =	shalt  }
0x64: {  	_ =	shalt  }
0x65: {  	_ =	shalt  }
0x66: {  	_ =	shalt  }
0x67: {  	_ =	shalt  }
0x68: {  	_ =	shalt  }
0x69: {  	_ =	shalt  }
0x6a: {  	_ =	shalt  }
0x6b: {  	_ =	shalt  }
0x6c: {  	_ =	shalt  }
0x6d: {  	_ =	shalt  }
0x6e: {  	_ =	shalt  }
0x6f: {  	_ =	shalt  }
0x70: {  	_ =	shalt  }
0x71: {  	_ =	shalt  }
0x72: {  	_ =	shalt  }
0x73: {  	_ =	shalt  }
0x74: {  	_ =	shalt  }
0x75: {  	_ =	shalt  }
0x76: {  	_ =	shalt  }
0x77: {  	_ =	shalt  }
0x78: {  	_ =	shalt  }
0x79: {  	_ =	shalt  }
0x7a: {  	_ =	shalt  }
0x7b: {  	_ =	shalt  }
0x7c: {  	_ =	shalt  }
0x7d: {  	_ =	shalt  }
0x7e: {  	_ =	shalt  }
0x7f: {  	_ =	shalt  }
0x80: {  	_ =	shalt  }
0x81: {  	_ =	shalt  }
0x82: {  	_ =	shalt  }
0x83: {  	_ =	shalt  }
0x84: {  	_ =	shalt  }
0x85: {  	_ =	shalt  }
0x86: {  	_ =	shalt  }
0x87: {  	_ =	shalt  }
.Lfunc_end0:
.L_simem_size_0:
called_computation.10_lowered:
.L_overlay_start_0:
0x88: {  	s2 =	sld [smem:$0x3FD9]  }
0x89: {  	s3 =	sld [smem:$0x3FFE];
	_ =	sdelay $0x1  }
0x8a: {  	s1 =	srdreg.scid  }
0x8b: {  	s0 =	sand.u32 $0x1, s1  }
0x8c: {  	s17 =	sshll.u32 s0, $0xA;
	s2 =	sadd.s32 s3, s2  }
0x8d: {  	s2 =	sadd.s32 s2, s17  }
0x8e: {  	[smem:$0x3FC1] =	sst s2  }
0x8f: {  	_ = 	snop  }
0x90: {  	(tm) =	ssettm $0x1  }
0x91: {  	s18 =	sld [smem:$0x3FFB];
	_ =	sdelay $0x3  }
0x92: {  	_ =	strace s18  }
0x93: {  	s2 =	sld [smem:$0x3FFC];
	_ =	sdelay $0x3  }
0x94: {  	_ =	strace s2  }
0x95: {  	s2 =	sld [smem:$0x3FFD];
	_ =	sdelay $0x3  }
0x96: {  	_ =	strace s2  }
0x97: {  	_ =	strace $0x8FFFFFFF  }
0x98: {  	s19 =	sld [smem:$0x3FDB];
	_ =	sdelay $0x1  }
0x99: {  	s20 =	simm.s32 $_scs_section_size  }
0x9a: {  	s4 =	simm.s32 $_size__tile_overlayer_lowered;
	s5 =	simm.s32 $_tile_overlayer_lowered  }
0x9b: {  	s6 =	simm.s32 $0x1BFF;
	s21 =	sshll.u32 s5, $0x1;
	s3 =	sadd.s32 s20, s19  }
0x9c: {  	s22 =	simm.s32 $0x0;
	s4 =	sshll.u32 s4, $0x1;
	s5 =	sadd.s32 s21, s3  }
0x9d: {  	[timem:s22], [sflag:s6] =	dma.local [hbm:s5], s4  }
0x9e: {  	_ =	swait.ge [sflag:s6], s4  }
0x9f: {  	s4 =	ssub.s32 $0x0, s4;
	[sflag:s6] =	ssyncset.done $0x0  }
0xa0: {  	[sflag:s6] =	ssyncadd.s32 s4;
	_ =	sdelay $0x1  }
0xa1: {  	s23 =	simm.s32 $0x1B8B  }
0xa2: {  	_ =	swait.ge [sflag:s23], $0x1  }
0xa3: {  	[sflag:s23] =	ssyncset.done $0x0  }
0xa4: {  	[sflag:s23] =	ssyncadd.s32 $0xFFFFFFFF  }
0xa5: {  	s4 =	sld [smem:$0x0]  }
0xa6: {  	s5 =	sand.u32 $0xFFFFFFFE, s1  }
0xa7: {  	p0 =	sne.s32 s1, s5  }
0xa8: {  	s5 =	sshll.u32 @p0 s5, $0xE  }
0xa9: {  	s5 =	sadd.s32 @p0 $0x11B8D, s5;
	s6 =	sshll.u32 @p0 s4, $0x11  }
0xaa: {  	s5 =	sor.u32 @p0 s6, s5  }
0xab: {  	[sflag:s5] =	ssyncadd.remote.s32 @p0 $0x1;
	_ =	sdelay $0x1  }
0xac: {  	s5 =	simm.s32 @p0 $0x1B8D  }
0xad: {  	_ =	swait.eq @p0 [sflag:s5], $0x1  }
0xae: {  	[sflag:s5] =	ssyncadd.s32 @p0 $0xFFFFFFFF  }
0xaf: {  	s6 =	sshll.u32 @!p0 s1, $0xE  }
0xb0: {  	s6 =	sor.u32 @!p0 $0x4000, s6;
	s5 =	simm.s32 @!p0 $0x1B8D  }
0xb1: {  	s4 =	sshll.u32 @!p0 s4, $0x11;
	s6 =	sadd.s32 @!p0 $0x11B8D, s6;
	_ =	swait.eq @!p0 [sflag:s5], $0x1  }
0xb2: {  	s4 =	sor.u32 @!p0 s4, s6;
	[sflag:s5] =	ssyncadd.s32 @!p0 $0xFFFFFFFF  }
0xb3: {  	s25 =	simm.s32 $0x1B8E;
	s24 =	sld [smem:$0x3FFE];
	[sflag:s4] =	ssyncadd.remote.s32 @!p0 $0x1  }
0xb4: {  	s26 =	simm.s32 $execute0_lowered;
	[smem:$0x3FD2] =	sst s25  }
0xb5: {  	s5 =	sshll.u32 s26, $0x1;
	_ =	strace $0x80000061;
	[dreg:$0x1] =	wrdreg $0xFFFFFFFF  }
0xb6: {  	s28 =	simm.s32 $_size_execute0_lowered;
	s3 =	sadd.s32 s3, s5;
	[dreg:$0x0] =	wrdreg $0x0  }
0xb7: {  	s5 =	sshll.u32 s28, $0x1;
	[dreg:$0x2] =	wrdreg s3  }
0xb8: {  	[dreg:$0x3] =	wrdreg s5  }
0xb9: {  	[dreg:$0x4] =	wrdreg $0xC0  }
0xba: {  	_ =	task [dreg:s22], $0x5FFFF  }
0xbb: {  	[dreg:$0x1] =	wrdreg $0xFFFFFFFF  }
0xbc: {  	[dreg:$0x0] =	wrdreg $0x60  }
0xbd: {  	[dreg:$0x2] =	wrdreg s24  }
0xbe: {  	[dreg:$0x3] =	wrdreg $0x12  }
0xbf: {  	_ =	task.clear_ibuf [dreg:s22], $0x4FFFF;
	_ =	strace $0x90000061  }
0xc0: {  	s29 =	simm.s32 $0x12;
	_ =	strace $0x80000063  }
0xc1: {  	_ =	swait.ge [sflag:s29], $0x1  }
0xc2: {  	[sflag:s29] =	ssyncadd.s32 $0xFFFFFFFF  }
0xc3: {  	_ =	strace $0x90000063  }
0xc4: {  	_ =	sfence  }
0xc5: {  	s30 =	sld [smem:$0x0];
	_ =	sdelay $0x2  }
0xc6: {  	s31 =	sshll.u32 s1, $0xD;
	s1 =	sshrl.u32 s1, $0x2  }
0xc7: {  	s4 =	sand.u32 $0x4000, s31;
	s1 =	sadd.s32 s1, s30  }
0xc8: {  	s0 =	sor.u32 s4, s0;
	s1 =	sshll.u32 s1, $0x11  }
0xc9: {  	s0 =	sor.u32 s1, s0  }
0xca: {  	s0 =	sadd.s32 $0x8F2B, s0  }
0xcb: {  	[sflag:s0] =	ssyncadd.remote.s32 $0x1  }
0xcc: {  	_ =	sfence.sel $0xFFFF  }
0xcd: {  	[dreg:$0x0] =	wrdreg $0xFFFFFFFF;
	(pc) =	sbr.abs _section_cstart, $3  }
0xce: {  	[dreg:$0x1] =	wrdreg $0xFFFFFFFF  }
0xcf: {  	_ =	task.clear_ibuf [dreg:s22], $0x2FFFF;
	_ =	strace $0x9FFFFFFF  }
0xd0: {  	(tm) =	ssettm $0x7FFFFFFF  }
0xd1: {  	_ =	shalt  }
tec
execute0_lowered:
.L_overlay_start_1:
0x0: {  	(tag) =	ssettag $0x1  }
0x1: {  	s1 =	srdreg.scid;
	s0 =	stileid.u32  }
0x2: {  	s16 =	sand.u32 $0x1, s1;
	s31 =	sshll.u32 s0, $0x1  }
0x3: {  	s8 =	sor.u32 s16, s31  }
0x4: {  	s10 =	rddreg [dreg:$0x0];
	s3 =	smul.u32 $0x34, s8  }
0x5: {  	s2 =	simm.s32 $0x0;
	s1 =	rddreg [dreg:$0x1]  }
0x6: {  	[smem:$0x7FF] =	sst s2;
	s3 =	sadd.s32 s3, s10  }
0x7: {  	_ =	strace $0x80000062;
	s4 =	sadd.s32 $0xAD000, s3;
	s3 =	simm.s32 $0x3  }
0x8: {  	[tilespmem:s2], [sflag:$0x3] =	stream.linear.gather [hbm4b:s4+s2], $0x1A0, $0x38;
	[tilespmem:$0x1CF20] =	vst v63  }
0x9: {  	_ =	swait.ge [sflag:s3], $0x1A0  }
0xa: {  	s6 =	simm.s32 $0x68;
	[sflag:s3] =	ssyncset.done $0x0  }
0xb: {  	s7 =	simm.s32 $0x1A0;
	s5 =	sadd.s32 $0xB400, s10;
	[sflag:s3] =	ssyncadd.s32 $0xFFFFFE60  }
0xc: {  	[tilespmem:s7], [sflag:$0x1] =	stream.indirect.gather [hbm4b:s5+s6], $0x238, s2, s6, $0xb8;
	[tilespmem:$0x1CF20] =	vst v63  }
0xd: {  	s9 =	simm.s32 $0x1;
	s11 =	smul.u32 $0x7360, s8;
	s8 =	simm.s32 $0xE860  }
0xe: {  	[tilespmem:s8], [sflag:$0x2] =	stream.indirect.gather [hbm4b:s5+s6], $0x238, s6, s6, $0xb8;
	[tilespmem:$0x1CF20] =	vst v63  }
0xf: {  	_ =	swait.ge [sflag:s9], $0xE6C0  }
0x10: {  	s17 =	sadd.s32 s11, s10;
	[sflag:s9] =	ssyncset.done $0x0  }
0x11: {  	s10 =	sadd.s32 $0x8CBC00, s17;
	[sflag:s9] =	ssyncadd.s32 $0xFFFF1940  }
0x12: {  	[hbm4b:s10+s2] =	stream.linear.scatter [tilespmem:s7], [sflag:$0x3], $0xE6C0, $0x38;
	[tilespmem:$0x1CF20] =	vst v63  }
0x13: {  	_ =	swait.ge [sflag:s3], $0xE6C0  }
0x14: {  	[sflag:s3] =	ssyncset.done $0x0  }
0x15: {  	s11 =	simm.s32 $0x2;
	[sflag:s3] =	ssyncadd.s32 $0xFFFF1940  }
0x16: {  	_ =	swait.ge [sflag:s11], $0xE6C0  }
0x17: {  	[sflag:s11] =	ssyncset.done $0x0  }
0x18: {  	s12 =	sadd.s32 $0x8CD8D8, s17;
	[sflag:s11] =	ssyncadd.s32 $0xFFFF1940  }
0x19: {  	[hbm4b:s12+s2] =	stream.linear.scatter [tilespmem:s8], [sflag:$0x3], $0xE6C0, $0x38;
	[tilespmem:$0x1CF20] =	vst v63  }
0x1a: {  	_ =	swait.ge [sflag:s3], $0xE6C0  }
0x1b: {  	[sflag:s3] =	ssyncset.done $0x0  }
0x1c: {  	s13 =	simm.s32 $0xD0;
	[sflag:s3] =	ssyncadd.s32 $0xFFFF1940  }
0x1d: {  	[tilespmem:s7], [sflag:$0x1] =	stream.indirect.gather [hbm4b:s5+s6], $0x238, s13, s6, $0xb8;
	[tilespmem:$0x1CF20] =	vst v63  }
0x1e: {  	s14 =	simm.s32 $0x138  }
0x1f: {  	[tilespmem:s8], [sflag:$0x2] =	stream.indirect.gather [hbm4b:s5+s6], $0x238, s14, s6, $0xb8;
	[tilespmem:$0x1CF20] =	vst v63  }
0x20: {  	_ =	swait.ge [sflag:s9], $0xE6C0  }
0x21: {  	[sflag:s9] =	ssyncset.done $0x0  }
0x22: {  	s16 =	ssub.s32 $0x2, s16;
	s15 =	sadd.s32 $0x8CF5B0, s17;
	[sflag:s9] =	ssyncadd.s32 $0xFFFF1940  }
0x23: {  	[hbm4b:s15+s2] =	stream.linear.scatter [tilespmem:s7], [sflag:$0x3], $0xE6C0, $0x38;
	[tilespmem:$0x1CF20] =	vst v63  }
0x24: {  	s18 =	sshrl.u32 s16, $0x1;
	_ =	swait.ge [sflag:s3], $0xE6C0  }
0x25: {  	s16 =	ssub.s32 s16, s18;
	[sflag:s3] =	ssyncset.done $0x0  }
0x26: {  	s18 =	smax.u32 s16, $0x1;
	[sflag:s3] =	ssyncadd.s32 $0xFFFF1940  }
0x27: {  	p0 =	sne.s32 s18, $0x1;
	_ =	swait.ge [sflag:s11], $0xE6C0  }
.Ltmp0:
0x28: {  	[sflag:s11] =	ssyncset.done $0x0;
	(pc) =	sbr.rel @!p0 .LBB2_2-.Ltmp0, $4  }
0x29: {  	s16 =	sadd.s32 $0x8D1288, s17;
	[sflag:s11] =	ssyncadd.s32 $0xFFFF1940  }
0x2a: {  	[hbm4b:s16+s2] =	stream.linear.scatter [tilespmem:s8], [sflag:$0x3], $0xE6C0, $0x38;
	[tilespmem:$0x1CF20] =	vst v63  }
0x2b: {  	_ =	swait.ge [sflag:s3], $0xE6C0  }
0x2c: {  	s17 =	sadd.s32 $0xFFFFFFFF, s18;
	[sflag:s3] =	ssyncset.done $0x0  }
.LBB2_1:
0x2d: {  	p0 =	sne.s32 s17, $0x1;
	s17 =	sadd.s32 $0xFFFFFFFF, s17;
	[sflag:s3] =	ssyncadd.s32 $0xFFFF1940  }
0x2e: {  	[tilespmem:s2], [sflag:$0x3] =	stream.linear.gather [hbm4b:s4+s2], $0x1A0, $0x38;
	[tilespmem:$0x1CF20] =	vst v63  }
0x2f: {  	_ =	swait.ge [sflag:s3], $0x1A0  }
0x30: {  	[sflag:s3] =	ssyncset.done $0x0  }
0x31: {  	[sflag:s3] =	ssyncadd.s32 $0xFFFFFE60  }
0x32: {  	[tilespmem:s7], [sflag:$0x1] =	stream.indirect.gather [hbm4b:s5+s6], $0x238, s2, s6, $0xb8;
	[tilespmem:$0x1CF20] =	vst v63  }
0x33: {  	_ = 	snop  }
0x34: {  	[tilespmem:s8], [sflag:$0x2] =	stream.indirect.gather [hbm4b:s5+s6], $0x238, s6, s6, $0xb8;
	[tilespmem:$0x1CF20] =	vst v63  }
0x35: {  	_ =	swait.ge [sflag:s9], $0xE6C0  }
0x36: {  	[sflag:s9] =	ssyncset.done $0x0  }
0x37: {  	[sflag:s9] =	ssyncadd.s32 $0xFFFF1940  }
0x38: {  	[hbm4b:s10+s2] =	stream.linear.scatter [tilespmem:s7], [sflag:$0x3], $0xE6C0, $0x38;
	[tilespmem:$0x1CF20] =	vst v63  }
0x39: {  	_ =	swait.ge [sflag:s3], $0xE6C0  }
0x3a: {  	[sflag:s3] =	ssyncset.done $0x0  }
0x3b: {  	[sflag:s3] =	ssyncadd.s32 $0xFFFF1940  }
0x3c: {  	_ =	swait.ge [sflag:s11], $0xE6C0  }
0x3d: {  	[sflag:s11] =	ssyncset.done $0x0  }
0x3e: {  	[sflag:s11] =	ssyncadd.s32 $0xFFFF1940  }
0x3f: {  	[hbm4b:s12+s2] =	stream.linear.scatter [tilespmem:s8], [sflag:$0x3], $0xE6C0, $0x38;
	[tilespmem:$0x1CF20] =	vst v63  }
0x40: {  	_ =	swait.ge [sflag:s3], $0xE6C0  }
0x41: {  	[sflag:s3] =	ssyncset.done $0x0  }
0x42: {  	[sflag:s3] =	ssyncadd.s32 $0xFFFF1940  }
0x43: {  	[tilespmem:s7], [sflag:$0x1] =	stream.indirect.gather [hbm4b:s5+s6], $0x238, s13, s6, $0xb8;
	[tilespmem:$0x1CF20] =	vst v63  }
0x44: {  	_ = 	snop  }
0x45: {  	[tilespmem:s8], [sflag:$0x2] =	stream.indirect.gather [hbm4b:s5+s6], $0x238, s14, s6, $0xb8;
	[tilespmem:$0x1CF20] =	vst v63  }
0x46: {  	_ =	swait.ge [sflag:s9], $0xE6C0  }
0x47: {  	[sflag:s9] =	ssyncset.done $0x0  }
0x48: {  	[sflag:s9] =	ssyncadd.s32 $0xFFFF1940  }
0x49: {  	[hbm4b:s15+s2] =	stream.linear.scatter [tilespmem:s7], [sflag:$0x3], $0xE6C0, $0x38;
	[tilespmem:$0x1CF20] =	vst v63  }
0x4a: {  	_ =	swait.ge [sflag:s3], $0xE6C0  }
0x4b: {  	[sflag:s3] =	ssyncset.done $0x0  }
0x4c: {  	[sflag:s3] =	ssyncadd.s32 $0xFFFF1940  }
0x4d: {  	_ =	swait.ge [sflag:s11], $0xE6C0  }
.Ltmp1:
0x4e: {  	[sflag:s11] =	ssyncset.done $0x0;
	(pc) =	sbr.rel @p0 .LBB2_1-.Ltmp1, $4  }
0x4f: {  	[sflag:s11] =	ssyncadd.s32 $0xFFFF1940  }
0x50: {  	[hbm4b:s16+s2] =	stream.linear.scatter [tilespmem:s8], [sflag:$0x3], $0xE6C0, $0x38;
	[tilespmem:$0x1CF20] =	vst v63  }
0x51: {  	_ =	swait.ge [sflag:s3], $0xE6C0  }
0x52: {  	[sflag:s3] =	ssyncset.done $0x0  }
.LBB2_2:
0x53: {  	[sflag:s3] =	ssyncadd.s32 $0xFFFF1940  }
0x54: {  	_ =	sfence.sel $0x180000  }
0x55: {  	[bflag:$0x0] =	sbarrier.arrive $0xFFFF  }
0x56: {  	p0 =	sne.s32 s0, $0x0;
	_ =	strace $0x90000062  }
0x57: {  	s0 =	sadd.s32 @!p0 $0x100000, s1;
	[bflag:$0x2] =	sbarrier.arrive $0xFFFF  }
0x58: {  	[sflag:s0] =	ssyncadd.tile.s32 @!p0 $0x1;
	_ =	shalt  }
.Lfunc_end2:
_tile_overlayer_lowered:
.L_overlay_start_2:
0x59: {  	(tag) =	ssettag $0x2  }
0x5a: {  	s0 =	rddreg [dreg:$0x0];
	s2 =	stileid.u32  }
0x5b: {  	s1 =	rddreg [dreg:$0x1];
	p0 =	sne.s32 s2, $0x0  }
0x5c: {  	s3 =	rddreg [dreg:$0x2];
	[bflag:$0x3] =	sbarrier.arrive $0xFFFF;
	s2 =	simm.s32 @!p0 $0x1C03  }
0x5d: {  	[timem:s3], [sflag:s2] =	dma.local @!p0 [hbm:s0], s1  }
0x5e: {  	s0 =	simm.s32 @!p0 $0x3  }
0x5f: {  	_ =	swait.ge @!p0 [sflag:s0], s1  }
0x60: {  	s1 =	ssub.s32 @!p0 $0x0, s1;
	[sflag:s0] =	ssyncset.done @!p0 $0x0  }
0x61: {  	[sflag:s0] =	ssyncadd.s32 @!p0 s1  }
0x62: {  	[bflag:$0x3] =	sbarrier.arrive $0xFFFF  }
0x63: {  	_ =	shalt  }

// kernel: kernel.45.cloned.1.call-start
scs
__scs_entry_jumppad:
0x0: {  	(pc) =	sbr.rel $0x88, $3  }
0x1: {  	(tag) =	ssettag $0x0;
	lr =	simm.s32 $0x1  }
0x2: {  	[smem:$0x3F9A] =	sst lr;
	_ =	strace $0xD0000000  }
0x3: {  	_ = 	snop  }
0x4: {  	_ = 	snop  }
0x5: {  	_ = 	snop  }
0x6: {  	_ = 	snop  }
0x7: {  	_ = 	snop  }
__scs_overlays_trampoline_lowered:
0x8: {  	[smem:$0x3FA9] =	sst s0  }
0x9: {  	[smem:$0x3FAA] =	sst s1  }
0xa: {  	[smem:$0x3FAB] =	sst s2  }
0xb: {  	[smem:$0x3FAC] =	sst s3  }
0xc: {  	[smem:$0x3FAD] =	sst s4  }
0xd: {  	[smem:$0x3FAE] =	sst s5  }
0xe: {  	[smem:$0x3FAF] =	sst s6  }
0xf: {  	[smem:$0x3FB0] =	sst s7  }
0x10: {  	[smem:$0x3FB1] =	sst s8  }
0x11: {  	[smem:$0x3FB2] =	sst s9;
	s0 =	simm.s32 @!p0 $0x0  }
0x12: {  	s1 =	sld [smem:$0x3F98];
	s0 =	simm.s32 @p0 $0x1  }
0x13: {  	[smem:$0x3FB3] =	sst s0;
	s0 =	simm.s32 @!p1 $0x0  }
0x14: {  	s2 =	sld [smem:$0x3F97];
	s0 =	simm.s32 @p1 $0x1  }
0x15: {  	[smem:$0x3FB4] =	sst s0;
	s0 =	simm.s32 @!p2 $0x0  }
0x16: {  	s3 =	sld [smem:$0x3FDB];
	s0 =	simm.s32 @p2 $0x1  }
0x17: {  	s4 =	simm.s32 $0x1BF5;
	[smem:$0x3FB6] =	sst s0  }
0x18: {  	s0 =	sld [smem:$0x3F99];
	_ =	swait.ge [sflag:s4], $0x0  }
0x19: {  	s7 =	sld [smem:$0x3F9A]  }
0x1a: {  	s8 =	sadd.s32 $0xFFFFE003, lr  }
0x1b: {  	s9 =	sadd.s32 $0xFFFFFEF7, lr;
	s5 =	simm.s32 $0xFFFFFFFF;
	p2 =	slt.u32 s8, $0xFFFFF086  }
0x1c: {  	p1 =	slt.u32 s9, $0xF7A;
	s5 =	simm.s32 @!p2 $0x0  }
0x1d: {  	s5 =	simm.s32 @p1 $0x1;
	p0 =	seq.s32 s7, s2  }
0x1e: {  	s7 =	smul.u32 @!p0 $0xF7A, s2;
	p2 =	seq.s32 @!p0 s5, $0x0  }
0x1f: {  	s9 =	smul.u32 $0xF7A, s1;
	s8 =	simm.s32 @!p0 $0x1BF5;
	p2 =	por !p2, p0  }
0x20: {  	[sflag:s8] =	ssyncset.s32 @!p0 $0xFFFFF086;
	s6 =	sadd.s32 @!p0 s3, s7;
	s7 =	simm.s32 @!p0 $0x108  }
0x21: {  	s3 =	sadd.s32 s3, s9;
	s6 =	sadd.s32 @!p0 $0x88, s6;
	s7 =	simm.s32 @p2 $0x1082  }
0x22: {  	[simem:s7], [sflag:s8] =	dma.local @!p0 [hbm:s6], $0xF7A  }
0x23: {  	s9 =	sor.u32 $0xD0000000, s2;
	s6 =	simm.s32 $0x108;
	_ =	swait.ge @!p0 [sflag:s8], $0x0  }
0x24: {  	s3 =	sadd.s32 $0x88, s3;
	s6 =	simm.s32 @!p1 $0x1082;
	[sflag:s4] =	ssyncset.s32 $0xFFFFF086  }
0x25: {  	[simem:s6], [sflag:s4] =	dma.local [hbm:s3], $0xF7A  }
0x26: {  	[smem:$0x3F9A] =	sst s1;
	(tag) =	ssettag s2;
	_ =	strace s9  }
0x27: {  	s1 =	sld [smem:$0x3FAA]  }
0x28: {  	s2 =	sld [smem:$0x3FAB]  }
0x29: {  	s4 =	sld [smem:$0x3FAD]  }
0x2a: {  	p0 =	seq.s32 s5, $0x0;
	s5 =	sld [smem:$0x3FAE]  }
0x2b: {  	s6 =	sld [smem:$0x3FAF]  }
0x2c: {  	s7 =	sld [smem:$0x3FB0]  }
0x2d: {  	s3 =	simm.s32 $0x108;
	s8 =	sld [smem:$0x3FB1]  }
0x2e: {  	s3 =	simm.s32 @!p0 $0x1082;
	s9 =	sld [smem:$0x3FB2]  }
0x2f: {  	lr =	sadd.s32 s0, s3;
	s0 =	sld [smem:$0x3FA9]  }
0x30: {  	s3 =	sld [smem:$0x3FAC]  }
0x31: {  	[smem:$0x3FB5] =	sst s10  }
0x32: {  	s10 =	sld [smem:$0x3FB3];
	_ =	sdelay $0x3  }
0x33: {  	p0 =	seq.s32 s10, $0x1;
	s10 =	sld [smem:$0x3FB5];
	_ =	sdelay $0x3  }
0x34: {  	[smem:$0x3FB5] =	sst s10  }
0x35: {  	s10 =	sld [smem:$0x3FB4];
	_ =	sdelay $0x3  }
0x36: {  	p1 =	seq.s32 s10, $0x1;
	s10 =	sld [smem:$0x3FB5];
	_ =	sdelay $0x3  }
0x37: {  	[smem:$0x3FB5] =	sst s10  }
0x38: {  	s10 =	sld [smem:$0x3FB6]  }
0x39: {  	_ = 	snop;
	(pc) =	sbr.ind lr, $3  }
0x3a: {  	_ = 	snop  }
0x3b: {  	_ = 	snop  }
0x3c: {  	p2 =	seq.s32 s10, $0x1;
	s10 =	sld [smem:$0x3FB5]  }
0x3d: {  	_ =	shalt  }
0x3e: {  	_ =	shalt  }
0x3f: {  	_ =	shalt  }
0x40: {  	_ =	shalt  }
0x41: {  	_ =	shalt  }
0x42: {  	_ =	shalt  }
0x43: {  	_ =	shalt  }
0x44: {  	_ =	shalt  }
0x45: {  	_ =	shalt  }
0x46: {  	_ =	shalt  }
0x47: {  	_ =	shalt  }
0x48: {  	_ =	shalt  }
0x49: {  	_ =	shalt  }
0x4a: {  	_ =	shalt  }
0x4b: {  	_ =	shalt  }
0x4c: {  	_ =	shalt  }
0x4d: {  	_ =	shalt  }
0x4e: {  	_ =	shalt  }
0x4f: {  	_ =	shalt  }
0x50: {  	_ =	shalt  }
0x51: {  	_ =	shalt  }
0x52: {  	_ =	shalt  }
0x53: {  	_ =	shalt  }
0x54: {  	_ =	shalt  }
0x55: {  	_ =	shalt  }
0x56: {  	_ =	shalt  }
0x57: {  	_ =	shalt  }
0x58: {  	_ =	shalt  }
0x59: {  	_ =	shalt  }
0x5a: {  	_ =	shalt  }
0x5b: {  	_ =	shalt  }
0x5c: {  	_ =	shalt  }
0x5d: {  	_ =	shalt  }
0x5e: {  	_ =	shalt  }
0x5f: {  	_ =	shalt  }
0x60: {  	_ =	shalt  }
0x61: {  	_ =	shalt  }
0x62: {  	_ =	shalt  }
0x63: {  	_ =	shalt  }
0x64: {  	_ =	shalt  }
0x65: {  	_ =	shalt  }
0x66: {  	_ =	shalt  }
0x67: {  	_ =	shalt  }
0x68: {  	_ =	shalt  }
0x69: {  	_ =	shalt  }
0x6a: {  	_ =	shalt  }
0x6b: {  	_ =	shalt  }
0x6c: {  	_ =	shalt  }
0x6d: {  	_ =	shalt  }
0x6e: {  	_ =	shalt  }
0x6f: {  	_ =	shalt  }
0x70: {  	_ =	shalt  }
0x71: {  	_ =	shalt  }
0x72: {  	_ =	shalt  }
0x73: {  	_ =	shalt  }
0x74: {  	_ =	shalt  }
0x75: {  	_ =	shalt  }
0x76: {  	_ =	shalt  }
0x77: {  	_ =	shalt  }
0x78: {  	_ =	shalt  }
0x79: {  	_ =	shalt  }
0x7a: {  	_ =	shalt  }
0x7b: {  	_ =	shalt  }
0x7c: {  	_ =	shalt  }
0x7d: {  	_ =	shalt  }
0x7e: {  	_ =	shalt  }
0x7f: {  	_ =	shalt  }
0x80: {  	_ =	shalt  }
0x81: {  	_ =	shalt  }
0x82: {  	_ =	shalt  }
0x83: {  	_ =	shalt  }
0x84: {  	_ =	shalt  }
0x85: {  	_ =	shalt  }
0x86: {  	_ =	shalt  }
0x87: {  	_ =	shalt  }
.Lfunc_end0:
.L_simem_size_0:
called_computation.11_lowered:
.L_overlay_start_0:
0x88: {  	s2 =	sld [smem:$0x3FD9]  }
0x89: {  	s3 =	sld [smem:$0x3FFE];
	_ =	sdelay $0x1  }
0x8a: {  	s1 =	srdreg.scid  }
0x8b: {  	s0 =	sand.u32 $0x1, s1  }
0x8c: {  	s17 =	sshll.u32 s0, $0xA;
	s2 =	sadd.s32 s3, s2  }
0x8d: {  	s2 =	sadd.s32 s2, s17  }
0x8e: {  	[smem:$0x3FC1] =	sst s2  }
0x8f: {  	_ = 	snop  }
0x90: {  	(tm) =	ssettm $0x1  }
0x91: {  	s18 =	sld [smem:$0x3FFB];
	_ =	sdelay $0x3  }
0x92: {  	_ =	strace s18  }
0x93: {  	s2 =	sld [smem:$0x3FFC];
	_ =	sdelay $0x3  }
0x94: {  	_ =	strace s2  }
0x95: {  	s2 =	sld [smem:$0x3FFD];
	_ =	sdelay $0x3  }
0x96: {  	_ =	strace s2  }
0x97: {  	_ =	strace $0x8FFFFFFF  }
0x98: {  	s19 =	sld [smem:$0x3FDB];
	_ =	sdelay $0x1  }
0x99: {  	s20 =	simm.s32 $_scs_section_size  }
0x9a: {  	s4 =	simm.s32 $_size__tile_overlayer_lowered;
	s5 =	simm.s32 $_tile_overlayer_lowered  }
0x9b: {  	s6 =	simm.s32 $0x1BFF;
	s21 =	sshll.u32 s5, $0x1;
	s3 =	sadd.s32 s20, s19  }
0x9c: {  	s22 =	simm.s32 $0x0;
	s4 =	sshll.u32 s4, $0x1;
	s5 =	sadd.s32 s21, s3  }
0x9d: {  	[timem:s22], [sflag:s6] =	dma.local [hbm:s5], s4  }
0x9e: {  	_ =	swait.ge [sflag:s6], s4  }
0x9f: {  	s4 =	ssub.s32 $0x0, s4;
	[sflag:s6] =	ssyncset.done $0x0  }
0xa0: {  	[sflag:s6] =	ssyncadd.s32 s4;
	_ =	sdelay $0x1  }
0xa1: {  	s23 =	simm.s32 $0x1B8B  }
0xa2: {  	_ =	swait.ge [sflag:s23], $0x1  }
0xa3: {  	[sflag:s23] =	ssyncset.done $0x0  }
0xa4: {  	[sflag:s23] =	ssyncadd.s32 $0xFFFFFFFF  }
0xa5: {  	s4 =	sld [smem:$0x0]  }
0xa6: {  	s5 =	sand.u32 $0xFFFFFFFE, s1  }
0xa7: {  	p0 =	sne.s32 s1, s5  }
0xa8: {  	s5 =	sshll.u32 @p0 s5, $0xE  }
0xa9: {  	s5 =	sadd.s32 @p0 $0x11B8D, s5;
	s6 =	sshll.u32 @p0 s4, $0x11  }
0xaa: {  	s5 =	sor.u32 @p0 s6, s5  }
0xab: {  	[sflag:s5] =	ssyncadd.remote.s32 @p0 $0x1;
	_ =	sdelay $0x1  }
0xac: {  	s5 =	simm.s32 @p0 $0x1B8D  }
0xad: {  	_ =	swait.eq @p0 [sflag:s5], $0x1  }
0xae: {  	[sflag:s5] =	ssyncadd.s32 @p0 $0xFFFFFFFF  }
0xaf: {  	s6 =	sshll.u32 @!p0 s1, $0xE  }
0xb0: {  	s6 =	sor.u32 @!p0 $0x4000, s6;
	s5 =	simm.s32 @!p0 $0x1B8D  }
0xb1: {  	s4 =	sshll.u32 @!p0 s4, $0x11;
	s6 =	sadd.s32 @!p0 $0x11B8D, s6;
	_ =	swait.eq @!p0 [sflag:s5], $0x1  }
0xb2: {  	s4 =	sor.u32 @!p0 s4, s6;
	[sflag:s5] =	ssyncadd.s32 @!p0 $0xFFFFFFFF  }
0xb3: {  	s25 =	simm.s32 $0x1B8E;
	s24 =	sld [smem:$0x3FFE];
	[sflag:s4] =	ssyncadd.remote.s32 @!p0 $0x1  }
0xb4: {  	s26 =	simm.s32 $execute0_lowered;
	[smem:$0x3FD2] =	sst s25  }
0xb5: {  	s5 =	sshll.u32 s26, $0x1;
	_ =	strace $0x80000064;
	[dreg:$0x1] =	wrdreg $0xFFFFFFFF  }
0xb6: {  	s28 =	simm.s32 $_size_execute0_lowered;
	s3 =	sadd.s32 s3, s5;
	[dreg:$0x0] =	wrdreg $0x0  }
0xb7: {  	s5 =	sshll.u32 s28, $0x1;
	[dreg:$0x2] =	wrdreg s3  }
0xb8: {  	[dreg:$0x3] =	wrdreg s5  }
0xb9: {  	[dreg:$0x4] =	wrdreg $0xC0  }
0xba: {  	_ =	task [dreg:s22], $0x5FFFF  }
0xbb: {  	[dreg:$0x1] =	wrdreg $0xFFFFFFFF  }
0xbc: {  	[dreg:$0x0] =	wrdreg $0x60  }
0xbd: {  	[dreg:$0x2] =	wrdreg s24  }
0xbe: {  	[dreg:$0x3] =	wrdreg $0x13  }
0xbf: {  	_ =	task.clear_ibuf [dreg:s22], $0x4FFFF;
	_ =	strace $0x90000064  }
0xc0: {  	s29 =	simm.s32 $0x13;
	_ =	strace $0x80000066  }
0xc1: {  	_ =	swait.ge [sflag:s29], $0x1  }
0xc2: {  	[sflag:s29] =	ssyncadd.s32 $0xFFFFFFFF  }
0xc3: {  	_ =	strace $0x90000066  }
0xc4: {  	_ =	sfence  }
0xc5: {  	s30 =	sld [smem:$0x0];
	_ =	sdelay $0x2  }
0xc6: {  	s31 =	sshll.u32 s1, $0xD;
	s1 =	sshrl.u32 s1, $0x2  }
0xc7: {  	s4 =	sand.u32 $0x4000, s31;
	s1 =	sadd.s32 s1, s30  }
0xc8: {  	s0 =	sor.u32 s4, s0;
	s1 =	sshll.u32 s1, $0x11  }
0xc9: {  	s0 =	sor.u32 s1, s0  }
0xca: {  	s0 =	sadd.s32 $0x8F2B, s0  }
0xcb: {  	[sflag:s0] =	ssyncadd.remote.s32 $0x1  }
0xcc: {  	_ =	sfence.sel $0xFFFF  }
0xcd: {  	[dreg:$0x0] =	wrdreg $0xFFFFFFFF;
	(pc) =	sbr.abs _section_cstart, $3  }
0xce: {  	[dreg:$0x1] =	wrdreg $0xFFFFFFFF  }
0xcf: {  	_ =	task.clear_ibuf [dreg:s22], $0x2FFFF;
	_ =	strace $0x9FFFFFFF  }
0xd0: {  	(tm) =	ssettm $0x7FFFFFFF  }
0xd1: {  	_ =	shalt  }
tec
execute0_lowered:
.L_overlay_start_1:
0x0: {  	(tag) =	ssettag $0x1  }
0x1: {  	s1 =	srdreg.scid;
	s0 =	stileid.u32  }
0x2: {  	s16 =	sand.u32 $0x1, s1;
	s31 =	sshll.u32 s0, $0x1  }
0x3: {  	s8 =	sor.u32 s16, s31  }
0x4: {  	s10 =	rddreg [dreg:$0x0];
	s3 =	smul.u32 $0x34, s8  }
0x5: {  	s2 =	simm.s32 $0x0;
	s1 =	rddreg [dreg:$0x1]  }
0x6: {  	[smem:$0x7FF] =	sst s2;
	s3 =	sadd.s32 s3, s10  }
0x7: {  	_ =	strace $0x80000065;
	s4 =	sadd.s32 $0x9B2800, s3;
	s3 =	simm.s32 $0x3  }
0x8: {  	[tilespmem:s2], [sflag:$0x3] =	stream.linear.gather [hbm4b:s4+s2], $0x1A0, $0x38;
	[tilespmem:$0x1CF20] =	vst v63  }
0x9: {  	_ =	swait.ge [sflag:s3], $0x1A0  }
0xa: {  	s6 =	simm.s32 $0x68;
	[sflag:s3] =	ssyncset.done $0x0  }
0xb: {  	s7 =	simm.s32 $0x1A0;
	s5 =	sadd.s32 $0xB400, s10;
	[sflag:s3] =	ssyncadd.s32 $0xFFFFFE60  }
0xc: {  	[tilespmem:s7], [sflag:$0x1] =	stream.indirect.gather [hbm4b:s5+s6], $0x238, s2, s6, $0xb8;
	[tilespmem:$0x1CF20] =	vst v63  }
0xd: {  	s9 =	simm.s32 $0x1;
	s11 =	smul.u32 $0x7360, s8;
	s8 =	simm.s32 $0xE860  }
0xe: {  	[tilespmem:s8], [sflag:$0x2] =	stream.indirect.gather [hbm4b:s5+s6], $0x238, s6, s6, $0xb8;
	[tilespmem:$0x1CF20] =	vst v63  }
0xf: {  	_ =	swait.ge [sflag:s9], $0xE6C0  }
0x10: {  	s17 =	sadd.s32 s11, s10;
	[sflag:s9] =	ssyncset.done $0x0  }
0x11: {  	s10 =	sadd.s32 $0x9B3000, s17;
	[sflag:s9] =	ssyncadd.s32 $0xFFFF1940  }
0x12: {  	[hbm4b:s10+s2] =	stream.linear.scatter [tilespmem:s7], [sflag:$0x3], $0xE6C0, $0x38;
	[tilespmem:$0x1CF20] =	vst v63  }
0x13: {  	_ =	swait.ge [sflag:s3], $0xE6C0  }
0x14: {  	[sflag:s3] =	ssyncset.done $0x0  }
0x15: {  	s11 =	simm.s32 $0x2;
	[sflag:s3] =	ssyncadd.s32 $0xFFFF1940  }
0x16: {  	_ =	swait.ge [sflag:s11], $0xE6C0  }
0x17: {  	[sflag:s11] =	ssyncset.done $0x0  }
0x18: {  	s12 =	sadd.s32 $0x9B4CD8, s17;
	[sflag:s11] =	ssyncadd.s32 $0xFFFF1940  }
0x19: {  	[hbm4b:s12+s2] =	stream.linear.scatter [tilespmem:s8], [sflag:$0x3], $0xE6C0, $0x38;
	[tilespmem:$0x1CF20] =	vst v63  }
0x1a: {  	_ =	swait.ge [sflag:s3], $0xE6C0  }
0x1b: {  	[sflag:s3] =	ssyncset.done $0x0  }
0x1c: {  	s13 =	simm.s32 $0xD0;
	[sflag:s3] =	ssyncadd.s32 $0xFFFF1940  }
0x1d: {  	[tilespmem:s7], [sflag:$0x1] =	stream.indirect.gather [hbm4b:s5+s6], $0x238, s13, s6, $0xb8;
	[tilespmem:$0x1CF20] =	vst v63  }
0x1e: {  	s14 =	simm.s32 $0x138  }
0x1f: {  	[tilespmem:s8], [sflag:$0x2] =	stream.indirect.gather [hbm4b:s5+s6], $0x238, s14, s6, $0xb8;
	[tilespmem:$0x1CF20] =	vst v63  }
0x20: {  	_ =	swait.ge [sflag:s9], $0xE6C0  }
0x21: {  	[sflag:s9] =	ssyncset.done $0x0  }
0x22: {  	s16 =	ssub.s32 $0x2, s16;
	s15 =	sadd.s32 $0x9B69B0, s17;
	[sflag:s9] =	ssyncadd.s32 $0xFFFF1940  }
0x23: {  	[hbm4b:s15+s2] =	stream.linear.scatter [tilespmem:s7], [sflag:$0x3], $0xE6C0, $0x38;
	[tilespmem:$0x1CF20] =	vst v63  }
0x24: {  	s18 =	sshrl.u32 s16, $0x1;
	_ =	swait.ge [sflag:s3], $0xE6C0  }
0x25: {  	s16 =	ssub.s32 s16, s18;
	[sflag:s3] =	ssyncset.done $0x0  }
0x26: {  	s18 =	smax.u32 s16, $0x1;
	[sflag:s3] =	ssyncadd.s32 $0xFFFF1940  }
0x27: {  	p0 =	sne.s32 s18, $0x1;
	_ =	swait.ge [sflag:s11], $0xE6C0  }
.Ltmp0:
0x28: {  	[sflag:s11] =	ssyncset.done $0x0;
	(pc) =	sbr.rel @!p0 .LBB2_2-.Ltmp0, $4  }
0x29: {  	s16 =	sadd.s32 $0x9B8688, s17;
	[sflag:s11] =	ssyncadd.s32 $0xFFFF1940  }
0x2a: {  	[hbm4b:s16+s2] =	stream.linear.scatter [tilespmem:s8], [sflag:$0x3], $0xE6C0, $0x38;
	[tilespmem:$0x1CF20] =	vst v63  }
0x2b: {  	_ =	swait.ge [sflag:s3], $0xE6C0  }
0x2c: {  	s17 =	sadd.s32 $0xFFFFFFFF, s18;
	[sflag:s3] =	ssyncset.done $0x0  }
.LBB2_1:
0x2d: {  	p0 =	sne.s32 s17, $0x1;
	s17 =	sadd.s32 $0xFFFFFFFF, s17;
	[sflag:s3] =	ssyncadd.s32 $0xFFFF1940  }
0x2e: {  	[tilespmem:s2], [sflag:$0x3] =	stream.linear.gather [hbm4b:s4+s2], $0x1A0, $0x38;
	[tilespmem:$0x1CF20] =	vst v63  }
0x2f: {  	_ =	swait.ge [sflag:s3], $0x1A0  }
0x30: {  	[sflag:s3] =	ssyncset.done $0x0  }
0x31: {  	[sflag:s3] =	ssyncadd.s32 $0xFFFFFE60  }
0x32: {  	[tilespmem:s7], [sflag:$0x1] =	stream.indirect.gather [hbm4b:s5+s6], $0x238, s2, s6, $0xb8;
	[tilespmem:$0x1CF20] =	vst v63  }
0x33: {  	_ = 	snop  }
0x34: {  	[tilespmem:s8], [sflag:$0x2] =	stream.indirect.gather [hbm4b:s5+s6], $0x238, s6, s6, $0xb8;
	[tilespmem:$0x1CF20] =	vst v63  }
0x35: {  	_ =	swait.ge [sflag:s9], $0xE6C0  }
0x36: {  	[sflag:s9] =	ssyncset.done $0x0  }
0x37: {  	[sflag:s9] =	ssyncadd.s32 $0xFFFF1940  }
0x38: {  	[hbm4b:s10+s2] =	stream.linear.scatter [tilespmem:s7], [sflag:$0x3], $0xE6C0, $0x38;
	[tilespmem:$0x1CF20] =	vst v63  }
0x39: {  	_ =	swait.ge [sflag:s3], $0xE6C0  }
0x3a: {  	[sflag:s3] =	ssyncset.done $0x0  }
0x3b: {  	[sflag:s3] =	ssyncadd.s32 $0xFFFF1940  }
0x3c: {  	_ =	swait.ge [sflag:s11], $0xE6C0  }
0x3d: {  	[sflag:s11] =	ssyncset.done $0x0  }
0x3e: {  	[sflag:s11] =	ssyncadd.s32 $0xFFFF1940  }
0x3f: {  	[hbm4b:s12+s2] =	stream.linear.scatter [tilespmem:s8], [sflag:$0x3], $0xE6C0, $0x38;
	[tilespmem:$0x1CF20] =	vst v63  }
0x40: {  	_ =	swait.ge [sflag:s3], $0xE6C0  }
0x41: {  	[sflag:s3] =	ssyncset.done $0x0  }
0x42: {  	[sflag:s3] =	ssyncadd.s32 $0xFFFF1940  }
0x43: {  	[tilespmem:s7], [sflag:$0x1] =	stream.indirect.gather [hbm4b:s5+s6], $0x238, s13, s6, $0xb8;
	[tilespmem:$0x1CF20] =	vst v63  }
0x44: {  	_ = 	snop  }
0x45: {  	[tilespmem:s8], [sflag:$0x2] =	stream.indirect.gather [hbm4b:s5+s6], $0x238, s14, s6, $0xb8;
	[tilespmem:$0x1CF20] =	vst v63  }
0x46: {  	_ =	swait.ge [sflag:s9], $0xE6C0  }
0x47: {  	[sflag:s9] =	ssyncset.done $0x0  }
0x48: {  	[sflag:s9] =	ssyncadd.s32 $0xFFFF1940  }
0x49: {  	[hbm4b:s15+s2] =	stream.linear.scatter [tilespmem:s7], [sflag:$0x3], $0xE6C0, $0x38;
	[tilespmem:$0x1CF20] =	vst v63  }
0x4a: {  	_ =	swait.ge [sflag:s3], $0xE6C0  }
0x4b: {  	[sflag:s3] =	ssyncset.done $0x0  }
0x4c: {  	[sflag:s3] =	ssyncadd.s32 $0xFFFF1940  }
0x4d: {  	_ =	swait.ge [sflag:s11], $0xE6C0  }
.Ltmp1:
0x4e: {  	[sflag:s11] =	ssyncset.done $0x0;
	(pc) =	sbr.rel @p0 .LBB2_1-.Ltmp1, $4  }
0x4f: {  	[sflag:s11] =	ssyncadd.s32 $0xFFFF1940  }
0x50: {  	[hbm4b:s16+s2] =	stream.linear.scatter [tilespmem:s8], [sflag:$0x3], $0xE6C0, $0x38;
	[tilespmem:$0x1CF20] =	vst v63  }
0x51: {  	_ =	swait.ge [sflag:s3], $0xE6C0  }
0x52: {  	[sflag:s3] =	ssyncset.done $0x0  }
.LBB2_2:
0x53: {  	[sflag:s3] =	ssyncadd.s32 $0xFFFF1940  }
0x54: {  	_ =	sfence.sel $0x180000  }
0x55: {  	[bflag:$0x0] =	sbarrier.arrive $0xFFFF  }
0x56: {  	p0 =	sne.s32 s0, $0x0;
	_ =	strace $0x90000065  }
0x57: {  	s0 =	sadd.s32 @!p0 $0x100000, s1;
	[bflag:$0x2] =	sbarrier.arrive $0xFFFF  }
0x58: {  	[sflag:s0] =	ssyncadd.tile.s32 @!p0 $0x1;
	_ =	shalt  }
.Lfunc_end2:
_tile_overlayer_lowered:
.L_overlay_start_2:
0x59: {  	(tag) =	ssettag $0x2  }
0x5a: {  	s0 =	rddreg [dreg:$0x0];
	s2 =	stileid.u32  }
0x5b: {  	s1 =	rddreg [dreg:$0x1];
	p0 =	sne.s32 s2, $0x0  }
0x5c: {  	s3 =	rddreg [dreg:$0x2];
	[bflag:$0x3] =	sbarrier.arrive $0xFFFF;
	s2 =	simm.s32 @!p0 $0x1C03  }
0x5d: {  	[timem:s3], [sflag:s2] =	dma.local @!p0 [hbm:s0], s1  }
0x5e: {  	s0 =	simm.s32 @!p0 $0x3  }
0x5f: {  	_ =	swait.ge @!p0 [sflag:s0], s1  }
0x60: {  	s1 =	ssub.s32 @!p0 $0x0, s1;
	[sflag:s0] =	ssyncset.done @!p0 $0x0  }
0x61: {  	[sflag:s0] =	ssyncadd.s32 @!p0 s1  }
0x62: {  	[bflag:$0x3] =	sbarrier.arrive $0xFFFF  }
0x63: {  	_ =	shalt  }

// kernel: sparse-core-data-format-call.cloned.1.call-start
scs
called_computation_lowered:
.L_overlay_start_0:
0x0: {  	s2 =	sld [smem:$0x3FD9]  }
0x1: {  	s3 =	sld [smem:$0x3FFE];
	_ =	sdelay $0x1  }
0x2: {  	s1 =	srdreg.scid  }
0x3: {  	s0 =	sand.u32 $0x1, s1  }
0x4: {  	s18 =	sshll.u32 s0, $0xA;
	s2 =	sadd.s32 s3, s2  }
0x5: {  	s2 =	sadd.s32 s2, s18  }
0x6: {  	[smem:$0x3FC1] =	sst s2  }
0x7: {  	_ = 	snop  }
0x8: {  	s2 =	sld [smem:$0x3FD0];
	(tm) =	ssettm $0x1  }
0x9: {  	s19 =	sld [smem:$0x3FFB];
	_ =	sdelay $0x3  }
0xa: {  	_ =	strace s19  }
0xb: {  	s3 =	sld [smem:$0x3FFC];
	_ =	sdelay $0x3  }
0xc: {  	_ =	strace s3  }
0xd: {  	s3 =	sld [smem:$0x3FFD];
	_ =	sdelay $0x3  }
0xe: {  	_ =	strace s3  }
0xf: {  	_ =	strace $0x8FFFFFFF  }
0x10: {  	s20 =	sld [smem:$0x3FDB];
	_ =	sdelay $0x1  }
0x11: {  	s4 =	simm.s32 $_scs_section_size  }
0x12: {  	s5 =	simm.s32 $_size__tile_overlayer_lowered;
	s6 =	simm.s32 $_tile_overlayer_lowered  }
0x13: {  	s23 =	simm.s32 $0x1BFF;
	s22 =	sshll.u32 s6, $0x1;
	s3 =	sadd.s32 s4, s20  }
0x14: {  	s7 =	simm.s32 $0x0;
	s21 =	sshll.u32 s5, $0x1;
	s5 =	sadd.s32 s22, s3  }
0x15: {  	[timem:s7], [sflag:s23] =	dma.local [hbm:s5], s21  }
0x16: {  	_ =	swait.ge [sflag:s23], s21  }
0x17: {  	s4 =	ssub.s32 $0x0, s21;
	[sflag:s23] =	ssyncset.done $0x0  }
0x18: {  	[sflag:s23] =	ssyncadd.s32 s4;
	_ =	sdelay $0x1  }
0x19: {  	s24 =	simm.s32 $0x1B8B  }
0x1a: {  	_ =	swait.ge [sflag:s24], $0x1  }
0x1b: {  	[sflag:s24] =	ssyncset.done $0x0  }
0x1c: {  	s26 =	simm.s32 $0x1B8E;
	s25 =	sld [smem:$0x3FFE];
	[sflag:s24] =	ssyncadd.s32 $0xFFFFFFFF  }
0x1d: {  	s27 =	simm.s32 $execute0_lowered;
	[smem:$0x3FD2] =	sst s26  }
0x1e: {  	s5 =	sshll.u32 s27, $0x1;
	_ =	strace $0x80000067;
	[dreg:$0x1] =	wrdreg $0xFFFFFFFF  }
0x1f: {  	s28 =	simm.s32 $_size_execute0_lowered;
	s3 =	sadd.s32 s3, s5;
	[dreg:$0x0] =	wrdreg $0x0  }
0x20: {  	s5 =	sshll.u32 s28, $0x1;
	[dreg:$0x2] =	wrdreg s3  }
0x21: {  	[dreg:$0x3] =	wrdreg s5  }
0x22: {  	[dreg:$0x4] =	wrdreg $0xC0  }
0x23: {  	_ =	task [dreg:s7], $0x5FFFF  }
0x24: {  	[dreg:$0x1] =	wrdreg $0xFFFFFFFF  }
0x25: {  	[dreg:$0x0] =	wrdreg $0x60  }
0x26: {  	[dreg:$0x2] =	wrdreg s25  }
0x27: {  	[dreg:$0x3] =	wrdreg s2  }
0x28: {  	[dreg:$0x4] =	wrdreg $0x9  }
0x29: {  	_ =	task.clear_ibuf [dreg:s7], $0x5FFFF;
	_ =	strace $0x90000067  }
0x2a: {  	s29 =	simm.s32 $0x9;
	_ =	strace $0x80000069  }
0x2b: {  	_ =	swait.ge [sflag:s29], $0x1  }
0x2c: {  	[sflag:s29] =	ssyncadd.s32 $0xFFFFFFFF  }
0x2d: {  	_ =	strace $0x90000069  }
0x2e: {  	_ =	sfence  }
0x2f: {  	s30 =	sld [smem:$0x0];
	_ =	sdelay $0x2  }
0x30: {  	s31 =	sshll.u32 s1, $0xD;
	s1 =	sshrl.u32 s1, $0x2  }
0x31: {  	s3 =	sand.u32 $0x4000, s31;
	s1 =	sadd.s32 s1, s30  }
0x32: {  	s0 =	sor.u32 s3, s0;
	s1 =	sshll.u32 s1, $0x11  }
0x33: {  	s0 =	sor.u32 s1, s0  }
0x34: {  	s0 =	sadd.s32 $0x8F2B, s0  }
0x35: {  	[sflag:s0] =	ssyncadd.remote.s32 $0x1  }
0x36: {  	_ =	sfence.sel $0xFFFF  }
0x37: {  	[dreg:$0x0] =	wrdreg $0xFFFFFFFF;
	(pc) =	sbr.abs _section_cstart, $3  }
0x38: {  	[dreg:$0x1] =	wrdreg $0xFFFFFFFF  }
0x39: {  	_ =	task.clear_ibuf [dreg:s7], $0x2FFFF;
	_ =	strace $0x9FFFFFFF  }
0x3a: {  	(tm) =	ssettm $0x7FFFFFFF  }
0x3b: {  	_ =	shalt  }
tec
execute0_lowered:
.L_overlay_start_1:
0x0: {  	(tag) =	ssettag $0x1  }
0x1: {  	s0 =	stileid.u32  }
0x2: {  	s1 =	srdreg.scid;
	s7 =	rddreg [dreg:$0x0]  }
0x3: {  	s8 =	simm.s32 $0x2;
	s17 =	simm.s32 $0x0;
	s2 =	sshll.u32 s0, $0x7  }
0x4: {  	s9 =	simm.s32 $0x48000;
	s3 =	sshll.u32 s1, $0x4;
	s1 =	sand.u32 $0x380, s2  }
0x5: {  	s19 =	simm.s32 $0x0;
	s30 =	sand.u32 $0x10, s3;
	s31 =	ssub.s32 $0x400, s1  }
0x6: {  	s18 =	simm.s32 $0x0;
	s2 =	sor.u32 s0, s30;
	s4 =	sand.u32 $0x380, s31  }
0x7: {  	s2 =	sshrl.u32 s2, $0x3;
	p0 =	sne.s32 s4, $0x0;
	s4 =	simm.s32 $0x1  }
0x8: {  	s3 =	sshrl.u32 s31, $0xA;
	s5 =	ssub.s32 $0x121, s2;
	s4 =	simm.s32 @!p0 $0x0  }
0x9: {  	s10 =	simm.s32 $0x0;
	s5 =	sshrl.u32 s5, $0x2;
	s3 =	sadd.s32 s4, s3  }
0xa: {  	s11 =	simm.s32 $0x0;
	s12 =	simm.s32 $0x0;
	s6 =	smul.u32 s3, s5  }
.Ltmp0:
0xb: {  	s13 =	simm.s32 $0x0;
	s4 =	rddreg [dreg:$0x1];
	(pc) =	sbr.rel .LBB1_1-.Ltmp0, $4  }
0xc: {  	s16 =	simm.s32 $0x0;
	s7 =	sadd.s32 $0x17CDC00, s7;
	s3 =	rddreg [dreg:$0x2]  }
0xd: {  	_ =	strace $0x80000068;
	s5 =	simm.s32 $0x1;
	s6 =	smul.u32 $0x3, s6  }
0xe: {  	s15 =	smov.u32 s1;
	s14 =	smov.u32 s2;
	[sflag:s5] =	ssyncpa.u1 $0x0  }
0xf: {  	p0 =	por $0x0, $0x0;
	[sflag:s8] =	ssyncpa.u1 $0x0;
	s8 =	sadd.s32 $0x1, s6  }
.LBB1_4:
0x10: {  	s25 =	sshll.u32 s11, $0xA;
	s26 =	sshll.u32 s12, $0x3;
	s24 =	sshra.s32 s24, $0x2  }
0x11: {  	p1 =	sgt.s32 s10, $0x9C;
	s27 =	sshra.s32 s11, $0x1F;
	s28 =	sshra.s32 s10, $0x1F  }
0x12: {  	s29 =	sshra.s32 s12, $0x1F;
	s25 =	sand.u32 $0xFFFFE000, s25;
	s26 =	sand.u32 $0xFFFFFC00, s26  }
0x13: {  	s23 =	sadd.s32 s24, s23;
	s27 =	sand.u32 s27, s11;
	s25 =	sadd.s32 s26, s25  }
0x14: {  	s28 =	sand.u32 s28, s10;
	s24 =	sshrl.u32 s25, $0xA;
	s25 =	smov.u32 s10  }
0x15: {  	s26 =	smov.u32 s11;
	s25 =	simm.s32 @!p1 $0x9C;
	p1 =	sgt.s32 s11, $0x11F  }
0x16: {  	[tilespmem:s22+$0x2040 ss:$0x81] =	vst.msk $0xffff, v4;
	s29 =	sand.u32 s29, s12;
	s30 =	smulhi.u32 $0xE38E39, s24;
	s26 =	simm.s32 @!p1 $0x11F  }
0x17: {  	v5 =	vld [tilespmem:s21+$0xFFFFFFD0];
	[tilespmem:s22+$0x2850 ss:$0x81] =	vst.msk $0xffff, v3;
	p1 =	sgt.s32 s12, $0x380;
	s25 =	ssub.s32 s25, s28;
	s26 =	ssub.s32 s26, s27  }
0x18: {  	v58 =	vld [tilespmem:s21+$0xFFFFFFE0];
	[tilespmem:s22+$0x3060 ss:$0x81] =	vst.msk $0xffff, v2;
	s27 =	smov.u32 s12;
	s28 =	sadd.s32 $0xFFFFFF64, s25;
	s25 =	ssub.s32 $0x11C, s25  }
0x19: {  	v59 =	vld [tilespmem:s21+$0xFFFFFFF0];
	[tilespmem:s22+$0x0 ss:$0x81] =	vst.msk $0xffff, v1;
	s27 =	simm.s32 @!p1 $0x380;
	s31 =	sadd.s32 $0xFFFFFEE1, s26;
	s22 =	ssub.s32 $0x120, s26  }
0x1a: {  	v60 =	vld [tilespmem:s21+$0x0];
	s27 =	ssub.s32 s27, s29;
	p1 =	sgt.s32 s31, $0x0;
	s29 =	smul.u32 $0x120, s30  }
0x1b: {  	v61 =	vld [tilespmem:s21+$0x10];
	[tilespmem:s23+$0x3870 ss:$0x81] =	vst.msk $0xffff, v0;
	s30 =	sshll.u32 s11, $0x7;
	s31 =	sadd.s32 $0xFFFFFC80, s27;
	s26 =	ssub.s32 $0x400, s27  }
0x1c: {  	v62 =	vld [tilespmem:s21+$0x20];
	[tilespmem:s23+$0x810 ss:$0x81] =	vst.msk $0xffff, v5;
	s22 =	simm.s32 @p1 $0x0;
	p1 =	sgt.s32 s28, $0x7F;
	p2 =	sgt.s32 s31, $0x7F  }
0x1d: {  	v63 =	vld [tilespmem:s21+$0xFFFFFFC0];
	[tilespmem:s23+$0x1020 ss:$0x81] =	vst.msk $0xffff, v58;
	s27 =	sand.u32 $0x78, s12;
	s31 =	smul.u32 $0x9000, s10;
	s26 =	simm.s32 @p2 $0x0  }
0x1e: {  	[tilespmem:s23+$0x1830 ss:$0x81] =	vst.msk $0xffff, v59;
	s21 =	sand.u32 $0x380, s30;
	s25 =	simm.s32 @p1 $0x0;
	s22 =	smul.u32 s26, s22  }
0x1f: {  	[tilespmem:s23+$0x2040 ss:$0x81] =	vst.msk $0xffff, v60;
	s21 =	sor.u32 s27, s21;
	s24 =	ssub.s32 s24, s29;
	s29 =	sand.u32 $0x7, s12  }
0x20: {  	[tilespmem:s23+$0x2850 ss:$0x81] =	vst.msk $0xffff, v61;
	s21 =	sshrl.u32 s21, $0x3;
	s28 =	sadd.s32 s4, s31;
	s22 =	smul.u32 s25, s22  }
0x21: {  	[tilespmem:s23+$0x3060 ss:$0x81] =	vst.msk $0xffff, v62;
	s24 =	sshll.u32 s24, $0x7;
	s30 =	sshll.u32 s29, $0x12;
	s21 =	sadd.s32 s21, s28  }
0x22: {  	[tilespmem:s23+$0x0 ss:$0x81] =	vst.msk $0xffff, v63;
	s31 =	sor.u32 $0x80, s30;
	s21 =	sadd.s32 s24, s21;
	s22 =	sand.u32 $0x3FFFFFFF, s22  }
0x23: {  	[hbm4b:s21+s31] =	stream.strided.scatter [tilespmem:s20], [sflag:$0x2], s22, s9, s31, $0x20;
	[tilespmem:$0x10100] =	vst v63  }
.LBB1_5:
0x24: {  	p1 =	slt.u32 s16, $0x2;
	s21 =	smov.u32 s19  }
0x25: {  	p2 =	sgt.s32 @!p1 s17, $0x9C;
	s20 =	sshra.s32 @!p1 s17, $0x1F;
	p3 =	sgt.s32 @!p1 s19, $0x11F  }
0x26: {  	s22 =	sshra.s32 @!p1 s19, $0x1F;
	p2 =	por !p2, p1;
	s20 =	sand.u32 @!p1 s20, s17  }
0x27: {  	p3 =	por !p3, p1;
	s19 =	sand.u32 @!p1 s22, s19;
	s22 =	sshra.s32 @!p1 s18, $0x1F  }
0x28: {  	s21 =	simm.s32 @p3 $0x11F;
	p3 =	sgt.s32 @!p1 s18, $0x380;
	s17 =	simm.s32 @p2 $0x9C  }
0x29: {  	s19 =	ssub.s32 @!p1 s21, s19;
	p3 =	por !p3, p1;
	s21 =	smov.u32 s18  }
0x2a: {  	s18 =	sand.u32 @!p1 s22, s18;
	s17 =	ssub.s32 @!p1 s17, s20;
	s21 =	simm.s32 @p3 $0x380  }
0x2b: {  	s20 =	sadd.s32 @!p1 $0xFFFFFEE1, s19;
	s19 =	ssub.s32 @!p1 $0x120, s19;
	s18 =	ssub.s32 @!p1 s21, s18  }
0x2c: {  	s21 =	sadd.s32 @!p1 $0xFFFFFF64, s17;
	p2 =	sgt.s32 @!p1 s20, $0x0;
	s20 =	sadd.s32 @!p1 $0xFFFFFC80, s18  }
0x2d: {  	s17 =	ssub.s32 @!p1 $0x11C, s17;
	p2 =	por !p2, p1;
	p3 =	sgt.s32 @!p1 s20, $0x7F  }
0x2e: {  	s18 =	ssub.s32 @!p1 $0x400, s18;
	s19 =	simm.s32 @!p2 $0x0;
	p2 =	por !p3, p1  }
0x2f: {  	s20 =	sadd.s32 $0x80, s13;
	p3 =	sgt.s32 @!p1 s21, $0x7F;
	s18 =	simm.s32 @!p2 $0x0  }
0x30: {  	s21 =	smov.u32 s14;
	p2 =	por !p3, p1;
	s18 =	smul.u32 @!p1 s18, s19  }
0x31: {  	s17 =	simm.s32 @!p2 $0x0;
	p2 =	sgt.s32 s20, $0x11B;
	s19 =	sadd.s32 $0x4, s14  }
0x32: {  	s22 =	smov.u32 s15;
	s21 =	smov.u32 @p2 s19  }
0x33: {  	s17 =	smul.u32 @!p1 s17, s18;
	p3 =	sgt.s32 s21, $0x11D;
	s18 =	sadd.s32 $0x400, s15  }
0x34: {  	p0 =	por !p0, !p0;
	s23 =	simm.s32 @!p1 $0x2;
	s22 =	smov.u32 @p3 s18  }
0x35: {  	s20 =	simm.s32 @p2 $0x0;
	s19 =	smov.u32 s11;
	p2 =	sgt.s32 s22, $0x3FF  }
0x36: {  	s11 =	smov.u32 s14;
	s22 =	smov.u32 @p2 s1;
	p2 =	sne.s32 s16, s8  }
.Ltmp1:
0x37: {  	s21 =	smov.u32 @p3 s2;
	s18 =	smov.u32 s12;
	(pc) =	sbr.rel @!p2 .LBB1_6-.Ltmp1, $4  }
0x38: {  	s12 =	smov.u32 s15;
	s17 =	sand.u32 @!p1 $0x3FFFFFFF, s17;
	s14 =	smov.u32 s21  }
0x39: {  	_ =	swait.ge @!p1 [sflag:s23], s17;
	s24 =	ssub.s32 @!p1 $0x0, s17;
	s17 =	smov.u32 s10  }
0x3a: {  	s16 =	sadd.s32 $0x1, s16;
	s10 =	smov.u32 s13;
	[sflag:s23] =	ssyncset.done @!p1 $0x0  }
0x3b: {  	s13 =	smov.u32 s20;
	s15 =	smov.u32 s22;
	[sflag:s23] =	ssyncadd.s32 @!p1 s24  }
.LBB1_1:
0x3c: {  	p1 =	sge.u32 s16, s6  }
0x3d: {  	s20 =	sshrl.u32 @!p1 s14, $0x3  }
0x3e: {  	s21 =	sshll.u32 @!p1 s13, $0x3;
	s20 =	smul.u32 @!p1 $0xC00, s20  }
0x3f: {  	s22 =	sshll.u32 @!p1 s14, $0x7;
	s21 =	sand.u32 @!p1 $0xFFFFFC00, s21  }
0x40: {  	s20 =	sadd.s32 @!p1 s20, s21;
	s21 =	sand.u32 @!p1 $0x380, s22  }
0x41: {  	s20 =	sor.u32 @!p1 s21, s20  }
0x42: {  	s21 =	sand.u32 @!p1 $0x7F, s13;
	s22 =	smulhi.u32 @!p1 $0xAAAAAAAB, s20  }
0x43: {  	s20 =	sor.u32 @!p1 s21, s20  }
0x44: {  	s21 =	smulhi.u32 @!p1 $0xAAAAAAAB, s20;
	s22 =	sshrl.u32 @!p1 s22, $0x8  }
0x45: {  	s23 =	smulhi.u32 @!p1 $0xE38E39, s22;
	_ =	sdelay $0x1  }
0x46: {  	s21 =	sshrl.u32 @!p1 s21, $0x8;
	s23 =	smul.u32 @!p1 $0x120, s23  }
0x47: {  	s31 =	sadd.s32 $0xFFFFFFFF, s16;
	s21 =	smul.u32 @!p1 $0x180, s21  }
0x48: {  	s24 =	sxor.u32 @!p1 $0xFFFFFFFF, s16;
	s22 =	ssub.s32 @!p1 s22, s23;
	s23 =	smul.u32 @!p1 $0x3600, s15  }
0x49: {  	s24 =	sshll.u32 @!p1 s24, $0xE;
	s20 =	ssub.s32 @!p1 s20, s21;
	s21 =	smul.u32 @!p1 $0x30, s22  }
0x4a: {  	s22 =	sand.u32 @!p1 $0x4000, s24;
	s24 =	sand.u32 @!p1 $0x7, s20;
	s23 =	sadd.s32 @!p1 s7, s23  }
0x4b: {  	s20 =	sshrl.u32 @!p1 s20, $0x3;
	s21 =	sadd.s32 @!p1 s21, s23;
	s23 =	sshll.u32 @!p1 s24, $0x12  }
0x4c: {  	s20 =	sadd.s32 @!p1 s20, s21;
	s21 =	sor.u32 @!p1 $0x80, s23;
	s23 =	simm.s32 @!p1 $0x1B000  }
0x4d: {  	[tilespmem:s22], [sflag:$0x1] =	stream.strided.gather @!p1 [hbm4b:s20+s21], $0x4000, s23, s21, $0x38;
	[tilespmem:$0x10100] =	vst v63  }
0x4e: {  	p1 =	sge.u32 s31, s6  }
.Ltmp2:
0x4f: {  	_ = 	snop;
	(pc) =	sbr.rel @p1 .LBB1_5-.Ltmp2, $1  }
0x50: {  	_ =	sdelay $0x3  }
0x51: {  	s20 =	simm.s32 $0x1  }
0x52: {  	_ =	swait.ge [sflag:s5], $0x4000;
	s20 =	simm.s32 @!p0 $0x0  }
0x53: {  	[sflag:s5] =	ssyncset.done $0x0;
	s21 =	sshll.u32 s20, $0xE  }
0x54: {  	[sflag:s5] =	ssyncadd.s32 $0xFFFFC000;
	s21 =	sor.u32 $0x40, s21  }
0x55: {  	s20 =	smul.u32 $0x10200, s20;
	v0 =	vld [tilespmem:s21+$0x30]  }
0x56: {  	v1 =	vld [tilespmem:s21+$0xFFFFFFD0]  }
0x57: {  	s20 =	sshrl.u32 s20, $0x2;
	v5 =	vld [tilespmem:s21+$0xFFFFFFE0]  }
0x58: {  	v6 =	vld [tilespmem:s21+$0xFFFFFFF0];
	s23 =	sor.u32 $0x8000, s20  }
0x59: {  	s31 =	sand.u32 $0x1, s16;
	v4 =	vld [tilespmem:s21+$0x0];
	s22 =	sadd.s32 $0x0, s23  }
0x5a: {  	v3 =	vld [tilespmem:s21+$0x10];
	s20 =	smul.u32 $0x10200, s31;
	[tilespmem:s22+$0x3870 ss:$0x81] =	vst.msk $0xffff, v0  }
0x5b: {  	v2 =	vld [tilespmem:s21+$0x20];
	[tilespmem:s22+$0x810 ss:$0x81] =	vst.msk $0xffff, v1  }
0x5c: {  	s20 =	sshrl.u32 s20, $0x2;
	v1 =	vld [tilespmem:s21+$0xFFFFFFC0];
	[tilespmem:s22+$0x1020 ss:$0x81] =	vst.msk $0xffff, v5;
	s21 =	sadd.s32 $0x80, s21  }
0x5d: {  	s24 =	simm.s32 $0x4;
	s25 =	simm.s32 $0x8;
	s20 =	sor.u32 $0x8000, s20;
	[tilespmem:s22+$0x1830 ss:$0x81] =	vst.msk $0xffff, v6;
	v0 =	vld [tilespmem:s21+$0x30]  }
.LBB1_3:
0x5e: {  	p1 =	sne.s32 s25, $0x1FC;
	v5 =	vld [tilespmem:s21+$0xFFFFFFD0];
	[tilespmem:s22+$0x2040 ss:$0x81] =	vst.msk $0xffff, v4  }
0x5f: {  	v6 =	vld [tilespmem:s21+$0xFFFFFFE0];
	[tilespmem:s22+$0x2850 ss:$0x81] =	vst.msk $0xffff, v3  }
0x60: {  	s26 =	sshra.s32 s24, $0x2;
	s24 =	smov.u32 s25;
	v7 =	vld [tilespmem:s21+$0xFFFFFFF0];
	[tilespmem:s22+$0x3060 ss:$0x81] =	vst.msk $0xffff, v2  }
.Ltmp3:
0x61: {  	v4 =	vld [tilespmem:s21+$0x0];
	[tilespmem:s22+$0x0 ss:$0x81] =	vst.msk $0xffff, v1;
	s22 =	sadd.s32 s26, s23;
	(pc) =	sbr.rel @p1 .LBB1_3-.Ltmp3, $4  }
0x62: {  	v3 =	vld [tilespmem:s21+$0x10];
	[tilespmem:s22+$0x3870 ss:$0x81] =	vst.msk $0xffff, v0  }
0x63: {  	[tilespmem:s22+$0x810 ss:$0x81] =	vst.msk $0xffff, v5;
	v2 =	vld [tilespmem:s21+$0x20]  }
0x64: {  	v1 =	vld [tilespmem:s21+$0xFFFFFFC0];
	[tilespmem:s22+$0x1020 ss:$0x81] =	vst.msk $0xffff, v6;
	s21 =	sadd.s32 $0x80, s21  }
0x65: {  	s25 =	sadd.s32 $0x4, s25;
	v0 =	vld [tilespmem:s21+$0x30];
	[tilespmem:s22+$0x1830 ss:$0x81] =	vst.msk $0xffff, v7  }
.Ltmp4:
0x66: {  	_ = 	snop;
	(pc) =	sbr.rel .LBB1_4-.Ltmp4, $1  }
0x67: {  	_ =	sdelay $0x3  }
.LBB1_6:
0x68: {  	_ =	sfence.sel $0x180000  }
0x69: {  	s1 =	simm.s32 $0x1;
	[bflag:$0x0] =	sbarrier.arrive $0xFFFF  }
0x6a: {  	s31 =	simm.s32 $0x2;
	[sflag:s1] =	ssyncpa.u1 $0x1  }
0x6b: {  	[sflag:s31] =	ssyncpa.u1 $0x1  }
0x6c: {  	p0 =	sne.s32 s0, $0x0;
	_ =	strace $0x90000068  }
0x6d: {  	s0 =	sadd.s32 @!p0 $0x100000, s3;
	[bflag:$0x2] =	sbarrier.arrive $0xFFFF  }
0x6e: {  	[sflag:s0] =	ssyncadd.tile.s32 @!p0 $0x1;
	_ =	shalt  }
.Lfunc_end1:
_tile_overlayer_lowered:
.L_overlay_start_2:
0x6f: {  	(tag) =	ssettag $0x2  }
0x70: {  	s0 =	rddreg [dreg:$0x0];
	s2 =	stileid.u32  }
0x71: {  	s1 =	rddreg [dreg:$0x1];
	p0 =	sne.s32 s2, $0x0  }
0x72: {  	s3 =	rddreg [dreg:$0x2];
	[bflag:$0x3] =	sbarrier.arrive $0xFFFF;
	s2 =	simm.s32 @!p0 $0x1C01  }
0x73: {  	[timem:s3], [sflag:s2] =	dma.local @!p0 [hbm:s0], s1  }
0x74: {  	s0 =	simm.s32 @!p0 $0x1  }
0x75: {  	_ =	swait.ge @!p0 [sflag:s0], s1  }
0x76: {  	s1 =	ssub.s32 @!p0 $0x0, s1;
	[sflag:s0] =	ssyncset.done @!p0 $0x0  }
0x77: {  	[sflag:s0] =	ssyncadd.s32 @!p0 s1  }
0x78: {  	[bflag:$0x3] =	sbarrier.arrive $0xFFFF  }
0x79: {  	_ =	shalt  }

</sc_bundles>
